<compile_context>
chip_gen: v7x
topology: tpu7x:2x2x1
jax: 0.10.2.dev20260603
libtpu: 0.0.44.dev20260713+nightly
codegen_flags: <defaults>
</compile_context>

<pallas_src>
import functools

import jax
import jax.numpy as jnp
from jax import lax
from jax.experimental import pallas as pl
from jax.experimental.pallas import tpu as pltpu
from jax.experimental.pallas import tpu_sc as plsc

N = 100000
E = 1600000
FEAT = 16
D = 64

NC = 2
NT = 16
LANES = 16

CHUNK = 25088
NDUMP = 256
ACC = CHUNK + NDUMP
NPAD = 4 * CHUNK

BLK = 1024
NBLK = 98
NROWS = NBLK * BLK

EB = 128
E_PAD = ((E + NT * EB - 1) // (NT * EB)) * (NT * EB)
EPT = E_PAD // NT
NB = EPT // EB
E_EXT = E_PAD + 5 * EB
EPT2 = E_PAD // (NT * NC)
NB2 = EPT2 // EB

_mesh = plsc.VectorSubcoreMesh(core_axis_name="c", subcore_axis_name="s",
                               num_cores=NC, num_subcores=NT)


@functools.partial(
    pl.kernel,
    out_type=jax.ShapeDtypeStruct((NC, NROWS), jnp.float32),
    mesh=_mesh,
    scratch_types=[
        pltpu.VMEM((4, EB), jnp.int32),
        pltpu.VMEM((EB,), jnp.float32),
        pltpu.VMEM_SHARED((NROWS,), jnp.float32),
        pltpu.SemaphoreType.DMA,
        pltpu.SemaphoreType.DMA,
    ],
)
def _deg_kernel(col_h, zeros_h, degp_h, col_v, ones_v, acc_sh,
                sem_c, sem_s):
    c = lax.axis_index("c")
    s = lax.axis_index("s")
    for k in range(EB // LANES):
        ones_v[pl.ds(k * LANES, LANES)] = jnp.ones((LANES,), jnp.float32)
    DS = NROWS // NT
    pltpu.sync_copy(zeros_h.at[pl.ds(s * DS, DS)], acc_sh.at[pl.ds(s * DS, DS)])
    plsc.subcore_barrier()
    ebase = (c * NT + s) * EPT2

    def fire_col(b, slot):
        pltpu.async_copy(col_h.at[pl.ds(ebase + b * EB, EB)], col_v.at[slot],
                         sem_c)

    def wait_col():
        pltpu.make_async_copy(col_h.at[pl.ds(0, EB)], col_v.at[0], sem_c).wait()

    def wait_sc():
        pltpu.make_async_copy(ones_v, acc_sh.at[col_v.at[0]], sem_s).wait()

    for b in range(2):
        fire_col(b, b)

    def body(b, carry):
        fire_col(b + 2, lax.rem(b + 2, 4))
        wait_col()

        @pl.when(b >= 2)
        def _():
            wait_sc()

        pltpu.async_copy(ones_v, acc_sh.at[col_v.at[lax.rem(b, 4)]], sem_s,
                         add=True)
        return carry

    lax.fori_loop(0, NB2, body, 0)
    for _ in range(2):
        wait_sc()
        wait_col()
    plsc.subcore_barrier()
    pltpu.sync_copy(acc_sh.at[pl.ds(s * DS, DS)], degp_h.at[c, pl.ds(s * DS, DS)])


NS_R = 3
NS_I = 4
IDX_AHEAD = 2
GATH_AHEAD = 1
SC_BEHIND = 2


@functools.partial(
    pl.kernel,
    out_type=jax.ShapeDtypeStruct((NPAD, D), jnp.float32),
    mesh=_mesh,
    compiler_params=pltpu.CompilerParams(use_tc_tiling_on_sc=False),
    scratch_types=[
        pltpu.VMEM((NS_I, EB), jnp.int32),
        pltpu.VMEM((NS_I, EB), jnp.int32),
        pltpu.VMEM((NS_I, EB), jnp.int32),
        pltpu.VMEM((NS_R, EB, D), jnp.float32),
        pltpu.VMEM_SHARED((ACC, D), jnp.float32),
        pltpu.SemaphoreType.DMA,
        pltpu.SemaphoreType.DMA,
        pltpu.SemaphoreType.DMA,
        pltpu.SemaphoreType.DMA,
    ],
)
def _scatter_kernel(g_h, row_h, col_h, zeros_h, out_h,
                    row_v, col_v, lcol_v, rows_v, acc_sh,
                    sem_r, sem_c, sem_g, sem_s):
    c = lax.axis_index("c")
    s = lax.axis_index("s")
    ebase = s * EPT
    ZS = ACC // NT
    WS = CHUNK // NT

    def fire_idx(b, slot):
        off = ebase + b * EB
        pltpu.async_copy(row_h.at[pl.ds(off, EB)], row_v.at[slot], sem_r)
        pltpu.async_copy(col_h.at[pl.ds(off, EB)], col_v.at[slot], sem_c)

    def wait_idx():
        pltpu.make_async_copy(row_h.at[pl.ds(0, EB)], row_v.at[0], sem_r).wait()
        pltpu.make_async_copy(col_h.at[pl.ds(0, EB)], col_v.at[0], sem_c).wait()

    def fire_gather(bslot, rslot):
        pltpu.async_copy(g_h.at[row_v.at[bslot]], rows_v.at[rslot], sem_g)

    def wait_gather():
        pltpu.make_async_copy(g_h.at[row_v.at[0]], rows_v.at[0], sem_g).wait()

    def fire_scatter(bslot, rslot):
        pltpu.async_copy(rows_v.at[rslot], acc_sh.at[lcol_v.at[bslot]], sem_s,
                         add=True)

    def wait_scatter():
        pltpu.make_async_copy(rows_v.at[0], acc_sh.at[lcol_v.at[0]],
                              sem_s).wait()

    for p in range(2):
        lo = (c * 2 + p) * CHUNK
        pltpu.sync_copy(zeros_h.at[pl.ds(s * ZS, ZS)], acc_sh.at[pl.ds(s * ZS, ZS)])
        plsc.subcore_barrier()

        for b in range(IDX_AHEAD):
            fire_idx(b, b)
        for b in range(GATH_AHEAD):
            wait_idx()
            fire_gather(b, b)

        def body(b, carry):
            fire_idx(b + IDX_AHEAD, lax.rem(b + IDX_AHEAD, NS_I))
            wait_idx()

            @pl.when(b >= SC_BEHIND)
            def _():
                wait_scatter()

            fire_gather(lax.rem(b + GATH_AHEAD, NS_I),
                        lax.rem(b + GATH_AHEAD, NS_R))
            kb = lax.rem(b, NS_I)
            for k in range(EB // LANES):
                cv = col_v[kb, pl.ds(k * LANES, LANES)]
                l = cv - lo
                valid = (l >= 0) & (l < CHUNK)
                dump = CHUNK + (cv & (NDUMP - 1))
                lcol_v[kb, pl.ds(k * LANES, LANES)] = jnp.where(valid, l, dump)
            wait_gather()
            fire_scatter(kb, lax.rem(b, NS_R))
            return carry

        lax.fori_loop(0, NB, body, 0)
        for _ in range(SC_BEHIND):
            wait_scatter()
        for _ in range(GATH_AHEAD):
            wait_gather()
        for _ in range(IDX_AHEAD - GATH_AHEAD):
            wait_idx()
        plsc.subcore_barrier()
        pltpu.sync_copy(acc_sh.at[pl.ds(s * WS, WS)],
                        out_h.at[pl.ds(lo + s * WS, WS)])
        plsc.subcore_barrier()


def _tc0_body(x_ref, degp_ref, We_ref, be_ref, W1_ref, h_ref, g_ref, dis_ref):
    deg = degp_ref[0] + degp_ref[1] + 1.0
    dis = lax.rsqrt(deg)
    h = jnp.dot(x_ref[...], We_ref[...], preferred_element_type=jnp.float32) + be_ref[...]
    g = jnp.dot(h, W1_ref[...], preferred_element_type=jnp.float32) * dis
    h_ref[...] = h
    g_ref[...] = g
    dis_ref[...] = dis


def _tc0(x_pad, degp3, W_emb, b_emb2, W1):
    return pl.pallas_call(
        _tc0_body,
        grid=(NBLK,),
        in_specs=[
            pl.BlockSpec((BLK, FEAT), lambda i: (i, 0)),
            pl.BlockSpec((NC, BLK, 1), lambda i: (0, i, 0)),
            pl.BlockSpec((FEAT, D), lambda i: (0, 0)),
            pl.BlockSpec((1, D), lambda i: (0, 0)),
            pl.BlockSpec((D, D), lambda i: (0, 0)),
        ],
        out_specs=[
            pl.BlockSpec((BLK, D), lambda i: (i, 0)),
            pl.BlockSpec((BLK, D), lambda i: (i, 0)),
            pl.BlockSpec((BLK, 1), lambda i: (i, 0)),
        ],
        out_shape=[
            jax.ShapeDtypeStruct((NROWS, D), jnp.float32),
            jax.ShapeDtypeStruct((NROWS, D), jnp.float32),
            jax.ShapeDtypeStruct((NROWS, 1), jnp.float32),
        ],
    )(x_pad, degp3, W_emb, b_emb2, W1)


def _mid_body(h_ref, g_ref, S_ref, dis_ref, b_ref, W_ref, hn_ref, gn_ref):
    dis = dis_ref[...]
    hn = h_ref[...] + jnp.maximum(dis * (S_ref[...] + g_ref[...]) + b_ref[...], 0.0)
    gn = jnp.dot(hn, W_ref[...], preferred_element_type=jnp.float32) * dis
    hn_ref[...] = hn
    gn_ref[...] = gn


def _mid(h, g, S, dis, b2, W_next):
    return pl.pallas_call(
        _mid_body,
        grid=(NBLK,),
        in_specs=[
            pl.BlockSpec((BLK, D), lambda i: (i, 0)),
            pl.BlockSpec((BLK, D), lambda i: (i, 0)),
            pl.BlockSpec((BLK, D), lambda i: (i, 0)),
            pl.BlockSpec((BLK, 1), lambda i: (i, 0)),
            pl.BlockSpec((1, D), lambda i: (0, 0)),
            pl.BlockSpec((D, D), lambda i: (0, 0)),
        ],
        out_specs=[
            pl.BlockSpec((BLK, D), lambda i: (i, 0)),
            pl.BlockSpec((BLK, D), lambda i: (i, 0)),
        ],
        out_shape=[
            jax.ShapeDtypeStruct((NROWS, D), jnp.float32),
            jax.ShapeDtypeStruct((NROWS, D), jnp.float32),
        ],
    )(h, g, S, dis, b2, W_next)


def _fin_body(h_ref, g_ref, S_ref, dis_ref, b_ref, Wn1_ref, bn1_ref, Wn2_ref,
              bn2_ref, Wg1_ref, bg1_ref, Wg2_ref, bg2_ref,
              h_out_ref, np_ref, gp_ref, hsum_ref):
    i = pl.program_id(0)
    h = h_ref[...] + jnp.maximum(
        dis_ref[...] * (S_ref[...] + g_ref[...]) + b_ref[...], 0.0)
    t = jnp.maximum(
        jnp.dot(h, Wn1_ref[...], preferred_element_type=jnp.float32) + bn1_ref[...], 0.0)
    np_ref[...] = jnp.dot(t, Wn2_ref[...], preferred_element_type=jnp.float32) + bn2_ref[...]
    h_out_ref[...] = h
    ridx = i * BLK + lax.broadcasted_iota(jnp.int32, (BLK, 1), 0)
    hm = jnp.where(ridx < N, h, 0.0)

    @pl.when(i == 0)
    def _():
        hsum_ref[...] = jnp.zeros_like(hsum_ref)

    hsum_ref[...] += jnp.sum(hm, axis=0, keepdims=True)

    @pl.when(i == NBLK - 1)
    def _():
        gm = hsum_ref[...] * (1.0 / N)
        tg = jnp.maximum(
            jnp.dot(gm, Wg1_ref[...], preferred_element_type=jnp.float32)
            + bg1_ref[...], 0.0)
        z = jnp.dot(tg, Wg2_ref[...], preferred_element_type=jnp.float32) + bg2_ref[...]
        gp_ref[...] = 1.0 / (1.0 + jnp.exp(-z))


def _fin(h, g, S, dis, b2, Wn1, bn1_2, Wn2, bn2_2, Wg1, bg1_2, Wg2, bg2_2):
    return pl.pallas_call(
        _fin_body,
        grid=(NBLK,),
        in_specs=[
            pl.BlockSpec((BLK, D), lambda i: (i, 0)),
            pl.BlockSpec((BLK, D), lambda i: (i, 0)),
            pl.BlockSpec((BLK, D), lambda i: (i, 0)),
            pl.BlockSpec((BLK, 1), lambda i: (i, 0)),
            pl.BlockSpec((1, D), lambda i: (0, 0)),
            pl.BlockSpec((D, D), lambda i: (0, 0)),
            pl.BlockSpec((1, D), lambda i: (0, 0)),
            pl.BlockSpec((D, 13), lambda i: (0, 0)),
            pl.BlockSpec((1, 13), lambda i: (0, 0)),
            pl.BlockSpec((D, D // 2), lambda i: (0, 0)),
            pl.BlockSpec((1, D // 2), lambda i: (0, 0)),
            pl.BlockSpec((D // 2, 1), lambda i: (0, 0)),
            pl.BlockSpec((1, 1), lambda i: (0, 0)),
        ],
        out_specs=[
            pl.BlockSpec((BLK, D), lambda i: (i, 0)),
            pl.BlockSpec((BLK, 13), lambda i: (i, 0)),
            pl.BlockSpec((1, 1), lambda i: (0, 0)),
            pl.BlockSpec((1, D), lambda i: (0, 0)),
        ],
        out_shape=[
            jax.ShapeDtypeStruct((NROWS, D), jnp.float32),
            jax.ShapeDtypeStruct((NROWS, 13), jnp.float32),
            jax.ShapeDtypeStruct((1, 1), jnp.float32),
            jax.ShapeDtypeStruct((1, D), jnp.float32),
        ],
    )(h, g, S, dis, b2, Wn1, bn1_2, Wn2, bn2_2, Wg1, bg1_2, Wg2, bg2_2)


def kernel(x, edge_index, W_emb, b_emb, W1, b1, W2, b2, W3, b3,
           Wn1, bn1, Wn2, bn2, Wg1, bg1, Wg2, bg2):
    padn = E_EXT - E
    j = jnp.arange(padn, dtype=jnp.int32)
    row_p = jnp.concatenate([edge_index[0], (j * 8191) % N])
    col_p = jnp.concatenate([edge_index[1], N + (j % 256)])

    x_pad = jnp.pad(x, ((0, NROWS - N), (0, 0)))
    zeros_acc = jnp.zeros((ACC, D), jnp.float32)
    zeros_deg = jnp.zeros((NROWS,), jnp.float32)

    degp = _deg_kernel(col_p, zeros_deg)
    degp3 = degp.reshape(NC, NROWS, 1)

    h0, g1, dis = _tc0(x_pad, degp3, W_emb, b_emb.reshape(1, D), W1)
    S1 = _scatter_kernel(g1, row_p, col_p, zeros_acc)
    h1, g2 = _mid(h0, g1, S1, dis, b1.reshape(1, D), W2)
    S2 = _scatter_kernel(g2, row_p, col_p, zeros_acc)
    h2, g3 = _mid(h1, g2, S2, dis, b2.reshape(1, D), W3)
    S3 = _scatter_kernel(g3, row_p, col_p, zeros_acc)
    h3, np_out, gp, _ = _fin(h2, g3, S3, dis, b3.reshape(1, D),
                             Wn1, bn1.reshape(1, D), Wn2, bn2.reshape(1, 13),
                             Wg1, bg1.reshape(1, D // 2), Wg2,
                             bg2.reshape(1, 1))

    return (h3[:N], np_out[:N, :10], np_out[:N, 10:13], gp)

# --- scband reference (transcript-rebuilt; emitter-appended) ---
"""Pipeline reference for scband-gcnhealing-agent-9096740733199 (READ-ONLY COPY).

The authoritative reference and input builder live on the scoring server;
editing this copy changes nothing except your own understanding.
"""

import jax, jax.numpy as jnp
import numpy as np

N = 100000
E = 1600000
FEAT = 16
D = 64


def setup_inputs(seed: int = 0) -> dict:
    key = jax.random.key(seed)
    ks = jax.random.split(key, 24)
    inp = {}
    inp['x'] = jax.random.normal(ks[0], (N, FEAT), dtype=jnp.float32)
    inp['edge_index'] = jax.random.randint(ks[1], (2, E), 0, N, dtype=jnp.int32)

    def lin(k, fan_in, fan_out):
        s = 1.0 / np.sqrt(fan_in)
        kw, kb = jax.random.split(k)
        W = jax.random.uniform(kw, (fan_in, fan_out), minval=-s, maxval=s, dtype=jnp.float32)
        b = jax.random.uniform(kb, (fan_out,), minval=-s, maxval=s, dtype=jnp.float32)
        return W, b

    inp['W_emb'], inp['b_emb'] = lin(ks[2], FEAT, D)
    inp['W1'], inp['b1'] = lin(ks[3], D, D)
    inp['W2'], inp['b2'] = lin(ks[4], D, D)
    inp['W3'], inp['b3'] = lin(ks[5], D, D)
    inp['Wn1'], inp['bn1'] = lin(ks[6], D, D)
    inp['Wn2'], inp['bn2'] = lin(ks[7], D, 13)
    inp['Wg1'], inp['bg1'] = lin(ks[8], D, D // 2)
    inp['Wg2'], inp['bg2'] = lin(ks[9], D // 2, 1)
    return inp


def _gcn_conv(h_in, row, col, W, b):
    # PyG GCNConv: linear transform, symmetric normalization with self-loops, scatter-add aggregate, bias
    h = h_in @ W
    deg = jnp.zeros((N,), h.dtype).at[col].add(1.0)
    dis = jnp.where(deg > 0, 1.0 / jnp.sqrt(deg), 0.0)
    norm = dis[row] * dis[col]
    msg = h[row] * norm[:, None]
    out = jnp.zeros((N, h.shape[1]), h.dtype).at[col].add(msg)
    return out + b


def reference(x, edge_index, W_emb, b_emb, W1, b1, W2, b2, W3, b3, Wn1, bn1, Wn2, bn2, Wg1, bg1, Wg2, bg2):
    loops = jnp.arange(N, dtype=edge_index.dtype)
    row = jnp.concatenate([edge_index[0], loops])
    col = jnp.concatenate([edge_index[1], loops])

    h = x @ W_emb + b_emb
    h1 = jax.nn.relu(_gcn_conv(h, row, col, W1, b1))
    h = h + h1  # dropout is identity at inference
    h2 = jax.nn.relu(_gcn_conv(h, row, col, W2, b2))
    h = h + h2
    h3 = jax.nn.relu(_gcn_conv(h, row, col, W3, b3))
    h = h + h3

    node_preds = jax.nn.relu(h @ Wn1 + bn1) @ Wn2 + bn2
    type_logits = node_preds[:, :10]
    pos_delta = node_preds[:, 10:]

    # global_mean_pool with all-zero batch ids -> mean over all nodes, shape [1, D]
    g = jnp.mean(h, axis=0, keepdims=True)
    global_pred = jax.nn.sigmoid(jax.nn.relu(g @ Wg1 + bg1) @ Wg2 + bg2)
    return (h, type_logits, pos_delta, global_pred)

if __name__ == "__main__":
    import jax
    _d = setup_inputs()
    print(jax.jit(kernel)(*tuple(_d.values())))

</pallas_src>

<mosaic_0001>
#map = affine_map<(d0, d1) -> (0, 0)>
#map1 = affine_map<(d0, d1) -> (0)>
module attributes {stable_mosaic.version = 14 : i64} {
  func.func @_scatter_kernel(%arg0: i32, %arg1: i32, %arg2: memref<100352x64xf32, #tpu.memory_space<hbm>>, %arg3: memref<1602176xi32, #tpu.memory_space<hbm>>, %arg4: memref<1602176xi32, #tpu.memory_space<hbm>>, %arg5: memref<25344x64xf32, #tpu.memory_space<hbm>>, %arg6: memref<100352x64xf32, #tpu.memory_space<hbm>>, %arg7: memref<4x128xi32, #tpu.memory_space<vmem>>, %arg8: memref<4x128xi32, #tpu.memory_space<vmem>>, %arg9: memref<4x128xi32, #tpu.memory_space<vmem>>, %arg10: memref<3x128x64xf32, #tpu.memory_space<vmem>>, %arg11: memref<25344x64xf32, #tpu.memory_space<vmem_shared>>, %arg12: memref<!tpu.dma_semaphore, #tpu.memory_space<semaphore_mem>>, %arg13: memref<!tpu.dma_semaphore, #tpu.memory_space<semaphore_mem>>, %arg14: memref<!tpu.dma_semaphore, #tpu.memory_space<semaphore_mem>>, %arg15: memref<!tpu.dma_semaphore, #tpu.memory_space<semaphore_mem>>) attributes {dimension_semantics = [#tpu.dimension_semantics<core_parallel>, #tpu.dimension_semantics<subcore_parallel>], iteration_bounds = array<i64: 2, 16>, scalar_prefetch = 0 : i64, scratch_operands = 9 : i64, tpu.core_type = #tpu.core_type<sc_vector_subcore>, window_params = [{transform_indices = #map}, {transform_indices = #map1}, {transform_indices = #map1}, {transform_indices = #map}, {transform_indices = #map}]} {
    %mul3A = arith.constant 100096 : i32
    %mul3A_0 = arith.muli %arg1, %mul3A : i32
    %mul3A_1 = arith.constant 2 : i32
    %mul3A_2 = arith.muli %arg0, %mul3A_1 : i32
    %add3A = arith.constant 0 : i32
    %add3A_3 = arith.addi %mul3A_2, %add3A : i32
    %mul3A_4 = arith.constant 25088 : i32
    %mul3A_5 = arith.muli %add3A_3, %mul3A_4 : i32
    %mul3A_6 = arith.constant 1584 : i32
    %mul3A_7 = arith.muli %arg1, %mul3A_6 : i32
    %mul3A_8 = arith.constant 1584 : i32
    %mul3A_9 = arith.muli %arg1, %mul3A_8 : i32
    "tpu.region"() ({
      %run_scoped3A = tpu.sem_alloc : memref<!tpu.dma_semaphore, #tpu.memory_space<semaphore_mem>>
      %dma_start3A_308 = arith.constant 0 : i32
      %dma_start3A_309 = tpu.memref_slice %arg11[%mul3A_9, %dma_start3A_308] : memref<25344x64xf32, #tpu.memory_space<vmem_shared>> -> memref<1584x64xf32, #tpu.memory_space<vmem_shared>>
      %dma_start3A_310 = arith.constant 0 : i32
      %dma_start3A_311 = tpu.memref_slice %arg5[%mul3A_7, %dma_start3A_310] : memref<25344x64xf32, #tpu.memory_space<hbm>> -> memref<1584x64xf32, #tpu.memory_space<hbm>>
      tpu.enqueue_dma source(%dma_start3A_311 : memref<1584x64xf32, #tpu.memory_space<hbm>>) target(%dma_start3A_309 : memref<1584x64xf32, #tpu.memory_space<vmem_shared>>) target_semaphore(%run_scoped3A : memref<!tpu.dma_semaphore, #tpu.memory_space<semaphore_mem>>)
      %dma_wait3A_312 = arith.constant 0 : i32
      %dma_wait3A_313 = tpu.memref_slice %arg11[%mul3A_9, %dma_wait3A_312] : memref<25344x64xf32, #tpu.memory_space<vmem_shared>> -> memref<1584x64xf32, #tpu.memory_space<vmem_shared>>
      %dma_wait3A_314 = arith.constant 0 : i32
      %dma_wait3A_315 = tpu.memref_slice %arg5[%mul3A_7, %dma_wait3A_314] : memref<25344x64xf32, #tpu.memory_space<hbm>> -> memref<1584x64xf32, #tpu.memory_space<hbm>>
      tpu.wait_dma2 semaphore(%run_scoped3A : memref<!tpu.dma_semaphore, #tpu.memory_space<semaphore_mem>>) src(%dma_wait3A_315 : memref<1584x64xf32, #tpu.memory_space<hbm>>) dst(%dma_wait3A_313 : memref<1584x64xf32, #tpu.memory_space<vmem_shared>>)
      tpu.yield
    }) : () -> ()
    %barrier3A = arith.constant 0 : index
    tpu.barrier barrier_id(%barrier3A)
    %add3A_10 = arith.constant 0 : i32
    %add3A_11 = arith.addi %mul3A_0, %add3A_10 : i32
    %dma_start3A = arith.constant 0 : i32
    %dma_start3A_12 = arith.constant 0 : i32
    %dma_start3A_13 = tpu.memref_slice %arg7[%dma_start3A, %dma_start3A_12] : memref<4x128xi32, #tpu.memory_space<vmem>> -> memref<1x128xi32, #tpu.memory_space<vmem>>
    %dma_start3A_14 = tpu.memref_squeeze %dma_start3A_13 : memref<1x128xi32, #tpu.memory_space<vmem>> -> memref<128xi32, #tpu.memory_space<vmem>>
    %dma_start3A_15 = tpu.memref_slice %arg3[%add3A_11] : memref<1602176xi32, #tpu.memory_space<hbm>> -> memref<128xi32, #tpu.memory_space<hbm>>
    %dma_start3A_16 = arith.constant 0 : i32
    %dma_start3A_17 = tpu.memref_slice %arg7[%dma_start3A, %dma_start3A_16] : memref<4x128xi32, #tpu.memory_space<vmem>> -> memref<1x128xi32, #tpu.memory_space<vmem>>
    %dma_start3A_18 = tpu.memref_squeeze %dma_start3A_17 : memref<1x128xi32, #tpu.memory_space<vmem>> -> memref<128xi32, #tpu.memory_space<vmem>>
    %dma_start3A_19 = tpu.memref_slice %arg3[%add3A_11] : memref<1602176xi32, #tpu.memory_space<hbm>> -> memref<128xi32, #tpu.memory_space<hbm>>
    tpu.enqueue_dma source(%dma_start3A_19 : memref<128xi32, #tpu.memory_space<hbm>>) target(%dma_start3A_18 : memref<128xi32, #tpu.memory_space<vmem>>) target_semaphore(%arg12 : memref<!tpu.dma_semaphore, #tpu.memory_space<semaphore_mem>>)
    %dma_start3A_20 = arith.constant 0 : i32
    %dma_start3A_21 = arith.constant 0 : i32
    %dma_start3A_22 = tpu.memref_slice %arg8[%dma_start3A_20, %dma_start3A_21] : memref<4x128xi32, #tpu.memory_space<vmem>> -> memref<1x128xi32, #tpu.memory_space<vmem>>
    %dma_start3A_23 = tpu.memref_squeeze %dma_start3A_22 : memref<1x128xi32, #tpu.memory_space<vmem>> -> memref<128xi32, #tpu.memory_space<vmem>>
    %dma_start3A_24 = tpu.memref_slice %arg4[%add3A_11] : memref<1602176xi32, #tpu.memory_space<hbm>> -> memref<128xi32, #tpu.memory_space<hbm>>
    %dma_start3A_25 = arith.constant 0 : i32
    %dma_start3A_26 = tpu.memref_slice %arg8[%dma_start3A_20, %dma_start3A_25] : memref<4x128xi32, #tpu.memory_space<vmem>> -> memref<1x128xi32, #tpu.memory_space<vmem>>
    %dma_start3A_27 = tpu.memref_squeeze %dma_start3A_26 : memref<1x128xi32, #tpu.memory_space<vmem>> -> memref<128xi32, #tpu.memory_space<vmem>>
    %dma_start3A_28 = tpu.memref_slice %arg4[%add3A_11] : memref<1602176xi32, #tpu.memory_space<hbm>> -> memref<128xi32, #tpu.memory_space<hbm>>
    tpu.enqueue_dma source(%dma_start3A_28 : memref<128xi32, #tpu.memory_space<hbm>>) target(%dma_start3A_27 : memref<128xi32, #tpu.memory_space<vmem>>) target_semaphore(%arg13 : memref<!tpu.dma_semaphore, #tpu.memory_space<semaphore_mem>>)
    %add3A_29 = arith.constant 128 : i32
    %add3A_30 = arith.addi %mul3A_0, %add3A_29 : i32
    %dma_start3A_31 = arith.constant 1 : i32
    %dma_start3A_32 = arith.constant 0 : i32
    %dma_start3A_33 = tpu.memref_slice %arg7[%dma_start3A_31, %dma_start3A_32] : memref<4x128xi32, #tpu.memory_space<vmem>> -> memref<1x128xi32, #tpu.memory_space<vmem>>
    %dma_start3A_34 = tpu.memref_squeeze %dma_start3A_33 : memref<1x128xi32, #tpu.memory_space<vmem>> -> memref<128xi32, #tpu.memory_space<vmem>>
    %dma_start3A_35 = tpu.memref_slice %arg3[%add3A_30] : memref<1602176xi32, #tpu.memory_space<hbm>> -> memref<128xi32, #tpu.memory_space<hbm>>
    %dma_start3A_36 = arith.constant 0 : i32
    %dma_start3A_37 = tpu.memref_slice %arg7[%dma_start3A_31, %dma_start3A_36] : memref<4x128xi32, #tpu.memory_space<vmem>> -> memref<1x128xi32, #tpu.memory_space<vmem>>
    %dma_start3A_38 = tpu.memref_squeeze %dma_start3A_37 : memref<1x128xi32, #tpu.memory_space<vmem>> -> memref<128xi32, #tpu.memory_space<vmem>>
    %dma_start3A_39 = tpu.memref_slice %arg3[%add3A_30] : memref<1602176xi32, #tpu.memory_space<hbm>> -> memref<128xi32, #tpu.memory_space<hbm>>
    tpu.enqueue_dma source(%dma_start3A_39 : memref<128xi32, #tpu.memory_space<hbm>>) target(%dma_start3A_38 : memref<128xi32, #tpu.memory_space<vmem>>) target_semaphore(%arg12 : memref<!tpu.dma_semaphore, #tpu.memory_space<semaphore_mem>>)
    %dma_start3A_40 = arith.constant 1 : i32
    %dma_start3A_41 = arith.constant 0 : i32
    %dma_start3A_42 = tpu.memref_slice %arg8[%dma_start3A_40, %dma_start3A_41] : memref<4x128xi32, #tpu.memory_space<vmem>> -> memref<1x128xi32, #tpu.memory_space<vmem>>
    %dma_start3A_43 = tpu.memref_squeeze %dma_start3A_42 : memref<1x128xi32, #tpu.memory_space<vmem>> -> memref<128xi32, #tpu.memory_space<vmem>>
    %dma_start3A_44 = tpu.memref_slice %arg4[%add3A_30] : memref<1602176xi32, #tpu.memory_space<hbm>> -> memref<128xi32, #tpu.memory_space<hbm>>
    %dma_start3A_45 = arith.constant 0 : i32
    %dma_start3A_46 = tpu.memref_slice %arg8[%dma_start3A_40, %dma_start3A_45] : memref<4x128xi32, #tpu.memory_space<vmem>> -> memref<1x128xi32, #tpu.memory_space<vmem>>
    %dma_start3A_47 = tpu.memref_squeeze %dma_start3A_46 : memref<1x128xi32, #tpu.memory_space<vmem>> -> memref<128xi32, #tpu.memory_space<vmem>>
    %dma_start3A_48 = tpu.memref_slice %arg4[%add3A_30] : memref<1602176xi32, #tpu.memory_space<hbm>> -> memref<128xi32, #tpu.memory_space<hbm>>
    tpu.enqueue_dma source(%dma_start3A_48 : memref<128xi32, #tpu.memory_space<hbm>>) target(%dma_start3A_47 : memref<128xi32, #tpu.memory_space<vmem>>) target_semaphore(%arg13 : memref<!tpu.dma_semaphore, #tpu.memory_space<semaphore_mem>>)
    %dma_wait3A = arith.constant 0 : i32
    %dma_wait3A_49 = arith.constant 0 : i32
    %dma_wait3A_50 = tpu.memref_slice %arg7[%dma_wait3A, %dma_wait3A_49] : memref<4x128xi32, #tpu.memory_space<vmem>> -> memref<1x128xi32, #tpu.memory_space<vmem>>
    %dma_wait3A_51 = tpu.memref_squeeze %dma_wait3A_50 : memref<1x128xi32, #tpu.memory_space<vmem>> -> memref<128xi32, #tpu.memory_space<vmem>>
    %dma_wait3A_52 = arith.constant 0 : i32
    %dma_wait3A_53 = tpu.memref_slice %arg3[%dma_wait3A_52] : memref<1602176xi32, #tpu.memory_space<hbm>> -> memref<128xi32, #tpu.memory_space<hbm>>
    %dma_wait3A_54 = arith.constant 0 : i32
    %dma_wait3A_55 = tpu.memref_slice %arg7[%dma_wait3A, %dma_wait3A_54] : memref<4x128xi32, #tpu.memory_space<vmem>> -> memref<1x128xi32, #tpu.memory_space<vmem>>
    %dma_wait3A_56 = tpu.memref_squeeze %dma_wait3A_55 : memref<1x128xi32, #tpu.memory_space<vmem>> -> memref<128xi32, #tpu.memory_space<vmem>>
    %dma_wait3A_57 = arith.constant 0 : i32
    %dma_wait3A_58 = tpu.memref_slice %arg3[%dma_wait3A_57] : memref<1602176xi32, #tpu.memory_space<hbm>> -> memref<128xi32, #tpu.memory_space<hbm>>
    tpu.wait_dma2 semaphore(%arg12 : memref<!tpu.dma_semaphore, #tpu.memory_space<semaphore_mem>>) src(%dma_wait3A_58 : memref<128xi32, #tpu.memory_space<hbm>>) dst(%dma_wait3A_56 : memref<128xi32, #tpu.memory_space<vmem>>)
    %dma_wait3A_59 = arith.constant 0 : i32
    %dma_wait3A_60 = arith.constant 0 : i32
    %dma_wait3A_61 = tpu.memref_slice %arg8[%dma_wait3A_59, %dma_wait3A_60] : memref<4x128xi32, #tpu.memory_space<vmem>> -> memref<1x128xi32, #tpu.memory_space<vmem>>
    %dma_wait3A_62 = tpu.memref_squeeze %dma_wait3A_61 : memref<1x128xi32, #tpu.memory_space<vmem>> -> memref<128xi32, #tpu.memory_space<vmem>>
    %dma_wait3A_63 = arith.constant 0 : i32
    %dma_wait3A_64 = tpu.memref_slice %arg4[%dma_wait3A_63] : memref<1602176xi32, #tpu.memory_space<hbm>> -> memref<128xi32, #tpu.memory_space<hbm>>
    %dma_wait3A_65 = arith.constant 0 : i32
    %dma_wait3A_66 = tpu.memref_slice %arg8[%dma_wait3A_59, %dma_wait3A_65] : memref<4x128xi32, #tpu.memory_space<vmem>> -> memref<1x128xi32, #tpu.memory_space<vmem>>
    %dma_wait3A_67 = tpu.memref_squeeze %dma_wait3A_66 : memref<1x128xi32, #tpu.memory_space<vmem>> -> memref<128xi32, #tpu.memory_space<vmem>>
    %dma_wait3A_68 = arith.constant 0 : i32
    %dma_wait3A_69 = tpu.memref_slice %arg4[%dma_wait3A_68] : memref<1602176xi32, #tpu.memory_space<hbm>> -> memref<128xi32, #tpu.memory_space<hbm>>
    tpu.wait_dma2 semaphore(%arg13 : memref<!tpu.dma_semaphore, #tpu.memory_space<semaphore_mem>>) src(%dma_wait3A_69 : memref<128xi32, #tpu.memory_space<hbm>>) dst(%dma_wait3A_67 : memref<128xi32, #tpu.memory_space<vmem>>)
    %dma_start3A_70 = arith.constant 0 : i32
    %dma_start3A_71 = arith.constant 0 : i32
    %dma_start3A_72 = arith.constant 0 : i32
    %dma_start3A_73 = arith.constant 0 : i32
    %dma_start3A_74 = tpu.memref_slice %arg10[%dma_start3A_71, %dma_start3A_72, %dma_start3A_73] : memref<3x128x64xf32, #tpu.memory_space<vmem>> -> memref<1x128x64xf32, #tpu.memory_space<vmem>>
    %dma_start3A_75 = tpu.memref_squeeze %dma_start3A_74 : memref<1x128x64xf32, #tpu.memory_space<vmem>> -> memref<128x64xf32, #tpu.memory_space<vmem>>
    %dma_start3A_76 = arith.constant 0 : i32
    %dma_start3A_77 = tpu.memref_slice %arg7[%dma_start3A_70, %dma_start3A_76] : memref<4x128xi32, #tpu.memory_space<vmem>> -> memref<1x128xi32, #tpu.memory_space<vmem>>
    %dma_start3A_78 = tpu.memref_squeeze %dma_start3A_77 : memref<1x128xi32, #tpu.memory_space<vmem>> -> memref<128xi32, #tpu.memory_space<vmem>>
    %dma_start3A_79 = arith.constant 0 : i32
    %dma_start3A_80 = arith.constant 0 : i32
    %dma_start3A_81 = tpu.memref_slice %arg2[%dma_start3A_79, %dma_start3A_80] : memref<100352x64xf32, #tpu.memory_space<hbm>> -> memref<100352x64xf32, #tpu.memory_space<hbm>>
    tpu.enqueue_indirect_dma source(%dma_start3A_81 : memref<100352x64xf32, #tpu.memory_space<hbm>>) target(%dma_start3A_75 : memref<128x64xf32, #tpu.memory_space<vmem>>) offsets(%dma_start3A_78 : memref<128xi32, #tpu.memory_space<vmem>>) semaphore(%arg14 : memref<!tpu.dma_semaphore, #tpu.memory_space<semaphore_mem>>)
    %scan3A = arith.constant 0 : i32
    %scan3A_82 = arith.constant 0 : i32
    %scan3A_83 = arith.constant 782 : i32
    %scan3A_84 = arith.addi %scan3A_82, %scan3A_83 : i32
    %scan3A_85 = arith.constant 1 : i32
    scf.for %scan3A_308 = %scan3A_82 to %scan3A_84 step %scan3A_85  : i32 {
      %add3A_309 = arith.constant 2 : i32
      %add3A_310 = arith.addi %scan3A_308, %add3A_309 : i32
      %add3A_311 = arith.constant 2 : i32
      %add3A_312 = arith.addi %scan3A_308, %add3A_311 : i32
      %rem3A = arith.constant 4 : i32
      %rem3A_313 = arith.remsi %add3A_312, %rem3A : i32
      %mul3A_314 = arith.constant 128 : i32
      %mul3A_315 = arith.muli %add3A_310, %mul3A_314 : i32
      %add3A_316 = arith.addi %mul3A_0, %mul3A_315 : i32
      %dma_start3A_317 = arith.constant 0 : i32
      %dma_start3A_318 = tpu.memref_slice %arg7[%rem3A_313, %dma_start3A_317] : memref<4x128xi32, #tpu.memory_space<vmem>> -> memref<1x128xi32, #tpu.memory_space<vmem>>
      %dma_start3A_319 = tpu.memref_squeeze %dma_start3A_318 : memref<1x128xi32, #tpu.memory_space<vmem>> -> memref<128xi32, #tpu.memory_space<vmem>>
      %dma_start3A_320 = tpu.memref_slice %arg3[%add3A_316] : memref<1602176xi32, #tpu.memory_space<hbm>> -> memref<128xi32, #tpu.memory_space<hbm>>
      %dma_start3A_321 = arith.constant 0 : i32
      %dma_start3A_322 = tpu.memref_slice %arg7[%rem3A_313, %dma_start3A_321] : memref<4x128xi32, #tpu.memory_space<vmem>> -> memref<1x128xi32, #tpu.memory_space<vmem>>
      %dma_start3A_323 = tpu.memref_squeeze %dma_start3A_322 : memref<1x128xi32, #tpu.memory_space<vmem>> -> memref<128xi32, #tpu.memory_space<vmem>>
      %dma_start3A_324 = tpu.memref_slice %arg3[%add3A_316] : memref<1602176xi32, #tpu.memory_space<hbm>> -> memref<128xi32, #tpu.memory_space<hbm>>
      tpu.enqueue_dma source(%dma_start3A_324 : memref<128xi32, #tpu.memory_space<hbm>>) target(%dma_start3A_323 : memref<128xi32, #tpu.memory_space<vmem>>) target_semaphore(%arg12 : memref<!tpu.dma_semaphore, #tpu.memory_space<semaphore_mem>>)
      %dma_start3A_325 = arith.constant 0 : i32
      %dma_start3A_326 = tpu.memref_slice %arg8[%rem3A_313, %dma_start3A_325] : memref<4x128xi32, #tpu.memory_space<vmem>> -> memref<1x128xi32, #tpu.memory_space<vmem>>
      %dma_start3A_327 = tpu.memref_squeeze %dma_start3A_326 : memref<1x128xi32, #tpu.memory_space<vmem>> -> memref<128xi32, #tpu.memory_space<vmem>>
      %dma_start3A_328 = tpu.memref_slice %arg4[%add3A_316] : memref<1602176xi32, #tpu.memory_space<hbm>> -> memref<128xi32, #tpu.memory_space<hbm>>
      %dma_start3A_329 = arith.constant 0 : i32
      %dma_start3A_330 = tpu.memref_slice %arg8[%rem3A_313, %dma_start3A_329] : memref<4x128xi32, #tpu.memory_space<vmem>> -> memref<1x128xi32, #tpu.memory_space<vmem>>
      %dma_start3A_331 = tpu.memref_squeeze %dma_start3A_330 : memref<1x128xi32, #tpu.memory_space<vmem>> -> memref<128xi32, #tpu.memory_space<vmem>>
      %dma_start3A_332 = tpu.memref_slice %arg4[%add3A_316] : memref<1602176xi32, #tpu.memory_space<hbm>> -> memref<128xi32, #tpu.memory_space<hbm>>
      tpu.enqueue_dma source(%dma_start3A_332 : memref<128xi32, #tpu.memory_space<hbm>>) target(%dma_start3A_331 : memref<128xi32, #tpu.memory_space<vmem>>) target_semaphore(%arg13 : memref<!tpu.dma_semaphore, #tpu.memory_space<semaphore_mem>>)
      %dma_wait3A_333 = arith.constant 0 : i32
      %dma_wait3A_334 = arith.constant 0 : i32
      %dma_wait3A_335 = tpu.memref_slice %arg7[%dma_wait3A_333, %dma_wait3A_334] : memref<4x128xi32, #tpu.memory_space<vmem>> -> memref<1x128xi32, #tpu.memory_space<vmem>>
      %dma_wait3A_336 = tpu.memref_squeeze %dma_wait3A_335 : memref<1x128xi32, #tpu.memory_space<vmem>> -> memref<128xi32, #tpu.memory_space<vmem>>
      %dma_wait3A_337 = arith.constant 0 : i32
      %dma_wait3A_338 = tpu.memref_slice %arg3[%dma_wait3A_337] : memref<1602176xi32, #tpu.memory_space<hbm>> -> memref<128xi32, #tpu.memory_space<hbm>>
      %dma_wait3A_339 = arith.constant 0 : i32
      %dma_wait3A_340 = tpu.memref_slice %arg7[%dma_wait3A_333, %dma_wait3A_339] : memref<4x128xi32, #tpu.memory_space<vmem>> -> memref<1x128xi32, #tpu.memory_space<vmem>>
      %dma_wait3A_341 = tpu.memref_squeeze %dma_wait3A_340 : memref<1x128xi32, #tpu.memory_space<vmem>> -> memref<128xi32, #tpu.memory_space<vmem>>
      %dma_wait3A_342 = arith.constant 0 : i32
      %dma_wait3A_343 = tpu.memref_slice %arg3[%dma_wait3A_342] : memref<1602176xi32, #tpu.memory_space<hbm>> -> memref<128xi32, #tpu.memory_space<hbm>>
      tpu.wait_dma2 semaphore(%arg12 : memref<!tpu.dma_semaphore, #tpu.memory_space<semaphore_mem>>) src(%dma_wait3A_343 : memref<128xi32, #tpu.memory_space<hbm>>) dst(%dma_wait3A_341 : memref<128xi32, #tpu.memory_space<vmem>>)
      %dma_wait3A_344 = arith.constant 0 : i32
      %dma_wait3A_345 = arith.constant 0 : i32
      %dma_wait3A_346 = tpu.memref_slice %arg8[%dma_wait3A_344, %dma_wait3A_345] : memref<4x128xi32, #tpu.memory_space<vmem>> -> memref<1x128xi32, #tpu.memory_space<vmem>>
      %dma_wait3A_347 = tpu.memref_squeeze %dma_wait3A_346 : memref<1x128xi32, #tpu.memory_space<vmem>> -> memref<128xi32, #tpu.memory_space<vmem>>
      %dma_wait3A_348 = arith.constant 0 : i32
      %dma_wait3A_349 = tpu.memref_slice %arg4[%dma_wait3A_348] : memref<1602176xi32, #tpu.memory_space<hbm>> -> memref<128xi32, #tpu.memory_space<hbm>>
      %dma_wait3A_350 = arith.constant 0 : i32
      %dma_wait3A_351 = tpu.memref_slice %arg8[%dma_wait3A_344, %dma_wait3A_350] : memref<4x128xi32, #tpu.memory_space<vmem>> -> memref<1x128xi32, #tpu.memory_space<vmem>>
      %dma_wait3A_352 = tpu.memref_squeeze %dma_wait3A_351 : memref<1x128xi32, #tpu.memory_space<vmem>> -> memref<128xi32, #tpu.memory_space<vmem>>
      %dma_wait3A_353 = arith.constant 0 : i32
      %dma_wait3A_354 = tpu.memref_slice %arg4[%dma_wait3A_353] : memref<1602176xi32, #tpu.memory_space<hbm>> -> memref<128xi32, #tpu.memory_space<hbm>>
      tpu.wait_dma2 semaphore(%arg13 : memref<!tpu.dma_semaphore, #tpu.memory_space<semaphore_mem>>) src(%dma_wait3A_354 : memref<128xi32, #tpu.memory_space<hbm>>) dst(%dma_wait3A_352 : memref<128xi32, #tpu.memory_space<vmem>>)
      %ge3A = arith.constant 2 : i32
      %ge3A_355 = arith.cmpi sge, %scan3A_308, %ge3A : i32
      %convert_element_type3A = arith.extui %ge3A_355 : i1 to i32
      %cond3A = arith.constant 0 : i32
      %cond3A_356 = arith.cmpi ne, %convert_element_type3A, %cond3A : i32
      scf.if %cond3A_356 {
        %dma_wait3A_595 = arith.constant 0 : i32
        %dma_wait3A_596 = arith.constant 0 : i32
        %dma_wait3A_597 = arith.constant 0 : i32
        %dma_wait3A_598 = arith.constant 0 : i32
        %dma_wait3A_599 = tpu.memref_slice %arg10[%dma_wait3A_595, %dma_wait3A_597, %dma_wait3A_598] : memref<3x128x64xf32, #tpu.memory_space<vmem>> -> memref<1x128x64xf32, #tpu.memory_space<vmem>>
        %dma_wait3A_600 = tpu.memref_squeeze %dma_wait3A_599 : memref<1x128x64xf32, #tpu.memory_space<vmem>> -> memref<128x64xf32, #tpu.memory_space<vmem>>
        %dma_wait3A_601 = arith.constant 0 : i32
        %dma_wait3A_602 = tpu.memref_slice %arg9[%dma_wait3A_596, %dma_wait3A_601] : memref<4x128xi32, #tpu.memory_space<vmem>> -> memref<1x128xi32, #tpu.memory_space<vmem>>
        %dma_wait3A_603 = tpu.memref_squeeze %dma_wait3A_602 : memref<1x128xi32, #tpu.memory_space<vmem>> -> memref<128xi32, #tpu.memory_space<vmem>>
        %dma_wait3A_604 = arith.constant 0 : i32
        %dma_wait3A_605 = arith.constant 0 : i32
        %dma_wait3A_606 = tpu.memref_slice %arg11[%dma_wait3A_604, %dma_wait3A_605] : memref<25344x64xf32, #tpu.memory_space<vmem_shared>> -> memref<25344x64xf32, #tpu.memory_space<vmem_shared>>
        tpu.wait_indirect_dma semaphore(%arg15 : memref<!tpu.dma_semaphore, #tpu.memory_space<semaphore_mem>>) src(%dma_wait3A_600 : memref<128x64xf32, #tpu.memory_space<vmem>>) dst(%dma_wait3A_606 : memref<25344x64xf32, #tpu.memory_space<vmem_shared>>)
      } else {
      }
      %add3A_357 = arith.constant 1 : i32
      %add3A_358 = arith.addi %scan3A_308, %add3A_357 : i32
      %rem3A_359 = arith.constant 4 : i32
      %rem3A_360 = arith.remsi %add3A_358, %rem3A_359 : i32
      %add3A_361 = arith.constant 1 : i32
      %add3A_362 = arith.addi %scan3A_308, %add3A_361 : i32
      %rem3A_363 = arith.constant 3 : i32
      %rem3A_364 = arith.remsi %add3A_362, %rem3A_363 : i32
      %dma_start3A_365 = arith.constant 0 : i32
      %dma_start3A_366 = arith.constant 0 : i32
      %dma_start3A_367 = tpu.memref_slice %arg10[%rem3A_364, %dma_start3A_365, %dma_start3A_366] : memref<3x128x64xf32, #tpu.memory_space<vmem>> -> memref<1x128x64xf32, #tpu.memory_space<vmem>>
      %dma_start3A_368 = tpu.memref_squeeze %dma_start3A_367 : memref<1x128x64xf32, #tpu.memory_space<vmem>> -> memref<128x64xf32, #tpu.memory_space<vmem>>
      %dma_start3A_369 = arith.constant 0 : i32
      %dma_start3A_370 = tpu.memref_slice %arg7[%rem3A_360, %dma_start3A_369] : memref<4x128xi32, #tpu.memory_space<vmem>> -> memref<1x128xi32, #tpu.memory_space<vmem>>
      %dma_start3A_371 = tpu.memref_squeeze %dma_start3A_370 : memref<1x128xi32, #tpu.memory_space<vmem>> -> memref<128xi32, #tpu.memory_space<vmem>>
      %dma_start3A_372 = arith.constant 0 : i32
      %dma_start3A_373 = arith.constant 0 : i32
      %dma_start3A_374 = tpu.memref_slice %arg2[%dma_start3A_372, %dma_start3A_373] : memref<100352x64xf32, #tpu.memory_space<hbm>> -> memref<100352x64xf32, #tpu.memory_space<hbm>>
      tpu.enqueue_indirect_dma source(%dma_start3A_374 : memref<100352x64xf32, #tpu.memory_space<hbm>>) target(%dma_start3A_368 : memref<128x64xf32, #tpu.memory_space<vmem>>) offsets(%dma_start3A_371 : memref<128xi32, #tpu.memory_space<vmem>>) semaphore(%arg14 : memref<!tpu.dma_semaphore, #tpu.memory_space<semaphore_mem>>)
      %rem3A_375 = arith.constant 4 : i32
      %rem3A_376 = arith.remsi %scan3A_308, %rem3A_375 : i32
      %get3A = arith.index_cast %rem3A_376 : i32 to index
      %get3A_377 = arith.constant 0 : index
      %get3A_378 = tpu.vector_load %arg8[%get3A, %get3A_377] {strides = array<i32>} : memref<4x128xi32, #tpu.memory_space<vmem>>, vector<1x16xi32>,
      %get3A_379 = vector.shape_cast %get3A_378 : vector<1x16xi32> to vector<16xi32>
      %sub3A = vector.broadcast %mul3A_5 : i32 to vector<16xi32>
      %sub3A_380 = arith.subi %get3A_379, %sub3A : vector<16xi32>
      %ge3A_381 = arith.constant 0 : i32
      %ge3A_382 = vector.broadcast %ge3A_381 : i32 to vector<16xi32>
      %ge3A_383 = arith.cmpi sge, %sub3A_380, %ge3A_382 : vector<16xi32>
      %lt3A = arith.constant 25088 : i32
      %lt3A_384 = vector.broadcast %lt3A : i32 to vector<16xi32>
      %lt3A_385 = arith.cmpi slt, %sub3A_380, %lt3A_384 : vector<16xi32>
      %and3A = arith.andi %ge3A_383, %lt3A_385 : vector<16xi1>
      %and3A_386 = arith.constant 255 : i32
      %and3A_387 = vector.broadcast %and3A_386 : i32 to vector<16xi32>
      %and3A_388 = arith.andi %get3A_379, %and3A_387 : vector<16xi32>
      %add3A_389 = arith.constant 25088 : i32
      %add3A_390 = vector.broadcast %add3A_389 : i32 to vector<16xi32>
      %add3A_391 = arith.addi %add3A_390, %and3A_388 : vector<16xi32>
      %select_n3A = arith.select %and3A, %sub3A_380, %add3A_391 : vector<16xi1>, vector<16xi32>
      %swap3A = arith.index_cast %rem3A_376 : i32 to index
      %swap3A_392 = arith.constant 0 : index
      %swap3A_393 = tpu.vector_load %arg9[%swap3A, %swap3A_392] {strides = array<i32>} : memref<4x128xi32, #tpu.memory_space<vmem>>, vector<1x16xi32>,
      %swap3A_394 = vector.shape_cast %swap3A_393 : vector<1x16xi32> to vector<16xi32>
      %swap3A_395 = vector.shape_cast %select_n3A : vector<16xi32> to vector<1x16xi32>
      tpu.vector_store %arg9[%swap3A, %swap3A_392], %swap3A_395 {strides = array<i32>} : memref<4x128xi32, #tpu.memory_space<vmem>>, vector<1x16xi32>,
      %get3A_396 = arith.index_cast %rem3A_376 : i32 to index
      %get3A_397 = arith.constant 16 : index
      %get3A_398 = tpu.vector_load %arg8[%get3A_396, %get3A_397] {strides = array<i32>} : memref<4x128xi32, #tpu.memory_space<vmem>>, vector<1x16xi32>,
      %get3A_399 = vector.shape_cast %get3A_398 : vector<1x16xi32> to vector<16xi32>
      %sub3A_400 = vector.broadcast %mul3A_5 : i32 to vector<16xi32>
      %sub3A_401 = arith.subi %get3A_399, %sub3A_400 : vector<16xi32>
      %ge3A_402 = arith.constant 0 : i32
      %ge3A_403 = vector.broadcast %ge3A_402 : i32 to vector<16xi32>
      %ge3A_404 = arith.cmpi sge, %sub3A_401, %ge3A_403 : vector<16xi32>
      %lt3A_405 = arith.constant 25088 : i32
      %lt3A_406 = vector.broadcast %lt3A_405 : i32 to vector<16xi32>
      %lt3A_407 = arith.cmpi slt, %sub3A_401, %lt3A_406 : vector<16xi32>
      %and3A_408 = arith.andi %ge3A_404, %lt3A_407 : vector<16xi1>
      %and3A_409 = arith.constant 255 : i32
      %and3A_410 = vector.broadcast %and3A_409 : i32 to vector<16xi32>
      %and3A_411 = arith.andi %get3A_399, %and3A_410 : vector<16xi32>
      %add3A_412 = arith.constant 25088 : i32
      %add3A_413 = vector.broadcast %add3A_412 : i32 to vector<16xi32>
      %add3A_414 = arith.addi %add3A_413, %and3A_411 : vector<16xi32>
      %select_n3A_415 = arith.select %and3A_408, %sub3A_401, %add3A_414 : vector<16xi1>, vector<16xi32>
      %swap3A_416 = arith.index_cast %rem3A_376 : i32 to index
      %swap3A_417 = arith.constant 16 : index
      %swap3A_418 = tpu.vector_load %arg9[%swap3A_416, %swap3A_417] {strides = array<i32>} : memref<4x128xi32, #tpu.memory_space<vmem>>, vector<1x16xi32>,
      %swap3A_419 = vector.shape_cast %swap3A_418 : vector<1x16xi32> to vector<16xi32>
      %swap3A_420 = vector.shape_cast %select_n3A_415 : vector<16xi32> to vector<1x16xi32>
      tpu.vector_store %arg9[%swap3A_416, %swap3A_417], %swap3A_420 {strides = array<i32>} : memref<4x128xi32, #tpu.memory_space<vmem>>, vector<1x16xi32>,
      %get3A_421 = arith.index_cast %rem3A_376 : i32 to index
      %get3A_422 = arith.constant 32 : index
      %get3A_423 = tpu.vector_load %arg8[%get3A_421, %get3A_422] {strides = array<i32>} : memref<4x128xi32, #tpu.memory_space<vmem>>, vector<1x16xi32>,
      %get3A_424 = vector.shape_cast %get3A_423 : vector<1x16xi32> to vector<16xi32>
      %sub3A_425 = vector.broadcast %mul3A_5 : i32 to vector<16xi32>
      %sub3A_426 = arith.subi %get3A_424, %sub3A_425 : vector<16xi32>
      %ge3A_427 = arith.constant 0 : i32
      %ge3A_428 = vector.broadcast %ge3A_427 : i32 to vector<16xi32>
      %ge3A_429 = arith.cmpi sge, %sub3A_426, %ge3A_428 : vector<16xi32>
      %lt3A_430 = arith.constant 25088 : i32
      %lt3A_431 = vector.broadcast %lt3A_430 : i32 to vector<16xi32>
      %lt3A_432 = arith.cmpi slt, %sub3A_426, %lt3A_431 : vector<16xi32>
      %and3A_433 = arith.andi %ge3A_429, %lt3A_432 : vector<16xi1>
      %and3A_434 = arith.constant 255 : i32
      %and3A_435 = vector.broadcast %and3A_434 : i32 to vector<16xi32>
      %and3A_436 = arith.andi %get3A_424, %and3A_435 : vector<16xi32>
      %add3A_437 = arith.constant 25088 : i32
      %add3A_438 = vector.broadcast %add3A_437 : i32 to vector<16xi32>
      %add3A_439 = arith.addi %add3A_438, %and3A_436 : vector<16xi32>
      %select_n3A_440 = arith.select %and3A_433, %sub3A_426, %add3A_439 : vector<16xi1>, vector<16xi32>
      %swap3A_441 = arith.index_cast %rem3A_376 : i32 to index
      %swap3A_442 = arith.constant 32 : index
      %swap3A_443 = tpu.vector_load %arg9[%swap3A_441, %swap3A_442] {strides = array<i32>} : memref<4x128xi32, #tpu.memory_space<vmem>>, vector<1x16xi32>,
      %swap3A_444 = vector.shape_cast %swap3A_443 : vector<1x16xi32> to vector<16xi32>
      %swap3A_445 = vector.shape_cast %select_n3A_440 : vector<16xi32> to vector<1x16xi32>
      tpu.vector_store %arg9[%swap3A_441, %swap3A_442], %swap3A_445 {strides = array<i32>} : memref<4x128xi32, #tpu.memory_space<vmem>>, vector<1x16xi32>,
      %get3A_446 = arith.index_cast %rem3A_376 : i32 to index
      %get3A_447 = arith.constant 48 : index
      %get3A_448 = tpu.vector_load %arg8[%get3A_446, %get3A_447] {strides = array<i32>} : memref<4x128xi32, #tpu.memory_space<vmem>>, vector<1x16xi32>,
      %get3A_449 = vector.shape_cast %get3A_448 : vector<1x16xi32> to vector<16xi32>
      %sub3A_450 = vector.broadcast %mul3A_5 : i32 to vector<16xi32>
      %sub3A_451 = arith.subi %get3A_449, %sub3A_450 : vector<16xi32>
      %ge3A_452 = arith.constant 0 : i32
      %ge3A_453 = vector.broadcast %ge3A_452 : i32 to vector<16xi32>
      %ge3A_454 = arith.cmpi sge, %sub3A_451, %ge3A_453 : vector<16xi32>
      %lt3A_455 = arith.constant 25088 : i32
      %lt3A_456 = vector.broadcast %lt3A_455 : i32 to vector<16xi32>
      %lt3A_457 = arith.cmpi slt, %sub3A_451, %lt3A_456 : vector<16xi32>
      %and3A_458 = arith.andi %ge3A_454, %lt3A_457 : vector<16xi1>
      %and3A_459 = arith.constant 255 : i32
      %and3A_460 = vector.broadcast %and3A_459 : i32 to vector<16xi32>
      %and3A_461 = arith.andi %get3A_449, %and3A_460 : vector<16xi32>
      %add3A_462 = arith.constant 25088 : i32
      %add3A_463 = vector.broadcast %add3A_462 : i32 to vector<16xi32>
      %add3A_464 = arith.addi %add3A_463, %and3A_461 : vector<16xi32>
      %select_n3A_465 = arith.select %and3A_458, %sub3A_451, %add3A_464 : vector<16xi1>, vector<16xi32>
      %swap3A_466 = arith.index_cast %rem3A_376 : i32 to index
      %swap3A_467 = arith.constant 48 : index
      %swap3A_468 = tpu.vector_load %arg9[%swap3A_466, %swap3A_467] {strides = array<i32>} : memref<4x128xi32, #tpu.memory_space<vmem>>, vector<1x16xi32>,
      %swap3A_469 = vector.shape_cast %swap3A_468 : vector<1x16xi32> to vector<16xi32>
      %swap3A_470 = vector.shape_cast %select_n3A_465 : vector<16xi32> to vector<1x16xi32>
      tpu.vector_store %arg9[%swap3A_466, %swap3A_467], %swap3A_470 {strides = array<i32>} : memref<4x128xi32, #tpu.memory_space<vmem>>, vector<1x16xi32>,
      %get3A_471 = arith.index_cast %rem3A_376 : i32 to index
      %get3A_472 = arith.constant 64 : index
      %get3A_473 = tpu.vector_load %arg8[%get3A_471, %get3A_472] {strides = array<i32>} : memref<4x128xi32, #tpu.memory_space<vmem>>, vector<1x16xi32>,
      %get3A_474 = vector.shape_cast %get3A_473 : vector<1x16xi32> to vector<16xi32>
      %sub3A_475 = vector.broadcast %mul3A_5 : i32 to vector<16xi32>
      %sub3A_476 = arith.subi %get3A_474, %sub3A_475 : vector<16xi32>
      %ge3A_477 = arith.constant 0 : i32
      %ge3A_478 = vector.broadcast %ge3A_477 : i32 to vector<16xi32>
      %ge3A_479 = arith.cmpi sge, %sub3A_476, %ge3A_478 : vector<16xi32>
      %lt3A_480 = arith.constant 25088 : i32
      %lt3A_481 = vector.broadcast %lt3A_480 : i32 to vector<16xi32>
      %lt3A_482 = arith.cmpi slt, %sub3A_476, %lt3A_481 : vector<16xi32>
      %and3A_483 = arith.andi %ge3A_479, %lt3A_482 : vector<16xi1>
      %and3A_484 = arith.constant 255 : i32
      %and3A_485 = vector.broadcast %and3A_484 : i32 to vector<16xi32>
      %and3A_486 = arith.andi %get3A_474, %and3A_485 : vector<16xi32>
      %add3A_487 = arith.constant 25088 : i32
      %add3A_488 = vector.broadcast %add3A_487 : i32 to vector<16xi32>
      %add3A_489 = arith.addi %add3A_488, %and3A_486 : vector<16xi32>
      %select_n3A_490 = arith.select %and3A_483, %sub3A_476, %add3A_489 : vector<16xi1>, vector<16xi32>
      %swap3A_491 = arith.index_cast %rem3A_376 : i32 to index
      %swap3A_492 = arith.constant 64 : index
      %swap3A_493 = tpu.vector_load %arg9[%swap3A_491, %swap3A_492] {strides = array<i32>} : memref<4x128xi32, #tpu.memory_space<vmem>>, vector<1x16xi32>,
      %swap3A_494 = vector.shape_cast %swap3A_493 : vector<1x16xi32> to vector<16xi32>
      %swap3A_495 = vector.shape_cast %select_n3A_490 : vector<16xi32> to vector<1x16xi32>
      tpu.vector_store %arg9[%swap3A_491, %swap3A_492], %swap3A_495 {strides = array<i32>} : memref<4x128xi32, #tpu.memory_space<vmem>>, vector<1x16xi32>,
      %get3A_496 = arith.index_cast %rem3A_376 : i32 to index
      %get3A_497 = arith.constant 80 : index
      %get3A_498 = tpu.vector_load %arg8[%get3A_496, %get3A_497] {strides = array<i32>} : memref<4x128xi32, #tpu.memory_space<vmem>>, vector<1x16xi32>,
      %get3A_499 = vector.shape_cast %get3A_498 : vector<1x16xi32> to vector<16xi32>
      %sub3A_500 = vector.broadcast %mul3A_5 : i32 to vector<16xi32>
      %sub3A_501 = arith.subi %get3A_499, %sub3A_500 : vector<16xi32>
      %ge3A_502 = arith.constant 0 : i32
      %ge3A_503 = vector.broadcast %ge3A_502 : i32 to vector<16xi32>
      %ge3A_504 = arith.cmpi sge, %sub3A_501, %ge3A_503 : vector<16xi32>
      %lt3A_505 = arith.constant 25088 : i32
      %lt3A_506 = vector.broadcast %lt3A_505 : i32 to vector<16xi32>
      %lt3A_507 = arith.cmpi slt, %sub3A_501, %lt3A_506 : vector<16xi32>
      %and3A_508 = arith.andi %ge3A_504, %lt3A_507 : vector<16xi1>
      %and3A_509 = arith.constant 255 : i32
      %and3A_510 = vector.broadcast %and3A_509 : i32 to vector<16xi32>
      %and3A_511 = arith.andi %get3A_499, %and3A_510 : vector<16xi32>
      %add3A_512 = arith.constant 25088 : i32
      %add3A_513 = vector.broadcast %add3A_512 : i32 to vector<16xi32>
      %add3A_514 = arith.addi %add3A_513, %and3A_511 : vector<16xi32>
      %select_n3A_515 = arith.select %and3A_508, %sub3A_501, %add3A_514 : vector<16xi1>, vector<16xi32>
      %swap3A_516 = arith.index_cast %rem3A_376 : i32 to index
      %swap3A_517 = arith.constant 80 : index
      %swap3A_518 = tpu.vector_load %arg9[%swap3A_516, %swap3A_517] {strides = array<i32>} : memref<4x128xi32, #tpu.memory_space<vmem>>, vector<1x16xi32>,
      %swap3A_519 = vector.shape_cast %swap3A_518 : vector<1x16xi32> to vector<16xi32>
      %swap3A_520 = vector.shape_cast %select_n3A_515 : vector<16xi32> to vector<1x16xi32>
      tpu.vector_store %arg9[%swap3A_516, %swap3A_517], %swap3A_520 {strides = array<i32>} : memref<4x128xi32, #tpu.memory_space<vmem>>, vector<1x16xi32>,
      %get3A_521 = arith.index_cast %rem3A_376 : i32 to index
      %get3A_522 = arith.constant 96 : index
      %get3A_523 = tpu.vector_load %arg8[%get3A_521, %get3A_522] {strides = array<i32>} : memref<4x128xi32, #tpu.memory_space<vmem>>, vector<1x16xi32>,
      %get3A_524 = vector.shape_cast %get3A_523 : vector<1x16xi32> to vector<16xi32>
      %sub3A_525 = vector.broadcast %mul3A_5 : i32 to vector<16xi32>
      %sub3A_526 = arith.subi %get3A_524, %sub3A_525 : vector<16xi32>
      %ge3A_527 = arith.constant 0 : i32
      %ge3A_528 = vector.broadcast %ge3A_527 : i32 to vector<16xi32>
      %ge3A_529 = arith.cmpi sge, %sub3A_526, %ge3A_528 : vector<16xi32>
      %lt3A_530 = arith.constant 25088 : i32
      %lt3A_531 = vector.broadcast %lt3A_530 : i32 to vector<16xi32>
      %lt3A_532 = arith.cmpi slt, %sub3A_526, %lt3A_531 : vector<16xi32>
      %and3A_533 = arith.andi %ge3A_529, %lt3A_532 : vector<16xi1>
      %and3A_534 = arith.constant 255 : i32
      %and3A_535 = vector.broadcast %and3A_534 : i32 to vector<16xi32>
      %and3A_536 = arith.andi %get3A_524, %and3A_535 : vector<16xi32>
      %add3A_537 = arith.constant 25088 : i32
      %add3A_538 = vector.broadcast %add3A_537 : i32 to vector<16xi32>
      %add3A_539 = arith.addi %add3A_538, %and3A_536 : vector<16xi32>
      %select_n3A_540 = arith.select %and3A_533, %sub3A_526, %add3A_539 : vector<16xi1>, vector<16xi32>
      %swap3A_541 = arith.index_cast %rem3A_376 : i32 to index
      %swap3A_542 = arith.constant 96 : index
      %swap3A_543 = tpu.vector_load %arg9[%swap3A_541, %swap3A_542] {strides = array<i32>} : memref<4x128xi32, #tpu.memory_space<vmem>>, vector<1x16xi32>,
      %swap3A_544 = vector.shape_cast %swap3A_543 : vector<1x16xi32> to vector<16xi32>
      %swap3A_545 = vector.shape_cast %select_n3A_540 : vector<16xi32> to vector<1x16xi32>
      tpu.vector_store %arg9[%swap3A_541, %swap3A_542], %swap3A_545 {strides = array<i32>} : memref<4x128xi32, #tpu.memory_space<vmem>>, vector<1x16xi32>,
      %get3A_546 = arith.index_cast %rem3A_376 : i32 to index
      %get3A_547 = arith.constant 112 : index
      %get3A_548 = tpu.vector_load %arg8[%get3A_546, %get3A_547] {strides = array<i32>} : memref<4x128xi32, #tpu.memory_space<vmem>>, vector<1x16xi32>,
      %get3A_549 = vector.shape_cast %get3A_548 : vector<1x16xi32> to vector<16xi32>
      %sub3A_550 = vector.broadcast %mul3A_5 : i32 to vector<16xi32>
      %sub3A_551 = arith.subi %get3A_549, %sub3A_550 : vector<16xi32>
      %ge3A_552 = arith.constant 0 : i32
      %ge3A_553 = vector.broadcast %ge3A_552 : i32 to vector<16xi32>
      %ge3A_554 = arith.cmpi sge, %sub3A_551, %ge3A_553 : vector<16xi32>
      %lt3A_555 = arith.constant 25088 : i32
      %lt3A_556 = vector.broadcast %lt3A_555 : i32 to vector<16xi32>
      %lt3A_557 = arith.cmpi slt, %sub3A_551, %lt3A_556 : vector<16xi32>
      %and3A_558 = arith.andi %ge3A_554, %lt3A_557 : vector<16xi1>
      %and3A_559 = arith.constant 255 : i32
      %and3A_560 = vector.broadcast %and3A_559 : i32 to vector<16xi32>
      %and3A_561 = arith.andi %get3A_549, %and3A_560 : vector<16xi32>
      %add3A_562 = arith.constant 25088 : i32
      %add3A_563 = vector.broadcast %add3A_562 : i32 to vector<16xi32>
      %add3A_564 = arith.addi %add3A_563, %and3A_561 : vector<16xi32>
      %select_n3A_565 = arith.select %and3A_558, %sub3A_551, %add3A_564 : vector<16xi1>, vector<16xi32>
      %swap3A_566 = arith.index_cast %rem3A_376 : i32 to index
      %swap3A_567 = arith.constant 112 : index
      %swap3A_568 = tpu.vector_load %arg9[%swap3A_566, %swap3A_567] {strides = array<i32>} : memref<4x128xi32, #tpu.memory_space<vmem>>, vector<1x16xi32>,
      %swap3A_569 = vector.shape_cast %swap3A_568 : vector<1x16xi32> to vector<16xi32>
      %swap3A_570 = vector.shape_cast %select_n3A_565 : vector<16xi32> to vector<1x16xi32>
      tpu.vector_store %arg9[%swap3A_566, %swap3A_567], %swap3A_570 {strides = array<i32>} : memref<4x128xi32, #tpu.memory_space<vmem>>, vector<1x16xi32>,
      %dma_wait3A_571 = arith.constant 0 : i32
      %dma_wait3A_572 = arith.constant 0 : i32
      %dma_wait3A_573 = arith.constant 0 : i32
      %dma_wait3A_574 = arith.constant 0 : i32
      %dma_wait3A_575 = tpu.memref_slice %arg10[%dma_wait3A_572, %dma_wait3A_573, %dma_wait3A_574] : memref<3x128x64xf32, #tpu.memory_space<vmem>> -> memref<1x128x64xf32, #tpu.memory_space<vmem>>
      %dma_wait3A_576 = tpu.memref_squeeze %dma_wait3A_575 : memref<1x128x64xf32, #tpu.memory_space<vmem>> -> memref<128x64xf32, #tpu.memory_space<vmem>>
      %dma_wait3A_577 = arith.constant 0 : i32
      %dma_wait3A_578 = tpu.memref_slice %arg7[%dma_wait3A_571, %dma_wait3A_577] : memref<4x128xi32, #tpu.memory_space<vmem>> -> memref<1x128xi32, #tpu.memory_space<vmem>>
      %dma_wait3A_579 = tpu.memref_squeeze %dma_wait3A_578 : memref<1x128xi32, #tpu.memory_space<vmem>> -> memref<128xi32, #tpu.memory_space<vmem>>
      %dma_wait3A_580 = arith.constant 0 : i32
      %dma_wait3A_581 = arith.constant 0 : i32
      %dma_wait3A_582 = tpu.memref_slice %arg2[%dma_wait3A_580, %dma_wait3A_581] : memref<100352x64xf32, #tpu.memory_space<hbm>> -> memref<100352x64xf32, #tpu.memory_space<hbm>>
      tpu.wait_indirect_dma semaphore(%arg14 : memref<!tpu.dma_semaphore, #tpu.memory_space<semaphore_mem>>) src(%dma_wait3A_582 : memref<100352x64xf32, #tpu.memory_space<hbm>>) dst(%dma_wait3A_576 : memref<128x64xf32, #tpu.memory_space<vmem>>)
      %rem3A_583 = arith.constant 3 : i32
      %rem3A_584 = arith.remsi %scan3A_308, %rem3A_583 : i32
      %dma_start3A_585 = arith.constant 0 : i32
      %dma_start3A_586 = arith.constant 0 : i32
      %dma_start3A_587 = tpu.memref_slice %arg10[%rem3A_584, %dma_start3A_585, %dma_start3A_586] : memref<3x128x64xf32, #tpu.memory_space<vmem>> -> memref<1x128x64xf32, #tpu.memory_space<vmem>>
      %dma_start3A_588 = tpu.memref_squeeze %dma_start3A_587 : memref<1x128x64xf32, #tpu.memory_space<vmem>> -> memref<128x64xf32, #tpu.memory_space<vmem>>
      %dma_start3A_589 = arith.constant 0 : i32
      %dma_start3A_590 = tpu.memref_slice %arg9[%rem3A_376, %dma_start3A_589] : memref<4x128xi32, #tpu.memory_space<vmem>> -> memref<1x128xi32, #tpu.memory_space<vmem>>
      %dma_start3A_591 = tpu.memref_squeeze %dma_start3A_590 : memref<1x128xi32, #tpu.memory_space<vmem>> -> memref<128xi32, #tpu.memory_space<vmem>>
      %dma_start3A_592 = arith.constant 0 : i32
      %dma_start3A_593 = arith.constant 0 : i32
      %dma_start3A_594 = tpu.memref_slice %arg11[%dma_start3A_592, %dma_start3A_593] : memref<25344x64xf32, #tpu.memory_space<vmem_shared>> -> memref<25344x64xf32, #tpu.memory_space<vmem_shared>>
      tpu.enqueue_indirect_dma source(%dma_start3A_588 : memref<128x64xf32, #tpu.memory_space<vmem>>) target(%dma_start3A_594 : memref<25344x64xf32, #tpu.memory_space<vmem_shared>>) offsets(%dma_start3A_591 : memref<128xi32, #tpu.memory_space<vmem>>) semaphore(%arg15 : memref<!tpu.dma_semaphore, #tpu.memory_space<semaphore_mem>>) {add = true}
    }
    %scan3A_86 = arith.constant 782 : i32
    %dma_wait3A_87 = arith.constant 0 : i32
    %dma_wait3A_88 = arith.constant 0 : i32
    %dma_wait3A_89 = arith.constant 0 : i32
    %dma_wait3A_90 = arith.constant 0 : i32
    %dma_wait3A_91 = tpu.memref_slice %arg10[%dma_wait3A_87, %dma_wait3A_89, %dma_wait3A_90] : memref<3x128x64xf32, #tpu.memory_space<vmem>> -> memref<1x128x64xf32, #tpu.memory_space<vmem>>
    %dma_wait3A_92 = tpu.memref_squeeze %dma_wait3A_91 : memref<1x128x64xf32, #tpu.memory_space<vmem>> -> memref<128x64xf32, #tpu.memory_space<vmem>>
    %dma_wait3A_93 = arith.constant 0 : i32
    %dma_wait3A_94 = tpu.memref_slice %arg9[%dma_wait3A_88, %dma_wait3A_93] : memref<4x128xi32, #tpu.memory_space<vmem>> -> memref<1x128xi32, #tpu.memory_space<vmem>>
    %dma_wait3A_95 = tpu.memref_squeeze %dma_wait3A_94 : memref<1x128xi32, #tpu.memory_space<vmem>> -> memref<128xi32, #tpu.memory_space<vmem>>
    %dma_wait3A_96 = arith.constant 0 : i32
    %dma_wait3A_97 = arith.constant 0 : i32
    %dma_wait3A_98 = tpu.memref_slice %arg11[%dma_wait3A_96, %dma_wait3A_97] : memref<25344x64xf32, #tpu.memory_space<vmem_shared>> -> memref<25344x64xf32, #tpu.memory_space<vmem_shared>>
    tpu.wait_indirect_dma semaphore(%arg15 : memref<!tpu.dma_semaphore, #tpu.memory_space<semaphore_mem>>) src(%dma_wait3A_92 : memref<128x64xf32, #tpu.memory_space<vmem>>) dst(%dma_wait3A_98 : memref<25344x64xf32, #tpu.memory_space<vmem_shared>>)
    %dma_wait3A_99 = arith.constant 0 : i32
    %dma_wait3A_100 = arith.constant 0 : i32
    %dma_wait3A_101 = arith.constant 0 : i32
    %dma_wait3A_102 = arith.constant 0 : i32
    %dma_wait3A_103 = tpu.memref_slice %arg10[%dma_wait3A_99, %dma_wait3A_101, %dma_wait3A_102] : memref<3x128x64xf32, #tpu.memory_space<vmem>> -> memref<1x128x64xf32, #tpu.memory_space<vmem>>
    %dma_wait3A_104 = tpu.memref_squeeze %dma_wait3A_103 : memref<1x128x64xf32, #tpu.memory_space<vmem>> -> memref<128x64xf32, #tpu.memory_space<vmem>>
    %dma_wait3A_105 = arith.constant 0 : i32
    %dma_wait3A_106 = tpu.memref_slice %arg9[%dma_wait3A_100, %dma_wait3A_105] : memref<4x128xi32, #tpu.memory_space<vmem>> -> memref<1x128xi32, #tpu.memory_space<vmem>>
    %dma_wait3A_107 = tpu.memref_squeeze %dma_wait3A_106 : memref<1x128xi32, #tpu.memory_space<vmem>> -> memref<128xi32, #tpu.memory_space<vmem>>
    %dma_wait3A_108 = arith.constant 0 : i32
    %dma_wait3A_109 = arith.constant 0 : i32
    %dma_wait3A_110 = tpu.memref_slice %arg11[%dma_wait3A_108, %dma_wait3A_109] : memref<25344x64xf32, #tpu.memory_space<vmem_shared>> -> memref<25344x64xf32, #tpu.memory_space<vmem_shared>>
    tpu.wait_indirect_dma semaphore(%arg15 : memref<!tpu.dma_semaphore, #tpu.memory_space<semaphore_mem>>) src(%dma_wait3A_104 : memref<128x64xf32, #tpu.memory_space<vmem>>) dst(%dma_wait3A_110 : memref<25344x64xf32, #tpu.memory_space<vmem_shared>>)
    %dma_wait3A_111 = arith.constant 0 : i32
    %dma_wait3A_112 = arith.constant 0 : i32
    %dma_wait3A_113 = arith.constant 0 : i32
    %dma_wait3A_114 = arith.constant 0 : i32
    %dma_wait3A_115 = tpu.memref_slice %arg10[%dma_wait3A_112, %dma_wait3A_113, %dma_wait3A_114] : memref<3x128x64xf32, #tpu.memory_space<vmem>> -> memref<1x128x64xf32, #tpu.memory_space<vmem>>
    %dma_wait3A_116 = tpu.memref_squeeze %dma_wait3A_115 : memref<1x128x64xf32, #tpu.memory_space<vmem>> -> memref<128x64xf32, #tpu.memory_space<vmem>>
    %dma_wait3A_117 = arith.constant 0 : i32
    %dma_wait3A_118 = tpu.memref_slice %arg7[%dma_wait3A_111, %dma_wait3A_117] : memref<4x128xi32, #tpu.memory_space<vmem>> -> memref<1x128xi32, #tpu.memory_space<vmem>>
    %dma_wait3A_119 = tpu.memref_squeeze %dma_wait3A_118 : memref<1x128xi32, #tpu.memory_space<vmem>> -> memref<128xi32, #tpu.memory_space<vmem>>
    %dma_wait3A_120 = arith.constant 0 : i32
    %dma_wait3A_121 = arith.constant 0 : i32
    %dma_wait3A_122 = tpu.memref_slice %arg2[%dma_wait3A_120, %dma_wait3A_121] : memref<100352x64xf32, #tpu.memory_space<hbm>> -> memref<100352x64xf32, #tpu.memory_space<hbm>>
    tpu.wait_indirect_dma semaphore(%arg14 : memref<!tpu.dma_semaphore, #tpu.memory_space<semaphore_mem>>) src(%dma_wait3A_122 : memref<100352x64xf32, #tpu.memory_space<hbm>>) dst(%dma_wait3A_116 : memref<128x64xf32, #tpu.memory_space<vmem>>)
    %dma_wait3A_123 = arith.constant 0 : i32
    %dma_wait3A_124 = arith.constant 0 : i32
    %dma_wait3A_125 = tpu.memref_slice %arg7[%dma_wait3A_123, %dma_wait3A_124] : memref<4x128xi32, #tpu.memory_space<vmem>> -> memref<1x128xi32, #tpu.memory_space<vmem>>
    %dma_wait3A_126 = tpu.memref_squeeze %dma_wait3A_125 : memref<1x128xi32, #tpu.memory_space<vmem>> -> memref<128xi32, #tpu.memory_space<vmem>>
    %dma_wait3A_127 = arith.constant 0 : i32
    %dma_wait3A_128 = tpu.memref_slice %arg3[%dma_wait3A_127] : memref<1602176xi32, #tpu.memory_space<hbm>> -> memref<128xi32, #tpu.memory_space<hbm>>
    %dma_wait3A_129 = arith.constant 0 : i32
    %dma_wait3A_130 = tpu.memref_slice %arg7[%dma_wait3A_123, %dma_wait3A_129] : memref<4x128xi32, #tpu.memory_space<vmem>> -> memref<1x128xi32, #tpu.memory_space<vmem>>
    %dma_wait3A_131 = tpu.memref_squeeze %dma_wait3A_130 : memref<1x128xi32, #tpu.memory_space<vmem>> -> memref<128xi32, #tpu.memory_space<vmem>>
    %dma_wait3A_132 = arith.constant 0 : i32
    %dma_wait3A_133 = tpu.memref_slice %arg3[%dma_wait3A_132] : memref<1602176xi32, #tpu.memory_space<hbm>> -> memref<128xi32, #tpu.memory_space<hbm>>
    tpu.wait_dma2 semaphore(%arg12 : memref<!tpu.dma_semaphore, #tpu.memory_space<semaphore_mem>>) src(%dma_wait3A_133 : memref<128xi32, #tpu.memory_space<hbm>>) dst(%dma_wait3A_131 : memref<128xi32, #tpu.memory_space<vmem>>)
    %dma_wait3A_134 = arith.constant 0 : i32
    %dma_wait3A_135 = arith.constant 0 : i32
    %dma_wait3A_136 = tpu.memref_slice %arg8[%dma_wait3A_134, %dma_wait3A_135] : memref<4x128xi32, #tpu.memory_space<vmem>> -> memref<1x128xi32, #tpu.memory_space<vmem>>
    %dma_wait3A_137 = tpu.memref_squeeze %dma_wait3A_136 : memref<1x128xi32, #tpu.memory_space<vmem>> -> memref<128xi32, #tpu.memory_space<vmem>>
    %dma_wait3A_138 = arith.constant 0 : i32
    %dma_wait3A_139 = tpu.memref_slice %arg4[%dma_wait3A_138] : memref<1602176xi32, #tpu.memory_space<hbm>> -> memref<128xi32, #tpu.memory_space<hbm>>
    %dma_wait3A_140 = arith.constant 0 : i32
    %dma_wait3A_141 = tpu.memref_slice %arg8[%dma_wait3A_134, %dma_wait3A_140] : memref<4x128xi32, #tpu.memory_space<vmem>> -> memref<1x128xi32, #tpu.memory_space<vmem>>
    %dma_wait3A_142 = tpu.memref_squeeze %dma_wait3A_141 : memref<1x128xi32, #tpu.memory_space<vmem>> -> memref<128xi32, #tpu.memory_space<vmem>>
    %dma_wait3A_143 = arith.constant 0 : i32
    %dma_wait3A_144 = tpu.memref_slice %arg4[%dma_wait3A_143] : memref<1602176xi32, #tpu.memory_space<hbm>> -> memref<128xi32, #tpu.memory_space<hbm>>
    tpu.wait_dma2 semaphore(%arg13 : memref<!tpu.dma_semaphore, #tpu.memory_space<semaphore_mem>>) src(%dma_wait3A_144 : memref<128xi32, #tpu.memory_space<hbm>>) dst(%dma_wait3A_142 : memref<128xi32, #tpu.memory_space<vmem>>)
    %barrier3A_145 = arith.constant 0 : index
    tpu.barrier barrier_id(%barrier3A_145)
    %mul3A_146 = arith.constant 1568 : i32
    %mul3A_147 = arith.muli %arg1, %mul3A_146 : i32
    %mul3A_148 = arith.constant 1568 : i32
    %mul3A_149 = arith.muli %arg1, %mul3A_148 : i32
    %add3A_150 = arith.addi %mul3A_5, %mul3A_149 : i32
    "tpu.region"() ({
      %run_scoped3A = tpu.sem_alloc : memref<!tpu.dma_semaphore, #tpu.memory_space<semaphore_mem>>
      %dma_start3A_308 = arith.constant 0 : i32
      %dma_start3A_309 = tpu.memref_slice %arg6[%add3A_150, %dma_start3A_308] : memref<100352x64xf32, #tpu.memory_space<hbm>> -> memref<1568x64xf32, #tpu.memory_space<hbm>>
      %dma_start3A_310 = arith.constant 0 : i32
      %dma_start3A_311 = tpu.memref_slice %arg11[%mul3A_147, %dma_start3A_310] : memref<25344x64xf32, #tpu.memory_space<vmem_shared>> -> memref<1568x64xf32, #tpu.memory_space<vmem_shared>>
      tpu.enqueue_dma source(%dma_start3A_311 : memref<1568x64xf32, #tpu.memory_space<vmem_shared>>) target(%dma_start3A_309 : memref<1568x64xf32, #tpu.memory_space<hbm>>) target_semaphore(%run_scoped3A : memref<!tpu.dma_semaphore, #tpu.memory_space<semaphore_mem>>)
      %dma_wait3A_312 = arith.constant 0 : i32
      %dma_wait3A_313 = tpu.memref_slice %arg6[%add3A_150, %dma_wait3A_312] : memref<100352x64xf32, #tpu.memory_space<hbm>> -> memref<1568x64xf32, #tpu.memory_space<hbm>>
      %dma_wait3A_314 = arith.constant 0 : i32
      %dma_wait3A_315 = tpu.memref_slice %arg11[%mul3A_147, %dma_wait3A_314] : memref<25344x64xf32, #tpu.memory_space<vmem_shared>> -> memref<1568x64xf32, #tpu.memory_space<vmem_shared>>
      tpu.wait_dma2 semaphore(%run_scoped3A : memref<!tpu.dma_semaphore, #tpu.memory_space<semaphore_mem>>) src(%dma_wait3A_315 : memref<1568x64xf32, #tpu.memory_space<vmem_shared>>) dst(%dma_wait3A_313 : memref<1568x64xf32, #tpu.memory_space<hbm>>)
      tpu.yield
    }) : () -> ()
    %barrier3A_151 = arith.constant 0 : index
    tpu.barrier barrier_id(%barrier3A_151)
    %mul3A_152 = arith.constant 2 : i32
    %mul3A_153 = arith.muli %arg0, %mul3A_152 : i32
    %add3A_154 = arith.constant 1 : i32
    %add3A_155 = arith.addi %mul3A_153, %add3A_154 : i32
    %mul3A_156 = arith.constant 25088 : i32
    %mul3A_157 = arith.muli %add3A_155, %mul3A_156 : i32
    %mul3A_158 = arith.constant 1584 : i32
    %mul3A_159 = arith.muli %arg1, %mul3A_158 : i32
    %mul3A_160 = arith.constant 1584 : i32
    %mul3A_161 = arith.muli %arg1, %mul3A_160 : i32
    "tpu.region"() ({
      %run_scoped3A = tpu.sem_alloc : memref<!tpu.dma_semaphore, #tpu.memory_space<semaphore_mem>>
      %dma_start3A_308 = arith.constant 0 : i32
      %dma_start3A_309 = tpu.memref_slice %arg11[%mul3A_161, %dma_start3A_308] : memref<25344x64xf32, #tpu.memory_space<vmem_shared>> -> memref<1584x64xf32, #tpu.memory_space<vmem_shared>>
      %dma_start3A_310 = arith.constant 0 : i32
      %dma_start3A_311 = tpu.memref_slice %arg5[%mul3A_159, %dma_start3A_310] : memref<25344x64xf32, #tpu.memory_space<hbm>> -> memref<1584x64xf32, #tpu.memory_space<hbm>>
      tpu.enqueue_dma source(%dma_start3A_311 : memref<1584x64xf32, #tpu.memory_space<hbm>>) target(%dma_start3A_309 : memref<1584x64xf32, #tpu.memory_space<vmem_shared>>) target_semaphore(%run_scoped3A : memref<!tpu.dma_semaphore, #tpu.memory_space<semaphore_mem>>)
      %dma_wait3A_312 = arith.constant 0 : i32
      %dma_wait3A_313 = tpu.memref_slice %arg11[%mul3A_161, %dma_wait3A_312] : memref<25344x64xf32, #tpu.memory_space<vmem_shared>> -> memref<1584x64xf32, #tpu.memory_space<vmem_shared>>
      %dma_wait3A_314 = arith.constant 0 : i32
      %dma_wait3A_315 = tpu.memref_slice %arg5[%mul3A_159, %dma_wait3A_314] : memref<25344x64xf32, #tpu.memory_space<hbm>> -> memref<1584x64xf32, #tpu.memory_space<hbm>>
      tpu.wait_dma2 semaphore(%run_scoped3A : memref<!tpu.dma_semaphore, #tpu.memory_space<semaphore_mem>>) src(%dma_wait3A_315 : memref<1584x64xf32, #tpu.memory_space<hbm>>) dst(%dma_wait3A_313 : memref<1584x64xf32, #tpu.memory_space<vmem_shared>>)
      tpu.yield
    }) : () -> ()
    %barrier3A_162 = arith.constant 0 : index
    tpu.barrier barrier_id(%barrier3A_162)
    %add3A_163 = arith.constant 0 : i32
    %add3A_164 = arith.addi %mul3A_0, %add3A_163 : i32
    %dma_start3A_165 = arith.constant 0 : i32
    %dma_start3A_166 = arith.constant 0 : i32
    %dma_start3A_167 = tpu.memref_slice %arg7[%dma_start3A_165, %dma_start3A_166] : memref<4x128xi32, #tpu.memory_space<vmem>> -> memref<1x128xi32, #tpu.memory_space<vmem>>
    %dma_start3A_168 = tpu.memref_squeeze %dma_start3A_167 : memref<1x128xi32, #tpu.memory_space<vmem>> -> memref<128xi32, #tpu.memory_space<vmem>>
    %dma_start3A_169 = tpu.memref_slice %arg3[%add3A_164] : memref<1602176xi32, #tpu.memory_space<hbm>> -> memref<128xi32, #tpu.memory_space<hbm>>
    %dma_start3A_170 = arith.constant 0 : i32
    %dma_start3A_171 = tpu.memref_slice %arg7[%dma_start3A_165, %dma_start3A_170] : memref<4x128xi32, #tpu.memory_space<vmem>> -> memref<1x128xi32, #tpu.memory_space<vmem>>
    %dma_start3A_172 = tpu.memref_squeeze %dma_start3A_171 : memref<1x128xi32, #tpu.memory_space<vmem>> -> memref<128xi32, #tpu.memory_space<vmem>>
    %dma_start3A_173 = tpu.memref_slice %arg3[%add3A_164] : memref<1602176xi32, #tpu.memory_space<hbm>> -> memref<128xi32, #tpu.memory_space<hbm>>
    tpu.enqueue_dma source(%dma_start3A_173 : memref<128xi32, #tpu.memory_space<hbm>>) target(%dma_start3A_172 : memref<128xi32, #tpu.memory_space<vmem>>) target_semaphore(%arg12 : memref<!tpu.dma_semaphore, #tpu.memory_space<semaphore_mem>>)
    %dma_start3A_174 = arith.constant 0 : i32
    %dma_start3A_175 = arith.constant 0 : i32
    %dma_start3A_176 = tpu.memref_slice %arg8[%dma_start3A_174, %dma_start3A_175] : memref<4x128xi32, #tpu.memory_space<vmem>> -> memref<1x128xi32, #tpu.memory_space<vmem>>
    %dma_start3A_177 = tpu.memref_squeeze %dma_start3A_176 : memref<1x128xi32, #tpu.memory_space<vmem>> -> memref<128xi32, #tpu.memory_space<vmem>>
    %dma_start3A_178 = tpu.memref_slice %arg4[%add3A_164] : memref<1602176xi32, #tpu.memory_space<hbm>> -> memref<128xi32, #tpu.memory_space<hbm>>
    %dma_start3A_179 = arith.constant 0 : i32
    %dma_start3A_180 = tpu.memref_slice %arg8[%dma_start3A_174, %dma_start3A_179] : memref<4x128xi32, #tpu.memory_space<vmem>> -> memref<1x128xi32, #tpu.memory_space<vmem>>
    %dma_start3A_181 = tpu.memref_squeeze %dma_start3A_180 : memref<1x128xi32, #tpu.memory_space<vmem>> -> memref<128xi32, #tpu.memory_space<vmem>>
    %dma_start3A_182 = tpu.memref_slice %arg4[%add3A_164] : memref<1602176xi32, #tpu.memory_space<hbm>> -> memref<128xi32, #tpu.memory_space<hbm>>
    tpu.enqueue_dma source(%dma_start3A_182 : memref<128xi32, #tpu.memory_space<hbm>>) target(%dma_start3A_181 : memref<128xi32, #tpu.memory_space<vmem>>) target_semaphore(%arg13 : memref<!tpu.dma_semaphore, #tpu.memory_space<semaphore_mem>>)
    %add3A_183 = arith.constant 128 : i32
    %add3A_184 = arith.addi %mul3A_0, %add3A_183 : i32
    %dma_start3A_185 = arith.constant 1 : i32
    %dma_start3A_186 = arith.constant 0 : i32
    %dma_start3A_187 = tpu.memref_slice %arg7[%dma_start3A_185, %dma_start3A_186] : memref<4x128xi32, #tpu.memory_space<vmem>> -> memref<1x128xi32, #tpu.memory_space<vmem>>
    %dma_start3A_188 = tpu.memref_squeeze %dma_start3A_187 : memref<1x128xi32, #tpu.memory_space<vmem>> -> memref<128xi32, #tpu.memory_space<vmem>>
    %dma_start3A_189 = tpu.memref_slice %arg3[%add3A_184] : memref<1602176xi32, #tpu.memory_space<hbm>> -> memref<128xi32, #tpu.memory_space<hbm>>
    %dma_start3A_190 = arith.constant 0 : i32
    %dma_start3A_191 = tpu.memref_slice %arg7[%dma_start3A_185, %dma_start3A_190] : memref<4x128xi32, #tpu.memory_space<vmem>> -> memref<1x128xi32, #tpu.memory_space<vmem>>
    %dma_start3A_192 = tpu.memref_squeeze %dma_start3A_191 : memref<1x128xi32, #tpu.memory_space<vmem>> -> memref<128xi32, #tpu.memory_space<vmem>>
    %dma_start3A_193 = tpu.memref_slice %arg3[%add3A_184] : memref<1602176xi32, #tpu.memory_space<hbm>> -> memref<128xi32, #tpu.memory_space<hbm>>
    tpu.enqueue_dma source(%dma_start3A_193 : memref<128xi32, #tpu.memory_space<hbm>>) target(%dma_start3A_192 : memref<128xi32, #tpu.memory_space<vmem>>) target_semaphore(%arg12 : memref<!tpu.dma_semaphore, #tpu.memory_space<semaphore_mem>>)
    %dma_start3A_194 = arith.constant 1 : i32
    %dma_start3A_195 = arith.constant 0 : i32
    %dma_start3A_196 = tpu.memref_slice %arg8[%dma_start3A_194, %dma_start3A_195] : memref<4x128xi32, #tpu.memory_space<vmem>> -> memref<1x128xi32, #tpu.memory_space<vmem>>
    %dma_start3A_197 = tpu.memref_squeeze %dma_start3A_196 : memref<1x128xi32, #tpu.memory_space<vmem>> -> memref<128xi32, #tpu.memory_space<vmem>>
    %dma_start3A_198 = tpu.memref_slice %arg4[%add3A_184] : memref<1602176xi32, #tpu.memory_space<hbm>> -> memref<128xi32, #tpu.memory_space<hbm>>
    %dma_start3A_199 = arith.constant 0 : i32
    %dma_start3A_200 = tpu.memref_slice %arg8[%dma_start3A_194, %dma_start3A_199] : memref<4x128xi32, #tpu.memory_space<vmem>> -> memref<1x128xi32, #tpu.memory_space<vmem>>
    %dma_start3A_201 = tpu.memref_squeeze %dma_start3A_200 : memref<1x128xi32, #tpu.memory_space<vmem>> -> memref<128xi32, #tpu.memory_space<vmem>>
    %dma_start3A_202 = tpu.memref_slice %arg4[%add3A_184] : memref<1602176xi32, #tpu.memory_space<hbm>> -> memref<128xi32, #tpu.memory_space<hbm>>
    tpu.enqueue_dma source(%dma_start3A_202 : memref<128xi32, #tpu.memory_space<hbm>>) target(%dma_start3A_201 : memref<128xi32, #tpu.memory_space<vmem>>) target_semaphore(%arg13 : memref<!tpu.dma_semaphore, #tpu.memory_space<semaphore_mem>>)
    %dma_wait3A_203 = arith.constant 0 : i32
    %dma_wait3A_204 = arith.constant 0 : i32
    %dma_wait3A_205 = tpu.memref_slice %arg7[%dma_wait3A_203, %dma_wait3A_204] : memref<4x128xi32, #tpu.memory_space<vmem>> -> memref<1x128xi32, #tpu.memory_space<vmem>>
    %dma_wait3A_206 = tpu.memref_squeeze %dma_wait3A_205 : memref<1x128xi32, #tpu.memory_space<vmem>> -> memref<128xi32, #tpu.memory_space<vmem>>
    %dma_wait3A_207 = arith.constant 0 : i32
    %dma_wait3A_208 = tpu.memref_slice %arg3[%dma_wait3A_207] : memref<1602176xi32, #tpu.memory_space<hbm>> -> memref<128xi32, #tpu.memory_space<hbm>>
    %dma_wait3A_209 = arith.constant 0 : i32
    %dma_wait3A_210 = tpu.memref_slice %arg7[%dma_wait3A_203, %dma_wait3A_209] : memref<4x128xi32, #tpu.memory_space<vmem>> -> memref<1x128xi32, #tpu.memory_space<vmem>>
    %dma_wait3A_211 = tpu.memref_squeeze %dma_wait3A_210 : memref<1x128xi32, #tpu.memory_space<vmem>> -> memref<128xi32, #tpu.memory_space<vmem>>
    %dma_wait3A_212 = arith.constant 0 : i32
    %dma_wait3A_213 = tpu.memref_slice %arg3[%dma_wait3A_212] : memref<1602176xi32, #tpu.memory_space<hbm>> -> memref<128xi32, #tpu.memory_space<hbm>>
    tpu.wait_dma2 semaphore(%arg12 : memref<!tpu.dma_semaphore, #tpu.memory_space<semaphore_mem>>) src(%dma_wait3A_213 : memref<128xi32, #tpu.memory_space<hbm>>) dst(%dma_wait3A_211 : memref<128xi32, #tpu.memory_space<vmem>>)
    %dma_wait3A_214 = arith.constant 0 : i32
    %dma_wait3A_215 = arith.constant 0 : i32
    %dma_wait3A_216 = tpu.memref_slice %arg8[%dma_wait3A_214, %dma_wait3A_215] : memref<4x128xi32, #tpu.memory_space<vmem>> -> memref<1x128xi32, #tpu.memory_space<vmem>>
    %dma_wait3A_217 = tpu.memref_squeeze %dma_wait3A_216 : memref<1x128xi32, #tpu.memory_space<vmem>> -> memref<128xi32, #tpu.memory_space<vmem>>
    %dma_wait3A_218 = arith.constant 0 : i32
    %dma_wait3A_219 = tpu.memref_slice %arg4[%dma_wait3A_218] : memref<1602176xi32, #tpu.memory_space<hbm>> -> memref<128xi32, #tpu.memory_space<hbm>>
    %dma_wait3A_220 = arith.constant 0 : i32
    %dma_wait3A_221 = tpu.memref_slice %arg8[%dma_wait3A_214, %dma_wait3A_220] : memref<4x128xi32, #tpu.memory_space<vmem>> -> memref<1x128xi32, #tpu.memory_space<vmem>>
    %dma_wait3A_222 = tpu.memref_squeeze %dma_wait3A_221 : memref<1x128xi32, #tpu.memory_space<vmem>> -> memref<128xi32, #tpu.memory_space<vmem>>
    %dma_wait3A_223 = arith.constant 0 : i32
    %dma_wait3A_224 = tpu.memref_slice %arg4[%dma_wait3A_223] : memref<1602176xi32, #tpu.memory_space<hbm>> -> memref<128xi32, #tpu.memory_space<hbm>>
    tpu.wait_dma2 semaphore(%arg13 : memref<!tpu.dma_semaphore, #tpu.memory_space<semaphore_mem>>) src(%dma_wait3A_224 : memref<128xi32, #tpu.memory_space<hbm>>) dst(%dma_wait3A_222 : memref<128xi32, #tpu.memory_space<vmem>>)
    %dma_start3A_225 = arith.constant 0 : i32
    %dma_start3A_226 = arith.constant 0 : i32
    %dma_start3A_227 = arith.constant 0 : i32
    %dma_start3A_228 = arith.constant 0 : i32
    %dma_start3A_229 = tpu.memref_slice %arg10[%dma_start3A_226, %dma_start3A_227, %dma_start3A_228] : memref<3x128x64xf32, #tpu.memory_space<vmem>> -> memref<1x128x64xf32, #tpu.memory_space<vmem>>
    %dma_start3A_230 = tpu.memref_squeeze %dma_start3A_229 : memref<1x128x64xf32, #tpu.memory_space<vmem>> -> memref<128x64xf32, #tpu.memory_space<vmem>>
    %dma_start3A_231 = arith.constant 0 : i32
    %dma_start3A_232 = tpu.memref_slice %arg7[%dma_start3A_225, %dma_start3A_231] : memref<4x128xi32, #tpu.memory_space<vmem>> -> memref<1x128xi32, #tpu.memory_space<vmem>>
    %dma_start3A_233 = tpu.memref_squeeze %dma_start3A_232 : memref<1x128xi32, #tpu.memory_space<vmem>> -> memref<128xi32, #tpu.memory_space<vmem>>
    %dma_start3A_234 = arith.constant 0 : i32
    %dma_start3A_235 = arith.constant 0 : i32
    %dma_start3A_236 = tpu.memref_slice %arg2[%dma_start3A_234, %dma_start3A_235] : memref<100352x64xf32, #tpu.memory_space<hbm>> -> memref<100352x64xf32, #tpu.memory_space<hbm>>
    tpu.enqueue_indirect_dma source(%dma_start3A_236 : memref<100352x64xf32, #tpu.memory_space<hbm>>) target(%dma_start3A_230 : memref<128x64xf32, #tpu.memory_space<vmem>>) offsets(%dma_start3A_233 : memref<128xi32, #tpu.memory_space<vmem>>) semaphore(%arg14 : memref<!tpu.dma_semaphore, #tpu.memory_space<semaphore_mem>>)
    %scan3A_237 = arith.constant 0 : i32
    %scan3A_238 = arith.constant 0 : i32
    %scan3A_239 = arith.constant 782 : i32
    %scan3A_240 = arith.addi %scan3A_238, %scan3A_239 : i32
    %scan3A_241 = arith.constant 1 : i32
    scf.for %scan3A_308 = %scan3A_238 to %scan3A_240 step %scan3A_241  : i32 {
      %add3A_309 = arith.constant 2 : i32
      %add3A_310 = arith.addi %scan3A_308, %add3A_309 : i32
      %add3A_311 = arith.constant 2 : i32
      %add3A_312 = arith.addi %scan3A_308, %add3A_311 : i32
      %rem3A = arith.constant 4 : i32
      %rem3A_313 = arith.remsi %add3A_312, %rem3A : i32
      %mul3A_314 = arith.constant 128 : i32
      %mul3A_315 = arith.muli %add3A_310, %mul3A_314 : i32
      %add3A_316 = arith.addi %mul3A_0, %mul3A_315 : i32
      %dma_start3A_317 = arith.constant 0 : i32
      %dma_start3A_318 = tpu.memref_slice %arg7[%rem3A_313, %dma_start3A_317] : memref<4x128xi32, #tpu.memory_space<vmem>> -> memref<1x128xi32, #tpu.memory_space<vmem>>
      %dma_start3A_319 = tpu.memref_squeeze %dma_start3A_318 : memref<1x128xi32, #tpu.memory_space<vmem>> -> memref<128xi32, #tpu.memory_space<vmem>>
      %dma_start3A_320 = tpu.memref_slice %arg3[%add3A_316] : memref<1602176xi32, #tpu.memory_space<hbm>> -> memref<128xi32, #tpu.memory_space<hbm>>
      %dma_start3A_321 = arith.constant 0 : i32
      %dma_start3A_322 = tpu.memref_slice %arg7[%rem3A_313, %dma_start3A_321] : memref<4x128xi32, #tpu.memory_space<vmem>> -> memref<1x128xi32, #tpu.memory_space<vmem>>
      %dma_start3A_323 = tpu.memref_squeeze %dma_start3A_322 : memref<1x128xi32, #tpu.memory_space<vmem>> -> memref<128xi32, #tpu.memory_space<vmem>>
      %dma_start3A_324 = tpu.memref_slice %arg3[%add3A_316] : memref<1602176xi32, #tpu.memory_space<hbm>> -> memref<128xi32, #tpu.memory_space<hbm>>
      tpu.enqueue_dma source(%dma_start3A_324 : memref<128xi32, #tpu.memory_space<hbm>>) target(%dma_start3A_323 : memref<128xi32, #tpu.memory_space<vmem>>) target_semaphore(%arg12 : memref<!tpu.dma_semaphore, #tpu.memory_space<semaphore_mem>>)
      %dma_start3A_325 = arith.constant 0 : i32
      %dma_start3A_326 = tpu.memref_slice %arg8[%rem3A_313, %dma_start3A_325] : memref<4x128xi32, #tpu.memory_space<vmem>> -> memref<1x128xi32, #tpu.memory_space<vmem>>
      %dma_start3A_327 = tpu.memref_squeeze %dma_start3A_326 : memref<1x128xi32, #tpu.memory_space<vmem>> -> memref<128xi32, #tpu.memory_space<vmem>>
      %dma_start3A_328 = tpu.memref_slice %arg4[%add3A_316] : memref<1602176xi32, #tpu.memory_space<hbm>> -> memref<128xi32, #tpu.memory_space<hbm>>
      %dma_start3A_329 = arith.constant 0 : i32
      %dma_start3A_330 = tpu.memref_slice %arg8[%rem3A_313, %dma_start3A_329] : memref<4x128xi32, #tpu.memory_space<vmem>> -> memref<1x128xi32, #tpu.memory_space<vmem>>
      %dma_start3A_331 = tpu.memref_squeeze %dma_start3A_330 : memref<1x128xi32, #tpu.memory_space<vmem>> -> memref<128xi32, #tpu.memory_space<vmem>>
      %dma_start3A_332 = tpu.memref_slice %arg4[%add3A_316] : memref<1602176xi32, #tpu.memory_space<hbm>> -> memref<128xi32, #tpu.memory_space<hbm>>
      tpu.enqueue_dma source(%dma_start3A_332 : memref<128xi32, #tpu.memory_space<hbm>>) target(%dma_start3A_331 : memref<128xi32, #tpu.memory_space<vmem>>) target_semaphore(%arg13 : memref<!tpu.dma_semaphore, #tpu.memory_space<semaphore_mem>>)
      %dma_wait3A_333 = arith.constant 0 : i32
      %dma_wait3A_334 = arith.constant 0 : i32
      %dma_wait3A_335 = tpu.memref_slice %arg7[%dma_wait3A_333, %dma_wait3A_334] : memref<4x128xi32, #tpu.memory_space<vmem>> -> memref<1x128xi32, #tpu.memory_space<vmem>>
      %dma_wait3A_336 = tpu.memref_squeeze %dma_wait3A_335 : memref<1x128xi32, #tpu.memory_space<vmem>> -> memref<128xi32, #tpu.memory_space<vmem>>
      %dma_wait3A_337 = arith.constant 0 : i32
      %dma_wait3A_338 = tpu.memref_slice %arg3[%dma_wait3A_337] : memref<1602176xi32, #tpu.memory_space<hbm>> -> memref<128xi32, #tpu.memory_space<hbm>>
      %dma_wait3A_339 = arith.constant 0 : i32
      %dma_wait3A_340 = tpu.memref_slice %arg7[%dma_wait3A_333, %dma_wait3A_339] : memref<4x128xi32, #tpu.memory_space<vmem>> -> memref<1x128xi32, #tpu.memory_space<vmem>>
      %dma_wait3A_341 = tpu.memref_squeeze %dma_wait3A_340 : memref<1x128xi32, #tpu.memory_space<vmem>> -> memref<128xi32, #tpu.memory_space<vmem>>
      %dma_wait3A_342 = arith.constant 0 : i32
      %dma_wait3A_343 = tpu.memref_slice %arg3[%dma_wait3A_342] : memref<1602176xi32, #tpu.memory_space<hbm>> -> memref<128xi32, #tpu.memory_space<hbm>>
      tpu.wait_dma2 semaphore(%arg12 : memref<!tpu.dma_semaphore, #tpu.memory_space<semaphore_mem>>) src(%dma_wait3A_343 : memref<128xi32, #tpu.memory_space<hbm>>) dst(%dma_wait3A_341 : memref<128xi32, #tpu.memory_space<vmem>>)
      %dma_wait3A_344 = arith.constant 0 : i32
      %dma_wait3A_345 = arith.constant 0 : i32
      %dma_wait3A_346 = tpu.memref_slice %arg8[%dma_wait3A_344, %dma_wait3A_345] : memref<4x128xi32, #tpu.memory_space<vmem>> -> memref<1x128xi32, #tpu.memory_space<vmem>>
      %dma_wait3A_347 = tpu.memref_squeeze %dma_wait3A_346 : memref<1x128xi32, #tpu.memory_space<vmem>> -> memref<128xi32, #tpu.memory_space<vmem>>
      %dma_wait3A_348 = arith.constant 0 : i32
      %dma_wait3A_349 = tpu.memref_slice %arg4[%dma_wait3A_348] : memref<1602176xi32, #tpu.memory_space<hbm>> -> memref<128xi32, #tpu.memory_space<hbm>>
      %dma_wait3A_350 = arith.constant 0 : i32
      %dma_wait3A_351 = tpu.memref_slice %arg8[%dma_wait3A_344, %dma_wait3A_350] : memref<4x128xi32, #tpu.memory_space<vmem>> -> memref<1x128xi32, #tpu.memory_space<vmem>>
      %dma_wait3A_352 = tpu.memref_squeeze %dma_wait3A_351 : memref<1x128xi32, #tpu.memory_space<vmem>> -> memref<128xi32, #tpu.memory_space<vmem>>
      %dma_wait3A_353 = arith.constant 0 : i32
      %dma_wait3A_354 = tpu.memref_slice %arg4[%dma_wait3A_353] : memref<1602176xi32, #tpu.memory_space<hbm>> -> memref<128xi32, #tpu.memory_space<hbm>>
      tpu.wait_dma2 semaphore(%arg13 : memref<!tpu.dma_semaphore, #tpu.memory_space<semaphore_mem>>) src(%dma_wait3A_354 : memref<128xi32, #tpu.memory_space<hbm>>) dst(%dma_wait3A_352 : memref<128xi32, #tpu.memory_space<vmem>>)
      %ge3A = arith.constant 2 : i32
      %ge3A_355 = arith.cmpi sge, %scan3A_308, %ge3A : i32
      %convert_element_type3A = arith.extui %ge3A_355 : i1 to i32
      %cond3A = arith.constant 0 : i32
      %cond3A_356 = arith.cmpi ne, %convert_element_type3A, %cond3A : i32
      scf.if %cond3A_356 {
        %dma_wait3A_595 = arith.constant 0 : i32
        %dma_wait3A_596 = arith.constant 0 : i32
        %dma_wait3A_597 = arith.constant 0 : i32
        %dma_wait3A_598 = arith.constant 0 : i32
        %dma_wait3A_599 = tpu.memref_slice %arg10[%dma_wait3A_595, %dma_wait3A_597, %dma_wait3A_598] : memref<3x128x64xf32, #tpu.memory_space<vmem>> -> memref<1x128x64xf32, #tpu.memory_space<vmem>>
        %dma_wait3A_600 = tpu.memref_squeeze %dma_wait3A_599 : memref<1x128x64xf32, #tpu.memory_space<vmem>> -> memref<128x64xf32, #tpu.memory_space<vmem>>
        %dma_wait3A_601 = arith.constant 0 : i32
        %dma_wait3A_602 = tpu.memref_slice %arg9[%dma_wait3A_596, %dma_wait3A_601] : memref<4x128xi32, #tpu.memory_space<vmem>> -> memref<1x128xi32, #tpu.memory_space<vmem>>
        %dma_wait3A_603 = tpu.memref_squeeze %dma_wait3A_602 : memref<1x128xi32, #tpu.memory_space<vmem>> -> memref<128xi32, #tpu.memory_space<vmem>>
        %dma_wait3A_604 = arith.constant 0 : i32
        %dma_wait3A_605 = arith.constant 0 : i32
        %dma_wait3A_606 = tpu.memref_slice %arg11[%dma_wait3A_604, %dma_wait3A_605] : memref<25344x64xf32, #tpu.memory_space<vmem_shared>> -> memref<25344x64xf32, #tpu.memory_space<vmem_shared>>
        tpu.wait_indirect_dma semaphore(%arg15 : memref<!tpu.dma_semaphore, #tpu.memory_space<semaphore_mem>>) src(%dma_wait3A_600 : memref<128x64xf32, #tpu.memory_space<vmem>>) dst(%dma_wait3A_606 : memref<25344x64xf32, #tpu.memory_space<vmem_shared>>)
      } else {
      }
      %add3A_357 = arith.constant 1 : i32
      %add3A_358 = arith.addi %scan3A_308, %add3A_357 : i32
      %rem3A_359 = arith.constant 4 : i32
      %rem3A_360 = arith.remsi %add3A_358, %rem3A_359 : i32
      %add3A_361 = arith.constant 1 : i32
      %add3A_362 = arith.addi %scan3A_308, %add3A_361 : i32
      %rem3A_363 = arith.constant 3 : i32
      %rem3A_364 = arith.remsi %add3A_362, %rem3A_363 : i32
      %dma_start3A_365 = arith.constant 0 : i32
      %dma_start3A_366 = arith.constant 0 : i32
      %dma_start3A_367 = tpu.memref_slice %arg10[%rem3A_364, %dma_start3A_365, %dma_start3A_366] : memref<3x128x64xf32, #tpu.memory_space<vmem>> -> memref<1x128x64xf32, #tpu.memory_space<vmem>>
      %dma_start3A_368 = tpu.memref_squeeze %dma_start3A_367 : memref<1x128x64xf32, #tpu.memory_space<vmem>> -> memref<128x64xf32, #tpu.memory_space<vmem>>
      %dma_start3A_369 = arith.constant 0 : i32
      %dma_start3A_370 = tpu.memref_slice %arg7[%rem3A_360, %dma_start3A_369] : memref<4x128xi32, #tpu.memory_space<vmem>> -> memref<1x128xi32, #tpu.memory_space<vmem>>
      %dma_start3A_371 = tpu.memref_squeeze %dma_start3A_370 : memref<1x128xi32, #tpu.memory_space<vmem>> -> memref<128xi32, #tpu.memory_space<vmem>>
      %dma_start3A_372 = arith.constant 0 : i32
      %dma_start3A_373 = arith.constant 0 : i32
      %dma_start3A_374 = tpu.memref_slice %arg2[%dma_start3A_372, %dma_start3A_373] : memref<100352x64xf32, #tpu.memory_space<hbm>> -> memref<100352x64xf32, #tpu.memory_space<hbm>>
      tpu.enqueue_indirect_dma source(%dma_start3A_374 : memref<100352x64xf32, #tpu.memory_space<hbm>>) target(%dma_start3A_368 : memref<128x64xf32, #tpu.memory_space<vmem>>) offsets(%dma_start3A_371 : memref<128xi32, #tpu.memory_space<vmem>>) semaphore(%arg14 : memref<!tpu.dma_semaphore, #tpu.memory_space<semaphore_mem>>)
      %rem3A_375 = arith.constant 4 : i32
      %rem3A_376 = arith.remsi %scan3A_308, %rem3A_375 : i32
      %get3A = arith.index_cast %rem3A_376 : i32 to index
      %get3A_377 = arith.constant 0 : index
      %get3A_378 = tpu.vector_load %arg8[%get3A, %get3A_377] {strides = array<i32>} : memref<4x128xi32, #tpu.memory_space<vmem>>, vector<1x16xi32>,
      %get3A_379 = vector.shape_cast %get3A_378 : vector<1x16xi32> to vector<16xi32>
      %sub3A = vector.broadcast %mul3A_157 : i32 to vector<16xi32>
      %sub3A_380 = arith.subi %get3A_379, %sub3A : vector<16xi32>
      %ge3A_381 = arith.constant 0 : i32
      %ge3A_382 = vector.broadcast %ge3A_381 : i32 to vector<16xi32>
      %ge3A_383 = arith.cmpi sge, %sub3A_380, %ge3A_382 : vector<16xi32>
      %lt3A = arith.constant 25088 : i32
      %lt3A_384 = vector.broadcast %lt3A : i32 to vector<16xi32>
      %lt3A_385 = arith.cmpi slt, %sub3A_380, %lt3A_384 : vector<16xi32>
      %and3A = arith.andi %ge3A_383, %lt3A_385 : vector<16xi1>
      %and3A_386 = arith.constant 255 : i32
      %and3A_387 = vector.broadcast %and3A_386 : i32 to vector<16xi32>
      %and3A_388 = arith.andi %get3A_379, %and3A_387 : vector<16xi32>
      %add3A_389 = arith.constant 25088 : i32
      %add3A_390 = vector.broadcast %add3A_389 : i32 to vector<16xi32>
      %add3A_391 = arith.addi %add3A_390, %and3A_388 : vector<16xi32>
      %select_n3A = arith.select %and3A, %sub3A_380, %add3A_391 : vector<16xi1>, vector<16xi32>
      %swap3A = arith.index_cast %rem3A_376 : i32 to index
      %swap3A_392 = arith.constant 0 : index
      %swap3A_393 = tpu.vector_load %arg9[%swap3A, %swap3A_392] {strides = array<i32>} : memref<4x128xi32, #tpu.memory_space<vmem>>, vector<1x16xi32>,
      %swap3A_394 = vector.shape_cast %swap3A_393 : vector<1x16xi32> to vector<16xi32>
      %swap3A_395 = vector.shape_cast %select_n3A : vector<16xi32> to vector<1x16xi32>
      tpu.vector_store %arg9[%swap3A, %swap3A_392], %swap3A_395 {strides = array<i32>} : memref<4x128xi32, #tpu.memory_space<vmem>>, vector<1x16xi32>,
      %get3A_396 = arith.index_cast %rem3A_376 : i32 to index
      %get3A_397 = arith.constant 16 : index
      %get3A_398 = tpu.vector_load %arg8[%get3A_396, %get3A_397] {strides = array<i32>} : memref<4x128xi32, #tpu.memory_space<vmem>>, vector<1x16xi32>,
      %get3A_399 = vector.shape_cast %get3A_398 : vector<1x16xi32> to vector<16xi32>
      %sub3A_400 = vector.broadcast %mul3A_157 : i32 to vector<16xi32>
      %sub3A_401 = arith.subi %get3A_399, %sub3A_400 : vector<16xi32>
      %ge3A_402 = arith.constant 0 : i32
      %ge3A_403 = vector.broadcast %ge3A_402 : i32 to vector<16xi32>
      %ge3A_404 = arith.cmpi sge, %sub3A_401, %ge3A_403 : vector<16xi32>
      %lt3A_405 = arith.constant 25088 : i32
      %lt3A_406 = vector.broadcast %lt3A_405 : i32 to vector<16xi32>
      %lt3A_407 = arith.cmpi slt, %sub3A_401, %lt3A_406 : vector<16xi32>
      %and3A_408 = arith.andi %ge3A_404, %lt3A_407 : vector<16xi1>
      %and3A_409 = arith.constant 255 : i32
      %and3A_410 = vector.broadcast %and3A_409 : i32 to vector<16xi32>
      %and3A_411 = arith.andi %get3A_399, %and3A_410 : vector<16xi32>
      %add3A_412 = arith.constant 25088 : i32
      %add3A_413 = vector.broadcast %add3A_412 : i32 to vector<16xi32>
      %add3A_414 = arith.addi %add3A_413, %and3A_411 : vector<16xi32>
      %select_n3A_415 = arith.select %and3A_408, %sub3A_401, %add3A_414 : vector<16xi1>, vector<16xi32>
      %swap3A_416 = arith.index_cast %rem3A_376 : i32 to index
      %swap3A_417 = arith.constant 16 : index
      %swap3A_418 = tpu.vector_load %arg9[%swap3A_416, %swap3A_417] {strides = array<i32>} : memref<4x128xi32, #tpu.memory_space<vmem>>, vector<1x16xi32>,
      %swap3A_419 = vector.shape_cast %swap3A_418 : vector<1x16xi32> to vector<16xi32>
      %swap3A_420 = vector.shape_cast %select_n3A_415 : vector<16xi32> to vector<1x16xi32>
      tpu.vector_store %arg9[%swap3A_416, %swap3A_417], %swap3A_420 {strides = array<i32>} : memref<4x128xi32, #tpu.memory_space<vmem>>, vector<1x16xi32>,
      %get3A_421 = arith.index_cast %rem3A_376 : i32 to index
      %get3A_422 = arith.constant 32 : index
      %get3A_423 = tpu.vector_load %arg8[%get3A_421, %get3A_422] {strides = array<i32>} : memref<4x128xi32, #tpu.memory_space<vmem>>, vector<1x16xi32>,
      %get3A_424 = vector.shape_cast %get3A_423 : vector<1x16xi32> to vector<16xi32>
      %sub3A_425 = vector.broadcast %mul3A_157 : i32 to vector<16xi32>
      %sub3A_426 = arith.subi %get3A_424, %sub3A_425 : vector<16xi32>
      %ge3A_427 = arith.constant 0 : i32
      %ge3A_428 = vector.broadcast %ge3A_427 : i32 to vector<16xi32>
      %ge3A_429 = arith.cmpi sge, %sub3A_426, %ge3A_428 : vector<16xi32>
      %lt3A_430 = arith.constant 25088 : i32
      %lt3A_431 = vector.broadcast %lt3A_430 : i32 to vector<16xi32>
      %lt3A_432 = arith.cmpi slt, %sub3A_426, %lt3A_431 : vector<16xi32>
      %and3A_433 = arith.andi %ge3A_429, %lt3A_432 : vector<16xi1>
      %and3A_434 = arith.constant 255 : i32
      %and3A_435 = vector.broadcast %and3A_434 : i32 to vector<16xi32>
      %and3A_436 = arith.andi %get3A_424, %and3A_435 : vector<16xi32>
      %add3A_437 = arith.constant 25088 : i32
      %add3A_438 = vector.broadcast %add3A_437 : i32 to vector<16xi32>
      %add3A_439 = arith.addi %add3A_438, %and3A_436 : vector<16xi32>
      %select_n3A_440 = arith.select %and3A_433, %sub3A_426, %add3A_439 : vector<16xi1>, vector<16xi32>
      %swap3A_441 = arith.index_cast %rem3A_376 : i32 to index
      %swap3A_442 = arith.constant 32 : index
      %swap3A_443 = tpu.vector_load %arg9[%swap3A_441, %swap3A_442] {strides = array<i32>} : memref<4x128xi32, #tpu.memory_space<vmem>>, vector<1x16xi32>,
      %swap3A_444 = vector.shape_cast %swap3A_443 : vector<1x16xi32> to vector<16xi32>
      %swap3A_445 = vector.shape_cast %select_n3A_440 : vector<16xi32> to vector<1x16xi32>
      tpu.vector_store %arg9[%swap3A_441, %swap3A_442], %swap3A_445 {strides = array<i32>} : memref<4x128xi32, #tpu.memory_space<vmem>>, vector<1x16xi32>,
      %get3A_446 = arith.index_cast %rem3A_376 : i32 to index
      %get3A_447 = arith.constant 48 : index
      %get3A_448 = tpu.vector_load %arg8[%get3A_446, %get3A_447] {strides = array<i32>} : memref<4x128xi32, #tpu.memory_space<vmem>>, vector<1x16xi32>,
      %get3A_449 = vector.shape_cast %get3A_448 : vector<1x16xi32> to vector<16xi32>
      %sub3A_450 = vector.broadcast %mul3A_157 : i32 to vector<16xi32>
      %sub3A_451 = arith.subi %get3A_449, %sub3A_450 : vector<16xi32>
      %ge3A_452 = arith.constant 0 : i32
      %ge3A_453 = vector.broadcast %ge3A_452 : i32 to vector<16xi32>
      %ge3A_454 = arith.cmpi sge, %sub3A_451, %ge3A_453 : vector<16xi32>
      %lt3A_455 = arith.constant 25088 : i32
      %lt3A_456 = vector.broadcast %lt3A_455 : i32 to vector<16xi32>
      %lt3A_457 = arith.cmpi slt, %sub3A_451, %lt3A_456 : vector<16xi32>
      %and3A_458 = arith.andi %ge3A_454, %lt3A_457 : vector<16xi1>
      %and3A_459 = arith.constant 255 : i32
      %and3A_460 = vector.broadcast %and3A_459 : i32 to vector<16xi32>
      %and3A_461 = arith.andi %get3A_449, %and3A_460 : vector<16xi32>
      %add3A_462 = arith.constant 25088 : i32
      %add3A_463 = vector.broadcast %add3A_462 : i32 to vector<16xi32>
      %add3A_464 = arith.addi %add3A_463, %and3A_461 : vector<16xi32>
      %select_n3A_465 = arith.select %and3A_458, %sub3A_451, %add3A_464 : vector<16xi1>, vector<16xi32>
      %swap3A_466 = arith.index_cast %rem3A_376 : i32 to index
      %swap3A_467 = arith.constant 48 : index
      %swap3A_468 = tpu.vector_load %arg9[%swap3A_466, %swap3A_467] {strides = array<i32>} : memref<4x128xi32, #tpu.memory_space<vmem>>, vector<1x16xi32>,
      %swap3A_469 = vector.shape_cast %swap3A_468 : vector<1x16xi32> to vector<16xi32>
      %swap3A_470 = vector.shape_cast %select_n3A_465 : vector<16xi32> to vector<1x16xi32>
      tpu.vector_store %arg9[%swap3A_466, %swap3A_467], %swap3A_470 {strides = array<i32>} : memref<4x128xi32, #tpu.memory_space<vmem>>, vector<1x16xi32>,
      %get3A_471 = arith.index_cast %rem3A_376 : i32 to index
      %get3A_472 = arith.constant 64 : index
      %get3A_473 = tpu.vector_load %arg8[%get3A_471, %get3A_472] {strides = array<i32>} : memref<4x128xi32, #tpu.memory_space<vmem>>, vector<1x16xi32>,
      %get3A_474 = vector.shape_cast %get3A_473 : vector<1x16xi32> to vector<16xi32>
      %sub3A_475 = vector.broadcast %mul3A_157 : i32 to vector<16xi32>
      %sub3A_476 = arith.subi %get3A_474, %sub3A_475 : vector<16xi32>
      %ge3A_477 = arith.constant 0 : i32
      %ge3A_478 = vector.broadcast %ge3A_477 : i32 to vector<16xi32>
      %ge3A_479 = arith.cmpi sge, %sub3A_476, %ge3A_478 : vector<16xi32>
      %lt3A_480 = arith.constant 25088 : i32
      %lt3A_481 = vector.broadcast %lt3A_480 : i32 to vector<16xi32>
      %lt3A_482 = arith.cmpi slt, %sub3A_476, %lt3A_481 : vector<16xi32>
      %and3A_483 = arith.andi %ge3A_479, %lt3A_482 : vector<16xi1>
      %and3A_484 = arith.constant 255 : i32
      %and3A_485 = vector.broadcast %and3A_484 : i32 to vector<16xi32>
      %and3A_486 = arith.andi %get3A_474, %and3A_485 : vector<16xi32>
      %add3A_487 = arith.constant 25088 : i32
      %add3A_488 = vector.broadcast %add3A_487 : i32 to vector<16xi32>
      %add3A_489 = arith.addi %add3A_488, %and3A_486 : vector<16xi32>
      %select_n3A_490 = arith.select %and3A_483, %sub3A_476, %add3A_489 : vector<16xi1>, vector<16xi32>
      %swap3A_491 = arith.index_cast %rem3A_376 : i32 to index
      %swap3A_492 = arith.constant 64 : index
      %swap3A_493 = tpu.vector_load %arg9[%swap3A_491, %swap3A_492] {strides = array<i32>} : memref<4x128xi32, #tpu.memory_space<vmem>>, vector<1x16xi32>,
      %swap3A_494 = vector.shape_cast %swap3A_493 : vector<1x16xi32> to vector<16xi32>
      %swap3A_495 = vector.shape_cast %select_n3A_490 : vector<16xi32> to vector<1x16xi32>
      tpu.vector_store %arg9[%swap3A_491, %swap3A_492], %swap3A_495 {strides = array<i32>} : memref<4x128xi32, #tpu.memory_space<vmem>>, vector<1x16xi32>,
      %get3A_496 = arith.index_cast %rem3A_376 : i32 to index
      %get3A_497 = arith.constant 80 : index
      %get3A_498 = tpu.vector_load %arg8[%get3A_496, %get3A_497] {strides = array<i32>} : memref<4x128xi32, #tpu.memory_space<vmem>>, vector<1x16xi32>,
      %get3A_499 = vector.shape_cast %get3A_498 : vector<1x16xi32> to vector<16xi32>
      %sub3A_500 = vector.broadcast %mul3A_157 : i32 to vector<16xi32>
      %sub3A_501 = arith.subi %get3A_499, %sub3A_500 : vector<16xi32>
      %ge3A_502 = arith.constant 0 : i32
      %ge3A_503 = vector.broadcast %ge3A_502 : i32 to vector<16xi32>
      %ge3A_504 = arith.cmpi sge, %sub3A_501, %ge3A_503 : vector<16xi32>
      %lt3A_505 = arith.constant 25088 : i32
      %lt3A_506 = vector.broadcast %lt3A_505 : i32 to vector<16xi32>
      %lt3A_507 = arith.cmpi slt, %sub3A_501, %lt3A_506 : vector<16xi32>
      %and3A_508 = arith.andi %ge3A_504, %lt3A_507 : vector<16xi1>
      %and3A_509 = arith.constant 255 : i32
      %and3A_510 = vector.broadcast %and3A_509 : i32 to vector<16xi32>
      %and3A_511 = arith.andi %get3A_499, %and3A_510 : vector<16xi32>
      %add3A_512 = arith.constant 25088 : i32
      %add3A_513 = vector.broadcast %add3A_512 : i32 to vector<16xi32>
      %add3A_514 = arith.addi %add3A_513, %and3A_511 : vector<16xi32>
      %select_n3A_515 = arith.select %and3A_508, %sub3A_501, %add3A_514 : vector<16xi1>, vector<16xi32>
      %swap3A_516 = arith.index_cast %rem3A_376 : i32 to index
      %swap3A_517 = arith.constant 80 : index
      %swap3A_518 = tpu.vector_load %arg9[%swap3A_516, %swap3A_517] {strides = array<i32>} : memref<4x128xi32, #tpu.memory_space<vmem>>, vector<1x16xi32>,
      %swap3A_519 = vector.shape_cast %swap3A_518 : vector<1x16xi32> to vector<16xi32>
      %swap3A_520 = vector.shape_cast %select_n3A_515 : vector<16xi32> to vector<1x16xi32>
      tpu.vector_store %arg9[%swap3A_516, %swap3A_517], %swap3A_520 {strides = array<i32>} : memref<4x128xi32, #tpu.memory_space<vmem>>, vector<1x16xi32>,
      %get3A_521 = arith.index_cast %rem3A_376 : i32 to index
      %get3A_522 = arith.constant 96 : index
      %get3A_523 = tpu.vector_load %arg8[%get3A_521, %get3A_522] {strides = array<i32>} : memref<4x128xi32, #tpu.memory_space<vmem>>, vector<1x16xi32>,
      %get3A_524 = vector.shape_cast %get3A_523 : vector<1x16xi32> to vector<16xi32>
      %sub3A_525 = vector.broadcast %mul3A_157 : i32 to vector<16xi32>
      %sub3A_526 = arith.subi %get3A_524, %sub3A_525 : vector<16xi32>
      %ge3A_527 = arith.constant 0 : i32
      %ge3A_528 = vector.broadcast %ge3A_527 : i32 to vector<16xi32>
      %ge3A_529 = arith.cmpi sge, %sub3A_526, %ge3A_528 : vector<16xi32>
      %lt3A_530 = arith.constant 25088 : i32
      %lt3A_531 = vector.broadcast %lt3A_530 : i32 to vector<16xi32>
      %lt3A_532 = arith.cmpi slt, %sub3A_526, %lt3A_531 : vector<16xi32>
      %and3A_533 = arith.andi %ge3A_529, %lt3A_532 : vector<16xi1>
      %and3A_534 = arith.constant 255 : i32
      %and3A_535 = vector.broadcast %and3A_534 : i32 to vector<16xi32>
      %and3A_536 = arith.andi %get3A_524, %and3A_535 : vector<16xi32>
      %add3A_537 = arith.constant 25088 : i32
      %add3A_538 = vector.broadcast %add3A_537 : i32 to vector<16xi32>
      %add3A_539 = arith.addi %add3A_538, %and3A_536 : vector<16xi32>
      %select_n3A_540 = arith.select %and3A_533, %sub3A_526, %add3A_539 : vector<16xi1>, vector<16xi32>
      %swap3A_541 = arith.index_cast %rem3A_376 : i32 to index
      %swap3A_542 = arith.constant 96 : index
      %swap3A_543 = tpu.vector_load %arg9[%swap3A_541, %swap3A_542] {strides = array<i32>} : memref<4x128xi32, #tpu.memory_space<vmem>>, vector<1x16xi32>,
      %swap3A_544 = vector.shape_cast %swap3A_543 : vector<1x16xi32> to vector<16xi32>
      %swap3A_545 = vector.shape_cast %select_n3A_540 : vector<16xi32> to vector<1x16xi32>
      tpu.vector_store %arg9[%swap3A_541, %swap3A_542], %swap3A_545 {strides = array<i32>} : memref<4x128xi32, #tpu.memory_space<vmem>>, vector<1x16xi32>,
      %get3A_546 = arith.index_cast %rem3A_376 : i32 to index
      %get3A_547 = arith.constant 112 : index
      %get3A_548 = tpu.vector_load %arg8[%get3A_546, %get3A_547] {strides = array<i32>} : memref<4x128xi32, #tpu.memory_space<vmem>>, vector<1x16xi32>,
      %get3A_549 = vector.shape_cast %get3A_548 : vector<1x16xi32> to vector<16xi32>
      %sub3A_550 = vector.broadcast %mul3A_157 : i32 to vector<16xi32>
      %sub3A_551 = arith.subi %get3A_549, %sub3A_550 : vector<16xi32>
      %ge3A_552 = arith.constant 0 : i32
      %ge3A_553 = vector.broadcast %ge3A_552 : i32 to vector<16xi32>
      %ge3A_554 = arith.cmpi sge, %sub3A_551, %ge3A_553 : vector<16xi32>
      %lt3A_555 = arith.constant 25088 : i32
      %lt3A_556 = vector.broadcast %lt3A_555 : i32 to vector<16xi32>
      %lt3A_557 = arith.cmpi slt, %sub3A_551, %lt3A_556 : vector<16xi32>
      %and3A_558 = arith.andi %ge3A_554, %lt3A_557 : vector<16xi1>
      %and3A_559 = arith.constant 255 : i32
      %and3A_560 = vector.broadcast %and3A_559 : i32 to vector<16xi32>
      %and3A_561 = arith.andi %get3A_549, %and3A_560 : vector<16xi32>
      %add3A_562 = arith.constant 25088 : i32
      %add3A_563 = vector.broadcast %add3A_562 : i32 to vector<16xi32>
      %add3A_564 = arith.addi %add3A_563, %and3A_561 : vector<16xi32>
      %select_n3A_565 = arith.select %and3A_558, %sub3A_551, %add3A_564 : vector<16xi1>, vector<16xi32>
      %swap3A_566 = arith.index_cast %rem3A_376 : i32 to index
      %swap3A_567 = arith.constant 112 : index
      %swap3A_568 = tpu.vector_load %arg9[%swap3A_566, %swap3A_567] {strides = array<i32>} : memref<4x128xi32, #tpu.memory_space<vmem>>, vector<1x16xi32>,
      %swap3A_569 = vector.shape_cast %swap3A_568 : vector<1x16xi32> to vector<16xi32>
      %swap3A_570 = vector.shape_cast %select_n3A_565 : vector<16xi32> to vector<1x16xi32>
      tpu.vector_store %arg9[%swap3A_566, %swap3A_567], %swap3A_570 {strides = array<i32>} : memref<4x128xi32, #tpu.memory_space<vmem>>, vector<1x16xi32>,
      %dma_wait3A_571 = arith.constant 0 : i32
      %dma_wait3A_572 = arith.constant 0 : i32
      %dma_wait3A_573 = arith.constant 0 : i32
      %dma_wait3A_574 = arith.constant 0 : i32
      %dma_wait3A_575 = tpu.memref_slice %arg10[%dma_wait3A_572, %dma_wait3A_573, %dma_wait3A_574] : memref<3x128x64xf32, #tpu.memory_space<vmem>> -> memref<1x128x64xf32, #tpu.memory_space<vmem>>
      %dma_wait3A_576 = tpu.memref_squeeze %dma_wait3A_575 : memref<1x128x64xf32, #tpu.memory_space<vmem>> -> memref<128x64xf32, #tpu.memory_space<vmem>>
      %dma_wait3A_577 = arith.constant 0 : i32
      %dma_wait3A_578 = tpu.memref_slice %arg7[%dma_wait3A_571, %dma_wait3A_577] : memref<4x128xi32, #tpu.memory_space<vmem>> -> memref<1x128xi32, #tpu.memory_space<vmem>>
      %dma_wait3A_579 = tpu.memref_squeeze %dma_wait3A_578 : memref<1x128xi32, #tpu.memory_space<vmem>> -> memref<128xi32, #tpu.memory_space<vmem>>
      %dma_wait3A_580 = arith.constant 0 : i32
      %dma_wait3A_581 = arith.constant 0 : i32
      %dma_wait3A_582 = tpu.memref_slice %arg2[%dma_wait3A_580, %dma_wait3A_581] : memref<100352x64xf32, #tpu.memory_space<hbm>> -> memref<100352x64xf32, #tpu.memory_space<hbm>>
      tpu.wait_indirect_dma semaphore(%arg14 : memref<!tpu.dma_semaphore, #tpu.memory_space<semaphore_mem>>) src(%dma_wait3A_582 : memref<100352x64xf32, #tpu.memory_space<hbm>>) dst(%dma_wait3A_576 : memref<128x64xf32, #tpu.memory_space<vmem>>)
      %rem3A_583 = arith.constant 3 : i32
      %rem3A_584 = arith.remsi %scan3A_308, %rem3A_583 : i32
      %dma_start3A_585 = arith.constant 0 : i32
      %dma_start3A_586 = arith.constant 0 : i32
      %dma_start3A_587 = tpu.memref_slice %arg10[%rem3A_584, %dma_start3A_585, %dma_start3A_586] : memref<3x128x64xf32, #tpu.memory_space<vmem>> -> memref<1x128x64xf32, #tpu.memory_space<vmem>>
      %dma_start3A_588 = tpu.memref_squeeze %dma_start3A_587 : memref<1x128x64xf32, #tpu.memory_space<vmem>> -> memref<128x64xf32, #tpu.memory_space<vmem>>
      %dma_start3A_589 = arith.constant 0 : i32
      %dma_start3A_590 = tpu.memref_slice %arg9[%rem3A_376, %dma_start3A_589] : memref<4x128xi32, #tpu.memory_space<vmem>> -> memref<1x128xi32, #tpu.memory_space<vmem>>
      %dma_start3A_591 = tpu.memref_squeeze %dma_start3A_590 : memref<1x128xi32, #tpu.memory_space<vmem>> -> memref<128xi32, #tpu.memory_space<vmem>>
      %dma_start3A_592 = arith.constant 0 : i32
      %dma_start3A_593 = arith.constant 0 : i32
      %dma_start3A_594 = tpu.memref_slice %arg11[%dma_start3A_592, %dma_start3A_593] : memref<25344x64xf32, #tpu.memory_space<vmem_shared>> -> memref<25344x64xf32, #tpu.memory_space<vmem_shared>>
      tpu.enqueue_indirect_dma source(%dma_start3A_588 : memref<128x64xf32, #tpu.memory_space<vmem>>) target(%dma_start3A_594 : memref<25344x64xf32, #tpu.memory_space<vmem_shared>>) offsets(%dma_start3A_591 : memref<128xi32, #tpu.memory_space<vmem>>) semaphore(%arg15 : memref<!tpu.dma_semaphore, #tpu.memory_space<semaphore_mem>>) {add = true}
    }
    %scan3A_242 = arith.constant 782 : i32
    %dma_wait3A_243 = arith.constant 0 : i32
    %dma_wait3A_244 = arith.constant 0 : i32
    %dma_wait3A_245 = arith.constant 0 : i32
    %dma_wait3A_246 = arith.constant 0 : i32
    %dma_wait3A_247 = tpu.memref_slice %arg10[%dma_wait3A_243, %dma_wait3A_245, %dma_wait3A_246] : memref<3x128x64xf32, #tpu.memory_space<vmem>> -> memref<1x128x64xf32, #tpu.memory_space<vmem>>
    %dma_wait3A_248 = tpu.memref_squeeze %dma_wait3A_247 : memref<1x128x64xf32, #tpu.memory_space<vmem>> -> memref<128x64xf32, #tpu.memory_space<vmem>>
    %dma_wait3A_249 = arith.constant 0 : i32
    %dma_wait3A_250 = tpu.memref_slice %arg9[%dma_wait3A_244, %dma_wait3A_249] : memref<4x128xi32, #tpu.memory_space<vmem>> -> memref<1x128xi32, #tpu.memory_space<vmem>>
    %dma_wait3A_251 = tpu.memref_squeeze %dma_wait3A_250 : memref<1x128xi32, #tpu.memory_space<vmem>> -> memref<128xi32, #tpu.memory_space<vmem>>
    %dma_wait3A_252 = arith.constant 0 : i32
    %dma_wait3A_253 = arith.constant 0 : i32
    %dma_wait3A_254 = tpu.memref_slice %arg11[%dma_wait3A_252, %dma_wait3A_253] : memref<25344x64xf32, #tpu.memory_space<vmem_shared>> -> memref<25344x64xf32, #tpu.memory_space<vmem_shared>>
    tpu.wait_indirect_dma semaphore(%arg15 : memref<!tpu.dma_semaphore, #tpu.memory_space<semaphore_mem>>) src(%dma_wait3A_248 : memref<128x64xf32, #tpu.memory_space<vmem>>) dst(%dma_wait3A_254 : memref<25344x64xf32, #tpu.memory_space<vmem_shared>>)
    %dma_wait3A_255 = arith.constant 0 : i32
    %dma_wait3A_256 = arith.constant 0 : i32
    %dma_wait3A_257 = arith.constant 0 : i32
    %dma_wait3A_258 = arith.constant 0 : i32
    %dma_wait3A_259 = tpu.memref_slice %arg10[%dma_wait3A_255, %dma_wait3A_257, %dma_wait3A_258] : memref<3x128x64xf32, #tpu.memory_space<vmem>> -> memref<1x128x64xf32, #tpu.memory_space<vmem>>
    %dma_wait3A_260 = tpu.memref_squeeze %dma_wait3A_259 : memref<1x128x64xf32, #tpu.memory_space<vmem>> -> memref<128x64xf32, #tpu.memory_space<vmem>>
    %dma_wait3A_261 = arith.constant 0 : i32
    %dma_wait3A_262 = tpu.memref_slice %arg9[%dma_wait3A_256, %dma_wait3A_261] : memref<4x128xi32, #tpu.memory_space<vmem>> -> memref<1x128xi32, #tpu.memory_space<vmem>>
    %dma_wait3A_263 = tpu.memref_squeeze %dma_wait3A_262 : memref<1x128xi32, #tpu.memory_space<vmem>> -> memref<128xi32, #tpu.memory_space<vmem>>
    %dma_wait3A_264 = arith.constant 0 : i32
    %dma_wait3A_265 = arith.constant 0 : i32
    %dma_wait3A_266 = tpu.memref_slice %arg11[%dma_wait3A_264, %dma_wait3A_265] : memref<25344x64xf32, #tpu.memory_space<vmem_shared>> -> memref<25344x64xf32, #tpu.memory_space<vmem_shared>>
    tpu.wait_indirect_dma semaphore(%arg15 : memref<!tpu.dma_semaphore, #tpu.memory_space<semaphore_mem>>) src(%dma_wait3A_260 : memref<128x64xf32, #tpu.memory_space<vmem>>) dst(%dma_wait3A_266 : memref<25344x64xf32, #tpu.memory_space<vmem_shared>>)
    %dma_wait3A_267 = arith.constant 0 : i32
    %dma_wait3A_268 = arith.constant 0 : i32
    %dma_wait3A_269 = arith.constant 0 : i32
    %dma_wait3A_270 = arith.constant 0 : i32
    %dma_wait3A_271 = tpu.memref_slice %arg10[%dma_wait3A_268, %dma_wait3A_269, %dma_wait3A_270] : memref<3x128x64xf32, #tpu.memory_space<vmem>> -> memref<1x128x64xf32, #tpu.memory_space<vmem>>
    %dma_wait3A_272 = tpu.memref_squeeze %dma_wait3A_271 : memref<1x128x64xf32, #tpu.memory_space<vmem>> -> memref<128x64xf32, #tpu.memory_space<vmem>>
    %dma_wait3A_273 = arith.constant 0 : i32
    %dma_wait3A_274 = tpu.memref_slice %arg7[%dma_wait3A_267, %dma_wait3A_273] : memref<4x128xi32, #tpu.memory_space<vmem>> -> memref<1x128xi32, #tpu.memory_space<vmem>>
    %dma_wait3A_275 = tpu.memref_squeeze %dma_wait3A_274 : memref<1x128xi32, #tpu.memory_space<vmem>> -> memref<128xi32, #tpu.memory_space<vmem>>
    %dma_wait3A_276 = arith.constant 0 : i32
    %dma_wait3A_277 = arith.constant 0 : i32
    %dma_wait3A_278 = tpu.memref_slice %arg2[%dma_wait3A_276, %dma_wait3A_277] : memref<100352x64xf32, #tpu.memory_space<hbm>> -> memref<100352x64xf32, #tpu.memory_space<hbm>>
    tpu.wait_indirect_dma semaphore(%arg14 : memref<!tpu.dma_semaphore, #tpu.memory_space<semaphore_mem>>) src(%dma_wait3A_278 : memref<100352x64xf32, #tpu.memory_space<hbm>>) dst(%dma_wait3A_272 : memref<128x64xf32, #tpu.memory_space<vmem>>)
    %dma_wait3A_279 = arith.constant 0 : i32
    %dma_wait3A_280 = arith.constant 0 : i32
    %dma_wait3A_281 = tpu.memref_slice %arg7[%dma_wait3A_279, %dma_wait3A_280] : memref<4x128xi32, #tpu.memory_space<vmem>> -> memref<1x128xi32, #tpu.memory_space<vmem>>
    %dma_wait3A_282 = tpu.memref_squeeze %dma_wait3A_281 : memref<1x128xi32, #tpu.memory_space<vmem>> -> memref<128xi32, #tpu.memory_space<vmem>>
    %dma_wait3A_283 = arith.constant 0 : i32
    %dma_wait3A_284 = tpu.memref_slice %arg3[%dma_wait3A_283] : memref<1602176xi32, #tpu.memory_space<hbm>> -> memref<128xi32, #tpu.memory_space<hbm>>
    %dma_wait3A_285 = arith.constant 0 : i32
    %dma_wait3A_286 = tpu.memref_slice %arg7[%dma_wait3A_279, %dma_wait3A_285] : memref<4x128xi32, #tpu.memory_space<vmem>> -> memref<1x128xi32, #tpu.memory_space<vmem>>
    %dma_wait3A_287 = tpu.memref_squeeze %dma_wait3A_286 : memref<1x128xi32, #tpu.memory_space<vmem>> -> memref<128xi32, #tpu.memory_space<vmem>>
    %dma_wait3A_288 = arith.constant 0 : i32
    %dma_wait3A_289 = tpu.memref_slice %arg3[%dma_wait3A_288] : memref<1602176xi32, #tpu.memory_space<hbm>> -> memref<128xi32, #tpu.memory_space<hbm>>
    tpu.wait_dma2 semaphore(%arg12 : memref<!tpu.dma_semaphore, #tpu.memory_space<semaphore_mem>>) src(%dma_wait3A_289 : memref<128xi32, #tpu.memory_space<hbm>>) dst(%dma_wait3A_287 : memref<128xi32, #tpu.memory_space<vmem>>)
    %dma_wait3A_290 = arith.constant 0 : i32
    %dma_wait3A_291 = arith.constant 0 : i32
    %dma_wait3A_292 = tpu.memref_slice %arg8[%dma_wait3A_290, %dma_wait3A_291] : memref<4x128xi32, #tpu.memory_space<vmem>> -> memref<1x128xi32, #tpu.memory_space<vmem>>
    %dma_wait3A_293 = tpu.memref_squeeze %dma_wait3A_292 : memref<1x128xi32, #tpu.memory_space<vmem>> -> memref<128xi32, #tpu.memory_space<vmem>>
    %dma_wait3A_294 = arith.constant 0 : i32
    %dma_wait3A_295 = tpu.memref_slice %arg4[%dma_wait3A_294] : memref<1602176xi32, #tpu.memory_space<hbm>> -> memref<128xi32, #tpu.memory_space<hbm>>
    %dma_wait3A_296 = arith.constant 0 : i32
    %dma_wait3A_297 = tpu.memref_slice %arg8[%dma_wait3A_290, %dma_wait3A_296] : memref<4x128xi32, #tpu.memory_space<vmem>> -> memref<1x128xi32, #tpu.memory_space<vmem>>
    %dma_wait3A_298 = tpu.memref_squeeze %dma_wait3A_297 : memref<1x128xi32, #tpu.memory_space<vmem>> -> memref<128xi32, #tpu.memory_space<vmem>>
    %dma_wait3A_299 = arith.constant 0 : i32
    %dma_wait3A_300 = tpu.memref_slice %arg4[%dma_wait3A_299] : memref<1602176xi32, #tpu.memory_space<hbm>> -> memref<128xi32, #tpu.memory_space<hbm>>
    tpu.wait_dma2 semaphore(%arg13 : memref<!tpu.dma_semaphore, #tpu.memory_space<semaphore_mem>>) src(%dma_wait3A_300 : memref<128xi32, #tpu.memory_space<hbm>>) dst(%dma_wait3A_298 : memref<128xi32, #tpu.memory_space<vmem>>)
    %barrier3A_301 = arith.constant 0 : index
    tpu.barrier barrier_id(%barrier3A_301)
    %mul3A_302 = arith.constant 1568 : i32
    %mul3A_303 = arith.muli %arg1, %mul3A_302 : i32
    %mul3A_304 = arith.constant 1568 : i32
    %mul3A_305 = arith.muli %arg1, %mul3A_304 : i32
    %add3A_306 = arith.addi %mul3A_157, %mul3A_305 : i32
    "tpu.region"() ({
      %run_scoped3A = tpu.sem_alloc : memref<!tpu.dma_semaphore, #tpu.memory_space<semaphore_mem>>
      %dma_start3A_308 = arith.constant 0 : i32
      %dma_start3A_309 = tpu.memref_slice %arg6[%add3A_306, %dma_start3A_308] : memref<100352x64xf32, #tpu.memory_space<hbm>> -> memref<1568x64xf32, #tpu.memory_space<hbm>>
      %dma_start3A_310 = arith.constant 0 : i32
      %dma_start3A_311 = tpu.memref_slice %arg11[%mul3A_303, %dma_start3A_310] : memref<25344x64xf32, #tpu.memory_space<vmem_shared>> -> memref<1568x64xf32, #tpu.memory_space<vmem_shared>>
      tpu.enqueue_dma source(%dma_start3A_311 : memref<1568x64xf32, #tpu.memory_space<vmem_shared>>) target(%dma_start3A_309 : memref<1568x64xf32, #tpu.memory_space<hbm>>) target_semaphore(%run_scoped3A : memref<!tpu.dma_semaphore, #tpu.memory_space<semaphore_mem>>)
      %dma_wait3A_312 = arith.constant 0 : i32
      %dma_wait3A_313 = tpu.memref_slice %arg6[%add3A_306, %dma_wait3A_312] : memref<100352x64xf32, #tpu.memory_space<hbm>> -> memref<1568x64xf32, #tpu.memory_space<hbm>>
      %dma_wait3A_314 = arith.constant 0 : i32
      %dma_wait3A_315 = tpu.memref_slice %arg11[%mul3A_303, %dma_wait3A_314] : memref<25344x64xf32, #tpu.memory_space<vmem_shared>> -> memref<1568x64xf32, #tpu.memory_space<vmem_shared>>
      tpu.wait_dma2 semaphore(%run_scoped3A : memref<!tpu.dma_semaphore, #tpu.memory_space<semaphore_mem>>) src(%dma_wait3A_315 : memref<1568x64xf32, #tpu.memory_space<vmem_shared>>) dst(%dma_wait3A_313 : memref<1568x64xf32, #tpu.memory_space<hbm>>)
      tpu.yield
    }) : () -> ()
    %barrier3A_307 = arith.constant 0 : index
    tpu.barrier barrier_id(%barrier3A_307)
    return
  }
}

#map = affine_map<(d0, d1) -> (0)>
#map1 = affine_map<(d0, d1) -> (0, 0)>
module attributes {stable_mosaic.version = 14 : i64} {
  func.func @_deg_kernel(%arg0: i32, %arg1: i32, %arg2: memref<1602176xi32, #tpu.memory_space<hbm>>, %arg3: memref<100352xf32, #tpu.memory_space<hbm>>, %arg4: memref<2x100352xf32, #tpu.memory_space<hbm>>, %arg5: memref<4x128xi32, #tpu.memory_space<vmem>>, %arg6: memref<128xf32, #tpu.memory_space<vmem>>, %arg7: memref<100352xf32, #tpu.memory_space<vmem_shared>>, %arg8: memref<!tpu.dma_semaphore, #tpu.memory_space<semaphore_mem>>, %arg9: memref<!tpu.dma_semaphore, #tpu.memory_space<semaphore_mem>>) attributes {dimension_semantics = [#tpu.dimension_semantics<core_parallel>, #tpu.dimension_semantics<subcore_parallel>], iteration_bounds = array<i64: 2, 16>, scalar_prefetch = 0 : i64, scratch_operands = 5 : i64, tpu.core_type = #tpu.core_type<sc_vector_subcore>, window_params = [{transform_indices = #map}, {transform_indices = #map}, {transform_indices = #map1}]} {
    %broadcast_in_dim3A = arith.constant 1.000000e+00 : f32
    %broadcast_in_dim3A_0 = vector.broadcast %broadcast_in_dim3A : f32 to vector<16xf32>
    %swap3A = arith.constant 0 : index
    %swap3A_1 = tpu.vector_load %arg6[%swap3A] {strides = array<i32>} : memref<128xf32, #tpu.memory_space<vmem>>, vector<16xf32>,
    %swap3A_2 = vector.shape_cast %swap3A_1 : vector<16xf32> to vector<16xf32>
    %swap3A_3 = vector.shape_cast %broadcast_in_dim3A_0 : vector<16xf32> to vector<16xf32>
    tpu.vector_store %arg6[%swap3A], %swap3A_3 {strides = array<i32>} : memref<128xf32, #tpu.memory_space<vmem>>, vector<16xf32>,
    %broadcast_in_dim3A_4 = arith.constant 1.000000e+00 : f32
    %broadcast_in_dim3A_5 = vector.broadcast %broadcast_in_dim3A_4 : f32 to vector<16xf32>
    %swap3A_6 = arith.constant 16 : index
    %swap3A_7 = tpu.vector_load %arg6[%swap3A_6] {strides = array<i32>} : memref<128xf32, #tpu.memory_space<vmem>>, vector<16xf32>,
    %swap3A_8 = vector.shape_cast %swap3A_7 : vector<16xf32> to vector<16xf32>
    %swap3A_9 = vector.shape_cast %broadcast_in_dim3A_5 : vector<16xf32> to vector<16xf32>
    tpu.vector_store %arg6[%swap3A_6], %swap3A_9 {strides = array<i32>} : memref<128xf32, #tpu.memory_space<vmem>>, vector<16xf32>,
    %broadcast_in_dim3A_10 = arith.constant 1.000000e+00 : f32
    %broadcast_in_dim3A_11 = vector.broadcast %broadcast_in_dim3A_10 : f32 to vector<16xf32>
    %swap3A_12 = arith.constant 32 : index
    %swap3A_13 = tpu.vector_load %arg6[%swap3A_12] {strides = array<i32>} : memref<128xf32, #tpu.memory_space<vmem>>, vector<16xf32>,
    %swap3A_14 = vector.shape_cast %swap3A_13 : vector<16xf32> to vector<16xf32>
    %swap3A_15 = vector.shape_cast %broadcast_in_dim3A_11 : vector<16xf32> to vector<16xf32>
    tpu.vector_store %arg6[%swap3A_12], %swap3A_15 {strides = array<i32>} : memref<128xf32, #tpu.memory_space<vmem>>, vector<16xf32>,
    %broadcast_in_dim3A_16 = arith.constant 1.000000e+00 : f32
    %broadcast_in_dim3A_17 = vector.broadcast %broadcast_in_dim3A_16 : f32 to vector<16xf32>
    %swap3A_18 = arith.constant 48 : index
    %swap3A_19 = tpu.vector_load %arg6[%swap3A_18] {strides = array<i32>} : memref<128xf32, #tpu.memory_space<vmem>>, vector<16xf32>,
    %swap3A_20 = vector.shape_cast %swap3A_19 : vector<16xf32> to vector<16xf32>
    %swap3A_21 = vector.shape_cast %broadcast_in_dim3A_17 : vector<16xf32> to vector<16xf32>
    tpu.vector_store %arg6[%swap3A_18], %swap3A_21 {strides = array<i32>} : memref<128xf32, #tpu.memory_space<vmem>>, vector<16xf32>,
    %broadcast_in_dim3A_22 = arith.constant 1.000000e+00 : f32
    %broadcast_in_dim3A_23 = vector.broadcast %broadcast_in_dim3A_22 : f32 to vector<16xf32>
    %swap3A_24 = arith.constant 64 : index
    %swap3A_25 = tpu.vector_load %arg6[%swap3A_24] {strides = array<i32>} : memref<128xf32, #tpu.memory_space<vmem>>, vector<16xf32>,
    %swap3A_26 = vector.shape_cast %swap3A_25 : vector<16xf32> to vector<16xf32>
    %swap3A_27 = vector.shape_cast %broadcast_in_dim3A_23 : vector<16xf32> to vector<16xf32>
    tpu.vector_store %arg6[%swap3A_24], %swap3A_27 {strides = array<i32>} : memref<128xf32, #tpu.memory_space<vmem>>, vector<16xf32>,
    %broadcast_in_dim3A_28 = arith.constant 1.000000e+00 : f32
    %broadcast_in_dim3A_29 = vector.broadcast %broadcast_in_dim3A_28 : f32 to vector<16xf32>
    %swap3A_30 = arith.constant 80 : index
    %swap3A_31 = tpu.vector_load %arg6[%swap3A_30] {strides = array<i32>} : memref<128xf32, #tpu.memory_space<vmem>>, vector<16xf32>,
    %swap3A_32 = vector.shape_cast %swap3A_31 : vector<16xf32> to vector<16xf32>
    %swap3A_33 = vector.shape_cast %broadcast_in_dim3A_29 : vector<16xf32> to vector<16xf32>
    tpu.vector_store %arg6[%swap3A_30], %swap3A_33 {strides = array<i32>} : memref<128xf32, #tpu.memory_space<vmem>>, vector<16xf32>,
    %broadcast_in_dim3A_34 = arith.constant 1.000000e+00 : f32
    %broadcast_in_dim3A_35 = vector.broadcast %broadcast_in_dim3A_34 : f32 to vector<16xf32>
    %swap3A_36 = arith.constant 96 : index
    %swap3A_37 = tpu.vector_load %arg6[%swap3A_36] {strides = array<i32>} : memref<128xf32, #tpu.memory_space<vmem>>, vector<16xf32>,
    %swap3A_38 = vector.shape_cast %swap3A_37 : vector<16xf32> to vector<16xf32>
    %swap3A_39 = vector.shape_cast %broadcast_in_dim3A_35 : vector<16xf32> to vector<16xf32>
    tpu.vector_store %arg6[%swap3A_36], %swap3A_39 {strides = array<i32>} : memref<128xf32, #tpu.memory_space<vmem>>, vector<16xf32>,
    %broadcast_in_dim3A_40 = arith.constant 1.000000e+00 : f32
    %broadcast_in_dim3A_41 = vector.broadcast %broadcast_in_dim3A_40 : f32 to vector<16xf32>
    %swap3A_42 = arith.constant 112 : index
    %swap3A_43 = tpu.vector_load %arg6[%swap3A_42] {strides = array<i32>} : memref<128xf32, #tpu.memory_space<vmem>>, vector<16xf32>,
    %swap3A_44 = vector.shape_cast %swap3A_43 : vector<16xf32> to vector<16xf32>
    %swap3A_45 = vector.shape_cast %broadcast_in_dim3A_41 : vector<16xf32> to vector<16xf32>
    tpu.vector_store %arg6[%swap3A_42], %swap3A_45 {strides = array<i32>} : memref<128xf32, #tpu.memory_space<vmem>>, vector<16xf32>,
    %mul3A = arith.constant 6272 : i32
    %mul3A_46 = arith.muli %arg1, %mul3A : i32
    %mul3A_47 = arith.constant 6272 : i32
    %mul3A_48 = arith.muli %arg1, %mul3A_47 : i32
    "tpu.region"() ({
      %run_scoped3A = tpu.sem_alloc : memref<!tpu.dma_semaphore, #tpu.memory_space<semaphore_mem>>
      %dma_start3A_117 = tpu.memref_slice %arg7[%mul3A_48] : memref<100352xf32, #tpu.memory_space<vmem_shared>> -> memref<6272xf32, #tpu.memory_space<vmem_shared>>
      %dma_start3A_118 = tpu.memref_slice %arg3[%mul3A_46] : memref<100352xf32, #tpu.memory_space<hbm>> -> memref<6272xf32, #tpu.memory_space<hbm>>
      tpu.enqueue_dma source(%dma_start3A_118 : memref<6272xf32, #tpu.memory_space<hbm>>) target(%dma_start3A_117 : memref<6272xf32, #tpu.memory_space<vmem_shared>>) target_semaphore(%run_scoped3A : memref<!tpu.dma_semaphore, #tpu.memory_space<semaphore_mem>>)
      %dma_wait3A_119 = tpu.memref_slice %arg7[%mul3A_48] : memref<100352xf32, #tpu.memory_space<vmem_shared>> -> memref<6272xf32, #tpu.memory_space<vmem_shared>>
      %dma_wait3A_120 = tpu.memref_slice %arg3[%mul3A_46] : memref<100352xf32, #tpu.memory_space<hbm>> -> memref<6272xf32, #tpu.memory_space<hbm>>
      tpu.wait_dma2 semaphore(%run_scoped3A : memref<!tpu.dma_semaphore, #tpu.memory_space<semaphore_mem>>) src(%dma_wait3A_120 : memref<6272xf32, #tpu.memory_space<hbm>>) dst(%dma_wait3A_119 : memref<6272xf32, #tpu.memory_space<vmem_shared>>)
      tpu.yield
    }) : () -> ()
    %barrier3A = arith.constant 0 : index
    tpu.barrier barrier_id(%barrier3A)
    %mul3A_49 = arith.constant 16 : i32
    %mul3A_50 = arith.muli %arg0, %mul3A_49 : i32
    %add3A = arith.addi %mul3A_50, %arg1 : i32
    %mul3A_51 = arith.constant 50048 : i32
    %mul3A_52 = arith.muli %add3A, %mul3A_51 : i32
    %add3A_53 = arith.constant 0 : i32
    %add3A_54 = arith.addi %mul3A_52, %add3A_53 : i32
    %dma_start3A = arith.constant 0 : i32
    %dma_start3A_55 = arith.constant 0 : i32
    %dma_start3A_56 = tpu.memref_slice %arg5[%dma_start3A, %dma_start3A_55] : memref<4x128xi32, #tpu.memory_space<vmem>> -> memref<1x128xi32, #tpu.memory_space<vmem>>
    %dma_start3A_57 = tpu.memref_squeeze %dma_start3A_56 : memref<1x128xi32, #tpu.memory_space<vmem>> -> memref<128xi32, #tpu.memory_space<vmem>>
    %dma_start3A_58 = tpu.memref_slice %arg2[%add3A_54] : memref<1602176xi32, #tpu.memory_space<hbm>> -> memref<128xi32, #tpu.memory_space<hbm>>
    %dma_start3A_59 = arith.constant 0 : i32
    %dma_start3A_60 = tpu.memref_slice %arg5[%dma_start3A, %dma_start3A_59] : memref<4x128xi32, #tpu.memory_space<vmem>> -> memref<1x128xi32, #tpu.memory_space<vmem>>
    %dma_start3A_61 = tpu.memref_squeeze %dma_start3A_60 : memref<1x128xi32, #tpu.memory_space<vmem>> -> memref<128xi32, #tpu.memory_space<vmem>>
    %dma_start3A_62 = tpu.memref_slice %arg2[%add3A_54] : memref<1602176xi32, #tpu.memory_space<hbm>> -> memref<128xi32, #tpu.memory_space<hbm>>
    tpu.enqueue_dma source(%dma_start3A_62 : memref<128xi32, #tpu.memory_space<hbm>>) target(%dma_start3A_61 : memref<128xi32, #tpu.memory_space<vmem>>) target_semaphore(%arg8 : memref<!tpu.dma_semaphore, #tpu.memory_space<semaphore_mem>>)
    %add3A_63 = arith.constant 128 : i32
    %add3A_64 = arith.addi %mul3A_52, %add3A_63 : i32
    %dma_start3A_65 = arith.constant 1 : i32
    %dma_start3A_66 = arith.constant 0 : i32
    %dma_start3A_67 = tpu.memref_slice %arg5[%dma_start3A_65, %dma_start3A_66] : memref<4x128xi32, #tpu.memory_space<vmem>> -> memref<1x128xi32, #tpu.memory_space<vmem>>
    %dma_start3A_68 = tpu.memref_squeeze %dma_start3A_67 : memref<1x128xi32, #tpu.memory_space<vmem>> -> memref<128xi32, #tpu.memory_space<vmem>>
    %dma_start3A_69 = tpu.memref_slice %arg2[%add3A_64] : memref<1602176xi32, #tpu.memory_space<hbm>> -> memref<128xi32, #tpu.memory_space<hbm>>
    %dma_start3A_70 = arith.constant 0 : i32
    %dma_start3A_71 = tpu.memref_slice %arg5[%dma_start3A_65, %dma_start3A_70] : memref<4x128xi32, #tpu.memory_space<vmem>> -> memref<1x128xi32, #tpu.memory_space<vmem>>
    %dma_start3A_72 = tpu.memref_squeeze %dma_start3A_71 : memref<1x128xi32, #tpu.memory_space<vmem>> -> memref<128xi32, #tpu.memory_space<vmem>>
    %dma_start3A_73 = tpu.memref_slice %arg2[%add3A_64] : memref<1602176xi32, #tpu.memory_space<hbm>> -> memref<128xi32, #tpu.memory_space<hbm>>
    tpu.enqueue_dma source(%dma_start3A_73 : memref<128xi32, #tpu.memory_space<hbm>>) target(%dma_start3A_72 : memref<128xi32, #tpu.memory_space<vmem>>) target_semaphore(%arg8 : memref<!tpu.dma_semaphore, #tpu.memory_space<semaphore_mem>>)
    %scan3A = arith.constant 0 : i32
    %scan3A_74 = arith.constant 0 : i32
    %scan3A_75 = arith.constant 391 : i32
    %scan3A_76 = arith.addi %scan3A_74, %scan3A_75 : i32
    %scan3A_77 = arith.constant 1 : i32
    scf.for %scan3A_117 = %scan3A_74 to %scan3A_76 step %scan3A_77  : i32 {
      %add3A_118 = arith.constant 2 : i32
      %add3A_119 = arith.addi %scan3A_117, %add3A_118 : i32
      %add3A_120 = arith.constant 2 : i32
      %add3A_121 = arith.addi %scan3A_117, %add3A_120 : i32
      %rem3A = arith.constant 4 : i32
      %rem3A_122 = arith.remsi %add3A_121, %rem3A : i32
      %mul3A_123 = arith.constant 128 : i32
      %mul3A_124 = arith.muli %add3A_119, %mul3A_123 : i32
      %add3A_125 = arith.addi %mul3A_52, %mul3A_124 : i32
      %dma_start3A_126 = arith.constant 0 : i32
      %dma_start3A_127 = tpu.memref_slice %arg5[%rem3A_122, %dma_start3A_126] : memref<4x128xi32, #tpu.memory_space<vmem>> -> memref<1x128xi32, #tpu.memory_space<vmem>>
      %dma_start3A_128 = tpu.memref_squeeze %dma_start3A_127 : memref<1x128xi32, #tpu.memory_space<vmem>> -> memref<128xi32, #tpu.memory_space<vmem>>
      %dma_start3A_129 = tpu.memref_slice %arg2[%add3A_125] : memref<1602176xi32, #tpu.memory_space<hbm>> -> memref<128xi32, #tpu.memory_space<hbm>>
      %dma_start3A_130 = arith.constant 0 : i32
      %dma_start3A_131 = tpu.memref_slice %arg5[%rem3A_122, %dma_start3A_130] : memref<4x128xi32, #tpu.memory_space<vmem>> -> memref<1x128xi32, #tpu.memory_space<vmem>>
      %dma_start3A_132 = tpu.memref_squeeze %dma_start3A_131 : memref<1x128xi32, #tpu.memory_space<vmem>> -> memref<128xi32, #tpu.memory_space<vmem>>
      %dma_start3A_133 = tpu.memref_slice %arg2[%add3A_125] : memref<1602176xi32, #tpu.memory_space<hbm>> -> memref<128xi32, #tpu.memory_space<hbm>>
      tpu.enqueue_dma source(%dma_start3A_133 : memref<128xi32, #tpu.memory_space<hbm>>) target(%dma_start3A_132 : memref<128xi32, #tpu.memory_space<vmem>>) target_semaphore(%arg8 : memref<!tpu.dma_semaphore, #tpu.memory_space<semaphore_mem>>)
      %dma_wait3A_134 = arith.constant 0 : i32
      %dma_wait3A_135 = arith.constant 0 : i32
      %dma_wait3A_136 = tpu.memref_slice %arg5[%dma_wait3A_134, %dma_wait3A_135] : memref<4x128xi32, #tpu.memory_space<vmem>> -> memref<1x128xi32, #tpu.memory_space<vmem>>
      %dma_wait3A_137 = tpu.memref_squeeze %dma_wait3A_136 : memref<1x128xi32, #tpu.memory_space<vmem>> -> memref<128xi32, #tpu.memory_space<vmem>>
      %dma_wait3A_138 = arith.constant 0 : i32
      %dma_wait3A_139 = tpu.memref_slice %arg2[%dma_wait3A_138] : memref<1602176xi32, #tpu.memory_space<hbm>> -> memref<128xi32, #tpu.memory_space<hbm>>
      %dma_wait3A_140 = arith.constant 0 : i32
      %dma_wait3A_141 = tpu.memref_slice %arg5[%dma_wait3A_134, %dma_wait3A_140] : memref<4x128xi32, #tpu.memory_space<vmem>> -> memref<1x128xi32, #tpu.memory_space<vmem>>
      %dma_wait3A_142 = tpu.memref_squeeze %dma_wait3A_141 : memref<1x128xi32, #tpu.memory_space<vmem>> -> memref<128xi32, #tpu.memory_space<vmem>>
      %dma_wait3A_143 = arith.constant 0 : i32
      %dma_wait3A_144 = tpu.memref_slice %arg2[%dma_wait3A_143] : memref<1602176xi32, #tpu.memory_space<hbm>> -> memref<128xi32, #tpu.memory_space<hbm>>
      tpu.wait_dma2 semaphore(%arg8 : memref<!tpu.dma_semaphore, #tpu.memory_space<semaphore_mem>>) src(%dma_wait3A_144 : memref<128xi32, #tpu.memory_space<hbm>>) dst(%dma_wait3A_142 : memref<128xi32, #tpu.memory_space<vmem>>)
      %ge3A = arith.constant 2 : i32
      %ge3A_145 = arith.cmpi sge, %scan3A_117, %ge3A : i32
      %convert_element_type3A = arith.extui %ge3A_145 : i1 to i32
      %cond3A = arith.constant 0 : i32
      %cond3A_146 = arith.cmpi ne, %convert_element_type3A, %cond3A : i32
      scf.if %cond3A_146 {
        %dma_wait3A_154 = arith.constant 0 : i32
        %dma_wait3A_155 = arith.constant 0 : i32
        %dma_wait3A_156 = tpu.memref_slice %arg5[%dma_wait3A_154, %dma_wait3A_155] : memref<4x128xi32, #tpu.memory_space<vmem>> -> memref<1x128xi32, #tpu.memory_space<vmem>>
        %dma_wait3A_157 = tpu.memref_squeeze %dma_wait3A_156 : memref<1x128xi32, #tpu.memory_space<vmem>> -> memref<128xi32, #tpu.memory_space<vmem>>
        %dma_wait3A_158 = arith.constant 0 : i32
        %dma_wait3A_159 = tpu.memref_slice %arg7[%dma_wait3A_158] : memref<100352xf32, #tpu.memory_space<vmem_shared>> -> memref<100352xf32, #tpu.memory_space<vmem_shared>>
        tpu.wait_indirect_dma semaphore(%arg9 : memref<!tpu.dma_semaphore, #tpu.memory_space<semaphore_mem>>) src(%arg6 : memref<128xf32, #tpu.memory_space<vmem>>) dst(%dma_wait3A_159 : memref<100352xf32, #tpu.memory_space<vmem_shared>>)
      } else {
      }
      %rem3A_147 = arith.constant 4 : i32
      %rem3A_148 = arith.remsi %scan3A_117, %rem3A_147 : i32
      %dma_start3A_149 = arith.constant 0 : i32
      %dma_start3A_150 = tpu.memref_slice %arg5[%rem3A_148, %dma_start3A_149] : memref<4x128xi32, #tpu.memory_space<vmem>> -> memref<1x128xi32, #tpu.memory_space<vmem>>
      %dma_start3A_151 = tpu.memref_squeeze %dma_start3A_150 : memref<1x128xi32, #tpu.memory_space<vmem>> -> memref<128xi32, #tpu.memory_space<vmem>>
      %dma_start3A_152 = arith.constant 0 : i32
      %dma_start3A_153 = tpu.memref_slice %arg7[%dma_start3A_152] : memref<100352xf32, #tpu.memory_space<vmem_shared>> -> memref<100352xf32, #tpu.memory_space<vmem_shared>>
      tpu.enqueue_indirect_dma source(%arg6 : memref<128xf32, #tpu.memory_space<vmem>>) target(%dma_start3A_153 : memref<100352xf32, #tpu.memory_space<vmem_shared>>) offsets(%dma_start3A_151 : memref<128xi32, #tpu.memory_space<vmem>>) semaphore(%arg9 : memref<!tpu.dma_semaphore, #tpu.memory_space<semaphore_mem>>) {add = true}
    }
    %scan3A_78 = arith.constant 391 : i32
    %dma_wait3A = arith.constant 0 : i32
    %dma_wait3A_79 = arith.constant 0 : i32
    %dma_wait3A_80 = tpu.memref_slice %arg5[%dma_wait3A, %dma_wait3A_79] : memref<4x128xi32, #tpu.memory_space<vmem>> -> memref<1x128xi32, #tpu.memory_space<vmem>>
    %dma_wait3A_81 = tpu.memref_squeeze %dma_wait3A_80 : memref<1x128xi32, #tpu.memory_space<vmem>> -> memref<128xi32, #tpu.memory_space<vmem>>
    %dma_wait3A_82 = arith.constant 0 : i32
    %dma_wait3A_83 = tpu.memref_slice %arg7[%dma_wait3A_82] : memref<100352xf32, #tpu.memory_space<vmem_shared>> -> memref<100352xf32, #tpu.memory_space<vmem_shared>>
    tpu.wait_indirect_dma semaphore(%arg9 : memref<!tpu.dma_semaphore, #tpu.memory_space<semaphore_mem>>) src(%arg6 : memref<128xf32, #tpu.memory_space<vmem>>) dst(%dma_wait3A_83 : memref<100352xf32, #tpu.memory_space<vmem_shared>>)
    %dma_wait3A_84 = arith.constant 0 : i32
    %dma_wait3A_85 = arith.constant 0 : i32
    %dma_wait3A_86 = tpu.memref_slice %arg5[%dma_wait3A_84, %dma_wait3A_85] : memref<4x128xi32, #tpu.memory_space<vmem>> -> memref<1x128xi32, #tpu.memory_space<vmem>>
    %dma_wait3A_87 = tpu.memref_squeeze %dma_wait3A_86 : memref<1x128xi32, #tpu.memory_space<vmem>> -> memref<128xi32, #tpu.memory_space<vmem>>
    %dma_wait3A_88 = arith.constant 0 : i32
    %dma_wait3A_89 = tpu.memref_slice %arg2[%dma_wait3A_88] : memref<1602176xi32, #tpu.memory_space<hbm>> -> memref<128xi32, #tpu.memory_space<hbm>>
    %dma_wait3A_90 = arith.constant 0 : i32
    %dma_wait3A_91 = tpu.memref_slice %arg5[%dma_wait3A_84, %dma_wait3A_90] : memref<4x128xi32, #tpu.memory_space<vmem>> -> memref<1x128xi32, #tpu.memory_space<vmem>>
    %dma_wait3A_92 = tpu.memref_squeeze %dma_wait3A_91 : memref<1x128xi32, #tpu.memory_space<vmem>> -> memref<128xi32, #tpu.memory_space<vmem>>
    %dma_wait3A_93 = arith.constant 0 : i32
    %dma_wait3A_94 = tpu.memref_slice %arg2[%dma_wait3A_93] : memref<1602176xi32, #tpu.memory_space<hbm>> -> memref<128xi32, #tpu.memory_space<hbm>>
    tpu.wait_dma2 semaphore(%arg8 : memref<!tpu.dma_semaphore, #tpu.memory_space<semaphore_mem>>) src(%dma_wait3A_94 : memref<128xi32, #tpu.memory_space<hbm>>) dst(%dma_wait3A_92 : memref<128xi32, #tpu.memory_space<vmem>>)
    %dma_wait3A_95 = arith.constant 0 : i32
    %dma_wait3A_96 = arith.constant 0 : i32
    %dma_wait3A_97 = tpu.memref_slice %arg5[%dma_wait3A_95, %dma_wait3A_96] : memref<4x128xi32, #tpu.memory_space<vmem>> -> memref<1x128xi32, #tpu.memory_space<vmem>>
    %dma_wait3A_98 = tpu.memref_squeeze %dma_wait3A_97 : memref<1x128xi32, #tpu.memory_space<vmem>> -> memref<128xi32, #tpu.memory_space<vmem>>
    %dma_wait3A_99 = arith.constant 0 : i32
    %dma_wait3A_100 = tpu.memref_slice %arg7[%dma_wait3A_99] : memref<100352xf32, #tpu.memory_space<vmem_shared>> -> memref<100352xf32, #tpu.memory_space<vmem_shared>>
    tpu.wait_indirect_dma semaphore(%arg9 : memref<!tpu.dma_semaphore, #tpu.memory_space<semaphore_mem>>) src(%arg6 : memref<128xf32, #tpu.memory_space<vmem>>) dst(%dma_wait3A_100 : memref<100352xf32, #tpu.memory_space<vmem_shared>>)
    %dma_wait3A_101 = arith.constant 0 : i32
    %dma_wait3A_102 = arith.constant 0 : i32
    %dma_wait3A_103 = tpu.memref_slice %arg5[%dma_wait3A_101, %dma_wait3A_102] : memref<4x128xi32, #tpu.memory_space<vmem>> -> memref<1x128xi32, #tpu.memory_space<vmem>>
    %dma_wait3A_104 = tpu.memref_squeeze %dma_wait3A_103 : memref<1x128xi32, #tpu.memory_space<vmem>> -> memref<128xi32, #tpu.memory_space<vmem>>
    %dma_wait3A_105 = arith.constant 0 : i32
    %dma_wait3A_106 = tpu.memref_slice %arg2[%dma_wait3A_105] : memref<1602176xi32, #tpu.memory_space<hbm>> -> memref<128xi32, #tpu.memory_space<hbm>>
    %dma_wait3A_107 = arith.constant 0 : i32
    %dma_wait3A_108 = tpu.memref_slice %arg5[%dma_wait3A_101, %dma_wait3A_107] : memref<4x128xi32, #tpu.memory_space<vmem>> -> memref<1x128xi32, #tpu.memory_space<vmem>>
    %dma_wait3A_109 = tpu.memref_squeeze %dma_wait3A_108 : memref<1x128xi32, #tpu.memory_space<vmem>> -> memref<128xi32, #tpu.memory_space<vmem>>
    %dma_wait3A_110 = arith.constant 0 : i32
    %dma_wait3A_111 = tpu.memref_slice %arg2[%dma_wait3A_110] : memref<1602176xi32, #tpu.memory_space<hbm>> -> memref<128xi32, #tpu.memory_space<hbm>>
    tpu.wait_dma2 semaphore(%arg8 : memref<!tpu.dma_semaphore, #tpu.memory_space<semaphore_mem>>) src(%dma_wait3A_111 : memref<128xi32, #tpu.memory_space<hbm>>) dst(%dma_wait3A_109 : memref<128xi32, #tpu.memory_space<vmem>>)
    %barrier3A_112 = arith.constant 0 : index
    tpu.barrier barrier_id(%barrier3A_112)
    %mul3A_113 = arith.constant 6272 : i32
    %mul3A_114 = arith.muli %arg1, %mul3A_113 : i32
    %mul3A_115 = arith.constant 6272 : i32
    %mul3A_116 = arith.muli %arg1, %mul3A_115 : i32
    "tpu.region"() ({
      %run_scoped3A = tpu.sem_alloc : memref<!tpu.dma_semaphore, #tpu.memory_space<semaphore_mem>>
      %dma_start3A_117 = tpu.memref_slice %arg4[%arg0, %mul3A_116] : memref<2x100352xf32, #tpu.memory_space<hbm>> -> memref<1x6272xf32, #tpu.memory_space<hbm>>
      %dma_start3A_118 = tpu.memref_squeeze %dma_start3A_117 : memref<1x6272xf32, #tpu.memory_space<hbm>> -> memref<6272xf32, #tpu.memory_space<hbm>>
      %dma_start3A_119 = tpu.memref_slice %arg7[%mul3A_114] : memref<100352xf32, #tpu.memory_space<vmem_shared>> -> memref<6272xf32, #tpu.memory_space<vmem_shared>>
      tpu.enqueue_dma source(%dma_start3A_119 : memref<6272xf32, #tpu.memory_space<vmem_shared>>) target(%dma_start3A_118 : memref<6272xf32, #tpu.memory_space<hbm>>) target_semaphore(%run_scoped3A : memref<!tpu.dma_semaphore, #tpu.memory_space<semaphore_mem>>)
      %dma_wait3A_120 = tpu.memref_slice %arg4[%arg0, %mul3A_116] : memref<2x100352xf32, #tpu.memory_space<hbm>> -> memref<1x6272xf32, #tpu.memory_space<hbm>>
      %dma_wait3A_121 = tpu.memref_squeeze %dma_wait3A_120 : memref<1x6272xf32, #tpu.memory_space<hbm>> -> memref<6272xf32, #tpu.memory_space<hbm>>
      %dma_wait3A_122 = tpu.memref_slice %arg7[%mul3A_114] : memref<100352xf32, #tpu.memory_space<vmem_shared>> -> memref<6272xf32, #tpu.memory_space<vmem_shared>>
      tpu.wait_dma2 semaphore(%run_scoped3A : memref<!tpu.dma_semaphore, #tpu.memory_space<semaphore_mem>>) src(%dma_wait3A_122 : memref<6272xf32, #tpu.memory_space<vmem_shared>>) dst(%dma_wait3A_121 : memref<6272xf32, #tpu.memory_space<hbm>>)
      tpu.yield
    }) : () -> ()
    return
  }
}

#map = affine_map<(d0, d1) -> (0, 0)>
#map1 = affine_map<(d0, d1) -> (0)>
module attributes {stable_mosaic.version = 14 : i64} {
  func.func @_scatter_kernel(%arg0: i32, %arg1: i32, %arg2: memref<100352x64xf32, #tpu.memory_space<hbm>>, %arg3: memref<1602176xi32, #tpu.memory_space<hbm>>, %arg4: memref<1602176xi32, #tpu.memory_space<hbm>>, %arg5: memref<25344x64xf32, #tpu.memory_space<hbm>>, %arg6: memref<100352x64xf32, #tpu.memory_space<hbm>>, %arg7: memref<4x128xi32, #tpu.memory_space<vmem>>, %arg8: memref<4x128xi32, #tpu.memory_space<vmem>>, %arg9: memref<4x128xi32, #tpu.memory_space<vmem>>, %arg10: memref<3x128x64xf32, #tpu.memory_space<vmem>>, %arg11: memref<25344x64xf32, #tpu.memory_space<vmem_shared>>, %arg12: memref<!tpu.dma_semaphore, #tpu.memory_space<semaphore_mem>>, %arg13: memref<!tpu.dma_semaphore, #tpu.memory_space<semaphore_mem>>, %arg14: memref<!tpu.dma_semaphore, #tpu.memory_space<semaphore_mem>>, %arg15: memref<!tpu.dma_semaphore, #tpu.memory_space<semaphore_mem>>) attributes {dimension_semantics = [#tpu.dimension_semantics<core_parallel>, #tpu.dimension_semantics<subcore_parallel>], iteration_bounds = array<i64: 2, 16>, scalar_prefetch = 0 : i64, scratch_operands = 9 : i64, tpu.core_type = #tpu.core_type<sc_vector_subcore>, window_params = [{transform_indices = #map}, {transform_indices = #map1}, {transform_indices = #map1}, {transform_indices = #map}, {transform_indices = #map}]} {
    %mul3A = arith.constant 100096 : i32
    %mul3A_0 = arith.muli %arg1, %mul3A : i32
    %mul3A_1 = arith.constant 2 : i32
    %mul3A_2 = arith.muli %arg0, %mul3A_1 : i32
    %add3A = arith.constant 0 : i32
    %add3A_3 = arith.addi %mul3A_2, %add3A : i32
    %mul3A_4 = arith.constant 25088 : i32
    %mul3A_5 = arith.muli %add3A_3, %mul3A_4 : i32
    %mul3A_6 = arith.constant 1584 : i32
    %mul3A_7 = arith.muli %arg1, %mul3A_6 : i32
    %mul3A_8 = arith.constant 1584 : i32
    %mul3A_9 = arith.muli %arg1, %mul3A_8 : i32
    "tpu.region"() ({
      %run_scoped3A = tpu.sem_alloc : memref<!tpu.dma_semaphore, #tpu.memory_space<semaphore_mem>>
      %dma_start3A_308 = arith.constant 0 : i32
      %dma_start3A_309 = tpu.memref_slice %arg11[%mul3A_9, %dma_start3A_308] : memref<25344x64xf32, #tpu.memory_space<vmem_shared>> -> memref<1584x64xf32, #tpu.memory_space<vmem_shared>>
      %dma_start3A_310 = arith.constant 0 : i32
      %dma_start3A_311 = tpu.memref_slice %arg5[%mul3A_7, %dma_start3A_310] : memref<25344x64xf32, #tpu.memory_space<hbm>> -> memref<1584x64xf32, #tpu.memory_space<hbm>>
      tpu.enqueue_dma source(%dma_start3A_311 : memref<1584x64xf32, #tpu.memory_space<hbm>>) target(%dma_start3A_309 : memref<1584x64xf32, #tpu.memory_space<vmem_shared>>) target_semaphore(%run_scoped3A : memref<!tpu.dma_semaphore, #tpu.memory_space<semaphore_mem>>)
      %dma_wait3A_312 = arith.constant 0 : i32
      %dma_wait3A_313 = tpu.memref_slice %arg11[%mul3A_9, %dma_wait3A_312] : memref<25344x64xf32, #tpu.memory_space<vmem_shared>> -> memref<1584x64xf32, #tpu.memory_space<vmem_shared>>
      %dma_wait3A_314 = arith.constant 0 : i32
      %dma_wait3A_315 = tpu.memref_slice %arg5[%mul3A_7, %dma_wait3A_314] : memref<25344x64xf32, #tpu.memory_space<hbm>> -> memref<1584x64xf32, #tpu.memory_space<hbm>>
      tpu.wait_dma2 semaphore(%run_scoped3A : memref<!tpu.dma_semaphore, #tpu.memory_space<semaphore_mem>>) src(%dma_wait3A_315 : memref<1584x64xf32, #tpu.memory_space<hbm>>) dst(%dma_wait3A_313 : memref<1584x64xf32, #tpu.memory_space<vmem_shared>>)
      tpu.yield
    }) : () -> ()
    %barrier3A = arith.constant 0 : index
    tpu.barrier barrier_id(%barrier3A)
    %add3A_10 = arith.constant 0 : i32
    %add3A_11 = arith.addi %mul3A_0, %add3A_10 : i32
    %dma_start3A = arith.constant 0 : i32
    %dma_start3A_12 = arith.constant 0 : i32
    %dma_start3A_13 = tpu.memref_slice %arg7[%dma_start3A, %dma_start3A_12] : memref<4x128xi32, #tpu.memory_space<vmem>> -> memref<1x128xi32, #tpu.memory_space<vmem>>
    %dma_start3A_14 = tpu.memref_squeeze %dma_start3A_13 : memref<1x128xi32, #tpu.memory_space<vmem>> -> memref<128xi32, #tpu.memory_space<vmem>>
    %dma_start3A_15 = tpu.memref_slice %arg3[%add3A_11] : memref<1602176xi32, #tpu.memory_space<hbm>> -> memref<128xi32, #tpu.memory_space<hbm>>
    %dma_start3A_16 = arith.constant 0 : i32
    %dma_start3A_17 = tpu.memref_slice %arg7[%dma_start3A, %dma_start3A_16] : memref<4x128xi32, #tpu.memory_space<vmem>> -> memref<1x128xi32, #tpu.memory_space<vmem>>
    %dma_start3A_18 = tpu.memref_squeeze %dma_start3A_17 : memref<1x128xi32, #tpu.memory_space<vmem>> -> memref<128xi32, #tpu.memory_space<vmem>>
    %dma_start3A_19 = tpu.memref_slice %arg3[%add3A_11] : memref<1602176xi32, #tpu.memory_space<hbm>> -> memref<128xi32, #tpu.memory_space<hbm>>
    tpu.enqueue_dma source(%dma_start3A_19 : memref<128xi32, #tpu.memory_space<hbm>>) target(%dma_start3A_18 : memref<128xi32, #tpu.memory_space<vmem>>) target_semaphore(%arg12 : memref<!tpu.dma_semaphore, #tpu.memory_space<semaphore_mem>>)
    %dma_start3A_20 = arith.constant 0 : i32
    %dma_start3A_21 = arith.constant 0 : i32
    %dma_start3A_22 = tpu.memref_slice %arg8[%dma_start3A_20, %dma_start3A_21] : memref<4x128xi32, #tpu.memory_space<vmem>> -> memref<1x128xi32, #tpu.memory_space<vmem>>
    %dma_start3A_23 = tpu.memref_squeeze %dma_start3A_22 : memref<1x128xi32, #tpu.memory_space<vmem>> -> memref<128xi32, #tpu.memory_space<vmem>>
    %dma_start3A_24 = tpu.memref_slice %arg4[%add3A_11] : memref<1602176xi32, #tpu.memory_space<hbm>> -> memref<128xi32, #tpu.memory_space<hbm>>
    %dma_start3A_25 = arith.constant 0 : i32
    %dma_start3A_26 = tpu.memref_slice %arg8[%dma_start3A_20, %dma_start3A_25] : memref<4x128xi32, #tpu.memory_space<vmem>> -> memref<1x128xi32, #tpu.memory_space<vmem>>
    %dma_start3A_27 = tpu.memref_squeeze %dma_start3A_26 : memref<1x128xi32, #tpu.memory_space<vmem>> -> memref<128xi32, #tpu.memory_space<vmem>>
    %dma_start3A_28 = tpu.memref_slice %arg4[%add3A_11] : memref<1602176xi32, #tpu.memory_space<hbm>> -> memref<128xi32, #tpu.memory_space<hbm>>
    tpu.enqueue_dma source(%dma_start3A_28 : memref<128xi32, #tpu.memory_space<hbm>>) target(%dma_start3A_27 : memref<128xi32, #tpu.memory_space<vmem>>) target_semaphore(%arg13 : memref<!tpu.dma_semaphore, #tpu.memory_space<semaphore_mem>>)
    %add3A_29 = arith.constant 128 : i32
    %add3A_30 = arith.addi %mul3A_0, %add3A_29 : i32
    %dma_start3A_31 = arith.constant 1 : i32
    %dma_start3A_32 = arith.constant 0 : i32
    %dma_start3A_33 = tpu.memref_slice %arg7[%dma_start3A_31, %dma_start3A_32] : memref<4x128xi32, #tpu.memory_space<vmem>> -> memref<1x128xi32, #tpu.memory_space<vmem>>
    %dma_start3A_34 = tpu.memref_squeeze %dma_start3A_33 : memref<1x128xi32, #tpu.memory_space<vmem>> -> memref<128xi32, #tpu.memory_space<vmem>>
    %dma_start3A_35 = tpu.memref_slice %arg3[%add3A_30] : memref<1602176xi32, #tpu.memory_space<hbm>> -> memref<128xi32, #tpu.memory_space<hbm>>
    %dma_start3A_36 = arith.constant 0 : i32
    %dma_start3A_37 = tpu.memref_slice %arg7[%dma_start3A_31, %dma_start3A_36] : memref<4x128xi32, #tpu.memory_space<vmem>> -> memref<1x128xi32, #tpu.memory_space<vmem>>
    %dma_start3A_38 = tpu.memref_squeeze %dma_start3A_37 : memref<1x128xi32, #tpu.memory_space<vmem>> -> memref<128xi32, #tpu.memory_space<vmem>>
    %dma_start3A_39 = tpu.memref_slice %arg3[%add3A_30] : memref<1602176xi32, #tpu.memory_space<hbm>> -> memref<128xi32, #tpu.memory_space<hbm>>
    tpu.enqueue_dma source(%dma_start3A_39 : memref<128xi32, #tpu.memory_space<hbm>>) target(%dma_start3A_38 : memref<128xi32, #tpu.memory_space<vmem>>) target_semaphore(%arg12 : memref<!tpu.dma_semaphore, #tpu.memory_space<semaphore_mem>>)
    %dma_start3A_40 = arith.constant 1 : i32
    %dma_start3A_41 = arith.constant 0 : i32
    %dma_start3A_42 = tpu.memref_slice %arg8[%dma_start3A_40, %dma_start3A_41] : memref<4x128xi32, #tpu.memory_space<vmem>> -> memref<1x128xi32, #tpu.memory_space<vmem>>
    %dma_start3A_43 = tpu.memref_squeeze %dma_start3A_42 : memref<1x128xi32, #tpu.memory_space<vmem>> -> memref<128xi32, #tpu.memory_space<vmem>>
    %dma_start3A_44 = tpu.memref_slice %arg4[%add3A_30] : memref<1602176xi32, #tpu.memory_space<hbm>> -> memref<128xi32, #tpu.memory_space<hbm>>
    %dma_start3A_45 = arith.constant 0 : i32
    %dma_start3A_46 = tpu.memref_slice %arg8[%dma_start3A_40, %dma_start3A_45] : memref<4x128xi32, #tpu.memory_space<vmem>> -> memref<1x128xi32, #tpu.memory_space<vmem>>
    %dma_start3A_47 = tpu.memref_squeeze %dma_start3A_46 : memref<1x128xi32, #tpu.memory_space<vmem>> -> memref<128xi32, #tpu.memory_space<vmem>>
    %dma_start3A_48 = tpu.memref_slice %arg4[%add3A_30] : memref<1602176xi32, #tpu.memory_space<hbm>> -> memref<128xi32, #tpu.memory_space<hbm>>
    tpu.enqueue_dma source(%dma_start3A_48 : memref<128xi32, #tpu.memory_space<hbm>>) target(%dma_start3A_47 : memref<128xi32, #tpu.memory_space<vmem>>) target_semaphore(%arg13 : memref<!tpu.dma_semaphore, #tpu.memory_space<semaphore_mem>>)
    %dma_wait3A = arith.constant 0 : i32
    %dma_wait3A_49 = arith.constant 0 : i32
    %dma_wait3A_50 = tpu.memref_slice %arg7[%dma_wait3A, %dma_wait3A_49] : memref<4x128xi32, #tpu.memory_space<vmem>> -> memref<1x128xi32, #tpu.memory_space<vmem>>
    %dma_wait3A_51 = tpu.memref_squeeze %dma_wait3A_50 : memref<1x128xi32, #tpu.memory_space<vmem>> -> memref<128xi32, #tpu.memory_space<vmem>>
    %dma_wait3A_52 = arith.constant 0 : i32
    %dma_wait3A_53 = tpu.memref_slice %arg3[%dma_wait3A_52] : memref<1602176xi32, #tpu.memory_space<hbm>> -> memref<128xi32, #tpu.memory_space<hbm>>
    %dma_wait3A_54 = arith.constant 0 : i32
    %dma_wait3A_55 = tpu.memref_slice %arg7[%dma_wait3A, %dma_wait3A_54] : memref<4x128xi32, #tpu.memory_space<vmem>> -> memref<1x128xi32, #tpu.memory_space<vmem>>
    %dma_wait3A_56 = tpu.memref_squeeze %dma_wait3A_55 : memref<1x128xi32, #tpu.memory_space<vmem>> -> memref<128xi32, #tpu.memory_space<vmem>>
    %dma_wait3A_57 = arith.constant 0 : i32
    %dma_wait3A_58 = tpu.memref_slice %arg3[%dma_wait3A_57] : memref<1602176xi32, #tpu.memory_space<hbm>> -> memref<128xi32, #tpu.memory_space<hbm>>
    tpu.wait_dma2 semaphore(%arg12 : memref<!tpu.dma_semaphore, #tpu.memory_space<semaphore_mem>>) src(%dma_wait3A_58 : memref<128xi32, #tpu.memory_space<hbm>>) dst(%dma_wait3A_56 : memref<128xi32, #tpu.memory_space<vmem>>)
    %dma_wait3A_59 = arith.constant 0 : i32
    %dma_wait3A_60 = arith.constant 0 : i32
    %dma_wait3A_61 = tpu.memref_slice %arg8[%dma_wait3A_59, %dma_wait3A_60] : memref<4x128xi32, #tpu.memory_space<vmem>> -> memref<1x128xi32, #tpu.memory_space<vmem>>
    %dma_wait3A_62 = tpu.memref_squeeze %dma_wait3A_61 : memref<1x128xi32, #tpu.memory_space<vmem>> -> memref<128xi32, #tpu.memory_space<vmem>>
    %dma_wait3A_63 = arith.constant 0 : i32
    %dma_wait3A_64 = tpu.memref_slice %arg4[%dma_wait3A_63] : memref<1602176xi32, #tpu.memory_space<hbm>> -> memref<128xi32, #tpu.memory_space<hbm>>
    %dma_wait3A_65 = arith.constant 0 : i32
    %dma_wait3A_66 = tpu.memref_slice %arg8[%dma_wait3A_59, %dma_wait3A_65] : memref<4x128xi32, #tpu.memory_space<vmem>> -> memref<1x128xi32, #tpu.memory_space<vmem>>
    %dma_wait3A_67 = tpu.memref_squeeze %dma_wait3A_66 : memref<1x128xi32, #tpu.memory_space<vmem>> -> memref<128xi32, #tpu.memory_space<vmem>>
    %dma_wait3A_68 = arith.constant 0 : i32
    %dma_wait3A_69 = tpu.memref_slice %arg4[%dma_wait3A_68] : memref<1602176xi32, #tpu.memory_space<hbm>> -> memref<128xi32, #tpu.memory_space<hbm>>
    tpu.wait_dma2 semaphore(%arg13 : memref<!tpu.dma_semaphore, #tpu.memory_space<semaphore_mem>>) src(%dma_wait3A_69 : memref<128xi32, #tpu.memory_space<hbm>>) dst(%dma_wait3A_67 : memref<128xi32, #tpu.memory_space<vmem>>)
    %dma_start3A_70 = arith.constant 0 : i32
    %dma_start3A_71 = arith.constant 0 : i32
    %dma_start3A_72 = arith.constant 0 : i32
    %dma_start3A_73 = arith.constant 0 : i32
    %dma_start3A_74 = tpu.memref_slice %arg10[%dma_start3A_71, %dma_start3A_72, %dma_start3A_73] : memref<3x128x64xf32, #tpu.memory_space<vmem>> -> memref<1x128x64xf32, #tpu.memory_space<vmem>>
    %dma_start3A_75 = tpu.memref_squeeze %dma_start3A_74 : memref<1x128x64xf32, #tpu.memory_space<vmem>> -> memref<128x64xf32, #tpu.memory_space<vmem>>
    %dma_start3A_76 = arith.constant 0 : i32
    %dma_start3A_77 = tpu.memref_slice %arg7[%dma_start3A_70, %dma_start3A_76] : memref<4x128xi32, #tpu.memory_space<vmem>> -> memref<1x128xi32, #tpu.memory_space<vmem>>
    %dma_start3A_78 = tpu.memref_squeeze %dma_start3A_77 : memref<1x128xi32, #tpu.memory_space<vmem>> -> memref<128xi32, #tpu.memory_space<vmem>>
    %dma_start3A_79 = arith.constant 0 : i32
    %dma_start3A_80 = arith.constant 0 : i32
    %dma_start3A_81 = tpu.memref_slice %arg2[%dma_start3A_79, %dma_start3A_80] : memref<100352x64xf32, #tpu.memory_space<hbm>> -> memref<100352x64xf32, #tpu.memory_space<hbm>>
    tpu.enqueue_indirect_dma source(%dma_start3A_81 : memref<100352x64xf32, #tpu.memory_space<hbm>>) target(%dma_start3A_75 : memref<128x64xf32, #tpu.memory_space<vmem>>) offsets(%dma_start3A_78 : memref<128xi32, #tpu.memory_space<vmem>>) semaphore(%arg14 : memref<!tpu.dma_semaphore, #tpu.memory_space<semaphore_mem>>)
    %scan3A = arith.constant 0 : i32
    %scan3A_82 = arith.constant 0 : i32
    %scan3A_83 = arith.constant 782 : i32
    %scan3A_84 = arith.addi %scan3A_82, %scan3A_83 : i32
    %scan3A_85 = arith.constant 1 : i32
    scf.for %scan3A_308 = %scan3A_82 to %scan3A_84 step %scan3A_85  : i32 {
      %add3A_309 = arith.constant 2 : i32
      %add3A_310 = arith.addi %scan3A_308, %add3A_309 : i32
      %add3A_311 = arith.constant 2 : i32
      %add3A_312 = arith.addi %scan3A_308, %add3A_311 : i32
      %rem3A = arith.constant 4 : i32
      %rem3A_313 = arith.remsi %add3A_312, %rem3A : i32
      %mul3A_314 = arith.constant 128 : i32
      %mul3A_315 = arith.muli %add3A_310, %mul3A_314 : i32
      %add3A_316 = arith.addi %mul3A_0, %mul3A_315 : i32
      %dma_start3A_317 = arith.constant 0 : i32
      %dma_start3A_318 = tpu.memref_slice %arg7[%rem3A_313, %dma_start3A_317] : memref<4x128xi32, #tpu.memory_space<vmem>> -> memref<1x128xi32, #tpu.memory_space<vmem>>
      %dma_start3A_319 = tpu.memref_squeeze %dma_start3A_318 : memref<1x128xi32, #tpu.memory_space<vmem>> -> memref<128xi32, #tpu.memory_space<vmem>>
      %dma_start3A_320 = tpu.memref_slice %arg3[%add3A_316] : memref<1602176xi32, #tpu.memory_space<hbm>> -> memref<128xi32, #tpu.memory_space<hbm>>
      %dma_start3A_321 = arith.constant 0 : i32
      %dma_start3A_322 = tpu.memref_slice %arg7[%rem3A_313, %dma_start3A_321] : memref<4x128xi32, #tpu.memory_space<vmem>> -> memref<1x128xi32, #tpu.memory_space<vmem>>
      %dma_start3A_323 = tpu.memref_squeeze %dma_start3A_322 : memref<1x128xi32, #tpu.memory_space<vmem>> -> memref<128xi32, #tpu.memory_space<vmem>>
      %dma_start3A_324 = tpu.memref_slice %arg3[%add3A_316] : memref<1602176xi32, #tpu.memory_space<hbm>> -> memref<128xi32, #tpu.memory_space<hbm>>
      tpu.enqueue_dma source(%dma_start3A_324 : memref<128xi32, #tpu.memory_space<hbm>>) target(%dma_start3A_323 : memref<128xi32, #tpu.memory_space<vmem>>) target_semaphore(%arg12 : memref<!tpu.dma_semaphore, #tpu.memory_space<semaphore_mem>>)
      %dma_start3A_325 = arith.constant 0 : i32
      %dma_start3A_326 = tpu.memref_slice %arg8[%rem3A_313, %dma_start3A_325] : memref<4x128xi32, #tpu.memory_space<vmem>> -> memref<1x128xi32, #tpu.memory_space<vmem>>
      %dma_start3A_327 = tpu.memref_squeeze %dma_start3A_326 : memref<1x128xi32, #tpu.memory_space<vmem>> -> memref<128xi32, #tpu.memory_space<vmem>>
      %dma_start3A_328 = tpu.memref_slice %arg4[%add3A_316] : memref<1602176xi32, #tpu.memory_space<hbm>> -> memref<128xi32, #tpu.memory_space<hbm>>
      %dma_start3A_329 = arith.constant 0 : i32
      %dma_start3A_330 = tpu.memref_slice %arg8[%rem3A_313, %dma_start3A_329] : memref<4x128xi32, #tpu.memory_space<vmem>> -> memref<1x128xi32, #tpu.memory_space<vmem>>
      %dma_start3A_331 = tpu.memref_squeeze %dma_start3A_330 : memref<1x128xi32, #tpu.memory_space<vmem>> -> memref<128xi32, #tpu.memory_space<vmem>>
      %dma_start3A_332 = tpu.memref_slice %arg4[%add3A_316] : memref<1602176xi32, #tpu.memory_space<hbm>> -> memref<128xi32, #tpu.memory_space<hbm>>
      tpu.enqueue_dma source(%dma_start3A_332 : memref<128xi32, #tpu.memory_space<hbm>>) target(%dma_start3A_331 : memref<128xi32, #tpu.memory_space<vmem>>) target_semaphore(%arg13 : memref<!tpu.dma_semaphore, #tpu.memory_space<semaphore_mem>>)
      %dma_wait3A_333 = arith.constant 0 : i32
      %dma_wait3A_334 = arith.constant 0 : i32
      %dma_wait3A_335 = tpu.memref_slice %arg7[%dma_wait3A_333, %dma_wait3A_334] : memref<4x128xi32, #tpu.memory_space<vmem>> -> memref<1x128xi32, #tpu.memory_space<vmem>>
      %dma_wait3A_336 = tpu.memref_squeeze %dma_wait3A_335 : memref<1x128xi32, #tpu.memory_space<vmem>> -> memref<128xi32, #tpu.memory_space<vmem>>
      %dma_wait3A_337 = arith.constant 0 : i32
      %dma_wait3A_338 = tpu.memref_slice %arg3[%dma_wait3A_337] : memref<1602176xi32, #tpu.memory_space<hbm>> -> memref<128xi32, #tpu.memory_space<hbm>>
      %dma_wait3A_339 = arith.constant 0 : i32
      %dma_wait3A_340 = tpu.memref_slice %arg7[%dma_wait3A_333, %dma_wait3A_339] : memref<4x128xi32, #tpu.memory_space<vmem>> -> memref<1x128xi32, #tpu.memory_space<vmem>>
      %dma_wait3A_341 = tpu.memref_squeeze %dma_wait3A_340 : memref<1x128xi32, #tpu.memory_space<vmem>> -> memref<128xi32, #tpu.memory_space<vmem>>
      %dma_wait3A_342 = arith.constant 0 : i32
      %dma_wait3A_343 = tpu.memref_slice %arg3[%dma_wait3A_342] : memref<1602176xi32, #tpu.memory_space<hbm>> -> memref<128xi32, #tpu.memory_space<hbm>>
      tpu.wait_dma2 semaphore(%arg12 : memref<!tpu.dma_semaphore, #tpu.memory_space<semaphore_mem>>) src(%dma_wait3A_343 : memref<128xi32, #tpu.memory_space<hbm>>) dst(%dma_wait3A_341 : memref<128xi32, #tpu.memory_space<vmem>>)
      %dma_wait3A_344 = arith.constant 0 : i32
      %dma_wait3A_345 = arith.constant 0 : i32
      %dma_wait3A_346 = tpu.memref_slice %arg8[%dma_wait3A_344, %dma_wait3A_345] : memref<4x128xi32, #tpu.memory_space<vmem>> -> memref<1x128xi32, #tpu.memory_space<vmem>>
      %dma_wait3A_347 = tpu.memref_squeeze %dma_wait3A_346 : memref<1x128xi32, #tpu.memory_space<vmem>> -> memref<128xi32, #tpu.memory_space<vmem>>
      %dma_wait3A_348 = arith.constant 0 : i32
      %dma_wait3A_349 = tpu.memref_slice %arg4[%dma_wait3A_348] : memref<1602176xi32, #tpu.memory_space<hbm>> -> memref<128xi32, #tpu.memory_space<hbm>>
      %dma_wait3A_350 = arith.constant 0 : i32
      %dma_wait3A_351 = tpu.memref_slice %arg8[%dma_wait3A_344, %dma_wait3A_350] : memref<4x128xi32, #tpu.memory_space<vmem>> -> memref<1x128xi32, #tpu.memory_space<vmem>>
      %dma_wait3A_352 = tpu.memref_squeeze %dma_wait3A_351 : memref<1x128xi32, #tpu.memory_space<vmem>> -> memref<128xi32, #tpu.memory_space<vmem>>
      %dma_wait3A_353 = arith.constant 0 : i32
      %dma_wait3A_354 = tpu.memref_slice %arg4[%dma_wait3A_353] : memref<1602176xi32, #tpu.memory_space<hbm>> -> memref<128xi32, #tpu.memory_space<hbm>>
      tpu.wait_dma2 semaphore(%arg13 : memref<!tpu.dma_semaphore, #tpu.memory_space<semaphore_mem>>) src(%dma_wait3A_354 : memref<128xi32, #tpu.memory_space<hbm>>) dst(%dma_wait3A_352 : memref<128xi32, #tpu.memory_space<vmem>>)
      %ge3A = arith.constant 2 : i32
      %ge3A_355 = arith.cmpi sge, %scan3A_308, %ge3A : i32
      %convert_element_type3A = arith.extui %ge3A_355 : i1 to i32
      %cond3A = arith.constant 0 : i32
      %cond3A_356 = arith.cmpi ne, %convert_element_type3A, %cond3A : i32
      scf.if %cond3A_356 {
        %dma_wait3A_595 = arith.constant 0 : i32
        %dma_wait3A_596 = arith.constant 0 : i32
        %dma_wait3A_597 = arith.constant 0 : i32
        %dma_wait3A_598 = arith.constant 0 : i32
        %dma_wait3A_599 = tpu.memref_slice %arg10[%dma_wait3A_595, %dma_wait3A_597, %dma_wait3A_598] : memref<3x128x64xf32, #tpu.memory_space<vmem>> -> memref<1x128x64xf32, #tpu.memory_space<vmem>>
        %dma_wait3A_600 = tpu.memref_squeeze %dma_wait3A_599 : memref<1x128x64xf32, #tpu.memory_space<vmem>> -> memref<128x64xf32, #tpu.memory_space<vmem>>
        %dma_wait3A_601 = arith.constant 0 : i32
        %dma_wait3A_602 = tpu.memref_slice %arg9[%dma_wait3A_596, %dma_wait3A_601] : memref<4x128xi32, #tpu.memory_space<vmem>> -> memref<1x128xi32, #tpu.memory_space<vmem>>
        %dma_wait3A_603 = tpu.memref_squeeze %dma_wait3A_602 : memref<1x128xi32, #tpu.memory_space<vmem>> -> memref<128xi32, #tpu.memory_space<vmem>>
        %dma_wait3A_604 = arith.constant 0 : i32
        %dma_wait3A_605 = arith.constant 0 : i32
        %dma_wait3A_606 = tpu.memref_slice %arg11[%dma_wait3A_604, %dma_wait3A_605] : memref<25344x64xf32, #tpu.memory_space<vmem_shared>> -> memref<25344x64xf32, #tpu.memory_space<vmem_shared>>
        tpu.wait_indirect_dma semaphore(%arg15 : memref<!tpu.dma_semaphore, #tpu.memory_space<semaphore_mem>>) src(%dma_wait3A_600 : memref<128x64xf32, #tpu.memory_space<vmem>>) dst(%dma_wait3A_606 : memref<25344x64xf32, #tpu.memory_space<vmem_shared>>)
      } else {
      }
      %add3A_357 = arith.constant 1 : i32
      %add3A_358 = arith.addi %scan3A_308, %add3A_357 : i32
      %rem3A_359 = arith.constant 4 : i32
      %rem3A_360 = arith.remsi %add3A_358, %rem3A_359 : i32
      %add3A_361 = arith.constant 1 : i32
      %add3A_362 = arith.addi %scan3A_308, %add3A_361 : i32
      %rem3A_363 = arith.constant 3 : i32
      %rem3A_364 = arith.remsi %add3A_362, %rem3A_363 : i32
      %dma_start3A_365 = arith.constant 0 : i32
      %dma_start3A_366 = arith.constant 0 : i32
      %dma_start3A_367 = tpu.memref_slice %arg10[%rem3A_364, %dma_start3A_365, %dma_start3A_366] : memref<3x128x64xf32, #tpu.memory_space<vmem>> -> memref<1x128x64xf32, #tpu.memory_space<vmem>>
      %dma_start3A_368 = tpu.memref_squeeze %dma_start3A_367 : memref<1x128x64xf32, #tpu.memory_space<vmem>> -> memref<128x64xf32, #tpu.memory_space<vmem>>
      %dma_start3A_369 = arith.constant 0 : i32
      %dma_start3A_370 = tpu.memref_slice %arg7[%rem3A_360, %dma_start3A_369] : memref<4x128xi32, #tpu.memory_space<vmem>> -> memref<1x128xi32, #tpu.memory_space<vmem>>
      %dma_start3A_371 = tpu.memref_squeeze %dma_start3A_370 : memref<1x128xi32, #tpu.memory_space<vmem>> -> memref<128xi32, #tpu.memory_space<vmem>>
      %dma_start3A_372 = arith.constant 0 : i32
      %dma_start3A_373 = arith.constant 0 : i32
      %dma_start3A_374 = tpu.memref_slice %arg2[%dma_start3A_372, %dma_start3A_373] : memref<100352x64xf32, #tpu.memory_space<hbm>> -> memref<100352x64xf32, #tpu.memory_space<hbm>>
      tpu.enqueue_indirect_dma source(%dma_start3A_374 : memref<100352x64xf32, #tpu.memory_space<hbm>>) target(%dma_start3A_368 : memref<128x64xf32, #tpu.memory_space<vmem>>) offsets(%dma_start3A_371 : memref<128xi32, #tpu.memory_space<vmem>>) semaphore(%arg14 : memref<!tpu.dma_semaphore, #tpu.memory_space<semaphore_mem>>)
      %rem3A_375 = arith.constant 4 : i32
      %rem3A_376 = arith.remsi %scan3A_308, %rem3A_375 : i32
      %get3A = arith.index_cast %rem3A_376 : i32 to index
      %get3A_377 = arith.constant 0 : index
      %get3A_378 = tpu.vector_load %arg8[%get3A, %get3A_377] {strides = array<i32>} : memref<4x128xi32, #tpu.memory_space<vmem>>, vector<1x16xi32>,
      %get3A_379 = vector.shape_cast %get3A_378 : vector<1x16xi32> to vector<16xi32>
      %sub3A = vector.broadcast %mul3A_5 : i32 to vector<16xi32>
      %sub3A_380 = arith.subi %get3A_379, %sub3A : vector<16xi32>
      %ge3A_381 = arith.constant 0 : i32
      %ge3A_382 = vector.broadcast %ge3A_381 : i32 to vector<16xi32>
      %ge3A_383 = arith.cmpi sge, %sub3A_380, %ge3A_382 : vector<16xi32>
      %lt3A = arith.constant 25088 : i32
      %lt3A_384 = vector.broadcast %lt3A : i32 to vector<16xi32>
      %lt3A_385 = arith.cmpi slt, %sub3A_380, %lt3A_384 : vector<16xi32>
      %and3A = arith.andi %ge3A_383, %lt3A_385 : vector<16xi1>
      %and3A_386 = arith.constant 255 : i32
      %and3A_387 = vector.broadcast %and3A_386 : i32 to vector<16xi32>
      %and3A_388 = arith.andi %get3A_379, %and3A_387 : vector<16xi32>
      %add3A_389 = arith.constant 25088 : i32
      %add3A_390 = vector.broadcast %add3A_389 : i32 to vector<16xi32>
      %add3A_391 = arith.addi %add3A_390, %and3A_388 : vector<16xi32>
      %select_n3A = arith.select %and3A, %sub3A_380, %add3A_391 : vector<16xi1>, vector<16xi32>
      %swap3A = arith.index_cast %rem3A_376 : i32 to index
      %swap3A_392 = arith.constant 0 : index
      %swap3A_393 = tpu.vector_load %arg9[%swap3A, %swap3A_392] {strides = array<i32>} : memref<4x128xi32, #tpu.memory_space<vmem>>, vector<1x16xi32>,
      %swap3A_394 = vector.shape_cast %swap3A_393 : vector<1x16xi32> to vector<16xi32>
      %swap3A_395 = vector.shape_cast %select_n3A : vector<16xi32> to vector<1x16xi32>
      tpu.vector_store %arg9[%swap3A, %swap3A_392], %swap3A_395 {strides = array<i32>} : memref<4x128xi32, #tpu.memory_space<vmem>>, vector<1x16xi32>,
      %get3A_396 = arith.index_cast %rem3A_376 : i32 to index
      %get3A_397 = arith.constant 16 : index
      %get3A_398 = tpu.vector_load %arg8[%get3A_396, %get3A_397] {strides = array<i32>} : memref<4x128xi32, #tpu.memory_space<vmem>>, vector<1x16xi32>,
      %get3A_399 = vector.shape_cast %get3A_398 : vector<1x16xi32> to vector<16xi32>
      %sub3A_400 = vector.broadcast %mul3A_5 : i32 to vector<16xi32>
      %sub3A_401 = arith.subi %get3A_399, %sub3A_400 : vector<16xi32>
      %ge3A_402 = arith.constant 0 : i32
      %ge3A_403 = vector.broadcast %ge3A_402 : i32 to vector<16xi32>
      %ge3A_404 = arith.cmpi sge, %sub3A_401, %ge3A_403 : vector<16xi32>
      %lt3A_405 = arith.constant 25088 : i32
      %lt3A_406 = vector.broadcast %lt3A_405 : i32 to vector<16xi32>
      %lt3A_407 = arith.cmpi slt, %sub3A_401, %lt3A_406 : vector<16xi32>
      %and3A_408 = arith.andi %ge3A_404, %lt3A_407 : vector<16xi1>
      %and3A_409 = arith.constant 255 : i32
      %and3A_410 = vector.broadcast %and3A_409 : i32 to vector<16xi32>
      %and3A_411 = arith.andi %get3A_399, %and3A_410 : vector<16xi32>
      %add3A_412 = arith.constant 25088 : i32
      %add3A_413 = vector.broadcast %add3A_412 : i32 to vector<16xi32>
      %add3A_414 = arith.addi %add3A_413, %and3A_411 : vector<16xi32>
      %select_n3A_415 = arith.select %and3A_408, %sub3A_401, %add3A_414 : vector<16xi1>, vector<16xi32>
      %swap3A_416 = arith.index_cast %rem3A_376 : i32 to index
      %swap3A_417 = arith.constant 16 : index
      %swap3A_418 = tpu.vector_load %arg9[%swap3A_416, %swap3A_417] {strides = array<i32>} : memref<4x128xi32, #tpu.memory_space<vmem>>, vector<1x16xi32>,
      %swap3A_419 = vector.shape_cast %swap3A_418 : vector<1x16xi32> to vector<16xi32>
      %swap3A_420 = vector.shape_cast %select_n3A_415 : vector<16xi32> to vector<1x16xi32>
      tpu.vector_store %arg9[%swap3A_416, %swap3A_417], %swap3A_420 {strides = array<i32>} : memref<4x128xi32, #tpu.memory_space<vmem>>, vector<1x16xi32>,
      %get3A_421 = arith.index_cast %rem3A_376 : i32 to index
      %get3A_422 = arith.constant 32 : index
      %get3A_423 = tpu.vector_load %arg8[%get3A_421, %get3A_422] {strides = array<i32>} : memref<4x128xi32, #tpu.memory_space<vmem>>, vector<1x16xi32>,
      %get3A_424 = vector.shape_cast %get3A_423 : vector<1x16xi32> to vector<16xi32>
      %sub3A_425 = vector.broadcast %mul3A_5 : i32 to vector<16xi32>
      %sub3A_426 = arith.subi %get3A_424, %sub3A_425 : vector<16xi32>
      %ge3A_427 = arith.constant 0 : i32
      %ge3A_428 = vector.broadcast %ge3A_427 : i32 to vector<16xi32>
      %ge3A_429 = arith.cmpi sge, %sub3A_426, %ge3A_428 : vector<16xi32>
      %lt3A_430 = arith.constant 25088 : i32
      %lt3A_431 = vector.broadcast %lt3A_430 : i32 to vector<16xi32>
      %lt3A_432 = arith.cmpi slt, %sub3A_426, %lt3A_431 : vector<16xi32>
      %and3A_433 = arith.andi %ge3A_429, %lt3A_432 : vector<16xi1>
      %and3A_434 = arith.constant 255 : i32
      %and3A_435 = vector.broadcast %and3A_434 : i32 to vector<16xi32>
      %and3A_436 = arith.andi %get3A_424, %and3A_435 : vector<16xi32>
      %add3A_437 = arith.constant 25088 : i32
      %add3A_438 = vector.broadcast %add3A_437 : i32 to vector<16xi32>
      %add3A_439 = arith.addi %add3A_438, %and3A_436 : vector<16xi32>
      %select_n3A_440 = arith.select %and3A_433, %sub3A_426, %add3A_439 : vector<16xi1>, vector<16xi32>
      %swap3A_441 = arith.index_cast %rem3A_376 : i32 to index
      %swap3A_442 = arith.constant 32 : index
      %swap3A_443 = tpu.vector_load %arg9[%swap3A_441, %swap3A_442] {strides = array<i32>} : memref<4x128xi32, #tpu.memory_space<vmem>>, vector<1x16xi32>,
      %swap3A_444 = vector.shape_cast %swap3A_443 : vector<1x16xi32> to vector<16xi32>
      %swap3A_445 = vector.shape_cast %select_n3A_440 : vector<16xi32> to vector<1x16xi32>
      tpu.vector_store %arg9[%swap3A_441, %swap3A_442], %swap3A_445 {strides = array<i32>} : memref<4x128xi32, #tpu.memory_space<vmem>>, vector<1x16xi32>,
      %get3A_446 = arith.index_cast %rem3A_376 : i32 to index
      %get3A_447 = arith.constant 48 : index
      %get3A_448 = tpu.vector_load %arg8[%get3A_446, %get3A_447] {strides = array<i32>} : memref<4x128xi32, #tpu.memory_space<vmem>>, vector<1x16xi32>,
      %get3A_449 = vector.shape_cast %get3A_448 : vector<1x16xi32> to vector<16xi32>
      %sub3A_450 = vector.broadcast %mul3A_5 : i32 to vector<16xi32>
      %sub3A_451 = arith.subi %get3A_449, %sub3A_450 : vector<16xi32>
      %ge3A_452 = arith.constant 0 : i32
      %ge3A_453 = vector.broadcast %ge3A_452 : i32 to vector<16xi32>
      %ge3A_454 = arith.cmpi sge, %sub3A_451, %ge3A_453 : vector<16xi32>
      %lt3A_455 = arith.constant 25088 : i32
      %lt3A_456 = vector.broadcast %lt3A_455 : i32 to vector<16xi32>
      %lt3A_457 = arith.cmpi slt, %sub3A_451, %lt3A_456 : vector<16xi32>
      %and3A_458 = arith.andi %ge3A_454, %lt3A_457 : vector<16xi1>
      %and3A_459 = arith.constant 255 : i32
      %and3A_460 = vector.broadcast %and3A_459 : i32 to vector<16xi32>
      %and3A_461 = arith.andi %get3A_449, %and3A_460 : vector<16xi32>
      %add3A_462 = arith.constant 25088 : i32
      %add3A_463 = vector.broadcast %add3A_462 : i32 to vector<16xi32>
      %add3A_464 = arith.addi %add3A_463, %and3A_461 : vector<16xi32>
      %select_n3A_465 = arith.select %and3A_458, %sub3A_451, %add3A_464 : vector<16xi1>, vector<16xi32>
      %swap3A_466 = arith.index_cast %rem3A_376 : i32 to index
      %swap3A_467 = arith.constant 48 : index
      %swap3A_468 = tpu.vector_load %arg9[%swap3A_466, %swap3A_467] {strides = array<i32>} : memref<4x128xi32, #tpu.memory_space<vmem>>, vector<1x16xi32>,
      %swap3A_469 = vector.shape_cast %swap3A_468 : vector<1x16xi32> to vector<16xi32>
      %swap3A_470 = vector.shape_cast %select_n3A_465 : vector<16xi32> to vector<1x16xi32>
      tpu.vector_store %arg9[%swap3A_466, %swap3A_467], %swap3A_470 {strides = array<i32>} : memref<4x128xi32, #tpu.memory_space<vmem>>, vector<1x16xi32>,
      %get3A_471 = arith.index_cast %rem3A_376 : i32 to index
      %get3A_472 = arith.constant 64 : index
      %get3A_473 = tpu.vector_load %arg8[%get3A_471, %get3A_472] {strides = array<i32>} : memref<4x128xi32, #tpu.memory_space<vmem>>, vector<1x16xi32>,
      %get3A_474 = vector.shape_cast %get3A_473 : vector<1x16xi32> to vector<16xi32>
      %sub3A_475 = vector.broadcast %mul3A_5 : i32 to vector<16xi32>
      %sub3A_476 = arith.subi %get3A_474, %sub3A_475 : vector<16xi32>
      %ge3A_477 = arith.constant 0 : i32
      %ge3A_478 = vector.broadcast %ge3A_477 : i32 to vector<16xi32>
      %ge3A_479 = arith.cmpi sge, %sub3A_476, %ge3A_478 : vector<16xi32>
      %lt3A_480 = arith.constant 25088 : i32
      %lt3A_481 = vector.broadcast %lt3A_480 : i32 to vector<16xi32>
      %lt3A_482 = arith.cmpi slt, %sub3A_476, %lt3A_481 : vector<16xi32>
      %and3A_483 = arith.andi %ge3A_479, %lt3A_482 : vector<16xi1>
      %and3A_484 = arith.constant 255 : i32
      %and3A_485 = vector.broadcast %and3A_484 : i32 to vector<16xi32>
      %and3A_486 = arith.andi %get3A_474, %and3A_485 : vector<16xi32>
      %add3A_487 = arith.constant 25088 : i32
      %add3A_488 = vector.broadcast %add3A_487 : i32 to vector<16xi32>
      %add3A_489 = arith.addi %add3A_488, %and3A_486 : vector<16xi32>
      %select_n3A_490 = arith.select %and3A_483, %sub3A_476, %add3A_489 : vector<16xi1>, vector<16xi32>
      %swap3A_491 = arith.index_cast %rem3A_376 : i32 to index
      %swap3A_492 = arith.constant 64 : index
      %swap3A_493 = tpu.vector_load %arg9[%swap3A_491, %swap3A_492] {strides = array<i32>} : memref<4x128xi32, #tpu.memory_space<vmem>>, vector<1x16xi32>,
      %swap3A_494 = vector.shape_cast %swap3A_493 : vector<1x16xi32> to vector<16xi32>
      %swap3A_495 = vector.shape_cast %select_n3A_490 : vector<16xi32> to vector<1x16xi32>
      tpu.vector_store %arg9[%swap3A_491, %swap3A_492], %swap3A_495 {strides = array<i32>} : memref<4x128xi32, #tpu.memory_space<vmem>>, vector<1x16xi32>,
      %get3A_496 = arith.index_cast %rem3A_376 : i32 to index
      %get3A_497 = arith.constant 80 : index
      %get3A_498 = tpu.vector_load %arg8[%get3A_496, %get3A_497] {strides = array<i32>} : memref<4x128xi32, #tpu.memory_space<vmem>>, vector<1x16xi32>,
      %get3A_499 = vector.shape_cast %get3A_498 : vector<1x16xi32> to vector<16xi32>
      %sub3A_500 = vector.broadcast %mul3A_5 : i32 to vector<16xi32>
      %sub3A_501 = arith.subi %get3A_499, %sub3A_500 : vector<16xi32>
      %ge3A_502 = arith.constant 0 : i32
      %ge3A_503 = vector.broadcast %ge3A_502 : i32 to vector<16xi32>
      %ge3A_504 = arith.cmpi sge, %sub3A_501, %ge3A_503 : vector<16xi32>
      %lt3A_505 = arith.constant 25088 : i32
      %lt3A_506 = vector.broadcast %lt3A_505 : i32 to vector<16xi32>
      %lt3A_507 = arith.cmpi slt, %sub3A_501, %lt3A_506 : vector<16xi32>
      %and3A_508 = arith.andi %ge3A_504, %lt3A_507 : vector<16xi1>
      %and3A_509 = arith.constant 255 : i32
      %and3A_510 = vector.broadcast %and3A_509 : i32 to vector<16xi32>
      %and3A_511 = arith.andi %get3A_499, %and3A_510 : vector<16xi32>
      %add3A_512 = arith.constant 25088 : i32
      %add3A_513 = vector.broadcast %add3A_512 : i32 to vector<16xi32>
      %add3A_514 = arith.addi %add3A_513, %and3A_511 : vector<16xi32>
      %select_n3A_515 = arith.select %and3A_508, %sub3A_501, %add3A_514 : vector<16xi1>, vector<16xi32>
      %swap3A_516 = arith.index_cast %rem3A_376 : i32 to index
      %swap3A_517 = arith.constant 80 : index
      %swap3A_518 = tpu.vector_load %arg9[%swap3A_516, %swap3A_517] {strides = array<i32>} : memref<4x128xi32, #tpu.memory_space<vmem>>, vector<1x16xi32>,
      %swap3A_519 = vector.shape_cast %swap3A_518 : vector<1x16xi32> to vector<16xi32>
      %swap3A_520 = vector.shape_cast %select_n3A_515 : vector<16xi32> to vector<1x16xi32>
      tpu.vector_store %arg9[%swap3A_516, %swap3A_517], %swap3A_520 {strides = array<i32>} : memref<4x128xi32, #tpu.memory_space<vmem>>, vector<1x16xi32>,
      %get3A_521 = arith.index_cast %rem3A_376 : i32 to index
      %get3A_522 = arith.constant 96 : index
      %get3A_523 = tpu.vector_load %arg8[%get3A_521, %get3A_522] {strides = array<i32>} : memref<4x128xi32, #tpu.memory_space<vmem>>, vector<1x16xi32>,
      %get3A_524 = vector.shape_cast %get3A_523 : vector<1x16xi32> to vector<16xi32>
      %sub3A_525 = vector.broadcast %mul3A_5 : i32 to vector<16xi32>
      %sub3A_526 = arith.subi %get3A_524, %sub3A_525 : vector<16xi32>
      %ge3A_527 = arith.constant 0 : i32
      %ge3A_528 = vector.broadcast %ge3A_527 : i32 to vector<16xi32>
      %ge3A_529 = arith.cmpi sge, %sub3A_526, %ge3A_528 : vector<16xi32>
      %lt3A_530 = arith.constant 25088 : i32
      %lt3A_531 = vector.broadcast %lt3A_530 : i32 to vector<16xi32>
      %lt3A_532 = arith.cmpi slt, %sub3A_526, %lt3A_531 : vector<16xi32>
      %and3A_533 = arith.andi %ge3A_529, %lt3A_532 : vector<16xi1>
      %and3A_534 = arith.constant 255 : i32
      %and3A_535 = vector.broadcast %and3A_534 : i32 to vector<16xi32>
      %and3A_536 = arith.andi %get3A_524, %and3A_535 : vector<16xi32>
      %add3A_537 = arith.constant 25088 : i32
      %add3A_538 = vector.broadcast %add3A_537 : i32 to vector<16xi32>
      %add3A_539 = arith.addi %add3A_538, %and3A_536 : vector<16xi32>
      %select_n3A_540 = arith.select %and3A_533, %sub3A_526, %add3A_539 : vector<16xi1>, vector<16xi32>
      %swap3A_541 = arith.index_cast %rem3A_376 : i32 to index
      %swap3A_542 = arith.constant 96 : index
      %swap3A_543 = tpu.vector_load %arg9[%swap3A_541, %swap3A_542] {strides = array<i32>} : memref<4x128xi32, #tpu.memory_space<vmem>>, vector<1x16xi32>,
      %swap3A_544 = vector.shape_cast %swap3A_543 : vector<1x16xi32> to vector<16xi32>
      %swap3A_545 = vector.shape_cast %select_n3A_540 : vector<16xi32> to vector<1x16xi32>
      tpu.vector_store %arg9[%swap3A_541, %swap3A_542], %swap3A_545 {strides = array<i32>} : memref<4x128xi32, #tpu.memory_space<vmem>>, vector<1x16xi32>,
      %get3A_546 = arith.index_cast %rem3A_376 : i32 to index
      %get3A_547 = arith.constant 112 : index
      %get3A_548 = tpu.vector_load %arg8[%get3A_546, %get3A_547] {strides = array<i32>} : memref<4x128xi32, #tpu.memory_space<vmem>>, vector<1x16xi32>,
      %get3A_549 = vector.shape_cast %get3A_548 : vector<1x16xi32> to vector<16xi32>
      %sub3A_550 = vector.broadcast %mul3A_5 : i32 to vector<16xi32>
      %sub3A_551 = arith.subi %get3A_549, %sub3A_550 : vector<16xi32>
      %ge3A_552 = arith.constant 0 : i32
      %ge3A_553 = vector.broadcast %ge3A_552 : i32 to vector<16xi32>
      %ge3A_554 = arith.cmpi sge, %sub3A_551, %ge3A_553 : vector<16xi32>
      %lt3A_555 = arith.constant 25088 : i32
      %lt3A_556 = vector.broadcast %lt3A_555 : i32 to vector<16xi32>
      %lt3A_557 = arith.cmpi slt, %sub3A_551, %lt3A_556 : vector<16xi32>
      %and3A_558 = arith.andi %ge3A_554, %lt3A_557 : vector<16xi1>
      %and3A_559 = arith.constant 255 : i32
      %and3A_560 = vector.broadcast %and3A_559 : i32 to vector<16xi32>
      %and3A_561 = arith.andi %get3A_549, %and3A_560 : vector<16xi32>
      %add3A_562 = arith.constant 25088 : i32
      %add3A_563 = vector.broadcast %add3A_562 : i32 to vector<16xi32>
      %add3A_564 = arith.addi %add3A_563, %and3A_561 : vector<16xi32>
      %select_n3A_565 = arith.select %and3A_558, %sub3A_551, %add3A_564 : vector<16xi1>, vector<16xi32>
      %swap3A_566 = arith.index_cast %rem3A_376 : i32 to index
      %swap3A_567 = arith.constant 112 : index
      %swap3A_568 = tpu.vector_load %arg9[%swap3A_566, %swap3A_567] {strides = array<i32>} : memref<4x128xi32, #tpu.memory_space<vmem>>, vector<1x16xi32>,
      %swap3A_569 = vector.shape_cast %swap3A_568 : vector<1x16xi32> to vector<16xi32>
      %swap3A_570 = vector.shape_cast %select_n3A_565 : vector<16xi32> to vector<1x16xi32>
      tpu.vector_store %arg9[%swap3A_566, %swap3A_567], %swap3A_570 {strides = array<i32>} : memref<4x128xi32, #tpu.memory_space<vmem>>, vector<1x16xi32>,
      %dma_wait3A_571 = arith.constant 0 : i32
      %dma_wait3A_572 = arith.constant 0 : i32
      %dma_wait3A_573 = arith.constant 0 : i32
      %dma_wait3A_574 = arith.constant 0 : i32
      %dma_wait3A_575 = tpu.memref_slice %arg10[%dma_wait3A_572, %dma_wait3A_573, %dma_wait3A_574] : memref<3x128x64xf32, #tpu.memory_space<vmem>> -> memref<1x128x64xf32, #tpu.memory_space<vmem>>
      %dma_wait3A_576 = tpu.memref_squeeze %dma_wait3A_575 : memref<1x128x64xf32, #tpu.memory_space<vmem>> -> memref<128x64xf32, #tpu.memory_space<vmem>>
      %dma_wait3A_577 = arith.constant 0 : i32
      %dma_wait3A_578 = tpu.memref_slice %arg7[%dma_wait3A_571, %dma_wait3A_577] : memref<4x128xi32, #tpu.memory_space<vmem>> -> memref<1x128xi32, #tpu.memory_space<vmem>>
      %dma_wait3A_579 = tpu.memref_squeeze %dma_wait3A_578 : memref<1x128xi32, #tpu.memory_space<vmem>> -> memref<128xi32, #tpu.memory_space<vmem>>
      %dma_wait3A_580 = arith.constant 0 : i32
      %dma_wait3A_581 = arith.constant 0 : i32
      %dma_wait3A_582 = tpu.memref_slice %arg2[%dma_wait3A_580, %dma_wait3A_581] : memref<100352x64xf32, #tpu.memory_space<hbm>> -> memref<100352x64xf32, #tpu.memory_space<hbm>>
      tpu.wait_indirect_dma semaphore(%arg14 : memref<!tpu.dma_semaphore, #tpu.memory_space<semaphore_mem>>) src(%dma_wait3A_582 : memref<100352x64xf32, #tpu.memory_space<hbm>>) dst(%dma_wait3A_576 : memref<128x64xf32, #tpu.memory_space<vmem>>)
      %rem3A_583 = arith.constant 3 : i32
      %rem3A_584 = arith.remsi %scan3A_308, %rem3A_583 : i32
      %dma_start3A_585 = arith.constant 0 : i32
      %dma_start3A_586 = arith.constant 0 : i32
      %dma_start3A_587 = tpu.memref_slice %arg10[%rem3A_584, %dma_start3A_585, %dma_start3A_586] : memref<3x128x64xf32, #tpu.memory_space<vmem>> -> memref<1x128x64xf32, #tpu.memory_space<vmem>>
      %dma_start3A_588 = tpu.memref_squeeze %dma_start3A_587 : memref<1x128x64xf32, #tpu.memory_space<vmem>> -> memref<128x64xf32, #tpu.memory_space<vmem>>
      %dma_start3A_589 = arith.constant 0 : i32
      %dma_start3A_590 = tpu.memref_slice %arg9[%rem3A_376, %dma_start3A_589] : memref<4x128xi32, #tpu.memory_space<vmem>> -> memref<1x128xi32, #tpu.memory_space<vmem>>
      %dma_start3A_591 = tpu.memref_squeeze %dma_start3A_590 : memref<1x128xi32, #tpu.memory_space<vmem>> -> memref<128xi32, #tpu.memory_space<vmem>>
      %dma_start3A_592 = arith.constant 0 : i32
      %dma_start3A_593 = arith.constant 0 : i32
      %dma_start3A_594 = tpu.memref_slice %arg11[%dma_start3A_592, %dma_start3A_593] : memref<25344x64xf32, #tpu.memory_space<vmem_shared>> -> memref<25344x64xf32, #tpu.memory_space<vmem_shared>>
      tpu.enqueue_indirect_dma source(%dma_start3A_588 : memref<128x64xf32, #tpu.memory_space<vmem>>) target(%dma_start3A_594 : memref<25344x64xf32, #tpu.memory_space<vmem_shared>>) offsets(%dma_start3A_591 : memref<128xi32, #tpu.memory_space<vmem>>) semaphore(%arg15 : memref<!tpu.dma_semaphore, #tpu.memory_space<semaphore_mem>>) {add = true}
    }
    %scan3A_86 = arith.constant 782 : i32
    %dma_wait3A_87 = arith.constant 0 : i32
    %dma_wait3A_88 = arith.constant 0 : i32
    %dma_wait3A_89 = arith.constant 0 : i32
    %dma_wait3A_90 = arith.constant 0 : i32
    %dma_wait3A_91 = tpu.memref_slice %arg10[%dma_wait3A_87, %dma_wait3A_89, %dma_wait3A_90] : memref<3x128x64xf32, #tpu.memory_space<vmem>> -> memref<1x128x64xf32, #tpu.memory_space<vmem>>
    %dma_wait3A_92 = tpu.memref_squeeze %dma_wait3A_91 : memref<1x128x64xf32, #tpu.memory_space<vmem>> -> memref<128x64xf32, #tpu.memory_space<vmem>>
    %dma_wait3A_93 = arith.constant 0 : i32
    %dma_wait3A_94 = tpu.memref_slice %arg9[%dma_wait3A_88, %dma_wait3A_93] : memref<4x128xi32, #tpu.memory_space<vmem>> -> memref<1x128xi32, #tpu.memory_space<vmem>>
    %dma_wait3A_95 = tpu.memref_squeeze %dma_wait3A_94 : memref<1x128xi32, #tpu.memory_space<vmem>> -> memref<128xi32, #tpu.memory_space<vmem>>
    %dma_wait3A_96 = arith.constant 0 : i32
    %dma_wait3A_97 = arith.constant 0 : i32
    %dma_wait3A_98 = tpu.memref_slice %arg11[%dma_wait3A_96, %dma_wait3A_97] : memref<25344x64xf32, #tpu.memory_space<vmem_shared>> -> memref<25344x64xf32, #tpu.memory_space<vmem_shared>>
    tpu.wait_indirect_dma semaphore(%arg15 : memref<!tpu.dma_semaphore, #tpu.memory_space<semaphore_mem>>) src(%dma_wait3A_92 : memref<128x64xf32, #tpu.memory_space<vmem>>) dst(%dma_wait3A_98 : memref<25344x64xf32, #tpu.memory_space<vmem_shared>>)
    %dma_wait3A_99 = arith.constant 0 : i32
    %dma_wait3A_100 = arith.constant 0 : i32
    %dma_wait3A_101 = arith.constant 0 : i32
    %dma_wait3A_102 = arith.constant 0 : i32
    %dma_wait3A_103 = tpu.memref_slice %arg10[%dma_wait3A_99, %dma_wait3A_101, %dma_wait3A_102] : memref<3x128x64xf32, #tpu.memory_space<vmem>> -> memref<1x128x64xf32, #tpu.memory_space<vmem>>
    %dma_wait3A_104 = tpu.memref_squeeze %dma_wait3A_103 : memref<1x128x64xf32, #tpu.memory_space<vmem>> -> memref<128x64xf32, #tpu.memory_space<vmem>>
    %dma_wait3A_105 = arith.constant 0 : i32
    %dma_wait3A_106 = tpu.memref_slice %arg9[%dma_wait3A_100, %dma_wait3A_105] : memref<4x128xi32, #tpu.memory_space<vmem>> -> memref<1x128xi32, #tpu.memory_space<vmem>>
    %dma_wait3A_107 = tpu.memref_squeeze %dma_wait3A_106 : memref<1x128xi32, #tpu.memory_space<vmem>> -> memref<128xi32, #tpu.memory_space<vmem>>
    %dma_wait3A_108 = arith.constant 0 : i32
    %dma_wait3A_109 = arith.constant 0 : i32
    %dma_wait3A_110 = tpu.memref_slice %arg11[%dma_wait3A_108, %dma_wait3A_109] : memref<25344x64xf32, #tpu.memory_space<vmem_shared>> -> memref<25344x64xf32, #tpu.memory_space<vmem_shared>>
    tpu.wait_indirect_dma semaphore(%arg15 : memref<!tpu.dma_semaphore, #tpu.memory_space<semaphore_mem>>) src(%dma_wait3A_104 : memref<128x64xf32, #tpu.memory_space<vmem>>) dst(%dma_wait3A_110 : memref<25344x64xf32, #tpu.memory_space<vmem_shared>>)
    %dma_wait3A_111 = arith.constant 0 : i32
    %dma_wait3A_112 = arith.constant 0 : i32
    %dma_wait3A_113 = arith.constant 0 : i32
    %dma_wait3A_114 = arith.constant 0 : i32
    %dma_wait3A_115 = tpu.memref_slice %arg10[%dma_wait3A_112, %dma_wait3A_113, %dma_wait3A_114] : memref<3x128x64xf32, #tpu.memory_space<vmem>> -> memref<1x128x64xf32, #tpu.memory_space<vmem>>
    %dma_wait3A_116 = tpu.memref_squeeze %dma_wait3A_115 : memref<1x128x64xf32, #tpu.memory_space<vmem>> -> memref<128x64xf32, #tpu.memory_space<vmem>>
    %dma_wait3A_117 = arith.constant 0 : i32
    %dma_wait3A_118 = tpu.memref_slice %arg7[%dma_wait3A_111, %dma_wait3A_117] : memref<4x128xi32, #tpu.memory_space<vmem>> -> memref<1x128xi32, #tpu.memory_space<vmem>>
    %dma_wait3A_119 = tpu.memref_squeeze %dma_wait3A_118 : memref<1x128xi32, #tpu.memory_space<vmem>> -> memref<128xi32, #tpu.memory_space<vmem>>
    %dma_wait3A_120 = arith.constant 0 : i32
    %dma_wait3A_121 = arith.constant 0 : i32
    %dma_wait3A_122 = tpu.memref_slice %arg2[%dma_wait3A_120, %dma_wait3A_121] : memref<100352x64xf32, #tpu.memory_space<hbm>> -> memref<100352x64xf32, #tpu.memory_space<hbm>>
    tpu.wait_indirect_dma semaphore(%arg14 : memref<!tpu.dma_semaphore, #tpu.memory_space<semaphore_mem>>) src(%dma_wait3A_122 : memref<100352x64xf32, #tpu.memory_space<hbm>>) dst(%dma_wait3A_116 : memref<128x64xf32, #tpu.memory_space<vmem>>)
    %dma_wait3A_123 = arith.constant 0 : i32
    %dma_wait3A_124 = arith.constant 0 : i32
    %dma_wait3A_125 = tpu.memref_slice %arg7[%dma_wait3A_123, %dma_wait3A_124] : memref<4x128xi32, #tpu.memory_space<vmem>> -> memref<1x128xi32, #tpu.memory_space<vmem>>
    %dma_wait3A_126 = tpu.memref_squeeze %dma_wait3A_125 : memref<1x128xi32, #tpu.memory_space<vmem>> -> memref<128xi32, #tpu.memory_space<vmem>>
    %dma_wait3A_127 = arith.constant 0 : i32
    %dma_wait3A_128 = tpu.memref_slice %arg3[%dma_wait3A_127] : memref<1602176xi32, #tpu.memory_space<hbm>> -> memref<128xi32, #tpu.memory_space<hbm>>
    %dma_wait3A_129 = arith.constant 0 : i32
    %dma_wait3A_130 = tpu.memref_slice %arg7[%dma_wait3A_123, %dma_wait3A_129] : memref<4x128xi32, #tpu.memory_space<vmem>> -> memref<1x128xi32, #tpu.memory_space<vmem>>
    %dma_wait3A_131 = tpu.memref_squeeze %dma_wait3A_130 : memref<1x128xi32, #tpu.memory_space<vmem>> -> memref<128xi32, #tpu.memory_space<vmem>>
    %dma_wait3A_132 = arith.constant 0 : i32
    %dma_wait3A_133 = tpu.memref_slice %arg3[%dma_wait3A_132] : memref<1602176xi32, #tpu.memory_space<hbm>> -> memref<128xi32, #tpu.memory_space<hbm>>
    tpu.wait_dma2 semaphore(%arg12 : memref<!tpu.dma_semaphore, #tpu.memory_space<semaphore_mem>>) src(%dma_wait3A_133 : memref<128xi32, #tpu.memory_space<hbm>>) dst(%dma_wait3A_131 : memref<128xi32, #tpu.memory_space<vmem>>)
    %dma_wait3A_134 = arith.constant 0 : i32
    %dma_wait3A_135 = arith.constant 0 : i32
    %dma_wait3A_136 = tpu.memref_slice %arg8[%dma_wait3A_134, %dma_wait3A_135] : memref<4x128xi32, #tpu.memory_space<vmem>> -> memref<1x128xi32, #tpu.memory_space<vmem>>
    %dma_wait3A_137 = tpu.memref_squeeze %dma_wait3A_136 : memref<1x128xi32, #tpu.memory_space<vmem>> -> memref<128xi32, #tpu.memory_space<vmem>>
    %dma_wait3A_138 = arith.constant 0 : i32
    %dma_wait3A_139 = tpu.memref_slice %arg4[%dma_wait3A_138] : memref<1602176xi32, #tpu.memory_space<hbm>> -> memref<128xi32, #tpu.memory_space<hbm>>
    %dma_wait3A_140 = arith.constant 0 : i32
    %dma_wait3A_141 = tpu.memref_slice %arg8[%dma_wait3A_134, %dma_wait3A_140] : memref<4x128xi32, #tpu.memory_space<vmem>> -> memref<1x128xi32, #tpu.memory_space<vmem>>
    %dma_wait3A_142 = tpu.memref_squeeze %dma_wait3A_141 : memref<1x128xi32, #tpu.memory_space<vmem>> -> memref<128xi32, #tpu.memory_space<vmem>>
    %dma_wait3A_143 = arith.constant 0 : i32
    %dma_wait3A_144 = tpu.memref_slice %arg4[%dma_wait3A_143] : memref<1602176xi32, #tpu.memory_space<hbm>> -> memref<128xi32, #tpu.memory_space<hbm>>
    tpu.wait_dma2 semaphore(%arg13 : memref<!tpu.dma_semaphore, #tpu.memory_space<semaphore_mem>>) src(%dma_wait3A_144 : memref<128xi32, #tpu.memory_space<hbm>>) dst(%dma_wait3A_142 : memref<128xi32, #tpu.memory_space<vmem>>)
    %barrier3A_145 = arith.constant 0 : index
    tpu.barrier barrier_id(%barrier3A_145)
    %mul3A_146 = arith.constant 1568 : i32
    %mul3A_147 = arith.muli %arg1, %mul3A_146 : i32
    %mul3A_148 = arith.constant 1568 : i32
    %mul3A_149 = arith.muli %arg1, %mul3A_148 : i32
    %add3A_150 = arith.addi %mul3A_5, %mul3A_149 : i32
    "tpu.region"() ({
      %run_scoped3A = tpu.sem_alloc : memref<!tpu.dma_semaphore, #tpu.memory_space<semaphore_mem>>
      %dma_start3A_308 = arith.constant 0 : i32
      %dma_start3A_309 = tpu.memref_slice %arg6[%add3A_150, %dma_start3A_308] : memref<100352x64xf32, #tpu.memory_space<hbm>> -> memref<1568x64xf32, #tpu.memory_space<hbm>>
      %dma_start3A_310 = arith.constant 0 : i32
      %dma_start3A_311 = tpu.memref_slice %arg11[%mul3A_147, %dma_start3A_310] : memref<25344x64xf32, #tpu.memory_space<vmem_shared>> -> memref<1568x64xf32, #tpu.memory_space<vmem_shared>>
      tpu.enqueue_dma source(%dma_start3A_311 : memref<1568x64xf32, #tpu.memory_space<vmem_shared>>) target(%dma_start3A_309 : memref<1568x64xf32, #tpu.memory_space<hbm>>) target_semaphore(%run_scoped3A : memref<!tpu.dma_semaphore, #tpu.memory_space<semaphore_mem>>)
      %dma_wait3A_312 = arith.constant 0 : i32
      %dma_wait3A_313 = tpu.memref_slice %arg6[%add3A_150, %dma_wait3A_312] : memref<100352x64xf32, #tpu.memory_space<hbm>> -> memref<1568x64xf32, #tpu.memory_space<hbm>>
      %dma_wait3A_314 = arith.constant 0 : i32
      %dma_wait3A_315 = tpu.memref_slice %arg11[%mul3A_147, %dma_wait3A_314] : memref<25344x64xf32, #tpu.memory_space<vmem_shared>> -> memref<1568x64xf32, #tpu.memory_space<vmem_shared>>
      tpu.wait_dma2 semaphore(%run_scoped3A : memref<!tpu.dma_semaphore, #tpu.memory_space<semaphore_mem>>) src(%dma_wait3A_315 : memref<1568x64xf32, #tpu.memory_space<vmem_shared>>) dst(%dma_wait3A_313 : memref<1568x64xf32, #tpu.memory_space<hbm>>)
      tpu.yield
    }) : () -> ()
    %barrier3A_151 = arith.constant 0 : index
    tpu.barrier barrier_id(%barrier3A_151)
    %mul3A_152 = arith.constant 2 : i32
    %mul3A_153 = arith.muli %arg0, %mul3A_152 : i32
    %add3A_154 = arith.constant 1 : i32
    %add3A_155 = arith.addi %mul3A_153, %add3A_154 : i32
    %mul3A_156 = arith.constant 25088 : i32
    %mul3A_157 = arith.muli %add3A_155, %mul3A_156 : i32
    %mul3A_158 = arith.constant 1584 : i32
    %mul3A_159 = arith.muli %arg1, %mul3A_158 : i32
    %mul3A_160 = arith.constant 1584 : i32
    %mul3A_161 = arith.muli %arg1, %mul3A_160 : i32
    "tpu.region"() ({
      %run_scoped3A = tpu.sem_alloc : memref<!tpu.dma_semaphore, #tpu.memory_space<semaphore_mem>>
      %dma_start3A_308 = arith.constant 0 : i32
      %dma_start3A_309 = tpu.memref_slice %arg11[%mul3A_161, %dma_start3A_308] : memref<25344x64xf32, #tpu.memory_space<vmem_shared>> -> memref<1584x64xf32, #tpu.memory_space<vmem_shared>>
      %dma_start3A_310 = arith.constant 0 : i32
      %dma_start3A_311 = tpu.memref_slice %arg5[%mul3A_159, %dma_start3A_310] : memref<25344x64xf32, #tpu.memory_space<hbm>> -> memref<1584x64xf32, #tpu.memory_space<hbm>>
      tpu.enqueue_dma source(%dma_start3A_311 : memref<1584x64xf32, #tpu.memory_space<hbm>>) target(%dma_start3A_309 : memref<1584x64xf32, #tpu.memory_space<vmem_shared>>) target_semaphore(%run_scoped3A : memref<!tpu.dma_semaphore, #tpu.memory_space<semaphore_mem>>)
      %dma_wait3A_312 = arith.constant 0 : i32
      %dma_wait3A_313 = tpu.memref_slice %arg11[%mul3A_161, %dma_wait3A_312] : memref<25344x64xf32, #tpu.memory_space<vmem_shared>> -> memref<1584x64xf32, #tpu.memory_space<vmem_shared>>
      %dma_wait3A_314 = arith.constant 0 : i32
      %dma_wait3A_315 = tpu.memref_slice %arg5[%mul3A_159, %dma_wait3A_314] : memref<25344x64xf32, #tpu.memory_space<hbm>> -> memref<1584x64xf32, #tpu.memory_space<hbm>>
      tpu.wait_dma2 semaphore(%run_scoped3A : memref<!tpu.dma_semaphore, #tpu.memory_space<semaphore_mem>>) src(%dma_wait3A_315 : memref<1584x64xf32, #tpu.memory_space<hbm>>) dst(%dma_wait3A_313 : memref<1584x64xf32, #tpu.memory_space<vmem_shared>>)
      tpu.yield
    }) : () -> ()
    %barrier3A_162 = arith.constant 0 : index
    tpu.barrier barrier_id(%barrier3A_162)
    %add3A_163 = arith.constant 0 : i32
    %add3A_164 = arith.addi %mul3A_0, %add3A_163 : i32
    %dma_start3A_165 = arith.constant 0 : i32
    %dma_start3A_166 = arith.constant 0 : i32
    %dma_start3A_167 = tpu.memref_slice %arg7[%dma_start3A_165, %dma_start3A_166] : memref<4x128xi32, #tpu.memory_space<vmem>> -> memref<1x128xi32, #tpu.memory_space<vmem>>
    %dma_start3A_168 = tpu.memref_squeeze %dma_start3A_167 : memref<1x128xi32, #tpu.memory_space<vmem>> -> memref<128xi32, #tpu.memory_space<vmem>>
    %dma_start3A_169 = tpu.memref_slice %arg3[%add3A_164] : memref<1602176xi32, #tpu.memory_space<hbm>> -> memref<128xi32, #tpu.memory_space<hbm>>
    %dma_start3A_170 = arith.constant 0 : i32
    %dma_start3A_171 = tpu.memref_slice %arg7[%dma_start3A_165, %dma_start3A_170] : memref<4x128xi32, #tpu.memory_space<vmem>> -> memref<1x128xi32, #tpu.memory_space<vmem>>
    %dma_start3A_172 = tpu.memref_squeeze %dma_start3A_171 : memref<1x128xi32, #tpu.memory_space<vmem>> -> memref<128xi32, #tpu.memory_space<vmem>>
    %dma_start3A_173 = tpu.memref_slice %arg3[%add3A_164] : memref<1602176xi32, #tpu.memory_space<hbm>> -> memref<128xi32, #tpu.memory_space<hbm>>
    tpu.enqueue_dma source(%dma_start3A_173 : memref<128xi32, #tpu.memory_space<hbm>>) target(%dma_start3A_172 : memref<128xi32, #tpu.memory_space<vmem>>) target_semaphore(%arg12 : memref<!tpu.dma_semaphore, #tpu.memory_space<semaphore_mem>>)
    %dma_start3A_174 = arith.constant 0 : i32
    %dma_start3A_175 = arith.constant 0 : i32
    %dma_start3A_176 = tpu.memref_slice %arg8[%dma_start3A_174, %dma_start3A_175] : memref<4x128xi32, #tpu.memory_space<vmem>> -> memref<1x128xi32, #tpu.memory_space<vmem>>
    %dma_start3A_177 = tpu.memref_squeeze %dma_start3A_176 : memref<1x128xi32, #tpu.memory_space<vmem>> -> memref<128xi32, #tpu.memory_space<vmem>>
    %dma_start3A_178 = tpu.memref_slice %arg4[%add3A_164] : memref<1602176xi32, #tpu.memory_space<hbm>> -> memref<128xi32, #tpu.memory_space<hbm>>
    %dma_start3A_179 = arith.constant 0 : i32
    %dma_start3A_180 = tpu.memref_slice %arg8[%dma_start3A_174, %dma_start3A_179] : memref<4x128xi32, #tpu.memory_space<vmem>> -> memref<1x128xi32, #tpu.memory_space<vmem>>
    %dma_start3A_181 = tpu.memref_squeeze %dma_start3A_180 : memref<1x128xi32, #tpu.memory_space<vmem>> -> memref<128xi32, #tpu.memory_space<vmem>>
    %dma_start3A_182 = tpu.memref_slice %arg4[%add3A_164] : memref<1602176xi32, #tpu.memory_space<hbm>> -> memref<128xi32, #tpu.memory_space<hbm>>
    tpu.enqueue_dma source(%dma_start3A_182 : memref<128xi32, #tpu.memory_space<hbm>>) target(%dma_start3A_181 : memref<128xi32, #tpu.memory_space<vmem>>) target_semaphore(%arg13 : memref<!tpu.dma_semaphore, #tpu.memory_space<semaphore_mem>>)
    %add3A_183 = arith.constant 128 : i32
    %add3A_184 = arith.addi %mul3A_0, %add3A_183 : i32
    %dma_start3A_185 = arith.constant 1 : i32
    %dma_start3A_186 = arith.constant 0 : i32
    %dma_start3A_187 = tpu.memref_slice %arg7[%dma_start3A_185, %dma_start3A_186] : memref<4x128xi32, #tpu.memory_space<vmem>> -> memref<1x128xi32, #tpu.memory_space<vmem>>
    %dma_start3A_188 = tpu.memref_squeeze %dma_start3A_187 : memref<1x128xi32, #tpu.memory_space<vmem>> -> memref<128xi32, #tpu.memory_space<vmem>>
    %dma_start3A_189 = tpu.memref_slice %arg3[%add3A_184] : memref<1602176xi32, #tpu.memory_space<hbm>> -> memref<128xi32, #tpu.memory_space<hbm>>
    %dma_start3A_190 = arith.constant 0 : i32
    %dma_start3A_191 = tpu.memref_slice %arg7[%dma_start3A_185, %dma_start3A_190] : memref<4x128xi32, #tpu.memory_space<vmem>> -> memref<1x128xi32, #tpu.memory_space<vmem>>
    %dma_start3A_192 = tpu.memref_squeeze %dma_start3A_191 : memref<1x128xi32, #tpu.memory_space<vmem>> -> memref<128xi32, #tpu.memory_space<vmem>>
    %dma_start3A_193 = tpu.memref_slice %arg3[%add3A_184] : memref<1602176xi32, #tpu.memory_space<hbm>> -> memref<128xi32, #tpu.memory_space<hbm>>
    tpu.enqueue_dma source(%dma_start3A_193 : memref<128xi32, #tpu.memory_space<hbm>>) target(%dma_start3A_192 : memref<128xi32, #tpu.memory_space<vmem>>) target_semaphore(%arg12 : memref<!tpu.dma_semaphore, #tpu.memory_space<semaphore_mem>>)
    %dma_start3A_194 = arith.constant 1 : i32
    %dma_start3A_195 = arith.constant 0 : i32
    %dma_start3A_196 = tpu.memref_slice %arg8[%dma_start3A_194, %dma_start3A_195] : memref<4x128xi32, #tpu.memory_space<vmem>> -> memref<1x128xi32, #tpu.memory_space<vmem>>
    %dma_start3A_197 = tpu.memref_squeeze %dma_start3A_196 : memref<1x128xi32, #tpu.memory_space<vmem>> -> memref<128xi32, #tpu.memory_space<vmem>>
    %dma_start3A_198 = tpu.memref_slice %arg4[%add3A_184] : memref<1602176xi32, #tpu.memory_space<hbm>> -> memref<128xi32, #tpu.memory_space<hbm>>
    %dma_start3A_199 = arith.constant 0 : i32
    %dma_start3A_200 = tpu.memref_slice %arg8[%dma_start3A_194, %dma_start3A_199] : memref<4x128xi32, #tpu.memory_space<vmem>> -> memref<1x128xi32, #tpu.memory_space<vmem>>
    %dma_start3A_201 = tpu.memref_squeeze %dma_start3A_200 : memref<1x128xi32, #tpu.memory_space<vmem>> -> memref<128xi32, #tpu.memory_space<vmem>>
    %dma_start3A_202 = tpu.memref_slice %arg4[%add3A_184] : memref<1602176xi32, #tpu.memory_space<hbm>> -> memref<128xi32, #tpu.memory_space<hbm>>
    tpu.enqueue_dma source(%dma_start3A_202 : memref<128xi32, #tpu.memory_space<hbm>>) target(%dma_start3A_201 : memref<128xi32, #tpu.memory_space<vmem>>) target_semaphore(%arg13 : memref<!tpu.dma_semaphore, #tpu.memory_space<semaphore_mem>>)
    %dma_wait3A_203 = arith.constant 0 : i32
    %dma_wait3A_204 = arith.constant 0 : i32
    %dma_wait3A_205 = tpu.memref_slice %arg7[%dma_wait3A_203, %dma_wait3A_204] : memref<4x128xi32, #tpu.memory_space<vmem>> -> memref<1x128xi32, #tpu.memory_space<vmem>>
    %dma_wait3A_206 = tpu.memref_squeeze %dma_wait3A_205 : memref<1x128xi32, #tpu.memory_space<vmem>> -> memref<128xi32, #tpu.memory_space<vmem>>
    %dma_wait3A_207 = arith.constant 0 : i32
    %dma_wait3A_208 = tpu.memref_slice %arg3[%dma_wait3A_207] : memref<1602176xi32, #tpu.memory_space<hbm>> -> memref<128xi32, #tpu.memory_space<hbm>>
    %dma_wait3A_209 = arith.constant 0 : i32
    %dma_wait3A_210 = tpu.memref_slice %arg7[%dma_wait3A_203, %dma_wait3A_209] : memref<4x128xi32, #tpu.memory_space<vmem>> -> memref<1x128xi32, #tpu.memory_space<vmem>>
    %dma_wait3A_211 = tpu.memref_squeeze %dma_wait3A_210 : memref<1x128xi32, #tpu.memory_space<vmem>> -> memref<128xi32, #tpu.memory_space<vmem>>
    %dma_wait3A_212 = arith.constant 0 : i32
    %dma_wait3A_213 = tpu.memref_slice %arg3[%dma_wait3A_212] : memref<1602176xi32, #tpu.memory_space<hbm>> -> memref<128xi32, #tpu.memory_space<hbm>>
    tpu.wait_dma2 semaphore(%arg12 : memref<!tpu.dma_semaphore, #tpu.memory_space<semaphore_mem>>) src(%dma_wait3A_213 : memref<128xi32, #tpu.memory_space<hbm>>) dst(%dma_wait3A_211 : memref<128xi32, #tpu.memory_space<vmem>>)
    %dma_wait3A_214 = arith.constant 0 : i32
    %dma_wait3A_215 = arith.constant 0 : i32
    %dma_wait3A_216 = tpu.memref_slice %arg8[%dma_wait3A_214, %dma_wait3A_215] : memref<4x128xi32, #tpu.memory_space<vmem>> -> memref<1x128xi32, #tpu.memory_space<vmem>>
    %dma_wait3A_217 = tpu.memref_squeeze %dma_wait3A_216 : memref<1x128xi32, #tpu.memory_space<vmem>> -> memref<128xi32, #tpu.memory_space<vmem>>
    %dma_wait3A_218 = arith.constant 0 : i32
    %dma_wait3A_219 = tpu.memref_slice %arg4[%dma_wait3A_218] : memref<1602176xi32, #tpu.memory_space<hbm>> -> memref<128xi32, #tpu.memory_space<hbm>>
    %dma_wait3A_220 = arith.constant 0 : i32
    %dma_wait3A_221 = tpu.memref_slice %arg8[%dma_wait3A_214, %dma_wait3A_220] : memref<4x128xi32, #tpu.memory_space<vmem>> -> memref<1x128xi32, #tpu.memory_space<vmem>>
    %dma_wait3A_222 = tpu.memref_squeeze %dma_wait3A_221 : memref<1x128xi32, #tpu.memory_space<vmem>> -> memref<128xi32, #tpu.memory_space<vmem>>
    %dma_wait3A_223 = arith.constant 0 : i32
    %dma_wait3A_224 = tpu.memref_slice %arg4[%dma_wait3A_223] : memref<1602176xi32, #tpu.memory_space<hbm>> -> memref<128xi32, #tpu.memory_space<hbm>>
    tpu.wait_dma2 semaphore(%arg13 : memref<!tpu.dma_semaphore, #tpu.memory_space<semaphore_mem>>) src(%dma_wait3A_224 : memref<128xi32, #tpu.memory_space<hbm>>) dst(%dma_wait3A_222 : memref<128xi32, #tpu.memory_space<vmem>>)
    %dma_start3A_225 = arith.constant 0 : i32
    %dma_start3A_226 = arith.constant 0 : i32
    %dma_start3A_227 = arith.constant 0 : i32
    %dma_start3A_228 = arith.constant 0 : i32
    %dma_start3A_229 = tpu.memref_slice %arg10[%dma_start3A_226, %dma_start3A_227, %dma_start3A_228] : memref<3x128x64xf32, #tpu.memory_space<vmem>> -> memref<1x128x64xf32, #tpu.memory_space<vmem>>
    %dma_start3A_230 = tpu.memref_squeeze %dma_start3A_229 : memref<1x128x64xf32, #tpu.memory_space<vmem>> -> memref<128x64xf32, #tpu.memory_space<vmem>>
    %dma_start3A_231 = arith.constant 0 : i32
    %dma_start3A_232 = tpu.memref_slice %arg7[%dma_start3A_225, %dma_start3A_231] : memref<4x128xi32, #tpu.memory_space<vmem>> -> memref<1x128xi32, #tpu.memory_space<vmem>>
    %dma_start3A_233 = tpu.memref_squeeze %dma_start3A_232 : memref<1x128xi32, #tpu.memory_space<vmem>> -> memref<128xi32, #tpu.memory_space<vmem>>
    %dma_start3A_234 = arith.constant 0 : i32
    %dma_start3A_235 = arith.constant 0 : i32
    %dma_start3A_236 = tpu.memref_slice %arg2[%dma_start3A_234, %dma_start3A_235] : memref<100352x64xf32, #tpu.memory_space<hbm>> -> memref<100352x64xf32, #tpu.memory_space<hbm>>
    tpu.enqueue_indirect_dma source(%dma_start3A_236 : memref<100352x64xf32, #tpu.memory_space<hbm>>) target(%dma_start3A_230 : memref<128x64xf32, #tpu.memory_space<vmem>>) offsets(%dma_start3A_233 : memref<128xi32, #tpu.memory_space<vmem>>) semaphore(%arg14 : memref<!tpu.dma_semaphore, #tpu.memory_space<semaphore_mem>>)
    %scan3A_237 = arith.constant 0 : i32
    %scan3A_238 = arith.constant 0 : i32
    %scan3A_239 = arith.constant 782 : i32
    %scan3A_240 = arith.addi %scan3A_238, %scan3A_239 : i32
    %scan3A_241 = arith.constant 1 : i32
    scf.for %scan3A_308 = %scan3A_238 to %scan3A_240 step %scan3A_241  : i32 {
      %add3A_309 = arith.constant 2 : i32
      %add3A_310 = arith.addi %scan3A_308, %add3A_309 : i32
      %add3A_311 = arith.constant 2 : i32
      %add3A_312 = arith.addi %scan3A_308, %add3A_311 : i32
      %rem3A = arith.constant 4 : i32
      %rem3A_313 = arith.remsi %add3A_312, %rem3A : i32
      %mul3A_314 = arith.constant 128 : i32
      %mul3A_315 = arith.muli %add3A_310, %mul3A_314 : i32
      %add3A_316 = arith.addi %mul3A_0, %mul3A_315 : i32
      %dma_start3A_317 = arith.constant 0 : i32
      %dma_start3A_318 = tpu.memref_slice %arg7[%rem3A_313, %dma_start3A_317] : memref<4x128xi32, #tpu.memory_space<vmem>> -> memref<1x128xi32, #tpu.memory_space<vmem>>
      %dma_start3A_319 = tpu.memref_squeeze %dma_start3A_318 : memref<1x128xi32, #tpu.memory_space<vmem>> -> memref<128xi32, #tpu.memory_space<vmem>>
      %dma_start3A_320 = tpu.memref_slice %arg3[%add3A_316] : memref<1602176xi32, #tpu.memory_space<hbm>> -> memref<128xi32, #tpu.memory_space<hbm>>
      %dma_start3A_321 = arith.constant 0 : i32
      %dma_start3A_322 = tpu.memref_slice %arg7[%rem3A_313, %dma_start3A_321] : memref<4x128xi32, #tpu.memory_space<vmem>> -> memref<1x128xi32, #tpu.memory_space<vmem>>
      %dma_start3A_323 = tpu.memref_squeeze %dma_start3A_322 : memref<1x128xi32, #tpu.memory_space<vmem>> -> memref<128xi32, #tpu.memory_space<vmem>>
      %dma_start3A_324 = tpu.memref_slice %arg3[%add3A_316] : memref<1602176xi32, #tpu.memory_space<hbm>> -> memref<128xi32, #tpu.memory_space<hbm>>
      tpu.enqueue_dma source(%dma_start3A_324 : memref<128xi32, #tpu.memory_space<hbm>>) target(%dma_start3A_323 : memref<128xi32, #tpu.memory_space<vmem>>) target_semaphore(%arg12 : memref<!tpu.dma_semaphore, #tpu.memory_space<semaphore_mem>>)
      %dma_start3A_325 = arith.constant 0 : i32
      %dma_start3A_326 = tpu.memref_slice %arg8[%rem3A_313, %dma_start3A_325] : memref<4x128xi32, #tpu.memory_space<vmem>> -> memref<1x128xi32, #tpu.memory_space<vmem>>
      %dma_start3A_327 = tpu.memref_squeeze %dma_start3A_326 : memref<1x128xi32, #tpu.memory_space<vmem>> -> memref<128xi32, #tpu.memory_space<vmem>>
      %dma_start3A_328 = tpu.memref_slice %arg4[%add3A_316] : memref<1602176xi32, #tpu.memory_space<hbm>> -> memref<128xi32, #tpu.memory_space<hbm>>
      %dma_start3A_329 = arith.constant 0 : i32
      %dma_start3A_330 = tpu.memref_slice %arg8[%rem3A_313, %dma_start3A_329] : memref<4x128xi32, #tpu.memory_space<vmem>> -> memref<1x128xi32, #tpu.memory_space<vmem>>
      %dma_start3A_331 = tpu.memref_squeeze %dma_start3A_330 : memref<1x128xi32, #tpu.memory_space<vmem>> -> memref<128xi32, #tpu.memory_space<vmem>>
      %dma_start3A_332 = tpu.memref_slice %arg4[%add3A_316] : memref<1602176xi32, #tpu.memory_space<hbm>> -> memref<128xi32, #tpu.memory_space<hbm>>
      tpu.enqueue_dma source(%dma_start3A_332 : memref<128xi32, #tpu.memory_space<hbm>>) target(%dma_start3A_331 : memref<128xi32, #tpu.memory_space<vmem>>) target_semaphore(%arg13 : memref<!tpu.dma_semaphore, #tpu.memory_space<semaphore_mem>>)
      %dma_wait3A_333 = arith.constant 0 : i32
      %dma_wait3A_334 = arith.constant 0 : i32
      %dma_wait3A_335 = tpu.memref_slice %arg7[%dma_wait3A_333, %dma_wait3A_334] : memref<4x128xi32, #tpu.memory_space<vmem>> -> memref<1x128xi32, #tpu.memory_space<vmem>>
      %dma_wait3A_336 = tpu.memref_squeeze %dma_wait3A_335 : memref<1x128xi32, #tpu.memory_space<vmem>> -> memref<128xi32, #tpu.memory_space<vmem>>
      %dma_wait3A_337 = arith.constant 0 : i32
      %dma_wait3A_338 = tpu.memref_slice %arg3[%dma_wait3A_337] : memref<1602176xi32, #tpu.memory_space<hbm>> -> memref<128xi32, #tpu.memory_space<hbm>>
      %dma_wait3A_339 = arith.constant 0 : i32
      %dma_wait3A_340 = tpu.memref_slice %arg7[%dma_wait3A_333, %dma_wait3A_339] : memref<4x128xi32, #tpu.memory_space<vmem>> -> memref<1x128xi32, #tpu.memory_space<vmem>>
      %dma_wait3A_341 = tpu.memref_squeeze %dma_wait3A_340 : memref<1x128xi32, #tpu.memory_space<vmem>> -> memref<128xi32, #tpu.memory_space<vmem>>
      %dma_wait3A_342 = arith.constant 0 : i32
      %dma_wait3A_343 = tpu.memref_slice %arg3[%dma_wait3A_342] : memref<1602176xi32, #tpu.memory_space<hbm>> -> memref<128xi32, #tpu.memory_space<hbm>>
      tpu.wait_dma2 semaphore(%arg12 : memref<!tpu.dma_semaphore, #tpu.memory_space<semaphore_mem>>) src(%dma_wait3A_343 : memref<128xi32, #tpu.memory_space<hbm>>) dst(%dma_wait3A_341 : memref<128xi32, #tpu.memory_space<vmem>>)
      %dma_wait3A_344 = arith.constant 0 : i32
      %dma_wait3A_345 = arith.constant 0 : i32
      %dma_wait3A_346 = tpu.memref_slice %arg8[%dma_wait3A_344, %dma_wait3A_345] : memref<4x128xi32, #tpu.memory_space<vmem>> -> memref<1x128xi32, #tpu.memory_space<vmem>>
      %dma_wait3A_347 = tpu.memref_squeeze %dma_wait3A_346 : memref<1x128xi32, #tpu.memory_space<vmem>> -> memref<128xi32, #tpu.memory_space<vmem>>
      %dma_wait3A_348 = arith.constant 0 : i32
      %dma_wait3A_349 = tpu.memref_slice %arg4[%dma_wait3A_348] : memref<1602176xi32, #tpu.memory_space<hbm>> -> memref<128xi32, #tpu.memory_space<hbm>>
      %dma_wait3A_350 = arith.constant 0 : i32
      %dma_wait3A_351 = tpu.memref_slice %arg8[%dma_wait3A_344, %dma_wait3A_350] : memref<4x128xi32, #tpu.memory_space<vmem>> -> memref<1x128xi32, #tpu.memory_space<vmem>>
      %dma_wait3A_352 = tpu.memref_squeeze %dma_wait3A_351 : memref<1x128xi32, #tpu.memory_space<vmem>> -> memref<128xi32, #tpu.memory_space<vmem>>
      %dma_wait3A_353 = arith.constant 0 : i32
      %dma_wait3A_354 = tpu.memref_slice %arg4[%dma_wait3A_353] : memref<1602176xi32, #tpu.memory_space<hbm>> -> memref<128xi32, #tpu.memory_space<hbm>>
      tpu.wait_dma2 semaphore(%arg13 : memref<!tpu.dma_semaphore, #tpu.memory_space<semaphore_mem>>) src(%dma_wait3A_354 : memref<128xi32, #tpu.memory_space<hbm>>) dst(%dma_wait3A_352 : memref<128xi32, #tpu.memory_space<vmem>>)
      %ge3A = arith.constant 2 : i32
      %ge3A_355 = arith.cmpi sge, %scan3A_308, %ge3A : i32
      %convert_element_type3A = arith.extui %ge3A_355 : i1 to i32
      %cond3A = arith.constant 0 : i32
      %cond3A_356 = arith.cmpi ne, %convert_element_type3A, %cond3A : i32
      scf.if %cond3A_356 {
        %dma_wait3A_595 = arith.constant 0 : i32
        %dma_wait3A_596 = arith.constant 0 : i32
        %dma_wait3A_597 = arith.constant 0 : i32
        %dma_wait3A_598 = arith.constant 0 : i32
        %dma_wait3A_599 = tpu.memref_slice %arg10[%dma_wait3A_595, %dma_wait3A_597, %dma_wait3A_598] : memref<3x128x64xf32, #tpu.memory_space<vmem>> -> memref<1x128x64xf32, #tpu.memory_space<vmem>>
        %dma_wait3A_600 = tpu.memref_squeeze %dma_wait3A_599 : memref<1x128x64xf32, #tpu.memory_space<vmem>> -> memref<128x64xf32, #tpu.memory_space<vmem>>
        %dma_wait3A_601 = arith.constant 0 : i32
        %dma_wait3A_602 = tpu.memref_slice %arg9[%dma_wait3A_596, %dma_wait3A_601] : memref<4x128xi32, #tpu.memory_space<vmem>> -> memref<1x128xi32, #tpu.memory_space<vmem>>
        %dma_wait3A_603 = tpu.memref_squeeze %dma_wait3A_602 : memref<1x128xi32, #tpu.memory_space<vmem>> -> memref<128xi32, #tpu.memory_space<vmem>>
        %dma_wait3A_604 = arith.constant 0 : i32
        %dma_wait3A_605 = arith.constant 0 : i32
        %dma_wait3A_606 = tpu.memref_slice %arg11[%dma_wait3A_604, %dma_wait3A_605] : memref<25344x64xf32, #tpu.memory_space<vmem_shared>> -> memref<25344x64xf32, #tpu.memory_space<vmem_shared>>
        tpu.wait_indirect_dma semaphore(%arg15 : memref<!tpu.dma_semaphore, #tpu.memory_space<semaphore_mem>>) src(%dma_wait3A_600 : memref<128x64xf32, #tpu.memory_space<vmem>>) dst(%dma_wait3A_606 : memref<25344x64xf32, #tpu.memory_space<vmem_shared>>)
      } else {
      }
      %add3A_357 = arith.constant 1 : i32
      %add3A_358 = arith.addi %scan3A_308, %add3A_357 : i32
      %rem3A_359 = arith.constant 4 : i32
      %rem3A_360 = arith.remsi %add3A_358, %rem3A_359 : i32
      %add3A_361 = arith.constant 1 : i32
      %add3A_362 = arith.addi %scan3A_308, %add3A_361 : i32
      %rem3A_363 = arith.constant 3 : i32
      %rem3A_364 = arith.remsi %add3A_362, %rem3A_363 : i32
      %dma_start3A_365 = arith.constant 0 : i32
      %dma_start3A_366 = arith.constant 0 : i32
      %dma_start3A_367 = tpu.memref_slice %arg10[%rem3A_364, %dma_start3A_365, %dma_start3A_366] : memref<3x128x64xf32, #tpu.memory_space<vmem>> -> memref<1x128x64xf32, #tpu.memory_space<vmem>>
      %dma_start3A_368 = tpu.memref_squeeze %dma_start3A_367 : memref<1x128x64xf32, #tpu.memory_space<vmem>> -> memref<128x64xf32, #tpu.memory_space<vmem>>
      %dma_start3A_369 = arith.constant 0 : i32
      %dma_start3A_370 = tpu.memref_slice %arg7[%rem3A_360, %dma_start3A_369] : memref<4x128xi32, #tpu.memory_space<vmem>> -> memref<1x128xi32, #tpu.memory_space<vmem>>
      %dma_start3A_371 = tpu.memref_squeeze %dma_start3A_370 : memref<1x128xi32, #tpu.memory_space<vmem>> -> memref<128xi32, #tpu.memory_space<vmem>>
      %dma_start3A_372 = arith.constant 0 : i32
      %dma_start3A_373 = arith.constant 0 : i32
      %dma_start3A_374 = tpu.memref_slice %arg2[%dma_start3A_372, %dma_start3A_373] : memref<100352x64xf32, #tpu.memory_space<hbm>> -> memref<100352x64xf32, #tpu.memory_space<hbm>>
      tpu.enqueue_indirect_dma source(%dma_start3A_374 : memref<100352x64xf32, #tpu.memory_space<hbm>>) target(%dma_start3A_368 : memref<128x64xf32, #tpu.memory_space<vmem>>) offsets(%dma_start3A_371 : memref<128xi32, #tpu.memory_space<vmem>>) semaphore(%arg14 : memref<!tpu.dma_semaphore, #tpu.memory_space<semaphore_mem>>)
      %rem3A_375 = arith.constant 4 : i32
      %rem3A_376 = arith.remsi %scan3A_308, %rem3A_375 : i32
      %get3A = arith.index_cast %rem3A_376 : i32 to index
      %get3A_377 = arith.constant 0 : index
      %get3A_378 = tpu.vector_load %arg8[%get3A, %get3A_377] {strides = array<i32>} : memref<4x128xi32, #tpu.memory_space<vmem>>, vector<1x16xi32>,
      %get3A_379 = vector.shape_cast %get3A_378 : vector<1x16xi32> to vector<16xi32>
      %sub3A = vector.broadcast %mul3A_157 : i32 to vector<16xi32>
      %sub3A_380 = arith.subi %get3A_379, %sub3A : vector<16xi32>
      %ge3A_381 = arith.constant 0 : i32
      %ge3A_382 = vector.broadcast %ge3A_381 : i32 to vector<16xi32>
      %ge3A_383 = arith.cmpi sge, %sub3A_380, %ge3A_382 : vector<16xi32>
      %lt3A = arith.constant 25088 : i32
      %lt3A_384 = vector.broadcast %lt3A : i32 to vector<16xi32>
      %lt3A_385 = arith.cmpi slt, %sub3A_380, %lt3A_384 : vector<16xi32>
      %and3A = arith.andi %ge3A_383, %lt3A_385 : vector<16xi1>
      %and3A_386 = arith.constant 255 : i32
      %and3A_387 = vector.broadcast %and3A_386 : i32 to vector<16xi32>
      %and3A_388 = arith.andi %get3A_379, %and3A_387 : vector<16xi32>
      %add3A_389 = arith.constant 25088 : i32
      %add3A_390 = vector.broadcast %add3A_389 : i32 to vector<16xi32>
      %add3A_391 = arith.addi %add3A_390, %and3A_388 : vector<16xi32>
      %select_n3A = arith.select %and3A, %sub3A_380, %add3A_391 : vector<16xi1>, vector<16xi32>
      %swap3A = arith.index_cast %rem3A_376 : i32 to index
      %swap3A_392 = arith.constant 0 : index
      %swap3A_393 = tpu.vector_load %arg9[%swap3A, %swap3A_392] {strides = array<i32>} : memref<4x128xi32, #tpu.memory_space<vmem>>, vector<1x16xi32>,
      %swap3A_394 = vector.shape_cast %swap3A_393 : vector<1x16xi32> to vector<16xi32>
      %swap3A_395 = vector.shape_cast %select_n3A : vector<16xi32> to vector<1x16xi32>
      tpu.vector_store %arg9[%swap3A, %swap3A_392], %swap3A_395 {strides = array<i32>} : memref<4x128xi32, #tpu.memory_space<vmem>>, vector<1x16xi32>,
      %get3A_396 = arith.index_cast %rem3A_376 : i32 to index
      %get3A_397 = arith.constant 16 : index
      %get3A_398 = tpu.vector_load %arg8[%get3A_396, %get3A_397] {strides = array<i32>} : memref<4x128xi32, #tpu.memory_space<vmem>>, vector<1x16xi32>,
      %get3A_399 = vector.shape_cast %get3A_398 : vector<1x16xi32> to vector<16xi32>
      %sub3A_400 = vector.broadcast %mul3A_157 : i32 to vector<16xi32>
      %sub3A_401 = arith.subi %get3A_399, %sub3A_400 : vector<16xi32>
      %ge3A_402 = arith.constant 0 : i32
      %ge3A_403 = vector.broadcast %ge3A_402 : i32 to vector<16xi32>
      %ge3A_404 = arith.cmpi sge, %sub3A_401, %ge3A_403 : vector<16xi32>
      %lt3A_405 = arith.constant 25088 : i32
      %lt3A_406 = vector.broadcast %lt3A_405 : i32 to vector<16xi32>
      %lt3A_407 = arith.cmpi slt, %sub3A_401, %lt3A_406 : vector<16xi32>
      %and3A_408 = arith.andi %ge3A_404, %lt3A_407 : vector<16xi1>
      %and3A_409 = arith.constant 255 : i32
      %and3A_410 = vector.broadcast %and3A_409 : i32 to vector<16xi32>
      %and3A_411 = arith.andi %get3A_399, %and3A_410 : vector<16xi32>
      %add3A_412 = arith.constant 25088 : i32
      %add3A_413 = vector.broadcast %add3A_412 : i32 to vector<16xi32>
      %add3A_414 = arith.addi %add3A_413, %and3A_411 : vector<16xi32>
      %select_n3A_415 = arith.select %and3A_408, %sub3A_401, %add3A_414 : vector<16xi1>, vector<16xi32>
      %swap3A_416 = arith.index_cast %rem3A_376 : i32 to index
      %swap3A_417 = arith.constant 16 : index
      %swap3A_418 = tpu.vector_load %arg9[%swap3A_416, %swap3A_417] {strides = array<i32>} : memref<4x128xi32, #tpu.memory_space<vmem>>, vector<1x16xi32>,
      %swap3A_419 = vector.shape_cast %swap3A_418 : vector<1x16xi32> to vector<16xi32>
      %swap3A_420 = vector.shape_cast %select_n3A_415 : vector<16xi32> to vector<1x16xi32>
      tpu.vector_store %arg9[%swap3A_416, %swap3A_417], %swap3A_420 {strides = array<i32>} : memref<4x128xi32, #tpu.memory_space<vmem>>, vector<1x16xi32>,
      %get3A_421 = arith.index_cast %rem3A_376 : i32 to index
      %get3A_422 = arith.constant 32 : index
      %get3A_423 = tpu.vector_load %arg8[%get3A_421, %get3A_422] {strides = array<i32>} : memref<4x128xi32, #tpu.memory_space<vmem>>, vector<1x16xi32>,
      %get3A_424 = vector.shape_cast %get3A_423 : vector<1x16xi32> to vector<16xi32>
      %sub3A_425 = vector.broadcast %mul3A_157 : i32 to vector<16xi32>
      %sub3A_426 = arith.subi %get3A_424, %sub3A_425 : vector<16xi32>
      %ge3A_427 = arith.constant 0 : i32
      %ge3A_428 = vector.broadcast %ge3A_427 : i32 to vector<16xi32>
      %ge3A_429 = arith.cmpi sge, %sub3A_426, %ge3A_428 : vector<16xi32>
      %lt3A_430 = arith.constant 25088 : i32
      %lt3A_431 = vector.broadcast %lt3A_430 : i32 to vector<16xi32>
      %lt3A_432 = arith.cmpi slt, %sub3A_426, %lt3A_431 : vector<16xi32>
      %and3A_433 = arith.andi %ge3A_429, %lt3A_432 : vector<16xi1>
      %and3A_434 = arith.constant 255 : i32
      %and3A_435 = vector.broadcast %and3A_434 : i32 to vector<16xi32>
      %and3A_436 = arith.andi %get3A_424, %and3A_435 : vector<16xi32>
      %add3A_437 = arith.constant 25088 : i32
      %add3A_438 = vector.broadcast %add3A_437 : i32 to vector<16xi32>
      %add3A_439 = arith.addi %add3A_438, %and3A_436 : vector<16xi32>
      %select_n3A_440 = arith.select %and3A_433, %sub3A_426, %add3A_439 : vector<16xi1>, vector<16xi32>
      %swap3A_441 = arith.index_cast %rem3A_376 : i32 to index
      %swap3A_442 = arith.constant 32 : index
      %swap3A_443 = tpu.vector_load %arg9[%swap3A_441, %swap3A_442] {strides = array<i32>} : memref<4x128xi32, #tpu.memory_space<vmem>>, vector<1x16xi32>,
      %swap3A_444 = vector.shape_cast %swap3A_443 : vector<1x16xi32> to vector<16xi32>
      %swap3A_445 = vector.shape_cast %select_n3A_440 : vector<16xi32> to vector<1x16xi32>
      tpu.vector_store %arg9[%swap3A_441, %swap3A_442], %swap3A_445 {strides = array<i32>} : memref<4x128xi32, #tpu.memory_space<vmem>>, vector<1x16xi32>,
      %get3A_446 = arith.index_cast %rem3A_376 : i32 to index
      %get3A_447 = arith.constant 48 : index
      %get3A_448 = tpu.vector_load %arg8[%get3A_446, %get3A_447] {strides = array<i32>} : memref<4x128xi32, #tpu.memory_space<vmem>>, vector<1x16xi32>,
      %get3A_449 = vector.shape_cast %get3A_448 : vector<1x16xi32> to vector<16xi32>
      %sub3A_450 = vector.broadcast %mul3A_157 : i32 to vector<16xi32>
      %sub3A_451 = arith.subi %get3A_449, %sub3A_450 : vector<16xi32>
      %ge3A_452 = arith.constant 0 : i32
      %ge3A_453 = vector.broadcast %ge3A_452 : i32 to vector<16xi32>
      %ge3A_454 = arith.cmpi sge, %sub3A_451, %ge3A_453 : vector<16xi32>
      %lt3A_455 = arith.constant 25088 : i32
      %lt3A_456 = vector.broadcast %lt3A_455 : i32 to vector<16xi32>
      %lt3A_457 = arith.cmpi slt, %sub3A_451, %lt3A_456 : vector<16xi32>
      %and3A_458 = arith.andi %ge3A_454, %lt3A_457 : vector<16xi1>
      %and3A_459 = arith.constant 255 : i32
      %and3A_460 = vector.broadcast %and3A_459 : i32 to vector<16xi32>
      %and3A_461 = arith.andi %get3A_449, %and3A_460 : vector<16xi32>
      %add3A_462 = arith.constant 25088 : i32
      %add3A_463 = vector.broadcast %add3A_462 : i32 to vector<16xi32>
      %add3A_464 = arith.addi %add3A_463, %and3A_461 : vector<16xi32>
      %select_n3A_465 = arith.select %and3A_458, %sub3A_451, %add3A_464 : vector<16xi1>, vector<16xi32>
      %swap3A_466 = arith.index_cast %rem3A_376 : i32 to index
      %swap3A_467 = arith.constant 48 : index
      %swap3A_468 = tpu.vector_load %arg9[%swap3A_466, %swap3A_467] {strides = array<i32>} : memref<4x128xi32, #tpu.memory_space<vmem>>, vector<1x16xi32>,
      %swap3A_469 = vector.shape_cast %swap3A_468 : vector<1x16xi32> to vector<16xi32>
      %swap3A_470 = vector.shape_cast %select_n3A_465 : vector<16xi32> to vector<1x16xi32>
      tpu.vector_store %arg9[%swap3A_466, %swap3A_467], %swap3A_470 {strides = array<i32>} : memref<4x128xi32, #tpu.memory_space<vmem>>, vector<1x16xi32>,
      %get3A_471 = arith.index_cast %rem3A_376 : i32 to index
      %get3A_472 = arith.constant 64 : index
      %get3A_473 = tpu.vector_load %arg8[%get3A_471, %get3A_472] {strides = array<i32>} : memref<4x128xi32, #tpu.memory_space<vmem>>, vector<1x16xi32>,
      %get3A_474 = vector.shape_cast %get3A_473 : vector<1x16xi32> to vector<16xi32>
      %sub3A_475 = vector.broadcast %mul3A_157 : i32 to vector<16xi32>
      %sub3A_476 = arith.subi %get3A_474, %sub3A_475 : vector<16xi32>
      %ge3A_477 = arith.constant 0 : i32
      %ge3A_478 = vector.broadcast %ge3A_477 : i32 to vector<16xi32>
      %ge3A_479 = arith.cmpi sge, %sub3A_476, %ge3A_478 : vector<16xi32>
      %lt3A_480 = arith.constant 25088 : i32
      %lt3A_481 = vector.broadcast %lt3A_480 : i32 to vector<16xi32>
      %lt3A_482 = arith.cmpi slt, %sub3A_476, %lt3A_481 : vector<16xi32>
      %and3A_483 = arith.andi %ge3A_479, %lt3A_482 : vector<16xi1>
      %and3A_484 = arith.constant 255 : i32
      %and3A_485 = vector.broadcast %and3A_484 : i32 to vector<16xi32>
      %and3A_486 = arith.andi %get3A_474, %and3A_485 : vector<16xi32>
      %add3A_487 = arith.constant 25088 : i32
      %add3A_488 = vector.broadcast %add3A_487 : i32 to vector<16xi32>
      %add3A_489 = arith.addi %add3A_488, %and3A_486 : vector<16xi32>
      %select_n3A_490 = arith.select %and3A_483, %sub3A_476, %add3A_489 : vector<16xi1>, vector<16xi32>
      %swap3A_491 = arith.index_cast %rem3A_376 : i32 to index
      %swap3A_492 = arith.constant 64 : index
      %swap3A_493 = tpu.vector_load %arg9[%swap3A_491, %swap3A_492] {strides = array<i32>} : memref<4x128xi32, #tpu.memory_space<vmem>>, vector<1x16xi32>,
      %swap3A_494 = vector.shape_cast %swap3A_493 : vector<1x16xi32> to vector<16xi32>
      %swap3A_495 = vector.shape_cast %select_n3A_490 : vector<16xi32> to vector<1x16xi32>
      tpu.vector_store %arg9[%swap3A_491, %swap3A_492], %swap3A_495 {strides = array<i32>} : memref<4x128xi32, #tpu.memory_space<vmem>>, vector<1x16xi32>,
      %get3A_496 = arith.index_cast %rem3A_376 : i32 to index
      %get3A_497 = arith.constant 80 : index
      %get3A_498 = tpu.vector_load %arg8[%get3A_496, %get3A_497] {strides = array<i32>} : memref<4x128xi32, #tpu.memory_space<vmem>>, vector<1x16xi32>,
      %get3A_499 = vector.shape_cast %get3A_498 : vector<1x16xi32> to vector<16xi32>
      %sub3A_500 = vector.broadcast %mul3A_157 : i32 to vector<16xi32>
      %sub3A_501 = arith.subi %get3A_499, %sub3A_500 : vector<16xi32>
      %ge3A_502 = arith.constant 0 : i32
      %ge3A_503 = vector.broadcast %ge3A_502 : i32 to vector<16xi32>
      %ge3A_504 = arith.cmpi sge, %sub3A_501, %ge3A_503 : vector<16xi32>
      %lt3A_505 = arith.constant 25088 : i32
      %lt3A_506 = vector.broadcast %lt3A_505 : i32 to vector<16xi32>
      %lt3A_507 = arith.cmpi slt, %sub3A_501, %lt3A_506 : vector<16xi32>
      %and3A_508 = arith.andi %ge3A_504, %lt3A_507 : vector<16xi1>
      %and3A_509 = arith.constant 255 : i32
      %and3A_510 = vector.broadcast %and3A_509 : i32 to vector<16xi32>
      %and3A_511 = arith.andi %get3A_499, %and3A_510 : vector<16xi32>
      %add3A_512 = arith.constant 25088 : i32
      %add3A_513 = vector.broadcast %add3A_512 : i32 to vector<16xi32>
      %add3A_514 = arith.addi %add3A_513, %and3A_511 : vector<16xi32>
      %select_n3A_515 = arith.select %and3A_508, %sub3A_501, %add3A_514 : vector<16xi1>, vector<16xi32>
      %swap3A_516 = arith.index_cast %rem3A_376 : i32 to index
      %swap3A_517 = arith.constant 80 : index
      %swap3A_518 = tpu.vector_load %arg9[%swap3A_516, %swap3A_517] {strides = array<i32>} : memref<4x128xi32, #tpu.memory_space<vmem>>, vector<1x16xi32>,
      %swap3A_519 = vector.shape_cast %swap3A_518 : vector<1x16xi32> to vector<16xi32>
      %swap3A_520 = vector.shape_cast %select_n3A_515 : vector<16xi32> to vector<1x16xi32>
      tpu.vector_store %arg9[%swap3A_516, %swap3A_517], %swap3A_520 {strides = array<i32>} : memref<4x128xi32, #tpu.memory_space<vmem>>, vector<1x16xi32>,
      %get3A_521 = arith.index_cast %rem3A_376 : i32 to index
      %get3A_522 = arith.constant 96 : index
      %get3A_523 = tpu.vector_load %arg8[%get3A_521, %get3A_522] {strides = array<i32>} : memref<4x128xi32, #tpu.memory_space<vmem>>, vector<1x16xi32>,
      %get3A_524 = vector.shape_cast %get3A_523 : vector<1x16xi32> to vector<16xi32>
      %sub3A_525 = vector.broadcast %mul3A_157 : i32 to vector<16xi32>
      %sub3A_526 = arith.subi %get3A_524, %sub3A_525 : vector<16xi32>
      %ge3A_527 = arith.constant 0 : i32
      %ge3A_528 = vector.broadcast %ge3A_527 : i32 to vector<16xi32>
      %ge3A_529 = arith.cmpi sge, %sub3A_526, %ge3A_528 : vector<16xi32>
      %lt3A_530 = arith.constant 25088 : i32
      %lt3A_531 = vector.broadcast %lt3A_530 : i32 to vector<16xi32>
      %lt3A_532 = arith.cmpi slt, %sub3A_526, %lt3A_531 : vector<16xi32>
      %and3A_533 = arith.andi %ge3A_529, %lt3A_532 : vector<16xi1>
      %and3A_534 = arith.constant 255 : i32
      %and3A_535 = vector.broadcast %and3A_534 : i32 to vector<16xi32>
      %and3A_536 = arith.andi %get3A_524, %and3A_535 : vector<16xi32>
      %add3A_537 = arith.constant 25088 : i32
      %add3A_538 = vector.broadcast %add3A_537 : i32 to vector<16xi32>
      %add3A_539 = arith.addi %add3A_538, %and3A_536 : vector<16xi32>
      %select_n3A_540 = arith.select %and3A_533, %sub3A_526, %add3A_539 : vector<16xi1>, vector<16xi32>
      %swap3A_541 = arith.index_cast %rem3A_376 : i32 to index
      %swap3A_542 = arith.constant 96 : index
      %swap3A_543 = tpu.vector_load %arg9[%swap3A_541, %swap3A_542] {strides = array<i32>} : memref<4x128xi32, #tpu.memory_space<vmem>>, vector<1x16xi32>,
      %swap3A_544 = vector.shape_cast %swap3A_543 : vector<1x16xi32> to vector<16xi32>
      %swap3A_545 = vector.shape_cast %select_n3A_540 : vector<16xi32> to vector<1x16xi32>
      tpu.vector_store %arg9[%swap3A_541, %swap3A_542], %swap3A_545 {strides = array<i32>} : memref<4x128xi32, #tpu.memory_space<vmem>>, vector<1x16xi32>,
      %get3A_546 = arith.index_cast %rem3A_376 : i32 to index
      %get3A_547 = arith.constant 112 : index
      %get3A_548 = tpu.vector_load %arg8[%get3A_546, %get3A_547] {strides = array<i32>} : memref<4x128xi32, #tpu.memory_space<vmem>>, vector<1x16xi32>,
      %get3A_549 = vector.shape_cast %get3A_548 : vector<1x16xi32> to vector<16xi32>
      %sub3A_550 = vector.broadcast %mul3A_157 : i32 to vector<16xi32>
      %sub3A_551 = arith.subi %get3A_549, %sub3A_550 : vector<16xi32>
      %ge3A_552 = arith.constant 0 : i32
      %ge3A_553 = vector.broadcast %ge3A_552 : i32 to vector<16xi32>
      %ge3A_554 = arith.cmpi sge, %sub3A_551, %ge3A_553 : vector<16xi32>
      %lt3A_555 = arith.constant 25088 : i32
      %lt3A_556 = vector.broadcast %lt3A_555 : i32 to vector<16xi32>
      %lt3A_557 = arith.cmpi slt, %sub3A_551, %lt3A_556 : vector<16xi32>
      %and3A_558 = arith.andi %ge3A_554, %lt3A_557 : vector<16xi1>
      %and3A_559 = arith.constant 255 : i32
      %and3A_560 = vector.broadcast %and3A_559 : i32 to vector<16xi32>
      %and3A_561 = arith.andi %get3A_549, %and3A_560 : vector<16xi32>
      %add3A_562 = arith.constant 25088 : i32
      %add3A_563 = vector.broadcast %add3A_562 : i32 to vector<16xi32>
      %add3A_564 = arith.addi %add3A_563, %and3A_561 : vector<16xi32>
      %select_n3A_565 = arith.select %and3A_558, %sub3A_551, %add3A_564 : vector<16xi1>, vector<16xi32>
      %swap3A_566 = arith.index_cast %rem3A_376 : i32 to index
      %swap3A_567 = arith.constant 112 : index
      %swap3A_568 = tpu.vector_load %arg9[%swap3A_566, %swap3A_567] {strides = array<i32>} : memref<4x128xi32, #tpu.memory_space<vmem>>, vector<1x16xi32>,
      %swap3A_569 = vector.shape_cast %swap3A_568 : vector<1x16xi32> to vector<16xi32>
      %swap3A_570 = vector.shape_cast %select_n3A_565 : vector<16xi32> to vector<1x16xi32>
      tpu.vector_store %arg9[%swap3A_566, %swap3A_567], %swap3A_570 {strides = array<i32>} : memref<4x128xi32, #tpu.memory_space<vmem>>, vector<1x16xi32>,
      %dma_wait3A_571 = arith.constant 0 : i32
      %dma_wait3A_572 = arith.constant 0 : i32
      %dma_wait3A_573 = arith.constant 0 : i32
      %dma_wait3A_574 = arith.constant 0 : i32
      %dma_wait3A_575 = tpu.memref_slice %arg10[%dma_wait3A_572, %dma_wait3A_573, %dma_wait3A_574] : memref<3x128x64xf32, #tpu.memory_space<vmem>> -> memref<1x128x64xf32, #tpu.memory_space<vmem>>
      %dma_wait3A_576 = tpu.memref_squeeze %dma_wait3A_575 : memref<1x128x64xf32, #tpu.memory_space<vmem>> -> memref<128x64xf32, #tpu.memory_space<vmem>>
      %dma_wait3A_577 = arith.constant 0 : i32
      %dma_wait3A_578 = tpu.memref_slice %arg7[%dma_wait3A_571, %dma_wait3A_577] : memref<4x128xi32, #tpu.memory_space<vmem>> -> memref<1x128xi32, #tpu.memory_space<vmem>>
      %dma_wait3A_579 = tpu.memref_squeeze %dma_wait3A_578 : memref<1x128xi32, #tpu.memory_space<vmem>> -> memref<128xi32, #tpu.memory_space<vmem>>
      %dma_wait3A_580 = arith.constant 0 : i32
      %dma_wait3A_581 = arith.constant 0 : i32
      %dma_wait3A_582 = tpu.memref_slice %arg2[%dma_wait3A_580, %dma_wait3A_581] : memref<100352x64xf32, #tpu.memory_space<hbm>> -> memref<100352x64xf32, #tpu.memory_space<hbm>>
      tpu.wait_indirect_dma semaphore(%arg14 : memref<!tpu.dma_semaphore, #tpu.memory_space<semaphore_mem>>) src(%dma_wait3A_582 : memref<100352x64xf32, #tpu.memory_space<hbm>>) dst(%dma_wait3A_576 : memref<128x64xf32, #tpu.memory_space<vmem>>)
      %rem3A_583 = arith.constant 3 : i32
      %rem3A_584 = arith.remsi %scan3A_308, %rem3A_583 : i32
      %dma_start3A_585 = arith.constant 0 : i32
      %dma_start3A_586 = arith.constant 0 : i32
      %dma_start3A_587 = tpu.memref_slice %arg10[%rem3A_584, %dma_start3A_585, %dma_start3A_586] : memref<3x128x64xf32, #tpu.memory_space<vmem>> -> memref<1x128x64xf32, #tpu.memory_space<vmem>>
      %dma_start3A_588 = tpu.memref_squeeze %dma_start3A_587 : memref<1x128x64xf32, #tpu.memory_space<vmem>> -> memref<128x64xf32, #tpu.memory_space<vmem>>
      %dma_start3A_589 = arith.constant 0 : i32
      %dma_start3A_590 = tpu.memref_slice %arg9[%rem3A_376, %dma_start3A_589] : memref<4x128xi32, #tpu.memory_space<vmem>> -> memref<1x128xi32, #tpu.memory_space<vmem>>
      %dma_start3A_591 = tpu.memref_squeeze %dma_start3A_590 : memref<1x128xi32, #tpu.memory_space<vmem>> -> memref<128xi32, #tpu.memory_space<vmem>>
      %dma_start3A_592 = arith.constant 0 : i32
      %dma_start3A_593 = arith.constant 0 : i32
      %dma_start3A_594 = tpu.memref_slice %arg11[%dma_start3A_592, %dma_start3A_593] : memref<25344x64xf32, #tpu.memory_space<vmem_shared>> -> memref<25344x64xf32, #tpu.memory_space<vmem_shared>>
      tpu.enqueue_indirect_dma source(%dma_start3A_588 : memref<128x64xf32, #tpu.memory_space<vmem>>) target(%dma_start3A_594 : memref<25344x64xf32, #tpu.memory_space<vmem_shared>>) offsets(%dma_start3A_591 : memref<128xi32, #tpu.memory_space<vmem>>) semaphore(%arg15 : memref<!tpu.dma_semaphore, #tpu.memory_space<semaphore_mem>>) {add = true}
    }
    %scan3A_242 = arith.constant 782 : i32
    %dma_wait3A_243 = arith.constant 0 : i32
    %dma_wait3A_244 = arith.constant 0 : i32
    %dma_wait3A_245 = arith.constant 0 : i32
    %dma_wait3A_246 = arith.constant 0 : i32
    %dma_wait3A_247 = tpu.memref_slice %arg10[%dma_wait3A_243, %dma_wait3A_245, %dma_wait3A_246] : memref<3x128x64xf32, #tpu.memory_space<vmem>> -> memref<1x128x64xf32, #tpu.memory_space<vmem>>
    %dma_wait3A_248 = tpu.memref_squeeze %dma_wait3A_247 : memref<1x128x64xf32, #tpu.memory_space<vmem>> -> memref<128x64xf32, #tpu.memory_space<vmem>>
    %dma_wait3A_249 = arith.constant 0 : i32
    %dma_wait3A_250 = tpu.memref_slice %arg9[%dma_wait3A_244, %dma_wait3A_249] : memref<4x128xi32, #tpu.memory_space<vmem>> -> memref<1x128xi32, #tpu.memory_space<vmem>>
    %dma_wait3A_251 = tpu.memref_squeeze %dma_wait3A_250 : memref<1x128xi32, #tpu.memory_space<vmem>> -> memref<128xi32, #tpu.memory_space<vmem>>
    %dma_wait3A_252 = arith.constant 0 : i32
    %dma_wait3A_253 = arith.constant 0 : i32
    %dma_wait3A_254 = tpu.memref_slice %arg11[%dma_wait3A_252, %dma_wait3A_253] : memref<25344x64xf32, #tpu.memory_space<vmem_shared>> -> memref<25344x64xf32, #tpu.memory_space<vmem_shared>>
    tpu.wait_indirect_dma semaphore(%arg15 : memref<!tpu.dma_semaphore, #tpu.memory_space<semaphore_mem>>) src(%dma_wait3A_248 : memref<128x64xf32, #tpu.memory_space<vmem>>) dst(%dma_wait3A_254 : memref<25344x64xf32, #tpu.memory_space<vmem_shared>>)
    %dma_wait3A_255 = arith.constant 0 : i32
    %dma_wait3A_256 = arith.constant 0 : i32
    %dma_wait3A_257 = arith.constant 0 : i32
    %dma_wait3A_258 = arith.constant 0 : i32
    %dma_wait3A_259 = tpu.memref_slice %arg10[%dma_wait3A_255, %dma_wait3A_257, %dma_wait3A_258] : memref<3x128x64xf32, #tpu.memory_space<vmem>> -> memref<1x128x64xf32, #tpu.memory_space<vmem>>
    %dma_wait3A_260 = tpu.memref_squeeze %dma_wait3A_259 : memref<1x128x64xf32, #tpu.memory_space<vmem>> -> memref<128x64xf32, #tpu.memory_space<vmem>>
    %dma_wait3A_261 = arith.constant 0 : i32
    %dma_wait3A_262 = tpu.memref_slice %arg9[%dma_wait3A_256, %dma_wait3A_261] : memref<4x128xi32, #tpu.memory_space<vmem>> -> memref<1x128xi32, #tpu.memory_space<vmem>>
    %dma_wait3A_263 = tpu.memref_squeeze %dma_wait3A_262 : memref<1x128xi32, #tpu.memory_space<vmem>> -> memref<128xi32, #tpu.memory_space<vmem>>
    %dma_wait3A_264 = arith.constant 0 : i32
    %dma_wait3A_265 = arith.constant 0 : i32
    %dma_wait3A_266 = tpu.memref_slice %arg11[%dma_wait3A_264, %dma_wait3A_265] : memref<25344x64xf32, #tpu.memory_space<vmem_shared>> -> memref<25344x64xf32, #tpu.memory_space<vmem_shared>>
    tpu.wait_indirect_dma semaphore(%arg15 : memref<!tpu.dma_semaphore, #tpu.memory_space<semaphore_mem>>) src(%dma_wait3A_260 : memref<128x64xf32, #tpu.memory_space<vmem>>) dst(%dma_wait3A_266 : memref<25344x64xf32, #tpu.memory_space<vmem_shared>>)
    %dma_wait3A_267 = arith.constant 0 : i32
    %dma_wait3A_268 = arith.constant 0 : i32
    %dma_wait3A_269 = arith.constant 0 : i32
    %dma_wait3A_270 = arith.constant 0 : i32
    %dma_wait3A_271 = tpu.memref_slice %arg10[%dma_wait3A_268, %dma_wait3A_269, %dma_wait3A_270] : memref<3x128x64xf32, #tpu.memory_space<vmem>> -> memref<1x128x64xf32, #tpu.memory_space<vmem>>
    %dma_wait3A_272 = tpu.memref_squeeze %dma_wait3A_271 : memref<1x128x64xf32, #tpu.memory_space<vmem>> -> memref<128x64xf32, #tpu.memory_space<vmem>>
    %dma_wait3A_273 = arith.constant 0 : i32
    %dma_wait3A_274 = tpu.memref_slice %arg7[%dma_wait3A_267, %dma_wait3A_273] : memref<4x128xi32, #tpu.memory_space<vmem>> -> memref<1x128xi32, #tpu.memory_space<vmem>>
    %dma_wait3A_275 = tpu.memref_squeeze %dma_wait3A_274 : memref<1x128xi32, #tpu.memory_space<vmem>> -> memref<128xi32, #tpu.memory_space<vmem>>
    %dma_wait3A_276 = arith.constant 0 : i32
    %dma_wait3A_277 = arith.constant 0 : i32
    %dma_wait3A_278 = tpu.memref_slice %arg2[%dma_wait3A_276, %dma_wait3A_277] : memref<100352x64xf32, #tpu.memory_space<hbm>> -> memref<100352x64xf32, #tpu.memory_space<hbm>>
    tpu.wait_indirect_dma semaphore(%arg14 : memref<!tpu.dma_semaphore, #tpu.memory_space<semaphore_mem>>) src(%dma_wait3A_278 : memref<100352x64xf32, #tpu.memory_space<hbm>>) dst(%dma_wait3A_272 : memref<128x64xf32, #tpu.memory_space<vmem>>)
    %dma_wait3A_279 = arith.constant 0 : i32
    %dma_wait3A_280 = arith.constant 0 : i32
    %dma_wait3A_281 = tpu.memref_slice %arg7[%dma_wait3A_279, %dma_wait3A_280] : memref<4x128xi32, #tpu.memory_space<vmem>> -> memref<1x128xi32, #tpu.memory_space<vmem>>
    %dma_wait3A_282 = tpu.memref_squeeze %dma_wait3A_281 : memref<1x128xi32, #tpu.memory_space<vmem>> -> memref<128xi32, #tpu.memory_space<vmem>>
    %dma_wait3A_283 = arith.constant 0 : i32
    %dma_wait3A_284 = tpu.memref_slice %arg3[%dma_wait3A_283] : memref<1602176xi32, #tpu.memory_space<hbm>> -> memref<128xi32, #tpu.memory_space<hbm>>
    %dma_wait3A_285 = arith.constant 0 : i32
    %dma_wait3A_286 = tpu.memref_slice %arg7[%dma_wait3A_279, %dma_wait3A_285] : memref<4x128xi32, #tpu.memory_space<vmem>> -> memref<1x128xi32, #tpu.memory_space<vmem>>
    %dma_wait3A_287 = tpu.memref_squeeze %dma_wait3A_286 : memref<1x128xi32, #tpu.memory_space<vmem>> -> memref<128xi32, #tpu.memory_space<vmem>>
    %dma_wait3A_288 = arith.constant 0 : i32
    %dma_wait3A_289 = tpu.memref_slice %arg3[%dma_wait3A_288] : memref<1602176xi32, #tpu.memory_space<hbm>> -> memref<128xi32, #tpu.memory_space<hbm>>
    tpu.wait_dma2 semaphore(%arg12 : memref<!tpu.dma_semaphore, #tpu.memory_space<semaphore_mem>>) src(%dma_wait3A_289 : memref<128xi32, #tpu.memory_space<hbm>>) dst(%dma_wait3A_287 : memref<128xi32, #tpu.memory_space<vmem>>)
    %dma_wait3A_290 = arith.constant 0 : i32
    %dma_wait3A_291 = arith.constant 0 : i32
    %dma_wait3A_292 = tpu.memref_slice %arg8[%dma_wait3A_290, %dma_wait3A_291] : memref<4x128xi32, #tpu.memory_space<vmem>> -> memref<1x128xi32, #tpu.memory_space<vmem>>
    %dma_wait3A_293 = tpu.memref_squeeze %dma_wait3A_292 : memref<1x128xi32, #tpu.memory_space<vmem>> -> memref<128xi32, #tpu.memory_space<vmem>>
    %dma_wait3A_294 = arith.constant 0 : i32
    %dma_wait3A_295 = tpu.memref_slice %arg4[%dma_wait3A_294] : memref<1602176xi32, #tpu.memory_space<hbm>> -> memref<128xi32, #tpu.memory_space<hbm>>
    %dma_wait3A_296 = arith.constant 0 : i32
    %dma_wait3A_297 = tpu.memref_slice %arg8[%dma_wait3A_290, %dma_wait3A_296] : memref<4x128xi32, #tpu.memory_space<vmem>> -> memref<1x128xi32, #tpu.memory_space<vmem>>
    %dma_wait3A_298 = tpu.memref_squeeze %dma_wait3A_297 : memref<1x128xi32, #tpu.memory_space<vmem>> -> memref<128xi32, #tpu.memory_space<vmem>>
    %dma_wait3A_299 = arith.constant 0 : i32
    %dma_wait3A_300 = tpu.memref_slice %arg4[%dma_wait3A_299] : memref<1602176xi32, #tpu.memory_space<hbm>> -> memref<128xi32, #tpu.memory_space<hbm>>
    tpu.wait_dma2 semaphore(%arg13 : memref<!tpu.dma_semaphore, #tpu.memory_space<semaphore_mem>>) src(%dma_wait3A_300 : memref<128xi32, #tpu.memory_space<hbm>>) dst(%dma_wait3A_298 : memref<128xi32, #tpu.memory_space<vmem>>)
    %barrier3A_301 = arith.constant 0 : index
    tpu.barrier barrier_id(%barrier3A_301)
    %mul3A_302 = arith.constant 1568 : i32
    %mul3A_303 = arith.muli %arg1, %mul3A_302 : i32
    %mul3A_304 = arith.constant 1568 : i32
    %mul3A_305 = arith.muli %arg1, %mul3A_304 : i32
    %add3A_306 = arith.addi %mul3A_157, %mul3A_305 : i32
    "tpu.region"() ({
      %run_scoped3A = tpu.sem_alloc : memref<!tpu.dma_semaphore, #tpu.memory_space<semaphore_mem>>
      %dma_start3A_308 = arith.constant 0 : i32
      %dma_start3A_309 = tpu.memref_slice %arg6[%add3A_306, %dma_start3A_308] : memref<100352x64xf32, #tpu.memory_space<hbm>> -> memref<1568x64xf32, #tpu.memory_space<hbm>>
      %dma_start3A_310 = arith.constant 0 : i32
      %dma_start3A_311 = tpu.memref_slice %arg11[%mul3A_303, %dma_start3A_310] : memref<25344x64xf32, #tpu.memory_space<vmem_shared>> -> memref<1568x64xf32, #tpu.memory_space<vmem_shared>>
      tpu.enqueue_dma source(%dma_start3A_311 : memref<1568x64xf32, #tpu.memory_space<vmem_shared>>) target(%dma_start3A_309 : memref<1568x64xf32, #tpu.memory_space<hbm>>) target_semaphore(%run_scoped3A : memref<!tpu.dma_semaphore, #tpu.memory_space<semaphore_mem>>)
      %dma_wait3A_312 = arith.constant 0 : i32
      %dma_wait3A_313 = tpu.memref_slice %arg6[%add3A_306, %dma_wait3A_312] : memref<100352x64xf32, #tpu.memory_space<hbm>> -> memref<1568x64xf32, #tpu.memory_space<hbm>>
      %dma_wait3A_314 = arith.constant 0 : i32
      %dma_wait3A_315 = tpu.memref_slice %arg11[%mul3A_303, %dma_wait3A_314] : memref<25344x64xf32, #tpu.memory_space<vmem_shared>> -> memref<1568x64xf32, #tpu.memory_space<vmem_shared>>
      tpu.wait_dma2 semaphore(%run_scoped3A : memref<!tpu.dma_semaphore, #tpu.memory_space<semaphore_mem>>) src(%dma_wait3A_315 : memref<1568x64xf32, #tpu.memory_space<vmem_shared>>) dst(%dma_wait3A_313 : memref<1568x64xf32, #tpu.memory_space<hbm>>)
      tpu.yield
    }) : () -> ()
    %barrier3A_307 = arith.constant 0 : index
    tpu.barrier barrier_id(%barrier3A_307)
    return
  }
}

#map = affine_map<(d0, d1) -> (0, 0)>
#map1 = affine_map<(d0, d1) -> (0)>
module attributes {stable_mosaic.version = 14 : i64} {
  func.func @_scatter_kernel(%arg0: i32, %arg1: i32, %arg2: memref<100352x64xf32, #tpu.memory_space<hbm>>, %arg3: memref<1602176xi32, #tpu.memory_space<hbm>>, %arg4: memref<1602176xi32, #tpu.memory_space<hbm>>, %arg5: memref<25344x64xf32, #tpu.memory_space<hbm>>, %arg6: memref<100352x64xf32, #tpu.memory_space<hbm>>, %arg7: memref<4x128xi32, #tpu.memory_space<vmem>>, %arg8: memref<4x128xi32, #tpu.memory_space<vmem>>, %arg9: memref<4x128xi32, #tpu.memory_space<vmem>>, %arg10: memref<3x128x64xf32, #tpu.memory_space<vmem>>, %arg11: memref<25344x64xf32, #tpu.memory_space<vmem_shared>>, %arg12: memref<!tpu.dma_semaphore, #tpu.memory_space<semaphore_mem>>, %arg13: memref<!tpu.dma_semaphore, #tpu.memory_space<semaphore_mem>>, %arg14: memref<!tpu.dma_semaphore, #tpu.memory_space<semaphore_mem>>, %arg15: memref<!tpu.dma_semaphore, #tpu.memory_space<semaphore_mem>>) attributes {dimension_semantics = [#tpu.dimension_semantics<core_parallel>, #tpu.dimension_semantics<subcore_parallel>], iteration_bounds = array<i64: 2, 16>, scalar_prefetch = 0 : i64, scratch_operands = 9 : i64, tpu.core_type = #tpu.core_type<sc_vector_subcore>, window_params = [{transform_indices = #map}, {transform_indices = #map1}, {transform_indices = #map1}, {transform_indices = #map}, {transform_indices = #map}]} {
    %mul3A = arith.constant 100096 : i32
    %mul3A_0 = arith.muli %arg1, %mul3A : i32
    %mul3A_1 = arith.constant 2 : i32
    %mul3A_2 = arith.muli %arg0, %mul3A_1 : i32
    %add3A = arith.constant 0 : i32
    %add3A_3 = arith.addi %mul3A_2, %add3A : i32
    %mul3A_4 = arith.constant 25088 : i32
    %mul3A_5 = arith.muli %add3A_3, %mul3A_4 : i32
    %mul3A_6 = arith.constant 1584 : i32
    %mul3A_7 = arith.muli %arg1, %mul3A_6 : i32
    %mul3A_8 = arith.constant 1584 : i32
    %mul3A_9 = arith.muli %arg1, %mul3A_8 : i32
    "tpu.region"() ({
      %run_scoped3A = tpu.sem_alloc : memref<!tpu.dma_semaphore, #tpu.memory_space<semaphore_mem>>
      %dma_start3A_308 = arith.constant 0 : i32
      %dma_start3A_309 = tpu.memref_slice %arg11[%mul3A_9, %dma_start3A_308] : memref<25344x64xf32, #tpu.memory_space<vmem_shared>> -> memref<1584x64xf32, #tpu.memory_space<vmem_shared>>
      %dma_start3A_310 = arith.constant 0 : i32
      %dma_start3A_311 = tpu.memref_slice %arg5[%mul3A_7, %dma_start3A_310] : memref<25344x64xf32, #tpu.memory_space<hbm>> -> memref<1584x64xf32, #tpu.memory_space<hbm>>
      tpu.enqueue_dma source(%dma_start3A_311 : memref<1584x64xf32, #tpu.memory_space<hbm>>) target(%dma_start3A_309 : memref<1584x64xf32, #tpu.memory_space<vmem_shared>>) target_semaphore(%run_scoped3A : memref<!tpu.dma_semaphore, #tpu.memory_space<semaphore_mem>>)
      %dma_wait3A_312 = arith.constant 0 : i32
      %dma_wait3A_313 = tpu.memref_slice %arg11[%mul3A_9, %dma_wait3A_312] : memref<25344x64xf32, #tpu.memory_space<vmem_shared>> -> memref<1584x64xf32, #tpu.memory_space<vmem_shared>>
      %dma_wait3A_314 = arith.constant 0 : i32
      %dma_wait3A_315 = tpu.memref_slice %arg5[%mul3A_7, %dma_wait3A_314] : memref<25344x64xf32, #tpu.memory_space<hbm>> -> memref<1584x64xf32, #tpu.memory_space<hbm>>
      tpu.wait_dma2 semaphore(%run_scoped3A : memref<!tpu.dma_semaphore, #tpu.memory_space<semaphore_mem>>) src(%dma_wait3A_315 : memref<1584x64xf32, #tpu.memory_space<hbm>>) dst(%dma_wait3A_313 : memref<1584x64xf32, #tpu.memory_space<vmem_shared>>)
      tpu.yield
    }) : () -> ()
    %barrier3A = arith.constant 0 : index
    tpu.barrier barrier_id(%barrier3A)
    %add3A_10 = arith.constant 0 : i32
    %add3A_11 = arith.addi %mul3A_0, %add3A_10 : i32
    %dma_start3A = arith.constant 0 : i32
    %dma_start3A_12 = arith.constant 0 : i32
    %dma_start3A_13 = tpu.memref_slice %arg7[%dma_start3A, %dma_start3A_12] : memref<4x128xi32, #tpu.memory_space<vmem>> -> memref<1x128xi32, #tpu.memory_space<vmem>>
    %dma_start3A_14 = tpu.memref_squeeze %dma_start3A_13 : memref<1x128xi32, #tpu.memory_space<vmem>> -> memref<128xi32, #tpu.memory_space<vmem>>
    %dma_start3A_15 = tpu.memref_slice %arg3[%add3A_11] : memref<1602176xi32, #tpu.memory_space<hbm>> -> memref<128xi32, #tpu.memory_space<hbm>>
    %dma_start3A_16 = arith.constant 0 : i32
    %dma_start3A_17 = tpu.memref_slice %arg7[%dma_start3A, %dma_start3A_16] : memref<4x128xi32, #tpu.memory_space<vmem>> -> memref<1x128xi32, #tpu.memory_space<vmem>>
    %dma_start3A_18 = tpu.memref_squeeze %dma_start3A_17 : memref<1x128xi32, #tpu.memory_space<vmem>> -> memref<128xi32, #tpu.memory_space<vmem>>
    %dma_start3A_19 = tpu.memref_slice %arg3[%add3A_11] : memref<1602176xi32, #tpu.memory_space<hbm>> -> memref<128xi32, #tpu.memory_space<hbm>>
    tpu.enqueue_dma source(%dma_start3A_19 : memref<128xi32, #tpu.memory_space<hbm>>) target(%dma_start3A_18 : memref<128xi32, #tpu.memory_space<vmem>>) target_semaphore(%arg12 : memref<!tpu.dma_semaphore, #tpu.memory_space<semaphore_mem>>)
    %dma_start3A_20 = arith.constant 0 : i32
    %dma_start3A_21 = arith.constant 0 : i32
    %dma_start3A_22 = tpu.memref_slice %arg8[%dma_start3A_20, %dma_start3A_21] : memref<4x128xi32, #tpu.memory_space<vmem>> -> memref<1x128xi32, #tpu.memory_space<vmem>>
    %dma_start3A_23 = tpu.memref_squeeze %dma_start3A_22 : memref<1x128xi32, #tpu.memory_space<vmem>> -> memref<128xi32, #tpu.memory_space<vmem>>
    %dma_start3A_24 = tpu.memref_slice %arg4[%add3A_11] : memref<1602176xi32, #tpu.memory_space<hbm>> -> memref<128xi32, #tpu.memory_space<hbm>>
    %dma_start3A_25 = arith.constant 0 : i32
    %dma_start3A_26 = tpu.memref_slice %arg8[%dma_start3A_20, %dma_start3A_25] : memref<4x128xi32, #tpu.memory_space<vmem>> -> memref<1x128xi32, #tpu.memory_space<vmem>>
    %dma_start3A_27 = tpu.memref_squeeze %dma_start3A_26 : memref<1x128xi32, #tpu.memory_space<vmem>> -> memref<128xi32, #tpu.memory_space<vmem>>
    %dma_start3A_28 = tpu.memref_slice %arg4[%add3A_11] : memref<1602176xi32, #tpu.memory_space<hbm>> -> memref<128xi32, #tpu.memory_space<hbm>>
    tpu.enqueue_dma source(%dma_start3A_28 : memref<128xi32, #tpu.memory_space<hbm>>) target(%dma_start3A_27 : memref<128xi32, #tpu.memory_space<vmem>>) target_semaphore(%arg13 : memref<!tpu.dma_semaphore, #tpu.memory_space<semaphore_mem>>)
    %add3A_29 = arith.constant 128 : i32
    %add3A_30 = arith.addi %mul3A_0, %add3A_29 : i32
    %dma_start3A_31 = arith.constant 1 : i32
    %dma_start3A_32 = arith.constant 0 : i32
    %dma_start3A_33 = tpu.memref_slice %arg7[%dma_start3A_31, %dma_start3A_32] : memref<4x128xi32, #tpu.memory_space<vmem>> -> memref<1x128xi32, #tpu.memory_space<vmem>>
    %dma_start3A_34 = tpu.memref_squeeze %dma_start3A_33 : memref<1x128xi32, #tpu.memory_space<vmem>> -> memref<128xi32, #tpu.memory_space<vmem>>
    %dma_start3A_35 = tpu.memref_slice %arg3[%add3A_30] : memref<1602176xi32, #tpu.memory_space<hbm>> -> memref<128xi32, #tpu.memory_space<hbm>>
    %dma_start3A_36 = arith.constant 0 : i32
    %dma_start3A_37 = tpu.memref_slice %arg7[%dma_start3A_31, %dma_start3A_36] : memref<4x128xi32, #tpu.memory_space<vmem>> -> memref<1x128xi32, #tpu.memory_space<vmem>>
    %dma_start3A_38 = tpu.memref_squeeze %dma_start3A_37 : memref<1x128xi32, #tpu.memory_space<vmem>> -> memref<128xi32, #tpu.memory_space<vmem>>
    %dma_start3A_39 = tpu.memref_slice %arg3[%add3A_30] : memref<1602176xi32, #tpu.memory_space<hbm>> -> memref<128xi32, #tpu.memory_space<hbm>>
    tpu.enqueue_dma source(%dma_start3A_39 : memref<128xi32, #tpu.memory_space<hbm>>) target(%dma_start3A_38 : memref<128xi32, #tpu.memory_space<vmem>>) target_semaphore(%arg12 : memref<!tpu.dma_semaphore, #tpu.memory_space<semaphore_mem>>)
    %dma_start3A_40 = arith.constant 1 : i32
    %dma_start3A_41 = arith.constant 0 : i32
    %dma_start3A_42 = tpu.memref_slice %arg8[%dma_start3A_40, %dma_start3A_41] : memref<4x128xi32, #tpu.memory_space<vmem>> -> memref<1x128xi32, #tpu.memory_space<vmem>>
    %dma_start3A_43 = tpu.memref_squeeze %dma_start3A_42 : memref<1x128xi32, #tpu.memory_space<vmem>> -> memref<128xi32, #tpu.memory_space<vmem>>
    %dma_start3A_44 = tpu.memref_slice %arg4[%add3A_30] : memref<1602176xi32, #tpu.memory_space<hbm>> -> memref<128xi32, #tpu.memory_space<hbm>>
    %dma_start3A_45 = arith.constant 0 : i32
    %dma_start3A_46 = tpu.memref_slice %arg8[%dma_start3A_40, %dma_start3A_45] : memref<4x128xi32, #tpu.memory_space<vmem>> -> memref<1x128xi32, #tpu.memory_space<vmem>>
    %dma_start3A_47 = tpu.memref_squeeze %dma_start3A_46 : memref<1x128xi32, #tpu.memory_space<vmem>> -> memref<128xi32, #tpu.memory_space<vmem>>
    %dma_start3A_48 = tpu.memref_slice %arg4[%add3A_30] : memref<1602176xi32, #tpu.memory_space<hbm>> -> memref<128xi32, #tpu.memory_space<hbm>>
    tpu.enqueue_dma source(%dma_start3A_48 : memref<128xi32, #tpu.memory_space<hbm>>) target(%dma_start3A_47 : memref<128xi32, #tpu.memory_space<vmem>>) target_semaphore(%arg13 : memref<!tpu.dma_semaphore, #tpu.memory_space<semaphore_mem>>)
    %dma_wait3A = arith.constant 0 : i32
    %dma_wait3A_49 = arith.constant 0 : i32
    %dma_wait3A_50 = tpu.memref_slice %arg7[%dma_wait3A, %dma_wait3A_49] : memref<4x128xi32, #tpu.memory_space<vmem>> -> memref<1x128xi32, #tpu.memory_space<vmem>>
    %dma_wait3A_51 = tpu.memref_squeeze %dma_wait3A_50 : memref<1x128xi32, #tpu.memory_space<vmem>> -> memref<128xi32, #tpu.memory_space<vmem>>
    %dma_wait3A_52 = arith.constant 0 : i32
    %dma_wait3A_53 = tpu.memref_slice %arg3[%dma_wait3A_52] : memref<1602176xi32, #tpu.memory_space<hbm>> -> memref<128xi32, #tpu.memory_space<hbm>>
    %dma_wait3A_54 = arith.constant 0 : i32
    %dma_wait3A_55 = tpu.memref_slice %arg7[%dma_wait3A, %dma_wait3A_54] : memref<4x128xi32, #tpu.memory_space<vmem>> -> memref<1x128xi32, #tpu.memory_space<vmem>>
    %dma_wait3A_56 = tpu.memref_squeeze %dma_wait3A_55 : memref<1x128xi32, #tpu.memory_space<vmem>> -> memref<128xi32, #tpu.memory_space<vmem>>
    %dma_wait3A_57 = arith.constant 0 : i32
    %dma_wait3A_58 = tpu.memref_slice %arg3[%dma_wait3A_57] : memref<1602176xi32, #tpu.memory_space<hbm>> -> memref<128xi32, #tpu.memory_space<hbm>>
    tpu.wait_dma2 semaphore(%arg12 : memref<!tpu.dma_semaphore, #tpu.memory_space<semaphore_mem>>) src(%dma_wait3A_58 : memref<128xi32, #tpu.memory_space<hbm>>) dst(%dma_wait3A_56 : memref<128xi32, #tpu.memory_space<vmem>>)
    %dma_wait3A_59 = arith.constant 0 : i32
    %dma_wait3A_60 = arith.constant 0 : i32
    %dma_wait3A_61 = tpu.memref_slice %arg8[%dma_wait3A_59, %dma_wait3A_60] : memref<4x128xi32, #tpu.memory_space<vmem>> -> memref<1x128xi32, #tpu.memory_space<vmem>>
    %dma_wait3A_62 = tpu.memref_squeeze %dma_wait3A_61 : memref<1x128xi32, #tpu.memory_space<vmem>> -> memref<128xi32, #tpu.memory_space<vmem>>
    %dma_wait3A_63 = arith.constant 0 : i32
    %dma_wait3A_64 = tpu.memref_slice %arg4[%dma_wait3A_63] : memref<1602176xi32, #tpu.memory_space<hbm>> -> memref<128xi32, #tpu.memory_space<hbm>>
    %dma_wait3A_65 = arith.constant 0 : i32
    %dma_wait3A_66 = tpu.memref_slice %arg8[%dma_wait3A_59, %dma_wait3A_65] : memref<4x128xi32, #tpu.memory_space<vmem>> -> memref<1x128xi32, #tpu.memory_space<vmem>>
    %dma_wait3A_67 = tpu.memref_squeeze %dma_wait3A_66 : memref<1x128xi32, #tpu.memory_space<vmem>> -> memref<128xi32, #tpu.memory_space<vmem>>
    %dma_wait3A_68 = arith.constant 0 : i32
    %dma_wait3A_69 = tpu.memref_slice %arg4[%dma_wait3A_68] : memref<1602176xi32, #tpu.memory_space<hbm>> -> memref<128xi32, #tpu.memory_space<hbm>>
    tpu.wait_dma2 semaphore(%arg13 : memref<!tpu.dma_semaphore, #tpu.memory_space<semaphore_mem>>) src(%dma_wait3A_69 : memref<128xi32, #tpu.memory_space<hbm>>) dst(%dma_wait3A_67 : memref<128xi32, #tpu.memory_space<vmem>>)
    %dma_start3A_70 = arith.constant 0 : i32
    %dma_start3A_71 = arith.constant 0 : i32
    %dma_start3A_72 = arith.constant 0 : i32
    %dma_start3A_73 = arith.constant 0 : i32
    %dma_start3A_74 = tpu.memref_slice %arg10[%dma_start3A_71, %dma_start3A_72, %dma_start3A_73] : memref<3x128x64xf32, #tpu.memory_space<vmem>> -> memref<1x128x64xf32, #tpu.memory_space<vmem>>
    %dma_start3A_75 = tpu.memref_squeeze %dma_start3A_74 : memref<1x128x64xf32, #tpu.memory_space<vmem>> -> memref<128x64xf32, #tpu.memory_space<vmem>>
    %dma_start3A_76 = arith.constant 0 : i32
    %dma_start3A_77 = tpu.memref_slice %arg7[%dma_start3A_70, %dma_start3A_76] : memref<4x128xi32, #tpu.memory_space<vmem>> -> memref<1x128xi32, #tpu.memory_space<vmem>>
    %dma_start3A_78 = tpu.memref_squeeze %dma_start3A_77 : memref<1x128xi32, #tpu.memory_space<vmem>> -> memref<128xi32, #tpu.memory_space<vmem>>
    %dma_start3A_79 = arith.constant 0 : i32
    %dma_start3A_80 = arith.constant 0 : i32
    %dma_start3A_81 = tpu.memref_slice %arg2[%dma_start3A_79, %dma_start3A_80] : memref<100352x64xf32, #tpu.memory_space<hbm>> -> memref<100352x64xf32, #tpu.memory_space<hbm>>
    tpu.enqueue_indirect_dma source(%dma_start3A_81 : memref<100352x64xf32, #tpu.memory_space<hbm>>) target(%dma_start3A_75 : memref<128x64xf32, #tpu.memory_space<vmem>>) offsets(%dma_start3A_78 : memref<128xi32, #tpu.memory_space<vmem>>) semaphore(%arg14 : memref<!tpu.dma_semaphore, #tpu.memory_space<semaphore_mem>>)
    %scan3A = arith.constant 0 : i32
    %scan3A_82 = arith.constant 0 : i32
    %scan3A_83 = arith.constant 782 : i32
    %scan3A_84 = arith.addi %scan3A_82, %scan3A_83 : i32
    %scan3A_85 = arith.constant 1 : i32
    scf.for %scan3A_308 = %scan3A_82 to %scan3A_84 step %scan3A_85  : i32 {
      %add3A_309 = arith.constant 2 : i32
      %add3A_310 = arith.addi %scan3A_308, %add3A_309 : i32
      %add3A_311 = arith.constant 2 : i32
      %add3A_312 = arith.addi %scan3A_308, %add3A_311 : i32
      %rem3A = arith.constant 4 : i32
      %rem3A_313 = arith.remsi %add3A_312, %rem3A : i32
      %mul3A_314 = arith.constant 128 : i32
      %mul3A_315 = arith.muli %add3A_310, %mul3A_314 : i32
      %add3A_316 = arith.addi %mul3A_0, %mul3A_315 : i32
      %dma_start3A_317 = arith.constant 0 : i32
      %dma_start3A_318 = tpu.memref_slice %arg7[%rem3A_313, %dma_start3A_317] : memref<4x128xi32, #tpu.memory_space<vmem>> -> memref<1x128xi32, #tpu.memory_space<vmem>>
      %dma_start3A_319 = tpu.memref_squeeze %dma_start3A_318 : memref<1x128xi32, #tpu.memory_space<vmem>> -> memref<128xi32, #tpu.memory_space<vmem>>
      %dma_start3A_320 = tpu.memref_slice %arg3[%add3A_316] : memref<1602176xi32, #tpu.memory_space<hbm>> -> memref<128xi32, #tpu.memory_space<hbm>>
      %dma_start3A_321 = arith.constant 0 : i32
      %dma_start3A_322 = tpu.memref_slice %arg7[%rem3A_313, %dma_start3A_321] : memref<4x128xi32, #tpu.memory_space<vmem>> -> memref<1x128xi32, #tpu.memory_space<vmem>>
      %dma_start3A_323 = tpu.memref_squeeze %dma_start3A_322 : memref<1x128xi32, #tpu.memory_space<vmem>> -> memref<128xi32, #tpu.memory_space<vmem>>
      %dma_start3A_324 = tpu.memref_slice %arg3[%add3A_316] : memref<1602176xi32, #tpu.memory_space<hbm>> -> memref<128xi32, #tpu.memory_space<hbm>>
      tpu.enqueue_dma source(%dma_start3A_324 : memref<128xi32, #tpu.memory_space<hbm>>) target(%dma_start3A_323 : memref<128xi32, #tpu.memory_space<vmem>>) target_semaphore(%arg12 : memref<!tpu.dma_semaphore, #tpu.memory_space<semaphore_mem>>)
      %dma_start3A_325 = arith.constant 0 : i32
      %dma_start3A_326 = tpu.memref_slice %arg8[%rem3A_313, %dma_start3A_325] : memref<4x128xi32, #tpu.memory_space<vmem>> -> memref<1x128xi32, #tpu.memory_space<vmem>>
      %dma_start3A_327 = tpu.memref_squeeze %dma_start3A_326 : memref<1x128xi32, #tpu.memory_space<vmem>> -> memref<128xi32, #tpu.memory_space<vmem>>
      %dma_start3A_328 = tpu.memref_slice %arg4[%add3A_316] : memref<1602176xi32, #tpu.memory_space<hbm>> -> memref<128xi32, #tpu.memory_space<hbm>>
      %dma_start3A_329 = arith.constant 0 : i32
      %dma_start3A_330 = tpu.memref_slice %arg8[%rem3A_313, %dma_start3A_329] : memref<4x128xi32, #tpu.memory_space<vmem>> -> memref<1x128xi32, #tpu.memory_space<vmem>>
      %dma_start3A_331 = tpu.memref_squeeze %dma_start3A_330 : memref<1x128xi32, #tpu.memory_space<vmem>> -> memref<128xi32, #tpu.memory_space<vmem>>
      %dma_start3A_332 = tpu.memref_slice %arg4[%add3A_316] : memref<1602176xi32, #tpu.memory_space<hbm>> -> memref<128xi32, #tpu.memory_space<hbm>>
      tpu.enqueue_dma source(%dma_start3A_332 : memref<128xi32, #tpu.memory_space<hbm>>) target(%dma_start3A_331 : memref<128xi32, #tpu.memory_space<vmem>>) target_semaphore(%arg13 : memref<!tpu.dma_semaphore, #tpu.memory_space<semaphore_mem>>)
      %dma_wait3A_333 = arith.constant 0 : i32
      %dma_wait3A_334 = arith.constant 0 : i32
      %dma_wait3A_335 = tpu.memref_slice %arg7[%dma_wait3A_333, %dma_wait3A_334] : memref<4x128xi32, #tpu.memory_space<vmem>> -> memref<1x128xi32, #tpu.memory_space<vmem>>
      %dma_wait3A_336 = tpu.memref_squeeze %dma_wait3A_335 : memref<1x128xi32, #tpu.memory_space<vmem>> -> memref<128xi32, #tpu.memory_space<vmem>>
      %dma_wait3A_337 = arith.constant 0 : i32
      %dma_wait3A_338 = tpu.memref_slice %arg3[%dma_wait3A_337] : memref<1602176xi32, #tpu.memory_space<hbm>> -> memref<128xi32, #tpu.memory_space<hbm>>
      %dma_wait3A_339 = arith.constant 0 : i32
      %dma_wait3A_340 = tpu.memref_slice %arg7[%dma_wait3A_333, %dma_wait3A_339] : memref<4x128xi32, #tpu.memory_space<vmem>> -> memref<1x128xi32, #tpu.memory_space<vmem>>
      %dma_wait3A_341 = tpu.memref_squeeze %dma_wait3A_340 : memref<1x128xi32, #tpu.memory_space<vmem>> -> memref<128xi32, #tpu.memory_space<vmem>>
      %dma_wait3A_342 = arith.constant 0 : i32
      %dma_wait3A_343 = tpu.memref_slice %arg3[%dma_wait3A_342] : memref<1602176xi32, #tpu.memory_space<hbm>> -> memref<128xi32, #tpu.memory_space<hbm>>
      tpu.wait_dma2 semaphore(%arg12 : memref<!tpu.dma_semaphore, #tpu.memory_space<semaphore_mem>>) src(%dma_wait3A_343 : memref<128xi32, #tpu.memory_space<hbm>>) dst(%dma_wait3A_341 : memref<128xi32, #tpu.memory_space<vmem>>)
      %dma_wait3A_344 = arith.constant 0 : i32
      %dma_wait3A_345 = arith.constant 0 : i32
      %dma_wait3A_346 = tpu.memref_slice %arg8[%dma_wait3A_344, %dma_wait3A_345] : memref<4x128xi32, #tpu.memory_space<vmem>> -> memref<1x128xi32, #tpu.memory_space<vmem>>
      %dma_wait3A_347 = tpu.memref_squeeze %dma_wait3A_346 : memref<1x128xi32, #tpu.memory_space<vmem>> -> memref<128xi32, #tpu.memory_space<vmem>>
      %dma_wait3A_348 = arith.constant 0 : i32
      %dma_wait3A_349 = tpu.memref_slice %arg4[%dma_wait3A_348] : memref<1602176xi32, #tpu.memory_space<hbm>> -> memref<128xi32, #tpu.memory_space<hbm>>
      %dma_wait3A_350 = arith.constant 0 : i32
      %dma_wait3A_351 = tpu.memref_slice %arg8[%dma_wait3A_344, %dma_wait3A_350] : memref<4x128xi32, #tpu.memory_space<vmem>> -> memref<1x128xi32, #tpu.memory_space<vmem>>
      %dma_wait3A_352 = tpu.memref_squeeze %dma_wait3A_351 : memref<1x128xi32, #tpu.memory_space<vmem>> -> memref<128xi32, #tpu.memory_space<vmem>>
      %dma_wait3A_353 = arith.constant 0 : i32
      %dma_wait3A_354 = tpu.memref_slice %arg4[%dma_wait3A_353] : memref<1602176xi32, #tpu.memory_space<hbm>> -> memref<128xi32, #tpu.memory_space<hbm>>
      tpu.wait_dma2 semaphore(%arg13 : memref<!tpu.dma_semaphore, #tpu.memory_space<semaphore_mem>>) src(%dma_wait3A_354 : memref<128xi32, #tpu.memory_space<hbm>>) dst(%dma_wait3A_352 : memref<128xi32, #tpu.memory_space<vmem>>)
      %ge3A = arith.constant 2 : i32
      %ge3A_355 = arith.cmpi sge, %scan3A_308, %ge3A : i32
      %convert_element_type3A = arith.extui %ge3A_355 : i1 to i32
      %cond3A = arith.constant 0 : i32
      %cond3A_356 = arith.cmpi ne, %convert_element_type3A, %cond3A : i32
      scf.if %cond3A_356 {
        %dma_wait3A_595 = arith.constant 0 : i32
        %dma_wait3A_596 = arith.constant 0 : i32
        %dma_wait3A_597 = arith.constant 0 : i32
        %dma_wait3A_598 = arith.constant 0 : i32
        %dma_wait3A_599 = tpu.memref_slice %arg10[%dma_wait3A_595, %dma_wait3A_597, %dma_wait3A_598] : memref<3x128x64xf32, #tpu.memory_space<vmem>> -> memref<1x128x64xf32, #tpu.memory_space<vmem>>
        %dma_wait3A_600 = tpu.memref_squeeze %dma_wait3A_599 : memref<1x128x64xf32, #tpu.memory_space<vmem>> -> memref<128x64xf32, #tpu.memory_space<vmem>>
        %dma_wait3A_601 = arith.constant 0 : i32
        %dma_wait3A_602 = tpu.memref_slice %arg9[%dma_wait3A_596, %dma_wait3A_601] : memref<4x128xi32, #tpu.memory_space<vmem>> -> memref<1x128xi32, #tpu.memory_space<vmem>>
        %dma_wait3A_603 = tpu.memref_squeeze %dma_wait3A_602 : memref<1x128xi32, #tpu.memory_space<vmem>> -> memref<128xi32, #tpu.memory_space<vmem>>
        %dma_wait3A_604 = arith.constant 0 : i32
        %dma_wait3A_605 = arith.constant 0 : i32
        %dma_wait3A_606 = tpu.memref_slice %arg11[%dma_wait3A_604, %dma_wait3A_605] : memref<25344x64xf32, #tpu.memory_space<vmem_shared>> -> memref<25344x64xf32, #tpu.memory_space<vmem_shared>>
        tpu.wait_indirect_dma semaphore(%arg15 : memref<!tpu.dma_semaphore, #tpu.memory_space<semaphore_mem>>) src(%dma_wait3A_600 : memref<128x64xf32, #tpu.memory_space<vmem>>) dst(%dma_wait3A_606 : memref<25344x64xf32, #tpu.memory_space<vmem_shared>>)
      } else {
      }
      %add3A_357 = arith.constant 1 : i32
      %add3A_358 = arith.addi %scan3A_308, %add3A_357 : i32
      %rem3A_359 = arith.constant 4 : i32
      %rem3A_360 = arith.remsi %add3A_358, %rem3A_359 : i32
      %add3A_361 = arith.constant 1 : i32
      %add3A_362 = arith.addi %scan3A_308, %add3A_361 : i32
      %rem3A_363 = arith.constant 3 : i32
      %rem3A_364 = arith.remsi %add3A_362, %rem3A_363 : i32
      %dma_start3A_365 = arith.constant 0 : i32
      %dma_start3A_366 = arith.constant 0 : i32
      %dma_start3A_367 = tpu.memref_slice %arg10[%rem3A_364, %dma_start3A_365, %dma_start3A_366] : memref<3x128x64xf32, #tpu.memory_space<vmem>> -> memref<1x128x64xf32, #tpu.memory_space<vmem>>
      %dma_start3A_368 = tpu.memref_squeeze %dma_start3A_367 : memref<1x128x64xf32, #tpu.memory_space<vmem>> -> memref<128x64xf32, #tpu.memory_space<vmem>>
      %dma_start3A_369 = arith.constant 0 : i32
      %dma_start3A_370 = tpu.memref_slice %arg7[%rem3A_360, %dma_start3A_369] : memref<4x128xi32, #tpu.memory_space<vmem>> -> memref<1x128xi32, #tpu.memory_space<vmem>>
      %dma_start3A_371 = tpu.memref_squeeze %dma_start3A_370 : memref<1x128xi32, #tpu.memory_space<vmem>> -> memref<128xi32, #tpu.memory_space<vmem>>
      %dma_start3A_372 = arith.constant 0 : i32
      %dma_start3A_373 = arith.constant 0 : i32
      %dma_start3A_374 = tpu.memref_slice %arg2[%dma_start3A_372, %dma_start3A_373] : memref<100352x64xf32, #tpu.memory_space<hbm>> -> memref<100352x64xf32, #tpu.memory_space<hbm>>
      tpu.enqueue_indirect_dma source(%dma_start3A_374 : memref<100352x64xf32, #tpu.memory_space<hbm>>) target(%dma_start3A_368 : memref<128x64xf32, #tpu.memory_space<vmem>>) offsets(%dma_start3A_371 : memref<128xi32, #tpu.memory_space<vmem>>) semaphore(%arg14 : memref<!tpu.dma_semaphore, #tpu.memory_space<semaphore_mem>>)
      %rem3A_375 = arith.constant 4 : i32
      %rem3A_376 = arith.remsi %scan3A_308, %rem3A_375 : i32
      %get3A = arith.index_cast %rem3A_376 : i32 to index
      %get3A_377 = arith.constant 0 : index
      %get3A_378 = tpu.vector_load %arg8[%get3A, %get3A_377] {strides = array<i32>} : memref<4x128xi32, #tpu.memory_space<vmem>>, vector<1x16xi32>,
      %get3A_379 = vector.shape_cast %get3A_378 : vector<1x16xi32> to vector<16xi32>
      %sub3A = vector.broadcast %mul3A_5 : i32 to vector<16xi32>
      %sub3A_380 = arith.subi %get3A_379, %sub3A : vector<16xi32>
      %ge3A_381 = arith.constant 0 : i32
      %ge3A_382 = vector.broadcast %ge3A_381 : i32 to vector<16xi32>
      %ge3A_383 = arith.cmpi sge, %sub3A_380, %ge3A_382 : vector<16xi32>
      %lt3A = arith.constant 25088 : i32
      %lt3A_384 = vector.broadcast %lt3A : i32 to vector<16xi32>
      %lt3A_385 = arith.cmpi slt, %sub3A_380, %lt3A_384 : vector<16xi32>
      %and3A = arith.andi %ge3A_383, %lt3A_385 : vector<16xi1>
      %and3A_386 = arith.constant 255 : i32
      %and3A_387 = vector.broadcast %and3A_386 : i32 to vector<16xi32>
      %and3A_388 = arith.andi %get3A_379, %and3A_387 : vector<16xi32>
      %add3A_389 = arith.constant 25088 : i32
      %add3A_390 = vector.broadcast %add3A_389 : i32 to vector<16xi32>
      %add3A_391 = arith.addi %add3A_390, %and3A_388 : vector<16xi32>
      %select_n3A = arith.select %and3A, %sub3A_380, %add3A_391 : vector<16xi1>, vector<16xi32>
      %swap3A = arith.index_cast %rem3A_376 : i32 to index
      %swap3A_392 = arith.constant 0 : index
      %swap3A_393 = tpu.vector_load %arg9[%swap3A, %swap3A_392] {strides = array<i32>} : memref<4x128xi32, #tpu.memory_space<vmem>>, vector<1x16xi32>,
      %swap3A_394 = vector.shape_cast %swap3A_393 : vector<1x16xi32> to vector<16xi32>
      %swap3A_395 = vector.shape_cast %select_n3A : vector<16xi32> to vector<1x16xi32>
      tpu.vector_store %arg9[%swap3A, %swap3A_392], %swap3A_395 {strides = array<i32>} : memref<4x128xi32, #tpu.memory_space<vmem>>, vector<1x16xi32>,
      %get3A_396 = arith.index_cast %rem3A_376 : i32 to index
      %get3A_397 = arith.constant 16 : index
      %get3A_398 = tpu.vector_load %arg8[%get3A_396, %get3A_397] {strides = array<i32>} : memref<4x128xi32, #tpu.memory_space<vmem>>, vector<1x16xi32>,
      %get3A_399 = vector.shape_cast %get3A_398 : vector<1x16xi32> to vector<16xi32>
      %sub3A_400 = vector.broadcast %mul3A_5 : i32 to vector<16xi32>
      %sub3A_401 = arith.subi %get3A_399, %sub3A_400 : vector<16xi32>
      %ge3A_402 = arith.constant 0 : i32
      %ge3A_403 = vector.broadcast %ge3A_402 : i32 to vector<16xi32>
      %ge3A_404 = arith.cmpi sge, %sub3A_401, %ge3A_403 : vector<16xi32>
      %lt3A_405 = arith.constant 25088 : i32
      %lt3A_406 = vector.broadcast %lt3A_405 : i32 to vector<16xi32>
      %lt3A_407 = arith.cmpi slt, %sub3A_401, %lt3A_406 : vector<16xi32>
      %and3A_408 = arith.andi %ge3A_404, %lt3A_407 : vector<16xi1>
      %and3A_409 = arith.constant 255 : i32
      %and3A_410 = vector.broadcast %and3A_409 : i32 to vector<16xi32>
      %and3A_411 = arith.andi %get3A_399, %and3A_410 : vector<16xi32>
      %add3A_412 = arith.constant 25088 : i32
      %add3A_413 = vector.broadcast %add3A_412 : i32 to vector<16xi32>
      %add3A_414 = arith.addi %add3A_413, %and3A_411 : vector<16xi32>
      %select_n3A_415 = arith.select %and3A_408, %sub3A_401, %add3A_414 : vector<16xi1>, vector<16xi32>
      %swap3A_416 = arith.index_cast %rem3A_376 : i32 to index
      %swap3A_417 = arith.constant 16 : index
      %swap3A_418 = tpu.vector_load %arg9[%swap3A_416, %swap3A_417] {strides = array<i32>} : memref<4x128xi32, #tpu.memory_space<vmem>>, vector<1x16xi32>,
      %swap3A_419 = vector.shape_cast %swap3A_418 : vector<1x16xi32> to vector<16xi32>
      %swap3A_420 = vector.shape_cast %select_n3A_415 : vector<16xi32> to vector<1x16xi32>
      tpu.vector_store %arg9[%swap3A_416, %swap3A_417], %swap3A_420 {strides = array<i32>} : memref<4x128xi32, #tpu.memory_space<vmem>>, vector<1x16xi32>,
      %get3A_421 = arith.index_cast %rem3A_376 : i32 to index
      %get3A_422 = arith.constant 32 : index
      %get3A_423 = tpu.vector_load %arg8[%get3A_421, %get3A_422] {strides = array<i32>} : memref<4x128xi32, #tpu.memory_space<vmem>>, vector<1x16xi32>,
      %get3A_424 = vector.shape_cast %get3A_423 : vector<1x16xi32> to vector<16xi32>
      %sub3A_425 = vector.broadcast %mul3A_5 : i32 to vector<16xi32>
      %sub3A_426 = arith.subi %get3A_424, %sub3A_425 : vector<16xi32>
      %ge3A_427 = arith.constant 0 : i32
      %ge3A_428 = vector.broadcast %ge3A_427 : i32 to vector<16xi32>
      %ge3A_429 = arith.cmpi sge, %sub3A_426, %ge3A_428 : vector<16xi32>
      %lt3A_430 = arith.constant 25088 : i32
      %lt3A_431 = vector.broadcast %lt3A_430 : i32 to vector<16xi32>
      %lt3A_432 = arith.cmpi slt, %sub3A_426, %lt3A_431 : vector<16xi32>
      %and3A_433 = arith.andi %ge3A_429, %lt3A_432 : vector<16xi1>
      %and3A_434 = arith.constant 255 : i32
      %and3A_435 = vector.broadcast %and3A_434 : i32 to vector<16xi32>
      %and3A_436 = arith.andi %get3A_424, %and3A_435 : vector<16xi32>
      %add3A_437 = arith.constant 25088 : i32
      %add3A_438 = vector.broadcast %add3A_437 : i32 to vector<16xi32>
      %add3A_439 = arith.addi %add3A_438, %and3A_436 : vector<16xi32>
      %select_n3A_440 = arith.select %and3A_433, %sub3A_426, %add3A_439 : vector<16xi1>, vector<16xi32>
      %swap3A_441 = arith.index_cast %rem3A_376 : i32 to index
      %swap3A_442 = arith.constant 32 : index
      %swap3A_443 = tpu.vector_load %arg9[%swap3A_441, %swap3A_442] {strides = array<i32>} : memref<4x128xi32, #tpu.memory_space<vmem>>, vector<1x16xi32>,
      %swap3A_444 = vector.shape_cast %swap3A_443 : vector<1x16xi32> to vector<16xi32>
      %swap3A_445 = vector.shape_cast %select_n3A_440 : vector<16xi32> to vector<1x16xi32>
      tpu.vector_store %arg9[%swap3A_441, %swap3A_442], %swap3A_445 {strides = array<i32>} : memref<4x128xi32, #tpu.memory_space<vmem>>, vector<1x16xi32>,
      %get3A_446 = arith.index_cast %rem3A_376 : i32 to index
      %get3A_447 = arith.constant 48 : index
      %get3A_448 = tpu.vector_load %arg8[%get3A_446, %get3A_447] {strides = array<i32>} : memref<4x128xi32, #tpu.memory_space<vmem>>, vector<1x16xi32>,
      %get3A_449 = vector.shape_cast %get3A_448 : vector<1x16xi32> to vector<16xi32>
      %sub3A_450 = vector.broadcast %mul3A_5 : i32 to vector<16xi32>
      %sub3A_451 = arith.subi %get3A_449, %sub3A_450 : vector<16xi32>
      %ge3A_452 = arith.constant 0 : i32
      %ge3A_453 = vector.broadcast %ge3A_452 : i32 to vector<16xi32>
      %ge3A_454 = arith.cmpi sge, %sub3A_451, %ge3A_453 : vector<16xi32>
      %lt3A_455 = arith.constant 25088 : i32
      %lt3A_456 = vector.broadcast %lt3A_455 : i32 to vector<16xi32>
      %lt3A_457 = arith.cmpi slt, %sub3A_451, %lt3A_456 : vector<16xi32>
      %and3A_458 = arith.andi %ge3A_454, %lt3A_457 : vector<16xi1>
      %and3A_459 = arith.constant 255 : i32
      %and3A_460 = vector.broadcast %and3A_459 : i32 to vector<16xi32>
      %and3A_461 = arith.andi %get3A_449, %and3A_460 : vector<16xi32>
      %add3A_462 = arith.constant 25088 : i32
      %add3A_463 = vector.broadcast %add3A_462 : i32 to vector<16xi32>
      %add3A_464 = arith.addi %add3A_463, %and3A_461 : vector<16xi32>
      %select_n3A_465 = arith.select %and3A_458, %sub3A_451, %add3A_464 : vector<16xi1>, vector<16xi32>
      %swap3A_466 = arith.index_cast %rem3A_376 : i32 to index
      %swap3A_467 = arith.constant 48 : index
      %swap3A_468 = tpu.vector_load %arg9[%swap3A_466, %swap3A_467] {strides = array<i32>} : memref<4x128xi32, #tpu.memory_space<vmem>>, vector<1x16xi32>,
      %swap3A_469 = vector.shape_cast %swap3A_468 : vector<1x16xi32> to vector<16xi32>
      %swap3A_470 = vector.shape_cast %select_n3A_465 : vector<16xi32> to vector<1x16xi32>
      tpu.vector_store %arg9[%swap3A_466, %swap3A_467], %swap3A_470 {strides = array<i32>} : memref<4x128xi32, #tpu.memory_space<vmem>>, vector<1x16xi32>,
      %get3A_471 = arith.index_cast %rem3A_376 : i32 to index
      %get3A_472 = arith.constant 64 : index
      %get3A_473 = tpu.vector_load %arg8[%get3A_471, %get3A_472] {strides = array<i32>} : memref<4x128xi32, #tpu.memory_space<vmem>>, vector<1x16xi32>,
      %get3A_474 = vector.shape_cast %get3A_473 : vector<1x16xi32> to vector<16xi32>
      %sub3A_475 = vector.broadcast %mul3A_5 : i32 to vector<16xi32>
      %sub3A_476 = arith.subi %get3A_474, %sub3A_475 : vector<16xi32>
      %ge3A_477 = arith.constant 0 : i32
      %ge3A_478 = vector.broadcast %ge3A_477 : i32 to vector<16xi32>
      %ge3A_479 = arith.cmpi sge, %sub3A_476, %ge3A_478 : vector<16xi32>
      %lt3A_480 = arith.constant 25088 : i32
      %lt3A_481 = vector.broadcast %lt3A_480 : i32 to vector<16xi32>
      %lt3A_482 = arith.cmpi slt, %sub3A_476, %lt3A_481 : vector<16xi32>
      %and3A_483 = arith.andi %ge3A_479, %lt3A_482 : vector<16xi1>
      %and3A_484 = arith.constant 255 : i32
      %and3A_485 = vector.broadcast %and3A_484 : i32 to vector<16xi32>
      %and3A_486 = arith.andi %get3A_474, %and3A_485 : vector<16xi32>
      %add3A_487 = arith.constant 25088 : i32
      %add3A_488 = vector.broadcast %add3A_487 : i32 to vector<16xi32>
      %add3A_489 = arith.addi %add3A_488, %and3A_486 : vector<16xi32>
      %select_n3A_490 = arith.select %and3A_483, %sub3A_476, %add3A_489 : vector<16xi1>, vector<16xi32>
      %swap3A_491 = arith.index_cast %rem3A_376 : i32 to index
      %swap3A_492 = arith.constant 64 : index
      %swap3A_493 = tpu.vector_load %arg9[%swap3A_491, %swap3A_492] {strides = array<i32>} : memref<4x128xi32, #tpu.memory_space<vmem>>, vector<1x16xi32>,
      %swap3A_494 = vector.shape_cast %swap3A_493 : vector<1x16xi32> to vector<16xi32>
      %swap3A_495 = vector.shape_cast %select_n3A_490 : vector<16xi32> to vector<1x16xi32>
      tpu.vector_store %arg9[%swap3A_491, %swap3A_492], %swap3A_495 {strides = array<i32>} : memref<4x128xi32, #tpu.memory_space<vmem>>, vector<1x16xi32>,
      %get3A_496 = arith.index_cast %rem3A_376 : i32 to index
      %get3A_497 = arith.constant 80 : index
      %get3A_498 = tpu.vector_load %arg8[%get3A_496, %get3A_497] {strides = array<i32>} : memref<4x128xi32, #tpu.memory_space<vmem>>, vector<1x16xi32>,
      %get3A_499 = vector.shape_cast %get3A_498 : vector<1x16xi32> to vector<16xi32>
      %sub3A_500 = vector.broadcast %mul3A_5 : i32 to vector<16xi32>
      %sub3A_501 = arith.subi %get3A_499, %sub3A_500 : vector<16xi32>
      %ge3A_502 = arith.constant 0 : i32
      %ge3A_503 = vector.broadcast %ge3A_502 : i32 to vector<16xi32>
      %ge3A_504 = arith.cmpi sge, %sub3A_501, %ge3A_503 : vector<16xi32>
      %lt3A_505 = arith.constant 25088 : i32
      %lt3A_506 = vector.broadcast %lt3A_505 : i32 to vector<16xi32>
      %lt3A_507 = arith.cmpi slt, %sub3A_501, %lt3A_506 : vector<16xi32>
      %and3A_508 = arith.andi %ge3A_504, %lt3A_507 : vector<16xi1>
      %and3A_509 = arith.constant 255 : i32
      %and3A_510 = vector.broadcast %and3A_509 : i32 to vector<16xi32>
      %and3A_511 = arith.andi %get3A_499, %and3A_510 : vector<16xi32>
      %add3A_512 = arith.constant 25088 : i32
      %add3A_513 = vector.broadcast %add3A_512 : i32 to vector<16xi32>
      %add3A_514 = arith.addi %add3A_513, %and3A_511 : vector<16xi32>
      %select_n3A_515 = arith.select %and3A_508, %sub3A_501, %add3A_514 : vector<16xi1>, vector<16xi32>
      %swap3A_516 = arith.index_cast %rem3A_376 : i32 to index
      %swap3A_517 = arith.constant 80 : index
      %swap3A_518 = tpu.vector_load %arg9[%swap3A_516, %swap3A_517] {strides = array<i32>} : memref<4x128xi32, #tpu.memory_space<vmem>>, vector<1x16xi32>,
      %swap3A_519 = vector.shape_cast %swap3A_518 : vector<1x16xi32> to vector<16xi32>
      %swap3A_520 = vector.shape_cast %select_n3A_515 : vector<16xi32> to vector<1x16xi32>
      tpu.vector_store %arg9[%swap3A_516, %swap3A_517], %swap3A_520 {strides = array<i32>} : memref<4x128xi32, #tpu.memory_space<vmem>>, vector<1x16xi32>,
      %get3A_521 = arith.index_cast %rem3A_376 : i32 to index
      %get3A_522 = arith.constant 96 : index
      %get3A_523 = tpu.vector_load %arg8[%get3A_521, %get3A_522] {strides = array<i32>} : memref<4x128xi32, #tpu.memory_space<vmem>>, vector<1x16xi32>,
      %get3A_524 = vector.shape_cast %get3A_523 : vector<1x16xi32> to vector<16xi32>
      %sub3A_525 = vector.broadcast %mul3A_5 : i32 to vector<16xi32>
      %sub3A_526 = arith.subi %get3A_524, %sub3A_525 : vector<16xi32>
      %ge3A_527 = arith.constant 0 : i32
      %ge3A_528 = vector.broadcast %ge3A_527 : i32 to vector<16xi32>
      %ge3A_529 = arith.cmpi sge, %sub3A_526, %ge3A_528 : vector<16xi32>
      %lt3A_530 = arith.constant 25088 : i32
      %lt3A_531 = vector.broadcast %lt3A_530 : i32 to vector<16xi32>
      %lt3A_532 = arith.cmpi slt, %sub3A_526, %lt3A_531 : vector<16xi32>
      %and3A_533 = arith.andi %ge3A_529, %lt3A_532 : vector<16xi1>
      %and3A_534 = arith.constant 255 : i32
      %and3A_535 = vector.broadcast %and3A_534 : i32 to vector<16xi32>
      %and3A_536 = arith.andi %get3A_524, %and3A_535 : vector<16xi32>
      %add3A_537 = arith.constant 25088 : i32
      %add3A_538 = vector.broadcast %add3A_537 : i32 to vector<16xi32>
      %add3A_539 = arith.addi %add3A_538, %and3A_536 : vector<16xi32>
      %select_n3A_540 = arith.select %and3A_533, %sub3A_526, %add3A_539 : vector<16xi1>, vector<16xi32>
      %swap3A_541 = arith.index_cast %rem3A_376 : i32 to index
      %swap3A_542 = arith.constant 96 : index
      %swap3A_543 = tpu.vector_load %arg9[%swap3A_541, %swap3A_542] {strides = array<i32>} : memref<4x128xi32, #tpu.memory_space<vmem>>, vector<1x16xi32>,
      %swap3A_544 = vector.shape_cast %swap3A_543 : vector<1x16xi32> to vector<16xi32>
      %swap3A_545 = vector.shape_cast %select_n3A_540 : vector<16xi32> to vector<1x16xi32>
      tpu.vector_store %arg9[%swap3A_541, %swap3A_542], %swap3A_545 {strides = array<i32>} : memref<4x128xi32, #tpu.memory_space<vmem>>, vector<1x16xi32>,
      %get3A_546 = arith.index_cast %rem3A_376 : i32 to index
      %get3A_547 = arith.constant 112 : index
      %get3A_548 = tpu.vector_load %arg8[%get3A_546, %get3A_547] {strides = array<i32>} : memref<4x128xi32, #tpu.memory_space<vmem>>, vector<1x16xi32>,
      %get3A_549 = vector.shape_cast %get3A_548 : vector<1x16xi32> to vector<16xi32>
      %sub3A_550 = vector.broadcast %mul3A_5 : i32 to vector<16xi32>
      %sub3A_551 = arith.subi %get3A_549, %sub3A_550 : vector<16xi32>
      %ge3A_552 = arith.constant 0 : i32
      %ge3A_553 = vector.broadcast %ge3A_552 : i32 to vector<16xi32>
      %ge3A_554 = arith.cmpi sge, %sub3A_551, %ge3A_553 : vector<16xi32>
      %lt3A_555 = arith.constant 25088 : i32
      %lt3A_556 = vector.broadcast %lt3A_555 : i32 to vector<16xi32>
      %lt3A_557 = arith.cmpi slt, %sub3A_551, %lt3A_556 : vector<16xi32>
      %and3A_558 = arith.andi %ge3A_554, %lt3A_557 : vector<16xi1>
      %and3A_559 = arith.constant 255 : i32
      %and3A_560 = vector.broadcast %and3A_559 : i32 to vector<16xi32>
      %and3A_561 = arith.andi %get3A_549, %and3A_560 : vector<16xi32>
      %add3A_562 = arith.constant 25088 : i32
      %add3A_563 = vector.broadcast %add3A_562 : i32 to vector<16xi32>
      %add3A_564 = arith.addi %add3A_563, %and3A_561 : vector<16xi32>
      %select_n3A_565 = arith.select %and3A_558, %sub3A_551, %add3A_564 : vector<16xi1>, vector<16xi32>
      %swap3A_566 = arith.index_cast %rem3A_376 : i32 to index
      %swap3A_567 = arith.constant 112 : index
      %swap3A_568 = tpu.vector_load %arg9[%swap3A_566, %swap3A_567] {strides = array<i32>} : memref<4x128xi32, #tpu.memory_space<vmem>>, vector<1x16xi32>,
      %swap3A_569 = vector.shape_cast %swap3A_568 : vector<1x16xi32> to vector<16xi32>
      %swap3A_570 = vector.shape_cast %select_n3A_565 : vector<16xi32> to vector<1x16xi32>
      tpu.vector_store %arg9[%swap3A_566, %swap3A_567], %swap3A_570 {strides = array<i32>} : memref<4x128xi32, #tpu.memory_space<vmem>>, vector<1x16xi32>,
      %dma_wait3A_571 = arith.constant 0 : i32
      %dma_wait3A_572 = arith.constant 0 : i32
      %dma_wait3A_573 = arith.constant 0 : i32
      %dma_wait3A_574 = arith.constant 0 : i32
      %dma_wait3A_575 = tpu.memref_slice %arg10[%dma_wait3A_572, %dma_wait3A_573, %dma_wait3A_574] : memref<3x128x64xf32, #tpu.memory_space<vmem>> -> memref<1x128x64xf32, #tpu.memory_space<vmem>>
      %dma_wait3A_576 = tpu.memref_squeeze %dma_wait3A_575 : memref<1x128x64xf32, #tpu.memory_space<vmem>> -> memref<128x64xf32, #tpu.memory_space<vmem>>
      %dma_wait3A_577 = arith.constant 0 : i32
      %dma_wait3A_578 = tpu.memref_slice %arg7[%dma_wait3A_571, %dma_wait3A_577] : memref<4x128xi32, #tpu.memory_space<vmem>> -> memref<1x128xi32, #tpu.memory_space<vmem>>
      %dma_wait3A_579 = tpu.memref_squeeze %dma_wait3A_578 : memref<1x128xi32, #tpu.memory_space<vmem>> -> memref<128xi32, #tpu.memory_space<vmem>>
      %dma_wait3A_580 = arith.constant 0 : i32
      %dma_wait3A_581 = arith.constant 0 : i32
      %dma_wait3A_582 = tpu.memref_slice %arg2[%dma_wait3A_580, %dma_wait3A_581] : memref<100352x64xf32, #tpu.memory_space<hbm>> -> memref<100352x64xf32, #tpu.memory_space<hbm>>
      tpu.wait_indirect_dma semaphore(%arg14 : memref<!tpu.dma_semaphore, #tpu.memory_space<semaphore_mem>>) src(%dma_wait3A_582 : memref<100352x64xf32, #tpu.memory_space<hbm>>) dst(%dma_wait3A_576 : memref<128x64xf32, #tpu.memory_space<vmem>>)
      %rem3A_583 = arith.constant 3 : i32
      %rem3A_584 = arith.remsi %scan3A_308, %rem3A_583 : i32
      %dma_start3A_585 = arith.constant 0 : i32
      %dma_start3A_586 = arith.constant 0 : i32
      %dma_start3A_587 = tpu.memref_slice %arg10[%rem3A_584, %dma_start3A_585, %dma_start3A_586] : memref<3x128x64xf32, #tpu.memory_space<vmem>> -> memref<1x128x64xf32, #tpu.memory_space<vmem>>
      %dma_start3A_588 = tpu.memref_squeeze %dma_start3A_587 : memref<1x128x64xf32, #tpu.memory_space<vmem>> -> memref<128x64xf32, #tpu.memory_space<vmem>>
      %dma_start3A_589 = arith.constant 0 : i32
      %dma_start3A_590 = tpu.memref_slice %arg9[%rem3A_376, %dma_start3A_589] : memref<4x128xi32, #tpu.memory_space<vmem>> -> memref<1x128xi32, #tpu.memory_space<vmem>>
      %dma_start3A_591 = tpu.memref_squeeze %dma_start3A_590 : memref<1x128xi32, #tpu.memory_space<vmem>> -> memref<128xi32, #tpu.memory_space<vmem>>
      %dma_start3A_592 = arith.constant 0 : i32
      %dma_start3A_593 = arith.constant 0 : i32
      %dma_start3A_594 = tpu.memref_slice %arg11[%dma_start3A_592, %dma_start3A_593] : memref<25344x64xf32, #tpu.memory_space<vmem_shared>> -> memref<25344x64xf32, #tpu.memory_space<vmem_shared>>
      tpu.enqueue_indirect_dma source(%dma_start3A_588 : memref<128x64xf32, #tpu.memory_space<vmem>>) target(%dma_start3A_594 : memref<25344x64xf32, #tpu.memory_space<vmem_shared>>) offsets(%dma_start3A_591 : memref<128xi32, #tpu.memory_space<vmem>>) semaphore(%arg15 : memref<!tpu.dma_semaphore, #tpu.memory_space<semaphore_mem>>) {add = true}
    }
    %scan3A_86 = arith.constant 782 : i32
    %dma_wait3A_87 = arith.constant 0 : i32
    %dma_wait3A_88 = arith.constant 0 : i32
    %dma_wait3A_89 = arith.constant 0 : i32
    %dma_wait3A_90 = arith.constant 0 : i32
    %dma_wait3A_91 = tpu.memref_slice %arg10[%dma_wait3A_87, %dma_wait3A_89, %dma_wait3A_90] : memref<3x128x64xf32, #tpu.memory_space<vmem>> -> memref<1x128x64xf32, #tpu.memory_space<vmem>>
    %dma_wait3A_92 = tpu.memref_squeeze %dma_wait3A_91 : memref<1x128x64xf32, #tpu.memory_space<vmem>> -> memref<128x64xf32, #tpu.memory_space<vmem>>
    %dma_wait3A_93 = arith.constant 0 : i32
    %dma_wait3A_94 = tpu.memref_slice %arg9[%dma_wait3A_88, %dma_wait3A_93] : memref<4x128xi32, #tpu.memory_space<vmem>> -> memref<1x128xi32, #tpu.memory_space<vmem>>
    %dma_wait3A_95 = tpu.memref_squeeze %dma_wait3A_94 : memref<1x128xi32, #tpu.memory_space<vmem>> -> memref<128xi32, #tpu.memory_space<vmem>>
    %dma_wait3A_96 = arith.constant 0 : i32
    %dma_wait3A_97 = arith.constant 0 : i32
    %dma_wait3A_98 = tpu.memref_slice %arg11[%dma_wait3A_96, %dma_wait3A_97] : memref<25344x64xf32, #tpu.memory_space<vmem_shared>> -> memref<25344x64xf32, #tpu.memory_space<vmem_shared>>
    tpu.wait_indirect_dma semaphore(%arg15 : memref<!tpu.dma_semaphore, #tpu.memory_space<semaphore_mem>>) src(%dma_wait3A_92 : memref<128x64xf32, #tpu.memory_space<vmem>>) dst(%dma_wait3A_98 : memref<25344x64xf32, #tpu.memory_space<vmem_shared>>)
    %dma_wait3A_99 = arith.constant 0 : i32
    %dma_wait3A_100 = arith.constant 0 : i32
    %dma_wait3A_101 = arith.constant 0 : i32
    %dma_wait3A_102 = arith.constant 0 : i32
    %dma_wait3A_103 = tpu.memref_slice %arg10[%dma_wait3A_99, %dma_wait3A_101, %dma_wait3A_102] : memref<3x128x64xf32, #tpu.memory_space<vmem>> -> memref<1x128x64xf32, #tpu.memory_space<vmem>>
    %dma_wait3A_104 = tpu.memref_squeeze %dma_wait3A_103 : memref<1x128x64xf32, #tpu.memory_space<vmem>> -> memref<128x64xf32, #tpu.memory_space<vmem>>
    %dma_wait3A_105 = arith.constant 0 : i32
    %dma_wait3A_106 = tpu.memref_slice %arg9[%dma_wait3A_100, %dma_wait3A_105] : memref<4x128xi32, #tpu.memory_space<vmem>> -> memref<1x128xi32, #tpu.memory_space<vmem>>
    %dma_wait3A_107 = tpu.memref_squeeze %dma_wait3A_106 : memref<1x128xi32, #tpu.memory_space<vmem>> -> memref<128xi32, #tpu.memory_space<vmem>>
    %dma_wait3A_108 = arith.constant 0 : i32
    %dma_wait3A_109 = arith.constant 0 : i32
    %dma_wait3A_110 = tpu.memref_slice %arg11[%dma_wait3A_108, %dma_wait3A_109] : memref<25344x64xf32, #tpu.memory_space<vmem_shared>> -> memref<25344x64xf32, #tpu.memory_space<vmem_shared>>
    tpu.wait_indirect_dma semaphore(%arg15 : memref<!tpu.dma_semaphore, #tpu.memory_space<semaphore_mem>>) src(%dma_wait3A_104 : memref<128x64xf32, #tpu.memory_space<vmem>>) dst(%dma_wait3A_110 : memref<25344x64xf32, #tpu.memory_space<vmem_shared>>)
    %dma_wait3A_111 = arith.constant 0 : i32
    %dma_wait3A_112 = arith.constant 0 : i32
    %dma_wait3A_113 = arith.constant 0 : i32
    %dma_wait3A_114 = arith.constant 0 : i32
    %dma_wait3A_115 = tpu.memref_slice %arg10[%dma_wait3A_112, %dma_wait3A_113, %dma_wait3A_114] : memref<3x128x64xf32, #tpu.memory_space<vmem>> -> memref<1x128x64xf32, #tpu.memory_space<vmem>>
    %dma_wait3A_116 = tpu.memref_squeeze %dma_wait3A_115 : memref<1x128x64xf32, #tpu.memory_space<vmem>> -> memref<128x64xf32, #tpu.memory_space<vmem>>
    %dma_wait3A_117 = arith.constant 0 : i32
    %dma_wait3A_118 = tpu.memref_slice %arg7[%dma_wait3A_111, %dma_wait3A_117] : memref<4x128xi32, #tpu.memory_space<vmem>> -> memref<1x128xi32, #tpu.memory_space<vmem>>
    %dma_wait3A_119 = tpu.memref_squeeze %dma_wait3A_118 : memref<1x128xi32, #tpu.memory_space<vmem>> -> memref<128xi32, #tpu.memory_space<vmem>>
    %dma_wait3A_120 = arith.constant 0 : i32
    %dma_wait3A_121 = arith.constant 0 : i32
    %dma_wait3A_122 = tpu.memref_slice %arg2[%dma_wait3A_120, %dma_wait3A_121] : memref<100352x64xf32, #tpu.memory_space<hbm>> -> memref<100352x64xf32, #tpu.memory_space<hbm>>
    tpu.wait_indirect_dma semaphore(%arg14 : memref<!tpu.dma_semaphore, #tpu.memory_space<semaphore_mem>>) src(%dma_wait3A_122 : memref<100352x64xf32, #tpu.memory_space<hbm>>) dst(%dma_wait3A_116 : memref<128x64xf32, #tpu.memory_space<vmem>>)
    %dma_wait3A_123 = arith.constant 0 : i32
    %dma_wait3A_124 = arith.constant 0 : i32
    %dma_wait3A_125 = tpu.memref_slice %arg7[%dma_wait3A_123, %dma_wait3A_124] : memref<4x128xi32, #tpu.memory_space<vmem>> -> memref<1x128xi32, #tpu.memory_space<vmem>>
    %dma_wait3A_126 = tpu.memref_squeeze %dma_wait3A_125 : memref<1x128xi32, #tpu.memory_space<vmem>> -> memref<128xi32, #tpu.memory_space<vmem>>
    %dma_wait3A_127 = arith.constant 0 : i32
    %dma_wait3A_128 = tpu.memref_slice %arg3[%dma_wait3A_127] : memref<1602176xi32, #tpu.memory_space<hbm>> -> memref<128xi32, #tpu.memory_space<hbm>>
    %dma_wait3A_129 = arith.constant 0 : i32
    %dma_wait3A_130 = tpu.memref_slice %arg7[%dma_wait3A_123, %dma_wait3A_129] : memref<4x128xi32, #tpu.memory_space<vmem>> -> memref<1x128xi32, #tpu.memory_space<vmem>>
    %dma_wait3A_131 = tpu.memref_squeeze %dma_wait3A_130 : memref<1x128xi32, #tpu.memory_space<vmem>> -> memref<128xi32, #tpu.memory_space<vmem>>
    %dma_wait3A_132 = arith.constant 0 : i32
    %dma_wait3A_133 = tpu.memref_slice %arg3[%dma_wait3A_132] : memref<1602176xi32, #tpu.memory_space<hbm>> -> memref<128xi32, #tpu.memory_space<hbm>>
    tpu.wait_dma2 semaphore(%arg12 : memref<!tpu.dma_semaphore, #tpu.memory_space<semaphore_mem>>) src(%dma_wait3A_133 : memref<128xi32, #tpu.memory_space<hbm>>) dst(%dma_wait3A_131 : memref<128xi32, #tpu.memory_space<vmem>>)
    %dma_wait3A_134 = arith.constant 0 : i32
    %dma_wait3A_135 = arith.constant 0 : i32
    %dma_wait3A_136 = tpu.memref_slice %arg8[%dma_wait3A_134, %dma_wait3A_135] : memref<4x128xi32, #tpu.memory_space<vmem>> -> memref<1x128xi32, #tpu.memory_space<vmem>>
    %dma_wait3A_137 = tpu.memref_squeeze %dma_wait3A_136 : memref<1x128xi32, #tpu.memory_space<vmem>> -> memref<128xi32, #tpu.memory_space<vmem>>
    %dma_wait3A_138 = arith.constant 0 : i32
    %dma_wait3A_139 = tpu.memref_slice %arg4[%dma_wait3A_138] : memref<1602176xi32, #tpu.memory_space<hbm>> -> memref<128xi32, #tpu.memory_space<hbm>>
    %dma_wait3A_140 = arith.constant 0 : i32
    %dma_wait3A_141 = tpu.memref_slice %arg8[%dma_wait3A_134, %dma_wait3A_140] : memref<4x128xi32, #tpu.memory_space<vmem>> -> memref<1x128xi32, #tpu.memory_space<vmem>>
    %dma_wait3A_142 = tpu.memref_squeeze %dma_wait3A_141 : memref<1x128xi32, #tpu.memory_space<vmem>> -> memref<128xi32, #tpu.memory_space<vmem>>
    %dma_wait3A_143 = arith.constant 0 : i32
    %dma_wait3A_144 = tpu.memref_slice %arg4[%dma_wait3A_143] : memref<1602176xi32, #tpu.memory_space<hbm>> -> memref<128xi32, #tpu.memory_space<hbm>>
    tpu.wait_dma2 semaphore(%arg13 : memref<!tpu.dma_semaphore, #tpu.memory_space<semaphore_mem>>) src(%dma_wait3A_144 : memref<128xi32, #tpu.memory_space<hbm>>) dst(%dma_wait3A_142 : memref<128xi32, #tpu.memory_space<vmem>>)
    %barrier3A_145 = arith.constant 0 : index
    tpu.barrier barrier_id(%barrier3A_145)
    %mul3A_146 = arith.constant 1568 : i32
    %mul3A_147 = arith.muli %arg1, %mul3A_146 : i32
    %mul3A_148 = arith.constant 1568 : i32
    %mul3A_149 = arith.muli %arg1, %mul3A_148 : i32
    %add3A_150 = arith.addi %mul3A_5, %mul3A_149 : i32
    "tpu.region"() ({
      %run_scoped3A = tpu.sem_alloc : memref<!tpu.dma_semaphore, #tpu.memory_space<semaphore_mem>>
      %dma_start3A_308 = arith.constant 0 : i32
      %dma_start3A_309 = tpu.memref_slice %arg6[%add3A_150, %dma_start3A_308] : memref<100352x64xf32, #tpu.memory_space<hbm>> -> memref<1568x64xf32, #tpu.memory_space<hbm>>
      %dma_start3A_310 = arith.constant 0 : i32
      %dma_start3A_311 = tpu.memref_slice %arg11[%mul3A_147, %dma_start3A_310] : memref<25344x64xf32, #tpu.memory_space<vmem_shared>> -> memref<1568x64xf32, #tpu.memory_space<vmem_shared>>
      tpu.enqueue_dma source(%dma_start3A_311 : memref<1568x64xf32, #tpu.memory_space<vmem_shared>>) target(%dma_start3A_309 : memref<1568x64xf32, #tpu.memory_space<hbm>>) target_semaphore(%run_scoped3A : memref<!tpu.dma_semaphore, #tpu.memory_space<semaphore_mem>>)
      %dma_wait3A_312 = arith.constant 0 : i32
      %dma_wait3A_313 = tpu.memref_slice %arg6[%add3A_150, %dma_wait3A_312] : memref<100352x64xf32, #tpu.memory_space<hbm>> -> memref<1568x64xf32, #tpu.memory_space<hbm>>
      %dma_wait3A_314 = arith.constant 0 : i32
      %dma_wait3A_315 = tpu.memref_slice %arg11[%mul3A_147, %dma_wait3A_314] : memref<25344x64xf32, #tpu.memory_space<vmem_shared>> -> memref<1568x64xf32, #tpu.memory_space<vmem_shared>>
      tpu.wait_dma2 semaphore(%run_scoped3A : memref<!tpu.dma_semaphore, #tpu.memory_space<semaphore_mem>>) src(%dma_wait3A_315 : memref<1568x64xf32, #tpu.memory_space<vmem_shared>>) dst(%dma_wait3A_313 : memref<1568x64xf32, #tpu.memory_space<hbm>>)
      tpu.yield
    }) : () -> ()
    %barrier3A_151 = arith.constant 0 : index
    tpu.barrier barrier_id(%barrier3A_151)
    %mul3A_152 = arith.constant 2 : i32
    %mul3A_153 = arith.muli %arg0, %mul3A_152 : i32
    %add3A_154 = arith.constant 1 : i32
    %add3A_155 = arith.addi %mul3A_153, %add3A_154 : i32
    %mul3A_156 = arith.constant 25088 : i32
    %mul3A_157 = arith.muli %add3A_155, %mul3A_156 : i32
    %mul3A_158 = arith.constant 1584 : i32
    %mul3A_159 = arith.muli %arg1, %mul3A_158 : i32
    %mul3A_160 = arith.constant 1584 : i32
    %mul3A_161 = arith.muli %arg1, %mul3A_160 : i32
    "tpu.region"() ({
      %run_scoped3A = tpu.sem_alloc : memref<!tpu.dma_semaphore, #tpu.memory_space<semaphore_mem>>
      %dma_start3A_308 = arith.constant 0 : i32
      %dma_start3A_309 = tpu.memref_slice %arg11[%mul3A_161, %dma_start3A_308] : memref<25344x64xf32, #tpu.memory_space<vmem_shared>> -> memref<1584x64xf32, #tpu.memory_space<vmem_shared>>
      %dma_start3A_310 = arith.constant 0 : i32
      %dma_start3A_311 = tpu.memref_slice %arg5[%mul3A_159, %dma_start3A_310] : memref<25344x64xf32, #tpu.memory_space<hbm>> -> memref<1584x64xf32, #tpu.memory_space<hbm>>
      tpu.enqueue_dma source(%dma_start3A_311 : memref<1584x64xf32, #tpu.memory_space<hbm>>) target(%dma_start3A_309 : memref<1584x64xf32, #tpu.memory_space<vmem_shared>>) target_semaphore(%run_scoped3A : memref<!tpu.dma_semaphore, #tpu.memory_space<semaphore_mem>>)
      %dma_wait3A_312 = arith.constant 0 : i32
      %dma_wait3A_313 = tpu.memref_slice %arg11[%mul3A_161, %dma_wait3A_312] : memref<25344x64xf32, #tpu.memory_space<vmem_shared>> -> memref<1584x64xf32, #tpu.memory_space<vmem_shared>>
      %dma_wait3A_314 = arith.constant 0 : i32
      %dma_wait3A_315 = tpu.memref_slice %arg5[%mul3A_159, %dma_wait3A_314] : memref<25344x64xf32, #tpu.memory_space<hbm>> -> memref<1584x64xf32, #tpu.memory_space<hbm>>
      tpu.wait_dma2 semaphore(%run_scoped3A : memref<!tpu.dma_semaphore, #tpu.memory_space<semaphore_mem>>) src(%dma_wait3A_315 : memref<1584x64xf32, #tpu.memory_space<hbm>>) dst(%dma_wait3A_313 : memref<1584x64xf32, #tpu.memory_space<vmem_shared>>)
      tpu.yield
    }) : () -> ()
    %barrier3A_162 = arith.constant 0 : index
    tpu.barrier barrier_id(%barrier3A_162)
    %add3A_163 = arith.constant 0 : i32
    %add3A_164 = arith.addi %mul3A_0, %add3A_163 : i32
    %dma_start3A_165 = arith.constant 0 : i32
    %dma_start3A_166 = arith.constant 0 : i32
    %dma_start3A_167 = tpu.memref_slice %arg7[%dma_start3A_165, %dma_start3A_166] : memref<4x128xi32, #tpu.memory_space<vmem>> -> memref<1x128xi32, #tpu.memory_space<vmem>>
    %dma_start3A_168 = tpu.memref_squeeze %dma_start3A_167 : memref<1x128xi32, #tpu.memory_space<vmem>> -> memref<128xi32, #tpu.memory_space<vmem>>
    %dma_start3A_169 = tpu.memref_slice %arg3[%add3A_164] : memref<1602176xi32, #tpu.memory_space<hbm>> -> memref<128xi32, #tpu.memory_space<hbm>>
    %dma_start3A_170 = arith.constant 0 : i32
    %dma_start3A_171 = tpu.memref_slice %arg7[%dma_start3A_165, %dma_start3A_170] : memref<4x128xi32, #tpu.memory_space<vmem>> -> memref<1x128xi32, #tpu.memory_space<vmem>>
    %dma_start3A_172 = tpu.memref_squeeze %dma_start3A_171 : memref<1x128xi32, #tpu.memory_space<vmem>> -> memref<128xi32, #tpu.memory_space<vmem>>
    %dma_start3A_173 = tpu.memref_slice %arg3[%add3A_164] : memref<1602176xi32, #tpu.memory_space<hbm>> -> memref<128xi32, #tpu.memory_space<hbm>>
    tpu.enqueue_dma source(%dma_start3A_173 : memref<128xi32, #tpu.memory_space<hbm>>) target(%dma_start3A_172 : memref<128xi32, #tpu.memory_space<vmem>>) target_semaphore(%arg12 : memref<!tpu.dma_semaphore, #tpu.memory_space<semaphore_mem>>)
    %dma_start3A_174 = arith.constant 0 : i32
    %dma_start3A_175 = arith.constant 0 : i32
    %dma_start3A_176 = tpu.memref_slice %arg8[%dma_start3A_174, %dma_start3A_175] : memref<4x128xi32, #tpu.memory_space<vmem>> -> memref<1x128xi32, #tpu.memory_space<vmem>>
    %dma_start3A_177 = tpu.memref_squeeze %dma_start3A_176 : memref<1x128xi32, #tpu.memory_space<vmem>> -> memref<128xi32, #tpu.memory_space<vmem>>
    %dma_start3A_178 = tpu.memref_slice %arg4[%add3A_164] : memref<1602176xi32, #tpu.memory_space<hbm>> -> memref<128xi32, #tpu.memory_space<hbm>>
    %dma_start3A_179 = arith.constant 0 : i32
    %dma_start3A_180 = tpu.memref_slice %arg8[%dma_start3A_174, %dma_start3A_179] : memref<4x128xi32, #tpu.memory_space<vmem>> -> memref<1x128xi32, #tpu.memory_space<vmem>>
    %dma_start3A_181 = tpu.memref_squeeze %dma_start3A_180 : memref<1x128xi32, #tpu.memory_space<vmem>> -> memref<128xi32, #tpu.memory_space<vmem>>
    %dma_start3A_182 = tpu.memref_slice %arg4[%add3A_164] : memref<1602176xi32, #tpu.memory_space<hbm>> -> memref<128xi32, #tpu.memory_space<hbm>>
    tpu.enqueue_dma source(%dma_start3A_182 : memref<128xi32, #tpu.memory_space<hbm>>) target(%dma_start3A_181 : memref<128xi32, #tpu.memory_space<vmem>>) target_semaphore(%arg13 : memref<!tpu.dma_semaphore, #tpu.memory_space<semaphore_mem>>)
    %add3A_183 = arith.constant 128 : i32
    %add3A_184 = arith.addi %mul3A_0, %add3A_183 : i32
    %dma_start3A_185 = arith.constant 1 : i32
    %dma_start3A_186 = arith.constant 0 : i32
    %dma_start3A_187 = tpu.memref_slice %arg7[%dma_start3A_185, %dma_start3A_186] : memref<4x128xi32, #tpu.memory_space<vmem>> -> memref<1x128xi32, #tpu.memory_space<vmem>>
    %dma_start3A_188 = tpu.memref_squeeze %dma_start3A_187 : memref<1x128xi32, #tpu.memory_space<vmem>> -> memref<128xi32, #tpu.memory_space<vmem>>
    %dma_start3A_189 = tpu.memref_slice %arg3[%add3A_184] : memref<1602176xi32, #tpu.memory_space<hbm>> -> memref<128xi32, #tpu.memory_space<hbm>>
    %dma_start3A_190 = arith.constant 0 : i32
    %dma_start3A_191 = tpu.memref_slice %arg7[%dma_start3A_185, %dma_start3A_190] : memref<4x128xi32, #tpu.memory_space<vmem>> -> memref<1x128xi32, #tpu.memory_space<vmem>>
    %dma_start3A_192 = tpu.memref_squeeze %dma_start3A_191 : memref<1x128xi32, #tpu.memory_space<vmem>> -> memref<128xi32, #tpu.memory_space<vmem>>
    %dma_start3A_193 = tpu.memref_slice %arg3[%add3A_184] : memref<1602176xi32, #tpu.memory_space<hbm>> -> memref<128xi32, #tpu.memory_space<hbm>>
    tpu.enqueue_dma source(%dma_start3A_193 : memref<128xi32, #tpu.memory_space<hbm>>) target(%dma_start3A_192 : memref<128xi32, #tpu.memory_space<vmem>>) target_semaphore(%arg12 : memref<!tpu.dma_semaphore, #tpu.memory_space<semaphore_mem>>)
    %dma_start3A_194 = arith.constant 1 : i32
    %dma_start3A_195 = arith.constant 0 : i32
    %dma_start3A_196 = tpu.memref_slice %arg8[%dma_start3A_194, %dma_start3A_195] : memref<4x128xi32, #tpu.memory_space<vmem>> -> memref<1x128xi32, #tpu.memory_space<vmem>>
    %dma_start3A_197 = tpu.memref_squeeze %dma_start3A_196 : memref<1x128xi32, #tpu.memory_space<vmem>> -> memref<128xi32, #tpu.memory_space<vmem>>
    %dma_start3A_198 = tpu.memref_slice %arg4[%add3A_184] : memref<1602176xi32, #tpu.memory_space<hbm>> -> memref<128xi32, #tpu.memory_space<hbm>>
    %dma_start3A_199 = arith.constant 0 : i32
    %dma_start3A_200 = tpu.memref_slice %arg8[%dma_start3A_194, %dma_start3A_199] : memref<4x128xi32, #tpu.memory_space<vmem>> -> memref<1x128xi32, #tpu.memory_space<vmem>>
    %dma_start3A_201 = tpu.memref_squeeze %dma_start3A_200 : memref<1x128xi32, #tpu.memory_space<vmem>> -> memref<128xi32, #tpu.memory_space<vmem>>
    %dma_start3A_202 = tpu.memref_slice %arg4[%add3A_184] : memref<1602176xi32, #tpu.memory_space<hbm>> -> memref<128xi32, #tpu.memory_space<hbm>>
    tpu.enqueue_dma source(%dma_start3A_202 : memref<128xi32, #tpu.memory_space<hbm>>) target(%dma_start3A_201 : memref<128xi32, #tpu.memory_space<vmem>>) target_semaphore(%arg13 : memref<!tpu.dma_semaphore, #tpu.memory_space<semaphore_mem>>)
    %dma_wait3A_203 = arith.constant 0 : i32
    %dma_wait3A_204 = arith.constant 0 : i32
    %dma_wait3A_205 = tpu.memref_slice %arg7[%dma_wait3A_203, %dma_wait3A_204] : memref<4x128xi32, #tpu.memory_space<vmem>> -> memref<1x128xi32, #tpu.memory_space<vmem>>
    %dma_wait3A_206 = tpu.memref_squeeze %dma_wait3A_205 : memref<1x128xi32, #tpu.memory_space<vmem>> -> memref<128xi32, #tpu.memory_space<vmem>>
    %dma_wait3A_207 = arith.constant 0 : i32
    %dma_wait3A_208 = tpu.memref_slice %arg3[%dma_wait3A_207] : memref<1602176xi32, #tpu.memory_space<hbm>> -> memref<128xi32, #tpu.memory_space<hbm>>
    %dma_wait3A_209 = arith.constant 0 : i32
    %dma_wait3A_210 = tpu.memref_slice %arg7[%dma_wait3A_203, %dma_wait3A_209] : memref<4x128xi32, #tpu.memory_space<vmem>> -> memref<1x128xi32, #tpu.memory_space<vmem>>
    %dma_wait3A_211 = tpu.memref_squeeze %dma_wait3A_210 : memref<1x128xi32, #tpu.memory_space<vmem>> -> memref<128xi32, #tpu.memory_space<vmem>>
    %dma_wait3A_212 = arith.constant 0 : i32
    %dma_wait3A_213 = tpu.memref_slice %arg3[%dma_wait3A_212] : memref<1602176xi32, #tpu.memory_space<hbm>> -> memref<128xi32, #tpu.memory_space<hbm>>
    tpu.wait_dma2 semaphore(%arg12 : memref<!tpu.dma_semaphore, #tpu.memory_space<semaphore_mem>>) src(%dma_wait3A_213 : memref<128xi32, #tpu.memory_space<hbm>>) dst(%dma_wait3A_211 : memref<128xi32, #tpu.memory_space<vmem>>)
    %dma_wait3A_214 = arith.constant 0 : i32
    %dma_wait3A_215 = arith.constant 0 : i32
    %dma_wait3A_216 = tpu.memref_slice %arg8[%dma_wait3A_214, %dma_wait3A_215] : memref<4x128xi32, #tpu.memory_space<vmem>> -> memref<1x128xi32, #tpu.memory_space<vmem>>
    %dma_wait3A_217 = tpu.memref_squeeze %dma_wait3A_216 : memref<1x128xi32, #tpu.memory_space<vmem>> -> memref<128xi32, #tpu.memory_space<vmem>>
    %dma_wait3A_218 = arith.constant 0 : i32
    %dma_wait3A_219 = tpu.memref_slice %arg4[%dma_wait3A_218] : memref<1602176xi32, #tpu.memory_space<hbm>> -> memref<128xi32, #tpu.memory_space<hbm>>
    %dma_wait3A_220 = arith.constant 0 : i32
    %dma_wait3A_221 = tpu.memref_slice %arg8[%dma_wait3A_214, %dma_wait3A_220] : memref<4x128xi32, #tpu.memory_space<vmem>> -> memref<1x128xi32, #tpu.memory_space<vmem>>
    %dma_wait3A_222 = tpu.memref_squeeze %dma_wait3A_221 : memref<1x128xi32, #tpu.memory_space<vmem>> -> memref<128xi32, #tpu.memory_space<vmem>>
    %dma_wait3A_223 = arith.constant 0 : i32
    %dma_wait3A_224 = tpu.memref_slice %arg4[%dma_wait3A_223] : memref<1602176xi32, #tpu.memory_space<hbm>> -> memref<128xi32, #tpu.memory_space<hbm>>
    tpu.wait_dma2 semaphore(%arg13 : memref<!tpu.dma_semaphore, #tpu.memory_space<semaphore_mem>>) src(%dma_wait3A_224 : memref<128xi32, #tpu.memory_space<hbm>>) dst(%dma_wait3A_222 : memref<128xi32, #tpu.memory_space<vmem>>)
    %dma_start3A_225 = arith.constant 0 : i32
    %dma_start3A_226 = arith.constant 0 : i32
    %dma_start3A_227 = arith.constant 0 : i32
    %dma_start3A_228 = arith.constant 0 : i32
    %dma_start3A_229 = tpu.memref_slice %arg10[%dma_start3A_226, %dma_start3A_227, %dma_start3A_228] : memref<3x128x64xf32, #tpu.memory_space<vmem>> -> memref<1x128x64xf32, #tpu.memory_space<vmem>>
    %dma_start3A_230 = tpu.memref_squeeze %dma_start3A_229 : memref<1x128x64xf32, #tpu.memory_space<vmem>> -> memref<128x64xf32, #tpu.memory_space<vmem>>
    %dma_start3A_231 = arith.constant 0 : i32
    %dma_start3A_232 = tpu.memref_slice %arg7[%dma_start3A_225, %dma_start3A_231] : memref<4x128xi32, #tpu.memory_space<vmem>> -> memref<1x128xi32, #tpu.memory_space<vmem>>
    %dma_start3A_233 = tpu.memref_squeeze %dma_start3A_232 : memref<1x128xi32, #tpu.memory_space<vmem>> -> memref<128xi32, #tpu.memory_space<vmem>>
    %dma_start3A_234 = arith.constant 0 : i32
    %dma_start3A_235 = arith.constant 0 : i32
    %dma_start3A_236 = tpu.memref_slice %arg2[%dma_start3A_234, %dma_start3A_235] : memref<100352x64xf32, #tpu.memory_space<hbm>> -> memref<100352x64xf32, #tpu.memory_space<hbm>>
    tpu.enqueue_indirect_dma source(%dma_start3A_236 : memref<100352x64xf32, #tpu.memory_space<hbm>>) target(%dma_start3A_230 : memref<128x64xf32, #tpu.memory_space<vmem>>) offsets(%dma_start3A_233 : memref<128xi32, #tpu.memory_space<vmem>>) semaphore(%arg14 : memref<!tpu.dma_semaphore, #tpu.memory_space<semaphore_mem>>)
    %scan3A_237 = arith.constant 0 : i32
    %scan3A_238 = arith.constant 0 : i32
    %scan3A_239 = arith.constant 782 : i32
    %scan3A_240 = arith.addi %scan3A_238, %scan3A_239 : i32
    %scan3A_241 = arith.constant 1 : i32
    scf.for %scan3A_308 = %scan3A_238 to %scan3A_240 step %scan3A_241  : i32 {
      %add3A_309 = arith.constant 2 : i32
      %add3A_310 = arith.addi %scan3A_308, %add3A_309 : i32
      %add3A_311 = arith.constant 2 : i32
      %add3A_312 = arith.addi %scan3A_308, %add3A_311 : i32
      %rem3A = arith.constant 4 : i32
      %rem3A_313 = arith.remsi %add3A_312, %rem3A : i32
      %mul3A_314 = arith.constant 128 : i32
      %mul3A_315 = arith.muli %add3A_310, %mul3A_314 : i32
      %add3A_316 = arith.addi %mul3A_0, %mul3A_315 : i32
      %dma_start3A_317 = arith.constant 0 : i32
      %dma_start3A_318 = tpu.memref_slice %arg7[%rem3A_313, %dma_start3A_317] : memref<4x128xi32, #tpu.memory_space<vmem>> -> memref<1x128xi32, #tpu.memory_space<vmem>>
      %dma_start3A_319 = tpu.memref_squeeze %dma_start3A_318 : memref<1x128xi32, #tpu.memory_space<vmem>> -> memref<128xi32, #tpu.memory_space<vmem>>
      %dma_start3A_320 = tpu.memref_slice %arg3[%add3A_316] : memref<1602176xi32, #tpu.memory_space<hbm>> -> memref<128xi32, #tpu.memory_space<hbm>>
      %dma_start3A_321 = arith.constant 0 : i32
      %dma_start3A_322 = tpu.memref_slice %arg7[%rem3A_313, %dma_start3A_321] : memref<4x128xi32, #tpu.memory_space<vmem>> -> memref<1x128xi32, #tpu.memory_space<vmem>>
      %dma_start3A_323 = tpu.memref_squeeze %dma_start3A_322 : memref<1x128xi32, #tpu.memory_space<vmem>> -> memref<128xi32, #tpu.memory_space<vmem>>
      %dma_start3A_324 = tpu.memref_slice %arg3[%add3A_316] : memref<1602176xi32, #tpu.memory_space<hbm>> -> memref<128xi32, #tpu.memory_space<hbm>>
      tpu.enqueue_dma source(%dma_start3A_324 : memref<128xi32, #tpu.memory_space<hbm>>) target(%dma_start3A_323 : memref<128xi32, #tpu.memory_space<vmem>>) target_semaphore(%arg12 : memref<!tpu.dma_semaphore, #tpu.memory_space<semaphore_mem>>)
      %dma_start3A_325 = arith.constant 0 : i32
      %dma_start3A_326 = tpu.memref_slice %arg8[%rem3A_313, %dma_start3A_325] : memref<4x128xi32, #tpu.memory_space<vmem>> -> memref<1x128xi32, #tpu.memory_space<vmem>>
      %dma_start3A_327 = tpu.memref_squeeze %dma_start3A_326 : memref<1x128xi32, #tpu.memory_space<vmem>> -> memref<128xi32, #tpu.memory_space<vmem>>
      %dma_start3A_328 = tpu.memref_slice %arg4[%add3A_316] : memref<1602176xi32, #tpu.memory_space<hbm>> -> memref<128xi32, #tpu.memory_space<hbm>>
      %dma_start3A_329 = arith.constant 0 : i32
      %dma_start3A_330 = tpu.memref_slice %arg8[%rem3A_313, %dma_start3A_329] : memref<4x128xi32, #tpu.memory_space<vmem>> -> memref<1x128xi32, #tpu.memory_space<vmem>>
      %dma_start3A_331 = tpu.memref_squeeze %dma_start3A_330 : memref<1x128xi32, #tpu.memory_space<vmem>> -> memref<128xi32, #tpu.memory_space<vmem>>
      %dma_start3A_332 = tpu.memref_slice %arg4[%add3A_316] : memref<1602176xi32, #tpu.memory_space<hbm>> -> memref<128xi32, #tpu.memory_space<hbm>>
      tpu.enqueue_dma source(%dma_start3A_332 : memref<128xi32, #tpu.memory_space<hbm>>) target(%dma_start3A_331 : memref<128xi32, #tpu.memory_space<vmem>>) target_semaphore(%arg13 : memref<!tpu.dma_semaphore, #tpu.memory_space<semaphore_mem>>)
      %dma_wait3A_333 = arith.constant 0 : i32
      %dma_wait3A_334 = arith.constant 0 : i32
      %dma_wait3A_335 = tpu.memref_slice %arg7[%dma_wait3A_333, %dma_wait3A_334] : memref<4x128xi32, #tpu.memory_space<vmem>> -> memref<1x128xi32, #tpu.memory_space<vmem>>
      %dma_wait3A_336 = tpu.memref_squeeze %dma_wait3A_335 : memref<1x128xi32, #tpu.memory_space<vmem>> -> memref<128xi32, #tpu.memory_space<vmem>>
      %dma_wait3A_337 = arith.constant 0 : i32
      %dma_wait3A_338 = tpu.memref_slice %arg3[%dma_wait3A_337] : memref<1602176xi32, #tpu.memory_space<hbm>> -> memref<128xi32, #tpu.memory_space<hbm>>
      %dma_wait3A_339 = arith.constant 0 : i32
      %dma_wait3A_340 = tpu.memref_slice %arg7[%dma_wait3A_333, %dma_wait3A_339] : memref<4x128xi32, #tpu.memory_space<vmem>> -> memref<1x128xi32, #tpu.memory_space<vmem>>
      %dma_wait3A_341 = tpu.memref_squeeze %dma_wait3A_340 : memref<1x128xi32, #tpu.memory_space<vmem>> -> memref<128xi32, #tpu.memory_space<vmem>>
      %dma_wait3A_342 = arith.constant 0 : i32
      %dma_wait3A_343 = tpu.memref_slice %arg3[%dma_wait3A_342] : memref<1602176xi32, #tpu.memory_space<hbm>> -> memref<128xi32, #tpu.memory_space<hbm>>
      tpu.wait_dma2 semaphore(%arg12 : memref<!tpu.dma_semaphore, #tpu.memory_space<semaphore_mem>>) src(%dma_wait3A_343 : memref<128xi32, #tpu.memory_space<hbm>>) dst(%dma_wait3A_341 : memref<128xi32, #tpu.memory_space<vmem>>)
      %dma_wait3A_344 = arith.constant 0 : i32
      %dma_wait3A_345 = arith.constant 0 : i32
      %dma_wait3A_346 = tpu.memref_slice %arg8[%dma_wait3A_344, %dma_wait3A_345] : memref<4x128xi32, #tpu.memory_space<vmem>> -> memref<1x128xi32, #tpu.memory_space<vmem>>
      %dma_wait3A_347 = tpu.memref_squeeze %dma_wait3A_346 : memref<1x128xi32, #tpu.memory_space<vmem>> -> memref<128xi32, #tpu.memory_space<vmem>>
      %dma_wait3A_348 = arith.constant 0 : i32
      %dma_wait3A_349 = tpu.memref_slice %arg4[%dma_wait3A_348] : memref<1602176xi32, #tpu.memory_space<hbm>> -> memref<128xi32, #tpu.memory_space<hbm>>
      %dma_wait3A_350 = arith.constant 0 : i32
      %dma_wait3A_351 = tpu.memref_slice %arg8[%dma_wait3A_344, %dma_wait3A_350] : memref<4x128xi32, #tpu.memory_space<vmem>> -> memref<1x128xi32, #tpu.memory_space<vmem>>
      %dma_wait3A_352 = tpu.memref_squeeze %dma_wait3A_351 : memref<1x128xi32, #tpu.memory_space<vmem>> -> memref<128xi32, #tpu.memory_space<vmem>>
      %dma_wait3A_353 = arith.constant 0 : i32
      %dma_wait3A_354 = tpu.memref_slice %arg4[%dma_wait3A_353] : memref<1602176xi32, #tpu.memory_space<hbm>> -> memref<128xi32, #tpu.memory_space<hbm>>
      tpu.wait_dma2 semaphore(%arg13 : memref<!tpu.dma_semaphore, #tpu.memory_space<semaphore_mem>>) src(%dma_wait3A_354 : memref<128xi32, #tpu.memory_space<hbm>>) dst(%dma_wait3A_352 : memref<128xi32, #tpu.memory_space<vmem>>)
      %ge3A = arith.constant 2 : i32
      %ge3A_355 = arith.cmpi sge, %scan3A_308, %ge3A : i32
      %convert_element_type3A = arith.extui %ge3A_355 : i1 to i32
      %cond3A = arith.constant 0 : i32
      %cond3A_356 = arith.cmpi ne, %convert_element_type3A, %cond3A : i32
      scf.if %cond3A_356 {
        %dma_wait3A_595 = arith.constant 0 : i32
        %dma_wait3A_596 = arith.constant 0 : i32
        %dma_wait3A_597 = arith.constant 0 : i32
        %dma_wait3A_598 = arith.constant 0 : i32
        %dma_wait3A_599 = tpu.memref_slice %arg10[%dma_wait3A_595, %dma_wait3A_597, %dma_wait3A_598] : memref<3x128x64xf32, #tpu.memory_space<vmem>> -> memref<1x128x64xf32, #tpu.memory_space<vmem>>
        %dma_wait3A_600 = tpu.memref_squeeze %dma_wait3A_599 : memref<1x128x64xf32, #tpu.memory_space<vmem>> -> memref<128x64xf32, #tpu.memory_space<vmem>>
        %dma_wait3A_601 = arith.constant 0 : i32
        %dma_wait3A_602 = tpu.memref_slice %arg9[%dma_wait3A_596, %dma_wait3A_601] : memref<4x128xi32, #tpu.memory_space<vmem>> -> memref<1x128xi32, #tpu.memory_space<vmem>>
        %dma_wait3A_603 = tpu.memref_squeeze %dma_wait3A_602 : memref<1x128xi32, #tpu.memory_space<vmem>> -> memref<128xi32, #tpu.memory_space<vmem>>
        %dma_wait3A_604 = arith.constant 0 : i32
        %dma_wait3A_605 = arith.constant 0 : i32
        %dma_wait3A_606 = tpu.memref_slice %arg11[%dma_wait3A_604, %dma_wait3A_605] : memref<25344x64xf32, #tpu.memory_space<vmem_shared>> -> memref<25344x64xf32, #tpu.memory_space<vmem_shared>>
        tpu.wait_indirect_dma semaphore(%arg15 : memref<!tpu.dma_semaphore, #tpu.memory_space<semaphore_mem>>) src(%dma_wait3A_600 : memref<128x64xf32, #tpu.memory_space<vmem>>) dst(%dma_wait3A_606 : memref<25344x64xf32, #tpu.memory_space<vmem_shared>>)
      } else {
      }
      %add3A_357 = arith.constant 1 : i32
      %add3A_358 = arith.addi %scan3A_308, %add3A_357 : i32
      %rem3A_359 = arith.constant 4 : i32
      %rem3A_360 = arith.remsi %add3A_358, %rem3A_359 : i32
      %add3A_361 = arith.constant 1 : i32
      %add3A_362 = arith.addi %scan3A_308, %add3A_361 : i32
      %rem3A_363 = arith.constant 3 : i32
      %rem3A_364 = arith.remsi %add3A_362, %rem3A_363 : i32
      %dma_start3A_365 = arith.constant 0 : i32
      %dma_start3A_366 = arith.constant 0 : i32
      %dma_start3A_367 = tpu.memref_slice %arg10[%rem3A_364, %dma_start3A_365, %dma_start3A_366] : memref<3x128x64xf32, #tpu.memory_space<vmem>> -> memref<1x128x64xf32, #tpu.memory_space<vmem>>
      %dma_start3A_368 = tpu.memref_squeeze %dma_start3A_367 : memref<1x128x64xf32, #tpu.memory_space<vmem>> -> memref<128x64xf32, #tpu.memory_space<vmem>>
      %dma_start3A_369 = arith.constant 0 : i32
      %dma_start3A_370 = tpu.memref_slice %arg7[%rem3A_360, %dma_start3A_369] : memref<4x128xi32, #tpu.memory_space<vmem>> -> memref<1x128xi32, #tpu.memory_space<vmem>>
      %dma_start3A_371 = tpu.memref_squeeze %dma_start3A_370 : memref<1x128xi32, #tpu.memory_space<vmem>> -> memref<128xi32, #tpu.memory_space<vmem>>
      %dma_start3A_372 = arith.constant 0 : i32
      %dma_start3A_373 = arith.constant 0 : i32
      %dma_start3A_374 = tpu.memref_slice %arg2[%dma_start3A_372, %dma_start3A_373] : memref<100352x64xf32, #tpu.memory_space<hbm>> -> memref<100352x64xf32, #tpu.memory_space<hbm>>
      tpu.enqueue_indirect_dma source(%dma_start3A_374 : memref<100352x64xf32, #tpu.memory_space<hbm>>) target(%dma_start3A_368 : memref<128x64xf32, #tpu.memory_space<vmem>>) offsets(%dma_start3A_371 : memref<128xi32, #tpu.memory_space<vmem>>) semaphore(%arg14 : memref<!tpu.dma_semaphore, #tpu.memory_space<semaphore_mem>>)
      %rem3A_375 = arith.constant 4 : i32
      %rem3A_376 = arith.remsi %scan3A_308, %rem3A_375 : i32
      %get3A = arith.index_cast %rem3A_376 : i32 to index
      %get3A_377 = arith.constant 0 : index
      %get3A_378 = tpu.vector_load %arg8[%get3A, %get3A_377] {strides = array<i32>} : memref<4x128xi32, #tpu.memory_space<vmem>>, vector<1x16xi32>,
      %get3A_379 = vector.shape_cast %get3A_378 : vector<1x16xi32> to vector<16xi32>
      %sub3A = vector.broadcast %mul3A_157 : i32 to vector<16xi32>
      %sub3A_380 = arith.subi %get3A_379, %sub3A : vector<16xi32>
      %ge3A_381 = arith.constant 0 : i32
      %ge3A_382 = vector.broadcast %ge3A_381 : i32 to vector<16xi32>
      %ge3A_383 = arith.cmpi sge, %sub3A_380, %ge3A_382 : vector<16xi32>
      %lt3A = arith.constant 25088 : i32
      %lt3A_384 = vector.broadcast %lt3A : i32 to vector<16xi32>
      %lt3A_385 = arith.cmpi slt, %sub3A_380, %lt3A_384 : vector<16xi32>
      %and3A = arith.andi %ge3A_383, %lt3A_385 : vector<16xi1>
      %and3A_386 = arith.constant 255 : i32
      %and3A_387 = vector.broadcast %and3A_386 : i32 to vector<16xi32>
      %and3A_388 = arith.andi %get3A_379, %and3A_387 : vector<16xi32>
      %add3A_389 = arith.constant 25088 : i32
      %add3A_390 = vector.broadcast %add3A_389 : i32 to vector<16xi32>
      %add3A_391 = arith.addi %add3A_390, %and3A_388 : vector<16xi32>
      %select_n3A = arith.select %and3A, %sub3A_380, %add3A_391 : vector<16xi1>, vector<16xi32>
      %swap3A = arith.index_cast %rem3A_376 : i32 to index
      %swap3A_392 = arith.constant 0 : index
      %swap3A_393 = tpu.vector_load %arg9[%swap3A, %swap3A_392] {strides = array<i32>} : memref<4x128xi32, #tpu.memory_space<vmem>>, vector<1x16xi32>,
      %swap3A_394 = vector.shape_cast %swap3A_393 : vector<1x16xi32> to vector<16xi32>
      %swap3A_395 = vector.shape_cast %select_n3A : vector<16xi32> to vector<1x16xi32>
      tpu.vector_store %arg9[%swap3A, %swap3A_392], %swap3A_395 {strides = array<i32>} : memref<4x128xi32, #tpu.memory_space<vmem>>, vector<1x16xi32>,
      %get3A_396 = arith.index_cast %rem3A_376 : i32 to index
      %get3A_397 = arith.constant 16 : index
      %get3A_398 = tpu.vector_load %arg8[%get3A_396, %get3A_397] {strides = array<i32>} : memref<4x128xi32, #tpu.memory_space<vmem>>, vector<1x16xi32>,
      %get3A_399 = vector.shape_cast %get3A_398 : vector<1x16xi32> to vector<16xi32>
      %sub3A_400 = vector.broadcast %mul3A_157 : i32 to vector<16xi32>
      %sub3A_401 = arith.subi %get3A_399, %sub3A_400 : vector<16xi32>
      %ge3A_402 = arith.constant 0 : i32
      %ge3A_403 = vector.broadcast %ge3A_402 : i32 to vector<16xi32>
      %ge3A_404 = arith.cmpi sge, %sub3A_401, %ge3A_403 : vector<16xi32>
      %lt3A_405 = arith.constant 25088 : i32
      %lt3A_406 = vector.broadcast %lt3A_405 : i32 to vector<16xi32>
      %lt3A_407 = arith.cmpi slt, %sub3A_401, %lt3A_406 : vector<16xi32>
      %and3A_408 = arith.andi %ge3A_404, %lt3A_407 : vector<16xi1>
      %and3A_409 = arith.constant 255 : i32
      %and3A_410 = vector.broadcast %and3A_409 : i32 to vector<16xi32>
      %and3A_411 = arith.andi %get3A_399, %and3A_410 : vector<16xi32>
      %add3A_412 = arith.constant 25088 : i32
      %add3A_413 = vector.broadcast %add3A_412 : i32 to vector<16xi32>
      %add3A_414 = arith.addi %add3A_413, %and3A_411 : vector<16xi32>
      %select_n3A_415 = arith.select %and3A_408, %sub3A_401, %add3A_414 : vector<16xi1>, vector<16xi32>
      %swap3A_416 = arith.index_cast %rem3A_376 : i32 to index
      %swap3A_417 = arith.constant 16 : index
      %swap3A_418 = tpu.vector_load %arg9[%swap3A_416, %swap3A_417] {strides = array<i32>} : memref<4x128xi32, #tpu.memory_space<vmem>>, vector<1x16xi32>,
      %swap3A_419 = vector.shape_cast %swap3A_418 : vector<1x16xi32> to vector<16xi32>
      %swap3A_420 = vector.shape_cast %select_n3A_415 : vector<16xi32> to vector<1x16xi32>
      tpu.vector_store %arg9[%swap3A_416, %swap3A_417], %swap3A_420 {strides = array<i32>} : memref<4x128xi32, #tpu.memory_space<vmem>>, vector<1x16xi32>,
      %get3A_421 = arith.index_cast %rem3A_376 : i32 to index
      %get3A_422 = arith.constant 32 : index
      %get3A_423 = tpu.vector_load %arg8[%get3A_421, %get3A_422] {strides = array<i32>} : memref<4x128xi32, #tpu.memory_space<vmem>>, vector<1x16xi32>,
      %get3A_424 = vector.shape_cast %get3A_423 : vector<1x16xi32> to vector<16xi32>
      %sub3A_425 = vector.broadcast %mul3A_157 : i32 to vector<16xi32>
      %sub3A_426 = arith.subi %get3A_424, %sub3A_425 : vector<16xi32>
      %ge3A_427 = arith.constant 0 : i32
      %ge3A_428 = vector.broadcast %ge3A_427 : i32 to vector<16xi32>
      %ge3A_429 = arith.cmpi sge, %sub3A_426, %ge3A_428 : vector<16xi32>
      %lt3A_430 = arith.constant 25088 : i32
      %lt3A_431 = vector.broadcast %lt3A_430 : i32 to vector<16xi32>
      %lt3A_432 = arith.cmpi slt, %sub3A_426, %lt3A_431 : vector<16xi32>
      %and3A_433 = arith.andi %ge3A_429, %lt3A_432 : vector<16xi1>
      %and3A_434 = arith.constant 255 : i32
      %and3A_435 = vector.broadcast %and3A_434 : i32 to vector<16xi32>
      %and3A_436 = arith.andi %get3A_424, %and3A_435 : vector<16xi32>
      %add3A_437 = arith.constant 25088 : i32
      %add3A_438 = vector.broadcast %add3A_437 : i32 to vector<16xi32>
      %add3A_439 = arith.addi %add3A_438, %and3A_436 : vector<16xi32>
      %select_n3A_440 = arith.select %and3A_433, %sub3A_426, %add3A_439 : vector<16xi1>, vector<16xi32>
      %swap3A_441 = arith.index_cast %rem3A_376 : i32 to index
      %swap3A_442 = arith.constant 32 : index
      %swap3A_443 = tpu.vector_load %arg9[%swap3A_441, %swap3A_442] {strides = array<i32>} : memref<4x128xi32, #tpu.memory_space<vmem>>, vector<1x16xi32>,
      %swap3A_444 = vector.shape_cast %swap3A_443 : vector<1x16xi32> to vector<16xi32>
      %swap3A_445 = vector.shape_cast %select_n3A_440 : vector<16xi32> to vector<1x16xi32>
      tpu.vector_store %arg9[%swap3A_441, %swap3A_442], %swap3A_445 {strides = array<i32>} : memref<4x128xi32, #tpu.memory_space<vmem>>, vector<1x16xi32>,
      %get3A_446 = arith.index_cast %rem3A_376 : i32 to index
      %get3A_447 = arith.constant 48 : index
      %get3A_448 = tpu.vector_load %arg8[%get3A_446, %get3A_447] {strides = array<i32>} : memref<4x128xi32, #tpu.memory_space<vmem>>, vector<1x16xi32>,
      %get3A_449 = vector.shape_cast %get3A_448 : vector<1x16xi32> to vector<16xi32>
      %sub3A_450 = vector.broadcast %mul3A_157 : i32 to vector<16xi32>
      %sub3A_451 = arith.subi %get3A_449, %sub3A_450 : vector<16xi32>
      %ge3A_452 = arith.constant 0 : i32
      %ge3A_453 = vector.broadcast %ge3A_452 : i32 to vector<16xi32>
      %ge3A_454 = arith.cmpi sge, %sub3A_451, %ge3A_453 : vector<16xi32>
      %lt3A_455 = arith.constant 25088 : i32
      %lt3A_456 = vector.broadcast %lt3A_455 : i32 to vector<16xi32>
      %lt3A_457 = arith.cmpi slt, %sub3A_451, %lt3A_456 : vector<16xi32>
      %and3A_458 = arith.andi %ge3A_454, %lt3A_457 : vector<16xi1>
      %and3A_459 = arith.constant 255 : i32
      %and3A_460 = vector.broadcast %and3A_459 : i32 to vector<16xi32>
      %and3A_461 = arith.andi %get3A_449, %and3A_460 : vector<16xi32>
      %add3A_462 = arith.constant 25088 : i32
      %add3A_463 = vector.broadcast %add3A_462 : i32 to vector<16xi32>
      %add3A_464 = arith.addi %add3A_463, %and3A_461 : vector<16xi32>
      %select_n3A_465 = arith.select %and3A_458, %sub3A_451, %add3A_464 : vector<16xi1>, vector<16xi32>
      %swap3A_466 = arith.index_cast %rem3A_376 : i32 to index
      %swap3A_467 = arith.constant 48 : index
      %swap3A_468 = tpu.vector_load %arg9[%swap3A_466, %swap3A_467] {strides = array<i32>} : memref<4x128xi32, #tpu.memory_space<vmem>>, vector<1x16xi32>,
      %swap3A_469 = vector.shape_cast %swap3A_468 : vector<1x16xi32> to vector<16xi32>
      %swap3A_470 = vector.shape_cast %select_n3A_465 : vector<16xi32> to vector<1x16xi32>
      tpu.vector_store %arg9[%swap3A_466, %swap3A_467], %swap3A_470 {strides = array<i32>} : memref<4x128xi32, #tpu.memory_space<vmem>>, vector<1x16xi32>,
      %get3A_471 = arith.index_cast %rem3A_376 : i32 to index
      %get3A_472 = arith.constant 64 : index
      %get3A_473 = tpu.vector_load %arg8[%get3A_471, %get3A_472] {strides = array<i32>} : memref<4x128xi32, #tpu.memory_space<vmem>>, vector<1x16xi32>,
      %get3A_474 = vector.shape_cast %get3A_473 : vector<1x16xi32> to vector<16xi32>
      %sub3A_475 = vector.broadcast %mul3A_157 : i32 to vector<16xi32>
      %sub3A_476 = arith.subi %get3A_474, %sub3A_475 : vector<16xi32>
      %ge3A_477 = arith.constant 0 : i32
      %ge3A_478 = vector.broadcast %ge3A_477 : i32 to vector<16xi32>
      %ge3A_479 = arith.cmpi sge, %sub3A_476, %ge3A_478 : vector<16xi32>
      %lt3A_480 = arith.constant 25088 : i32
      %lt3A_481 = vector.broadcast %lt3A_480 : i32 to vector<16xi32>
      %lt3A_482 = arith.cmpi slt, %sub3A_476, %lt3A_481 : vector<16xi32>
      %and3A_483 = arith.andi %ge3A_479, %lt3A_482 : vector<16xi1>
      %and3A_484 = arith.constant 255 : i32
      %and3A_485 = vector.broadcast %and3A_484 : i32 to vector<16xi32>
      %and3A_486 = arith.andi %get3A_474, %and3A_485 : vector<16xi32>
      %add3A_487 = arith.constant 25088 : i32
      %add3A_488 = vector.broadcast %add3A_487 : i32 to vector<16xi32>
      %add3A_489 = arith.addi %add3A_488, %and3A_486 : vector<16xi32>
      %select_n3A_490 = arith.select %and3A_483, %sub3A_476, %add3A_489 : vector<16xi1>, vector<16xi32>
      %swap3A_491 = arith.index_cast %rem3A_376 : i32 to index
      %swap3A_492 = arith.constant 64 : index
      %swap3A_493 = tpu.vector_load %arg9[%swap3A_491, %swap3A_492] {strides = array<i32>} : memref<4x128xi32, #tpu.memory_space<vmem>>, vector<1x16xi32>,
      %swap3A_494 = vector.shape_cast %swap3A_493 : vector<1x16xi32> to vector<16xi32>
      %swap3A_495 = vector.shape_cast %select_n3A_490 : vector<16xi32> to vector<1x16xi32>
      tpu.vector_store %arg9[%swap3A_491, %swap3A_492], %swap3A_495 {strides = array<i32>} : memref<4x128xi32, #tpu.memory_space<vmem>>, vector<1x16xi32>,
      %get3A_496 = arith.index_cast %rem3A_376 : i32 to index
      %get3A_497 = arith.constant 80 : index
      %get3A_498 = tpu.vector_load %arg8[%get3A_496, %get3A_497] {strides = array<i32>} : memref<4x128xi32, #tpu.memory_space<vmem>>, vector<1x16xi32>,
      %get3A_499 = vector.shape_cast %get3A_498 : vector<1x16xi32> to vector<16xi32>
      %sub3A_500 = vector.broadcast %mul3A_157 : i32 to vector<16xi32>
      %sub3A_501 = arith.subi %get3A_499, %sub3A_500 : vector<16xi32>
      %ge3A_502 = arith.constant 0 : i32
      %ge3A_503 = vector.broadcast %ge3A_502 : i32 to vector<16xi32>
      %ge3A_504 = arith.cmpi sge, %sub3A_501, %ge3A_503 : vector<16xi32>
      %lt3A_505 = arith.constant 25088 : i32
      %lt3A_506 = vector.broadcast %lt3A_505 : i32 to vector<16xi32>
      %lt3A_507 = arith.cmpi slt, %sub3A_501, %lt3A_506 : vector<16xi32>
      %and3A_508 = arith.andi %ge3A_504, %lt3A_507 : vector<16xi1>
      %and3A_509 = arith.constant 255 : i32
      %and3A_510 = vector.broadcast %and3A_509 : i32 to vector<16xi32>
      %and3A_511 = arith.andi %get3A_499, %and3A_510 : vector<16xi32>
      %add3A_512 = arith.constant 25088 : i32
      %add3A_513 = vector.broadcast %add3A_512 : i32 to vector<16xi32>
      %add3A_514 = arith.addi %add3A_513, %and3A_511 : vector<16xi32>
      %select_n3A_515 = arith.select %and3A_508, %sub3A_501, %add3A_514 : vector<16xi1>, vector<16xi32>
      %swap3A_516 = arith.index_cast %rem3A_376 : i32 to index
      %swap3A_517 = arith.constant 80 : index
      %swap3A_518 = tpu.vector_load %arg9[%swap3A_516, %swap3A_517] {strides = array<i32>} : memref<4x128xi32, #tpu.memory_space<vmem>>, vector<1x16xi32>,
      %swap3A_519 = vector.shape_cast %swap3A_518 : vector<1x16xi32> to vector<16xi32>
      %swap3A_520 = vector.shape_cast %select_n3A_515 : vector<16xi32> to vector<1x16xi32>
      tpu.vector_store %arg9[%swap3A_516, %swap3A_517], %swap3A_520 {strides = array<i32>} : memref<4x128xi32, #tpu.memory_space<vmem>>, vector<1x16xi32>,
      %get3A_521 = arith.index_cast %rem3A_376 : i32 to index
      %get3A_522 = arith.constant 96 : index
      %get3A_523 = tpu.vector_load %arg8[%get3A_521, %get3A_522] {strides = array<i32>} : memref<4x128xi32, #tpu.memory_space<vmem>>, vector<1x16xi32>,
      %get3A_524 = vector.shape_cast %get3A_523 : vector<1x16xi32> to vector<16xi32>
      %sub3A_525 = vector.broadcast %mul3A_157 : i32 to vector<16xi32>
      %sub3A_526 = arith.subi %get3A_524, %sub3A_525 : vector<16xi32>
      %ge3A_527 = arith.constant 0 : i32
      %ge3A_528 = vector.broadcast %ge3A_527 : i32 to vector<16xi32>
      %ge3A_529 = arith.cmpi sge, %sub3A_526, %ge3A_528 : vector<16xi32>
      %lt3A_530 = arith.constant 25088 : i32
      %lt3A_531 = vector.broadcast %lt3A_530 : i32 to vector<16xi32>
      %lt3A_532 = arith.cmpi slt, %sub3A_526, %lt3A_531 : vector<16xi32>
      %and3A_533 = arith.andi %ge3A_529, %lt3A_532 : vector<16xi1>
      %and3A_534 = arith.constant 255 : i32
      %and3A_535 = vector.broadcast %and3A_534 : i32 to vector<16xi32>
      %and3A_536 = arith.andi %get3A_524, %and3A_535 : vector<16xi32>
      %add3A_537 = arith.constant 25088 : i32
      %add3A_538 = vector.broadcast %add3A_537 : i32 to vector<16xi32>
      %add3A_539 = arith.addi %add3A_538, %and3A_536 : vector<16xi32>
      %select_n3A_540 = arith.select %and3A_533, %sub3A_526, %add3A_539 : vector<16xi1>, vector<16xi32>
      %swap3A_541 = arith.index_cast %rem3A_376 : i32 to index
      %swap3A_542 = arith.constant 96 : index
      %swap3A_543 = tpu.vector_load %arg9[%swap3A_541, %swap3A_542] {strides = array<i32>} : memref<4x128xi32, #tpu.memory_space<vmem>>, vector<1x16xi32>,
      %swap3A_544 = vector.shape_cast %swap3A_543 : vector<1x16xi32> to vector<16xi32>
      %swap3A_545 = vector.shape_cast %select_n3A_540 : vector<16xi32> to vector<1x16xi32>
      tpu.vector_store %arg9[%swap3A_541, %swap3A_542], %swap3A_545 {strides = array<i32>} : memref<4x128xi32, #tpu.memory_space<vmem>>, vector<1x16xi32>,
      %get3A_546 = arith.index_cast %rem3A_376 : i32 to index
      %get3A_547 = arith.constant 112 : index
      %get3A_548 = tpu.vector_load %arg8[%get3A_546, %get3A_547] {strides = array<i32>} : memref<4x128xi32, #tpu.memory_space<vmem>>, vector<1x16xi32>,
      %get3A_549 = vector.shape_cast %get3A_548 : vector<1x16xi32> to vector<16xi32>
      %sub3A_550 = vector.broadcast %mul3A_157 : i32 to vector<16xi32>
      %sub3A_551 = arith.subi %get3A_549, %sub3A_550 : vector<16xi32>
      %ge3A_552 = arith.constant 0 : i32
      %ge3A_553 = vector.broadcast %ge3A_552 : i32 to vector<16xi32>
      %ge3A_554 = arith.cmpi sge, %sub3A_551, %ge3A_553 : vector<16xi32>
      %lt3A_555 = arith.constant 25088 : i32
      %lt3A_556 = vector.broadcast %lt3A_555 : i32 to vector<16xi32>
      %lt3A_557 = arith.cmpi slt, %sub3A_551, %lt3A_556 : vector<16xi32>
      %and3A_558 = arith.andi %ge3A_554, %lt3A_557 : vector<16xi1>
      %and3A_559 = arith.constant 255 : i32
      %and3A_560 = vector.broadcast %and3A_559 : i32 to vector<16xi32>
      %and3A_561 = arith.andi %get3A_549, %and3A_560 : vector<16xi32>
      %add3A_562 = arith.constant 25088 : i32
      %add3A_563 = vector.broadcast %add3A_562 : i32 to vector<16xi32>
      %add3A_564 = arith.addi %add3A_563, %and3A_561 : vector<16xi32>
      %select_n3A_565 = arith.select %and3A_558, %sub3A_551, %add3A_564 : vector<16xi1>, vector<16xi32>
      %swap3A_566 = arith.index_cast %rem3A_376 : i32 to index
      %swap3A_567 = arith.constant 112 : index
      %swap3A_568 = tpu.vector_load %arg9[%swap3A_566, %swap3A_567] {strides = array<i32>} : memref<4x128xi32, #tpu.memory_space<vmem>>, vector<1x16xi32>,
      %swap3A_569 = vector.shape_cast %swap3A_568 : vector<1x16xi32> to vector<16xi32>
      %swap3A_570 = vector.shape_cast %select_n3A_565 : vector<16xi32> to vector<1x16xi32>
      tpu.vector_store %arg9[%swap3A_566, %swap3A_567], %swap3A_570 {strides = array<i32>} : memref<4x128xi32, #tpu.memory_space<vmem>>, vector<1x16xi32>,
      %dma_wait3A_571 = arith.constant 0 : i32
      %dma_wait3A_572 = arith.constant 0 : i32
      %dma_wait3A_573 = arith.constant 0 : i32
      %dma_wait3A_574 = arith.constant 0 : i32
      %dma_wait3A_575 = tpu.memref_slice %arg10[%dma_wait3A_572, %dma_wait3A_573, %dma_wait3A_574] : memref<3x128x64xf32, #tpu.memory_space<vmem>> -> memref<1x128x64xf32, #tpu.memory_space<vmem>>
      %dma_wait3A_576 = tpu.memref_squeeze %dma_wait3A_575 : memref<1x128x64xf32, #tpu.memory_space<vmem>> -> memref<128x64xf32, #tpu.memory_space<vmem>>
      %dma_wait3A_577 = arith.constant 0 : i32
      %dma_wait3A_578 = tpu.memref_slice %arg7[%dma_wait3A_571, %dma_wait3A_577] : memref<4x128xi32, #tpu.memory_space<vmem>> -> memref<1x128xi32, #tpu.memory_space<vmem>>
      %dma_wait3A_579 = tpu.memref_squeeze %dma_wait3A_578 : memref<1x128xi32, #tpu.memory_space<vmem>> -> memref<128xi32, #tpu.memory_space<vmem>>
      %dma_wait3A_580 = arith.constant 0 : i32
      %dma_wait3A_581 = arith.constant 0 : i32
      %dma_wait3A_582 = tpu.memref_slice %arg2[%dma_wait3A_580, %dma_wait3A_581] : memref<100352x64xf32, #tpu.memory_space<hbm>> -> memref<100352x64xf32, #tpu.memory_space<hbm>>
      tpu.wait_indirect_dma semaphore(%arg14 : memref<!tpu.dma_semaphore, #tpu.memory_space<semaphore_mem>>) src(%dma_wait3A_582 : memref<100352x64xf32, #tpu.memory_space<hbm>>) dst(%dma_wait3A_576 : memref<128x64xf32, #tpu.memory_space<vmem>>)
      %rem3A_583 = arith.constant 3 : i32
      %rem3A_584 = arith.remsi %scan3A_308, %rem3A_583 : i32
      %dma_start3A_585 = arith.constant 0 : i32
      %dma_start3A_586 = arith.constant 0 : i32
      %dma_start3A_587 = tpu.memref_slice %arg10[%rem3A_584, %dma_start3A_585, %dma_start3A_586] : memref<3x128x64xf32, #tpu.memory_space<vmem>> -> memref<1x128x64xf32, #tpu.memory_space<vmem>>
      %dma_start3A_588 = tpu.memref_squeeze %dma_start3A_587 : memref<1x128x64xf32, #tpu.memory_space<vmem>> -> memref<128x64xf32, #tpu.memory_space<vmem>>
      %dma_start3A_589 = arith.constant 0 : i32
      %dma_start3A_590 = tpu.memref_slice %arg9[%rem3A_376, %dma_start3A_589] : memref<4x128xi32, #tpu.memory_space<vmem>> -> memref<1x128xi32, #tpu.memory_space<vmem>>
      %dma_start3A_591 = tpu.memref_squeeze %dma_start3A_590 : memref<1x128xi32, #tpu.memory_space<vmem>> -> memref<128xi32, #tpu.memory_space<vmem>>
      %dma_start3A_592 = arith.constant 0 : i32
      %dma_start3A_593 = arith.constant 0 : i32
      %dma_start3A_594 = tpu.memref_slice %arg11[%dma_start3A_592, %dma_start3A_593] : memref<25344x64xf32, #tpu.memory_space<vmem_shared>> -> memref<25344x64xf32, #tpu.memory_space<vmem_shared>>
      tpu.enqueue_indirect_dma source(%dma_start3A_588 : memref<128x64xf32, #tpu.memory_space<vmem>>) target(%dma_start3A_594 : memref<25344x64xf32, #tpu.memory_space<vmem_shared>>) offsets(%dma_start3A_591 : memref<128xi32, #tpu.memory_space<vmem>>) semaphore(%arg15 : memref<!tpu.dma_semaphore, #tpu.memory_space<semaphore_mem>>) {add = true}
    }
    %scan3A_242 = arith.constant 782 : i32
    %dma_wait3A_243 = arith.constant 0 : i32
    %dma_wait3A_244 = arith.constant 0 : i32
    %dma_wait3A_245 = arith.constant 0 : i32
    %dma_wait3A_246 = arith.constant 0 : i32
    %dma_wait3A_247 = tpu.memref_slice %arg10[%dma_wait3A_243, %dma_wait3A_245, %dma_wait3A_246] : memref<3x128x64xf32, #tpu.memory_space<vmem>> -> memref<1x128x64xf32, #tpu.memory_space<vmem>>
    %dma_wait3A_248 = tpu.memref_squeeze %dma_wait3A_247 : memref<1x128x64xf32, #tpu.memory_space<vmem>> -> memref<128x64xf32, #tpu.memory_space<vmem>>
    %dma_wait3A_249 = arith.constant 0 : i32
    %dma_wait3A_250 = tpu.memref_slice %arg9[%dma_wait3A_244, %dma_wait3A_249] : memref<4x128xi32, #tpu.memory_space<vmem>> -> memref<1x128xi32, #tpu.memory_space<vmem>>
    %dma_wait3A_251 = tpu.memref_squeeze %dma_wait3A_250 : memref<1x128xi32, #tpu.memory_space<vmem>> -> memref<128xi32, #tpu.memory_space<vmem>>
    %dma_wait3A_252 = arith.constant 0 : i32
    %dma_wait3A_253 = arith.constant 0 : i32
    %dma_wait3A_254 = tpu.memref_slice %arg11[%dma_wait3A_252, %dma_wait3A_253] : memref<25344x64xf32, #tpu.memory_space<vmem_shared>> -> memref<25344x64xf32, #tpu.memory_space<vmem_shared>>
    tpu.wait_indirect_dma semaphore(%arg15 : memref<!tpu.dma_semaphore, #tpu.memory_space<semaphore_mem>>) src(%dma_wait3A_248 : memref<128x64xf32, #tpu.memory_space<vmem>>) dst(%dma_wait3A_254 : memref<25344x64xf32, #tpu.memory_space<vmem_shared>>)
    %dma_wait3A_255 = arith.constant 0 : i32
    %dma_wait3A_256 = arith.constant 0 : i32
    %dma_wait3A_257 = arith.constant 0 : i32
    %dma_wait3A_258 = arith.constant 0 : i32
    %dma_wait3A_259 = tpu.memref_slice %arg10[%dma_wait3A_255, %dma_wait3A_257, %dma_wait3A_258] : memref<3x128x64xf32, #tpu.memory_space<vmem>> -> memref<1x128x64xf32, #tpu.memory_space<vmem>>
    %dma_wait3A_260 = tpu.memref_squeeze %dma_wait3A_259 : memref<1x128x64xf32, #tpu.memory_space<vmem>> -> memref<128x64xf32, #tpu.memory_space<vmem>>
    %dma_wait3A_261 = arith.constant 0 : i32
    %dma_wait3A_262 = tpu.memref_slice %arg9[%dma_wait3A_256, %dma_wait3A_261] : memref<4x128xi32, #tpu.memory_space<vmem>> -> memref<1x128xi32, #tpu.memory_space<vmem>>
    %dma_wait3A_263 = tpu.memref_squeeze %dma_wait3A_262 : memref<1x128xi32, #tpu.memory_space<vmem>> -> memref<128xi32, #tpu.memory_space<vmem>>
    %dma_wait3A_264 = arith.constant 0 : i32
    %dma_wait3A_265 = arith.constant 0 : i32
    %dma_wait3A_266 = tpu.memref_slice %arg11[%dma_wait3A_264, %dma_wait3A_265] : memref<25344x64xf32, #tpu.memory_space<vmem_shared>> -> memref<25344x64xf32, #tpu.memory_space<vmem_shared>>
    tpu.wait_indirect_dma semaphore(%arg15 : memref<!tpu.dma_semaphore, #tpu.memory_space<semaphore_mem>>) src(%dma_wait3A_260 : memref<128x64xf32, #tpu.memory_space<vmem>>) dst(%dma_wait3A_266 : memref<25344x64xf32, #tpu.memory_space<vmem_shared>>)
    %dma_wait3A_267 = arith.constant 0 : i32
    %dma_wait3A_268 = arith.constant 0 : i32
    %dma_wait3A_269 = arith.constant 0 : i32
    %dma_wait3A_270 = arith.constant 0 : i32
    %dma_wait3A_271 = tpu.memref_slice %arg10[%dma_wait3A_268, %dma_wait3A_269, %dma_wait3A_270] : memref<3x128x64xf32, #tpu.memory_space<vmem>> -> memref<1x128x64xf32, #tpu.memory_space<vmem>>
    %dma_wait3A_272 = tpu.memref_squeeze %dma_wait3A_271 : memref<1x128x64xf32, #tpu.memory_space<vmem>> -> memref<128x64xf32, #tpu.memory_space<vmem>>
    %dma_wait3A_273 = arith.constant 0 : i32
    %dma_wait3A_274 = tpu.memref_slice %arg7[%dma_wait3A_267, %dma_wait3A_273] : memref<4x128xi32, #tpu.memory_space<vmem>> -> memref<1x128xi32, #tpu.memory_space<vmem>>
    %dma_wait3A_275 = tpu.memref_squeeze %dma_wait3A_274 : memref<1x128xi32, #tpu.memory_space<vmem>> -> memref<128xi32, #tpu.memory_space<vmem>>
    %dma_wait3A_276 = arith.constant 0 : i32
    %dma_wait3A_277 = arith.constant 0 : i32
    %dma_wait3A_278 = tpu.memref_slice %arg2[%dma_wait3A_276, %dma_wait3A_277] : memref<100352x64xf32, #tpu.memory_space<hbm>> -> memref<100352x64xf32, #tpu.memory_space<hbm>>
    tpu.wait_indirect_dma semaphore(%arg14 : memref<!tpu.dma_semaphore, #tpu.memory_space<semaphore_mem>>) src(%dma_wait3A_278 : memref<100352x64xf32, #tpu.memory_space<hbm>>) dst(%dma_wait3A_272 : memref<128x64xf32, #tpu.memory_space<vmem>>)
    %dma_wait3A_279 = arith.constant 0 : i32
    %dma_wait3A_280 = arith.constant 0 : i32
    %dma_wait3A_281 = tpu.memref_slice %arg7[%dma_wait3A_279, %dma_wait3A_280] : memref<4x128xi32, #tpu.memory_space<vmem>> -> memref<1x128xi32, #tpu.memory_space<vmem>>
    %dma_wait3A_282 = tpu.memref_squeeze %dma_wait3A_281 : memref<1x128xi32, #tpu.memory_space<vmem>> -> memref<128xi32, #tpu.memory_space<vmem>>
    %dma_wait3A_283 = arith.constant 0 : i32
    %dma_wait3A_284 = tpu.memref_slice %arg3[%dma_wait3A_283] : memref<1602176xi32, #tpu.memory_space<hbm>> -> memref<128xi32, #tpu.memory_space<hbm>>
    %dma_wait3A_285 = arith.constant 0 : i32
    %dma_wait3A_286 = tpu.memref_slice %arg7[%dma_wait3A_279, %dma_wait3A_285] : memref<4x128xi32, #tpu.memory_space<vmem>> -> memref<1x128xi32, #tpu.memory_space<vmem>>
    %dma_wait3A_287 = tpu.memref_squeeze %dma_wait3A_286 : memref<1x128xi32, #tpu.memory_space<vmem>> -> memref<128xi32, #tpu.memory_space<vmem>>
    %dma_wait3A_288 = arith.constant 0 : i32
    %dma_wait3A_289 = tpu.memref_slice %arg3[%dma_wait3A_288] : memref<1602176xi32, #tpu.memory_space<hbm>> -> memref<128xi32, #tpu.memory_space<hbm>>
    tpu.wait_dma2 semaphore(%arg12 : memref<!tpu.dma_semaphore, #tpu.memory_space<semaphore_mem>>) src(%dma_wait3A_289 : memref<128xi32, #tpu.memory_space<hbm>>) dst(%dma_wait3A_287 : memref<128xi32, #tpu.memory_space<vmem>>)
    %dma_wait3A_290 = arith.constant 0 : i32
    %dma_wait3A_291 = arith.constant 0 : i32
    %dma_wait3A_292 = tpu.memref_slice %arg8[%dma_wait3A_290, %dma_wait3A_291] : memref<4x128xi32, #tpu.memory_space<vmem>> -> memref<1x128xi32, #tpu.memory_space<vmem>>
    %dma_wait3A_293 = tpu.memref_squeeze %dma_wait3A_292 : memref<1x128xi32, #tpu.memory_space<vmem>> -> memref<128xi32, #tpu.memory_space<vmem>>
    %dma_wait3A_294 = arith.constant 0 : i32
    %dma_wait3A_295 = tpu.memref_slice %arg4[%dma_wait3A_294] : memref<1602176xi32, #tpu.memory_space<hbm>> -> memref<128xi32, #tpu.memory_space<hbm>>
    %dma_wait3A_296 = arith.constant 0 : i32
    %dma_wait3A_297 = tpu.memref_slice %arg8[%dma_wait3A_290, %dma_wait3A_296] : memref<4x128xi32, #tpu.memory_space<vmem>> -> memref<1x128xi32, #tpu.memory_space<vmem>>
    %dma_wait3A_298 = tpu.memref_squeeze %dma_wait3A_297 : memref<1x128xi32, #tpu.memory_space<vmem>> -> memref<128xi32, #tpu.memory_space<vmem>>
    %dma_wait3A_299 = arith.constant 0 : i32
    %dma_wait3A_300 = tpu.memref_slice %arg4[%dma_wait3A_299] : memref<1602176xi32, #tpu.memory_space<hbm>> -> memref<128xi32, #tpu.memory_space<hbm>>
    tpu.wait_dma2 semaphore(%arg13 : memref<!tpu.dma_semaphore, #tpu.memory_space<semaphore_mem>>) src(%dma_wait3A_300 : memref<128xi32, #tpu.memory_space<hbm>>) dst(%dma_wait3A_298 : memref<128xi32, #tpu.memory_space<vmem>>)
    %barrier3A_301 = arith.constant 0 : index
    tpu.barrier barrier_id(%barrier3A_301)
    %mul3A_302 = arith.constant 1568 : i32
    %mul3A_303 = arith.muli %arg1, %mul3A_302 : i32
    %mul3A_304 = arith.constant 1568 : i32
    %mul3A_305 = arith.muli %arg1, %mul3A_304 : i32
    %add3A_306 = arith.addi %mul3A_157, %mul3A_305 : i32
    "tpu.region"() ({
      %run_scoped3A = tpu.sem_alloc : memref<!tpu.dma_semaphore, #tpu.memory_space<semaphore_mem>>
      %dma_start3A_308 = arith.constant 0 : i32
      %dma_start3A_309 = tpu.memref_slice %arg6[%add3A_306, %dma_start3A_308] : memref<100352x64xf32, #tpu.memory_space<hbm>> -> memref<1568x64xf32, #tpu.memory_space<hbm>>
      %dma_start3A_310 = arith.constant 0 : i32
      %dma_start3A_311 = tpu.memref_slice %arg11[%mul3A_303, %dma_start3A_310] : memref<25344x64xf32, #tpu.memory_space<vmem_shared>> -> memref<1568x64xf32, #tpu.memory_space<vmem_shared>>
      tpu.enqueue_dma source(%dma_start3A_311 : memref<1568x64xf32, #tpu.memory_space<vmem_shared>>) target(%dma_start3A_309 : memref<1568x64xf32, #tpu.memory_space<hbm>>) target_semaphore(%run_scoped3A : memref<!tpu.dma_semaphore, #tpu.memory_space<semaphore_mem>>)
      %dma_wait3A_312 = arith.constant 0 : i32
      %dma_wait3A_313 = tpu.memref_slice %arg6[%add3A_306, %dma_wait3A_312] : memref<100352x64xf32, #tpu.memory_space<hbm>> -> memref<1568x64xf32, #tpu.memory_space<hbm>>
      %dma_wait3A_314 = arith.constant 0 : i32
      %dma_wait3A_315 = tpu.memref_slice %arg11[%mul3A_303, %dma_wait3A_314] : memref<25344x64xf32, #tpu.memory_space<vmem_shared>> -> memref<1568x64xf32, #tpu.memory_space<vmem_shared>>
      tpu.wait_dma2 semaphore(%run_scoped3A : memref<!tpu.dma_semaphore, #tpu.memory_space<semaphore_mem>>) src(%dma_wait3A_315 : memref<1568x64xf32, #tpu.memory_space<vmem_shared>>) dst(%dma_wait3A_313 : memref<1568x64xf32, #tpu.memory_space<hbm>>)
      tpu.yield
    }) : () -> ()
    %barrier3A_307 = arith.constant 0 : index
    tpu.barrier barrier_id(%barrier3A_307)
    return
  }
}

module attributes {stable_mosaic.version = 14 : i64} {
  func.func @_tc0_body(%arg0: i32, %arg1: memref<1024x16xf32, #tpu.memory_space<vmem>>, %arg2: memref<2x1024x1xf32, #tpu.memory_space<vmem>>, %arg3: memref<16x64xf32, #tpu.memory_space<vmem>>, %arg4: memref<1x64xf32, #tpu.memory_space<vmem>>, %arg5: memref<64x64xf32, #tpu.memory_space<vmem>>, %arg6: memref<1024x64xf32, #tpu.memory_space<vmem>>, %arg7: memref<1024x64xf32, #tpu.memory_space<vmem>>, %arg8: memref<1024x1xf32, #tpu.memory_space<vmem>>) attributes {dimension_semantics = [#tpu.dimension_semantics<arbitrary>], iteration_bounds = array<i64: 98>, scalar_prefetch = 0 : i64, scratch_operands = 0 : i64, tpu.core_type = #tpu.core_type<tc>, window_params = [{transform_indices = @transform_0, window_bounds = array<i64: 1024, 16>}, {transform_indices = @transform_1, window_bounds = array<i64: 2, 1024, 1>}, {pipeline_mode = #tpu.pipeline_mode<synchronous>, transform_indices = @transform_2, window_bounds = array<i64: 16, 64>}, {pipeline_mode = #tpu.pipeline_mode<synchronous>, transform_indices = @transform_3, window_bounds = array<i64: 1, 64>}, {pipeline_mode = #tpu.pipeline_mode<synchronous>, transform_indices = @transform_4, window_bounds = array<i64: 64, 64>}, {transform_indices = @transform_5, window_bounds = array<i64: 1024, 64>}, {transform_indices = @transform_6, window_bounds = array<i64: 1024, 64>}, {transform_indices = @transform_7, window_bounds = array<i64: 1024, 1>}]} {
    %get3A = arith.constant 0 : index
    %get3A_0 = arith.constant 0 : index
    %get3A_1 = arith.constant 0 : index
    %get3A_2 = vector.load %arg2[%get3A, %get3A_0, %get3A_1] : memref<2x1024x1xf32, #tpu.memory_space<vmem>>, vector<1x1024x1xf32>
    %get3A_3 = vector.shape_cast %get3A_2 : vector<1x1024x1xf32> to vector<1024x1xf32>
    %get3A_4 = arith.constant 1 : index
    %get3A_5 = arith.constant 0 : index
    %get3A_6 = arith.constant 0 : index
    %get3A_7 = vector.load %arg2[%get3A_4, %get3A_5, %get3A_6] : memref<2x1024x1xf32, #tpu.memory_space<vmem>>, vector<1x1024x1xf32>
    %get3A_8 = vector.shape_cast %get3A_7 : vector<1x1024x1xf32> to vector<1024x1xf32>
    %add3A = arith.addf %get3A_3, %get3A_8 : vector<1024x1xf32>
    %add3A_9 = arith.constant 1.000000e+00 : f32
    %add3A_10 = vector.broadcast %add3A_9 : f32 to vector<1024x1xf32>
    %add3A_11 = arith.addf %add3A, %add3A_10 : vector<1024x1xf32>
    %rsqrt3A = math.rsqrt %add3A_11 : vector<1024x1xf32>
    %get3A_12 = arith.constant 0 : index
    %get3A_13 = arith.constant 0 : index
    %get3A_14 = vector.load %arg1[%get3A_12, %get3A_13] : memref<1024x16xf32, #tpu.memory_space<vmem>>, vector<1024x16xf32>
    %get3A_15 = arith.constant 0 : index
    %get3A_16 = arith.constant 0 : index
    %get3A_17 = vector.load %arg3[%get3A_15, %get3A_16] : memref<16x64xf32, #tpu.memory_space<vmem>>, vector<16x64xf32>
    %dot_general3A = arith.constant dense<0.000000e+00> : vector<1024x64xf32>
    %dot_general3A_18 = tpu.matmul %get3A_14, %get3A_17, %dot_general3A {dimension_numbers = #tpu.dot_dimension_numbers<[1], [0], [0], [1], [0, 0, 1, 1], [], []>, transpose_lhs_hint = false} : vector<1024x16xf32>, vector<16x64xf32>, vector<1024x64xf32> -> vector<1024x64xf32>
    %get3A_19 = arith.constant 0 : index
    %get3A_20 = arith.constant 0 : index
    %get3A_21 = vector.load %arg4[%get3A_19, %get3A_20] : memref<1x64xf32, #tpu.memory_space<vmem>>, vector<1x64xf32>
    %add3A_22 = vector.broadcast %get3A_21 : vector<1x64xf32> to vector<1024x64xf32>
    %add3A_23 = arith.addf %dot_general3A_18, %add3A_22 : vector<1024x64xf32>
    %get3A_24 = arith.constant 0 : index
    %get3A_25 = arith.constant 0 : index
    %get3A_26 = vector.load %arg5[%get3A_24, %get3A_25] : memref<64x64xf32, #tpu.memory_space<vmem>>, vector<64x64xf32>
    %dot_general3A_27 = arith.constant dense<0.000000e+00> : vector<1024x64xf32>
    %dot_general3A_28 = tpu.matmul %add3A_23, %get3A_26, %dot_general3A_27 {dimension_numbers = #tpu.dot_dimension_numbers<[1], [0], [0], [1], [0, 0, 1, 1], [], []>, transpose_lhs_hint = false} : vector<1024x64xf32>, vector<64x64xf32>, vector<1024x64xf32> -> vector<1024x64xf32>
    %mul3A = vector.broadcast %rsqrt3A : vector<1024x1xf32> to vector<1024x64xf32>
    %mul3A_29 = arith.mulf %dot_general3A_28, %mul3A : vector<1024x64xf32>
    %swap3A = arith.constant 0 : index
    %swap3A_30 = arith.constant 0 : index
    %swap3A_31 = vector.load %arg6[%swap3A, %swap3A_30] : memref<1024x64xf32, #tpu.memory_space<vmem>>, vector<1024x64xf32>
    tpu.vector_store %arg6[%swap3A, %swap3A_30], %add3A_23 {strides = array<i32>} : memref<1024x64xf32, #tpu.memory_space<vmem>>, vector<1024x64xf32>,
    %swap3A_32 = arith.constant 0 : index
    %swap3A_33 = arith.constant 0 : index
    %swap3A_34 = vector.load %arg7[%swap3A_32, %swap3A_33] : memref<1024x64xf32, #tpu.memory_space<vmem>>, vector<1024x64xf32>
    tpu.vector_store %arg7[%swap3A_32, %swap3A_33], %mul3A_29 {strides = array<i32>} : memref<1024x64xf32, #tpu.memory_space<vmem>>, vector<1024x64xf32>,
    %swap3A_35 = arith.constant 0 : index
    %swap3A_36 = arith.constant 0 : index
    %swap3A_37 = vector.load %arg8[%swap3A_35, %swap3A_36] : memref<1024x1xf32, #tpu.memory_space<vmem>>, vector<1024x1xf32>
    tpu.vector_store %arg8[%swap3A_35, %swap3A_36], %rsqrt3A {strides = array<i32>} : memref<1024x1xf32, #tpu.memory_space<vmem>>, vector<1024x1xf32>,
    return
  }
  func.func @transform_0(%arg0: i32) -> (i32, i32) {
    %c0_i32 = arith.constant 0 : i32
    %c0_i32_0 = arith.constant 0 : i32
    return %arg0, %c0_i32 : i32, i32
  }
  func.func @transform_1(%arg0: i32) -> (i32, i32, i32) {
    %c0_i32 = arith.constant 0 : i32
    %c0_i32_0 = arith.constant 0 : i32
    %c0_i32_1 = arith.constant 0 : i32
    return %c0_i32, %arg0, %c0_i32_0 : i32, i32, i32
  }
  func.func @transform_2(%arg0: i32) -> (i32, i32) {
    %c0_i32 = arith.constant 0 : i32
    %c0_i32_0 = arith.constant 0 : i32
    %c0_i32_1 = arith.constant 0 : i32
    return %c0_i32, %c0_i32_0 : i32, i32
  }
  func.func @transform_3(%arg0: i32) -> (i32, i32) {
    %c0_i32 = arith.constant 0 : i32
    %c0_i32_0 = arith.constant 0 : i32
    %c0_i32_1 = arith.constant 0 : i32
    return %c0_i32, %c0_i32_0 : i32, i32
  }
  func.func @transform_4(%arg0: i32) -> (i32, i32) {
    %c0_i32 = arith.constant 0 : i32
    %c0_i32_0 = arith.constant 0 : i32
    %c0_i32_1 = arith.constant 0 : i32
    return %c0_i32, %c0_i32_0 : i32, i32
  }
  func.func @transform_5(%arg0: i32) -> (i32, i32) {
    %c0_i32 = arith.constant 0 : i32
    %c0_i32_0 = arith.constant 0 : i32
    return %arg0, %c0_i32 : i32, i32
  }
  func.func @transform_6(%arg0: i32) -> (i32, i32) {
    %c0_i32 = arith.constant 0 : i32
    %c0_i32_0 = arith.constant 0 : i32
    return %arg0, %c0_i32 : i32, i32
  }
  func.func @transform_7(%arg0: i32) -> (i32, i32) {
    %c0_i32 = arith.constant 0 : i32
    %c0_i32_0 = arith.constant 0 : i32
    return %arg0, %c0_i32 : i32, i32
  }
}

module attributes {stable_mosaic.version = 14 : i64} {
  func.func @_mid_body(%arg0: i32, %arg1: memref<1024x64xf32, #tpu.memory_space<vmem>>, %arg2: memref<1024x64xf32, #tpu.memory_space<vmem>>, %arg3: memref<1024x64xf32, #tpu.memory_space<vmem>>, %arg4: memref<1024x1xf32, #tpu.memory_space<vmem>>, %arg5: memref<1x64xf32, #tpu.memory_space<vmem>>, %arg6: memref<64x64xf32, #tpu.memory_space<vmem>>, %arg7: memref<1024x64xf32, #tpu.memory_space<vmem>>, %arg8: memref<1024x64xf32, #tpu.memory_space<vmem>>) attributes {dimension_semantics = [#tpu.dimension_semantics<arbitrary>], iteration_bounds = array<i64: 98>, scalar_prefetch = 0 : i64, scratch_operands = 0 : i64, tpu.core_type = #tpu.core_type<tc>, window_params = [{transform_indices = @transform_0, window_bounds = array<i64: 1024, 64>}, {transform_indices = @transform_1, window_bounds = array<i64: 1024, 64>}, {transform_indices = @transform_2, window_bounds = array<i64: 1024, 64>}, {transform_indices = @transform_3, window_bounds = array<i64: 1024, 1>}, {pipeline_mode = #tpu.pipeline_mode<synchronous>, transform_indices = @transform_4, window_bounds = array<i64: 1, 64>}, {pipeline_mode = #tpu.pipeline_mode<synchronous>, transform_indices = @transform_5, window_bounds = array<i64: 64, 64>}, {transform_indices = @transform_6, window_bounds = array<i64: 1024, 64>}, {transform_indices = @transform_7, window_bounds = array<i64: 1024, 64>}]} {
    %get3A = arith.constant 0 : index
    %get3A_0 = arith.constant 0 : index
    %get3A_1 = vector.load %arg4[%get3A, %get3A_0] : memref<1024x1xf32, #tpu.memory_space<vmem>>, vector<1024x1xf32>
    %get3A_2 = arith.constant 0 : index
    %get3A_3 = arith.constant 0 : index
    %get3A_4 = vector.load %arg1[%get3A_2, %get3A_3] : memref<1024x64xf32, #tpu.memory_space<vmem>>, vector<1024x64xf32>
    %get3A_5 = arith.constant 0 : index
    %get3A_6 = arith.constant 0 : index
    %get3A_7 = vector.load %arg3[%get3A_5, %get3A_6] : memref<1024x64xf32, #tpu.memory_space<vmem>>, vector<1024x64xf32>
    %get3A_8 = arith.constant 0 : index
    %get3A_9 = arith.constant 0 : index
    %get3A_10 = vector.load %arg2[%get3A_8, %get3A_9] : memref<1024x64xf32, #tpu.memory_space<vmem>>, vector<1024x64xf32>
    %add3A = arith.addf %get3A_7, %get3A_10 : vector<1024x64xf32>
    %mul3A = vector.broadcast %get3A_1 : vector<1024x1xf32> to vector<1024x64xf32>
    %mul3A_11 = arith.mulf %mul3A, %add3A : vector<1024x64xf32>
    %get3A_12 = arith.constant 0 : index
    %get3A_13 = arith.constant 0 : index
    %get3A_14 = vector.load %arg5[%get3A_12, %get3A_13] : memref<1x64xf32, #tpu.memory_space<vmem>>, vector<1x64xf32>
    %add3A_15 = vector.broadcast %get3A_14 : vector<1x64xf32> to vector<1024x64xf32>
    %add3A_16 = arith.addf %mul3A_11, %add3A_15 : vector<1024x64xf32>
    %max3A = arith.constant 0.000000e+00 : f32
    %max3A_17 = vector.broadcast %max3A : f32 to vector<1024x64xf32>
    %max3A_18 = arith.maximumf %add3A_16, %max3A_17 : vector<1024x64xf32>
    %add3A_19 = arith.addf %get3A_4, %max3A_18 : vector<1024x64xf32>
    %get3A_20 = arith.constant 0 : index
    %get3A_21 = arith.constant 0 : index
    %get3A_22 = vector.load %arg6[%get3A_20, %get3A_21] : memref<64x64xf32, #tpu.memory_space<vmem>>, vector<64x64xf32>
    %dot_general3A = arith.constant dense<0.000000e+00> : vector<1024x64xf32>
    %dot_general3A_23 = tpu.matmul %add3A_19, %get3A_22, %dot_general3A {dimension_numbers = #tpu.dot_dimension_numbers<[1], [0], [0], [1], [0, 0, 1, 1], [], []>, transpose_lhs_hint = false} : vector<1024x64xf32>, vector<64x64xf32>, vector<1024x64xf32> -> vector<1024x64xf32>
    %mul3A_24 = vector.broadcast %get3A_1 : vector<1024x1xf32> to vector<1024x64xf32>
    %mul3A_25 = arith.mulf %dot_general3A_23, %mul3A_24 : vector<1024x64xf32>
    %swap3A = arith.constant 0 : index
    %swap3A_26 = arith.constant 0 : index
    %swap3A_27 = vector.load %arg7[%swap3A, %swap3A_26] : memref<1024x64xf32, #tpu.memory_space<vmem>>, vector<1024x64xf32>
    tpu.vector_store %arg7[%swap3A, %swap3A_26], %add3A_19 {strides = array<i32>} : memref<1024x64xf32, #tpu.memory_space<vmem>>, vector<1024x64xf32>,
    %swap3A_28 = arith.constant 0 : index
    %swap3A_29 = arith.constant 0 : index
    %swap3A_30 = vector.load %arg8[%swap3A_28, %swap3A_29] : memref<1024x64xf32, #tpu.memory_space<vmem>>, vector<1024x64xf32>
    tpu.vector_store %arg8[%swap3A_28, %swap3A_29], %mul3A_25 {strides = array<i32>} : memref<1024x64xf32, #tpu.memory_space<vmem>>, vector<1024x64xf32>,
    return
  }
  func.func @transform_0(%arg0: i32) -> (i32, i32) {
    %c0_i32 = arith.constant 0 : i32
    %c0_i32_0 = arith.constant 0 : i32
    return %arg0, %c0_i32 : i32, i32
  }
  func.func @transform_1(%arg0: i32) -> (i32, i32) {
    %c0_i32 = arith.constant 0 : i32
    %c0_i32_0 = arith.constant 0 : i32
    return %arg0, %c0_i32 : i32, i32
  }
  func.func @transform_2(%arg0: i32) -> (i32, i32) {
    %c0_i32 = arith.constant 0 : i32
    %c0_i32_0 = arith.constant 0 : i32
    return %arg0, %c0_i32 : i32, i32
  }
  func.func @transform_3(%arg0: i32) -> (i32, i32) {
    %c0_i32 = arith.constant 0 : i32
    %c0_i32_0 = arith.constant 0 : i32
    return %arg0, %c0_i32 : i32, i32
  }
  func.func @transform_4(%arg0: i32) -> (i32, i32) {
    %c0_i32 = arith.constant 0 : i32
    %c0_i32_0 = arith.constant 0 : i32
    %c0_i32_1 = arith.constant 0 : i32
    return %c0_i32, %c0_i32_0 : i32, i32
  }
  func.func @transform_5(%arg0: i32) -> (i32, i32) {
    %c0_i32 = arith.constant 0 : i32
    %c0_i32_0 = arith.constant 0 : i32
    %c0_i32_1 = arith.constant 0 : i32
    return %c0_i32, %c0_i32_0 : i32, i32
  }
  func.func @transform_6(%arg0: i32) -> (i32, i32) {
    %c0_i32 = arith.constant 0 : i32
    %c0_i32_0 = arith.constant 0 : i32
    return %arg0, %c0_i32 : i32, i32
  }
  func.func @transform_7(%arg0: i32) -> (i32, i32) {
    %c0_i32 = arith.constant 0 : i32
    %c0_i32_0 = arith.constant 0 : i32
    return %arg0, %c0_i32 : i32, i32
  }
}

module attributes {stable_mosaic.version = 14 : i64} {
  func.func @_fin_body(%arg0: i32, %arg1: memref<1024x64xf32, #tpu.memory_space<vmem>>, %arg2: memref<1024x64xf32, #tpu.memory_space<vmem>>, %arg3: memref<1024x64xf32, #tpu.memory_space<vmem>>, %arg4: memref<1024x1xf32, #tpu.memory_space<vmem>>, %arg5: memref<1x64xf32, #tpu.memory_space<vmem>>, %arg6: memref<64x64xf32, #tpu.memory_space<vmem>>, %arg7: memref<1x64xf32, #tpu.memory_space<vmem>>, %arg8: memref<64x13xf32, #tpu.memory_space<vmem>>, %arg9: memref<1x13xf32, #tpu.memory_space<vmem>>, %arg10: memref<64x32xf32, #tpu.memory_space<vmem>>, %arg11: memref<1x32xf32, #tpu.memory_space<vmem>>, %arg12: memref<32x1xf32, #tpu.memory_space<vmem>>, %arg13: memref<1x1xf32, #tpu.memory_space<vmem>>, %arg14: memref<1024x64xf32, #tpu.memory_space<vmem>>, %arg15: memref<1024x13xf32, #tpu.memory_space<vmem>>, %arg16: memref<1x1xf32, #tpu.memory_space<vmem>>, %arg17: memref<1x64xf32, #tpu.memory_space<vmem>>) attributes {dimension_semantics = [#tpu.dimension_semantics<arbitrary>], iteration_bounds = array<i64: 98>, scalar_prefetch = 0 : i64, scratch_operands = 0 : i64, tpu.core_type = #tpu.core_type<tc>, window_params = [{transform_indices = @transform_0, window_bounds = array<i64: 1024, 64>}, {transform_indices = @transform_1, window_bounds = array<i64: 1024, 64>}, {transform_indices = @transform_2, window_bounds = array<i64: 1024, 64>}, {transform_indices = @transform_3, window_bounds = array<i64: 1024, 1>}, {pipeline_mode = #tpu.pipeline_mode<synchronous>, transform_indices = @transform_4, window_bounds = array<i64: 1, 64>}, {pipeline_mode = #tpu.pipeline_mode<synchronous>, transform_indices = @transform_5, window_bounds = array<i64: 64, 64>}, {pipeline_mode = #tpu.pipeline_mode<synchronous>, transform_indices = @transform_6, window_bounds = array<i64: 1, 64>}, {pipeline_mode = #tpu.pipeline_mode<synchronous>, transform_indices = @transform_7, window_bounds = array<i64: 64, 13>}, {pipeline_mode = #tpu.pipeline_mode<synchronous>, transform_indices = @transform_8, window_bounds = array<i64: 1, 13>}, {pipeline_mode = #tpu.pipeline_mode<synchronous>, transform_indices = @transform_9, window_bounds = array<i64: 64, 32>}, {pipeline_mode = #tpu.pipeline_mode<synchronous>, transform_indices = @transform_10, window_bounds = array<i64: 1, 32>}, {pipeline_mode = #tpu.pipeline_mode<synchronous>, transform_indices = @transform_11, window_bounds = array<i64: 32, 1>}, {pipeline_mode = #tpu.pipeline_mode<synchronous>, transform_indices = @transform_12, window_bounds = array<i64: 1, 1>}, {transform_indices = @transform_13, window_bounds = array<i64: 1024, 64>}, {transform_indices = @transform_14, window_bounds = array<i64: 1024, 13>}, {pipeline_mode = #tpu.pipeline_mode<synchronous>, transform_indices = @transform_15, window_bounds = array<i64: 1, 1>}, {pipeline_mode = #tpu.pipeline_mode<synchronous>, transform_indices = @transform_16, window_bounds = array<i64: 1, 64>}]} {
    %get3A = arith.constant 0 : index
    %get3A_0 = arith.constant 0 : index
    %get3A_1 = vector.load %arg1[%get3A, %get3A_0] : memref<1024x64xf32, #tpu.memory_space<vmem>>, vector<1024x64xf32>
    %get3A_2 = arith.constant 0 : index
    %get3A_3 = arith.constant 0 : index
    %get3A_4 = vector.load %arg4[%get3A_2, %get3A_3] : memref<1024x1xf32, #tpu.memory_space<vmem>>, vector<1024x1xf32>
    %get3A_5 = arith.constant 0 : index
    %get3A_6 = arith.constant 0 : index
    %get3A_7 = vector.load %arg3[%get3A_5, %get3A_6] : memref<1024x64xf32, #tpu.memory_space<vmem>>, vector<1024x64xf32>
    %get3A_8 = arith.constant 0 : index
    %get3A_9 = arith.constant 0 : index
    %get3A_10 = vector.load %arg2[%get3A_8, %get3A_9] : memref<1024x64xf32, #tpu.memory_space<vmem>>, vector<1024x64xf32>
    %add3A = arith.addf %get3A_7, %get3A_10 : vector<1024x64xf32>
    %mul3A = vector.broadcast %get3A_4 : vector<1024x1xf32> to vector<1024x64xf32>
    %mul3A_11 = arith.mulf %mul3A, %add3A : vector<1024x64xf32>
    %get3A_12 = arith.constant 0 : index
    %get3A_13 = arith.constant 0 : index
    %get3A_14 = vector.load %arg5[%get3A_12, %get3A_13] : memref<1x64xf32, #tpu.memory_space<vmem>>, vector<1x64xf32>
    %add3A_15 = vector.broadcast %get3A_14 : vector<1x64xf32> to vector<1024x64xf32>
    %add3A_16 = arith.addf %mul3A_11, %add3A_15 : vector<1024x64xf32>
    %max3A = arith.constant 0.000000e+00 : f32
    %max3A_17 = vector.broadcast %max3A : f32 to vector<1024x64xf32>
    %max3A_18 = arith.maximumf %add3A_16, %max3A_17 : vector<1024x64xf32>
    %add3A_19 = arith.addf %get3A_1, %max3A_18 : vector<1024x64xf32>
    %get3A_20 = arith.constant 0 : index
    %get3A_21 = arith.constant 0 : index
    %get3A_22 = vector.load %arg6[%get3A_20, %get3A_21] : memref<64x64xf32, #tpu.memory_space<vmem>>, vector<64x64xf32>
    %dot_general3A = arith.constant dense<0.000000e+00> : vector<1024x64xf32>
    %dot_general3A_23 = tpu.matmul %add3A_19, %get3A_22, %dot_general3A {dimension_numbers = #tpu.dot_dimension_numbers<[1], [0], [0], [1], [0, 0, 1, 1], [], []>, transpose_lhs_hint = false} : vector<1024x64xf32>, vector<64x64xf32>, vector<1024x64xf32> -> vector<1024x64xf32>
    %get3A_24 = arith.constant 0 : index
    %get3A_25 = arith.constant 0 : index
    %get3A_26 = vector.load %arg7[%get3A_24, %get3A_25] : memref<1x64xf32, #tpu.memory_space<vmem>>, vector<1x64xf32>
    %add3A_27 = vector.broadcast %get3A_26 : vector<1x64xf32> to vector<1024x64xf32>
    %add3A_28 = arith.addf %dot_general3A_23, %add3A_27 : vector<1024x64xf32>
    %max3A_29 = arith.constant 0.000000e+00 : f32
    %max3A_30 = vector.broadcast %max3A_29 : f32 to vector<1024x64xf32>
    %max3A_31 = arith.maximumf %add3A_28, %max3A_30 : vector<1024x64xf32>
    %get3A_32 = arith.constant 0 : index
    %get3A_33 = arith.constant 0 : index
    %get3A_34 = vector.load %arg8[%get3A_32, %get3A_33] : memref<64x13xf32, #tpu.memory_space<vmem>>, vector<64x13xf32>
    %dot_general3A_35 = arith.constant dense<0.000000e+00> : vector<1024x13xf32>
    %dot_general3A_36 = tpu.matmul %max3A_31, %get3A_34, %dot_general3A_35 {dimension_numbers = #tpu.dot_dimension_numbers<[1], [0], [0], [1], [0, 0, 1, 1], [], []>, transpose_lhs_hint = false} : vector<1024x64xf32>, vector<64x13xf32>, vector<1024x13xf32> -> vector<1024x13xf32>
    %get3A_37 = arith.constant 0 : index
    %get3A_38 = arith.constant 0 : index
    %get3A_39 = vector.load %arg9[%get3A_37, %get3A_38] : memref<1x13xf32, #tpu.memory_space<vmem>>, vector<1x13xf32>
    %add3A_40 = vector.broadcast %get3A_39 : vector<1x13xf32> to vector<1024x13xf32>
    %add3A_41 = arith.addf %dot_general3A_36, %add3A_40 : vector<1024x13xf32>
    %swap3A = arith.constant 0 : index
    %swap3A_42 = arith.constant 0 : index
    %swap3A_43 = vector.load %arg15[%swap3A, %swap3A_42] : memref<1024x13xf32, #tpu.memory_space<vmem>>, vector<1024x13xf32>
    tpu.vector_store %arg15[%swap3A, %swap3A_42], %add3A_41 {strides = array<i32>} : memref<1024x13xf32, #tpu.memory_space<vmem>>, vector<1024x13xf32>,
    %swap3A_44 = arith.constant 0 : index
    %swap3A_45 = arith.constant 0 : index
    %swap3A_46 = vector.load %arg14[%swap3A_44, %swap3A_45] : memref<1024x64xf32, #tpu.memory_space<vmem>>, vector<1024x64xf32>
    tpu.vector_store %arg14[%swap3A_44, %swap3A_45], %add3A_19 {strides = array<i32>} : memref<1024x64xf32, #tpu.memory_space<vmem>>, vector<1024x64xf32>,
    %mul3A_47 = arith.constant 1024 : i32
    %mul3A_48 = arith.muli %arg0, %mul3A_47 : i32
    %iota3A = tpu.iota {dimensions = array<i32: 0>} : vector<1024x1xi32>
    %add3A_49 = vector.broadcast %mul3A_48 : i32 to vector<1024x1xi32>
    %add3A_50 = arith.addi %add3A_49, %iota3A : vector<1024x1xi32>
    %lt3A = arith.constant 100000 : i32
    %lt3A_51 = vector.broadcast %lt3A : i32 to vector<1024x1xi32>
    %lt3A_52 = arith.cmpi slt, %add3A_50, %lt3A_51 : vector<1024x1xi32>
    %jit3A = arith.constant 0.000000e+00 : f32
    %broadcast_in_dim3A = vector.shape_cast %lt3A_52 : vector<1024x1xi1> to vector<1024x1xi1>
    %broadcast_in_dim3A_53 = vector.broadcast %broadcast_in_dim3A : vector<1024x1xi1> to vector<1024x64xi1>
    %broadcast_in_dim3A_54 = vector.broadcast %jit3A : f32 to vector<1024x64xf32>
    %select_n3A = arith.select %broadcast_in_dim3A_53, %add3A_19, %broadcast_in_dim3A_54 : vector<1024x64xi1>, vector<1024x64xf32>
    %eq3A = arith.constant 0 : i32
    %eq3A_55 = arith.cmpi eq, %arg0, %eq3A : i32
    %convert_element_type3A = arith.extui %eq3A_55 : i1 to i32
    %cond3A = arith.constant 0 : i32
    %cond3A_56 = arith.cmpi ne, %convert_element_type3A, %cond3A : i32
    scf.if %cond3A_56 {
      %broadcast_in_dim3A_71 = arith.constant 0.000000e+00 : f32
      %broadcast_in_dim3A_72 = vector.broadcast %broadcast_in_dim3A_71 : f32 to vector<1x64xf32>
      %swap3A_73 = arith.constant 0 : index
      %swap3A_74 = arith.constant 0 : index
      %swap3A_75 = vector.load %arg17[%swap3A_73, %swap3A_74] : memref<1x64xf32, #tpu.memory_space<vmem>>, vector<1x64xf32>
      tpu.vector_store %arg17[%swap3A_73, %swap3A_74], %broadcast_in_dim3A_72 {strides = array<i32>} : memref<1x64xf32, #tpu.memory_space<vmem>>, vector<1x64xf32>,
    } else {
    }
    %get3A_57 = arith.constant 0 : index
    %get3A_58 = arith.constant 0 : index
    %get3A_59 = vector.load %arg17[%get3A_57, %get3A_58] : memref<1x64xf32, #tpu.memory_space<vmem>>, vector<1x64xf32>
    %reduce_sum3A = arith.constant dense<0.000000e+00> : vector<64xf32>
    %reduce_sum3A_60 = vector.multi_reduction <add>, %select_n3A, %reduce_sum3A [0] : vector<1024x64xf32> to vector<64xf32>
    %broadcast_in_dim3A_61 = vector.shape_cast %reduce_sum3A_60 : vector<64xf32> to vector<1x64xf32>
    %add3A_62 = arith.addf %get3A_59, %broadcast_in_dim3A_61 : vector<1x64xf32>
    %swap3A_63 = arith.constant 0 : index
    %swap3A_64 = arith.constant 0 : index
    %swap3A_65 = vector.load %arg17[%swap3A_63, %swap3A_64] : memref<1x64xf32, #tpu.memory_space<vmem>>, vector<1x64xf32>
    tpu.vector_store %arg17[%swap3A_63, %swap3A_64], %add3A_62 {strides = array<i32>} : memref<1x64xf32, #tpu.memory_space<vmem>>, vector<1x64xf32>,
    %eq3A_66 = arith.constant 97 : i32
    %eq3A_67 = arith.cmpi eq, %arg0, %eq3A_66 : i32
    %convert_element_type3A_68 = arith.extui %eq3A_67 : i1 to i32
    %cond3A_69 = arith.constant 0 : i32
    %cond3A_70 = arith.cmpi ne, %convert_element_type3A_68, %cond3A_69 : i32
    scf.if %cond3A_70 {
      %get3A_71 = arith.constant 0 : index
      %get3A_72 = arith.constant 0 : index
      %get3A_73 = vector.load %arg17[%get3A_71, %get3A_72] : memref<1x64xf32, #tpu.memory_space<vmem>>, vector<1x64xf32>
      %mul3A_74 = arith.constant 9.99999974E-6 : f32
      %mul3A_75 = vector.broadcast %mul3A_74 : f32 to vector<1x64xf32>
      %mul3A_76 = arith.mulf %get3A_73, %mul3A_75 : vector<1x64xf32>
      %get3A_77 = arith.constant 0 : index
      %get3A_78 = arith.constant 0 : index
      %get3A_79 = vector.load %arg10[%get3A_77, %get3A_78] : memref<64x32xf32, #tpu.memory_space<vmem>>, vector<64x32xf32>
      %dot_general3A_80 = arith.constant dense<0.000000e+00> : vector<1x32xf32>
      %dot_general3A_81 = tpu.matmul %mul3A_76, %get3A_79, %dot_general3A_80 {dimension_numbers = #tpu.dot_dimension_numbers<[1], [0], [0], [1], [0, 0, 1, 1], [], []>, transpose_lhs_hint = false} : vector<1x64xf32>, vector<64x32xf32>, vector<1x32xf32> -> vector<1x32xf32>
      %get3A_82 = arith.constant 0 : index
      %get3A_83 = arith.constant 0 : index
      %get3A_84 = vector.load %arg11[%get3A_82, %get3A_83] : memref<1x32xf32, #tpu.memory_space<vmem>>, vector<1x32xf32>
      %add3A_85 = arith.addf %dot_general3A_81, %get3A_84 : vector<1x32xf32>
      %max3A_86 = arith.constant 0.000000e+00 : f32
      %max3A_87 = vector.broadcast %max3A_86 : f32 to vector<1x32xf32>
      %max3A_88 = arith.maximumf %add3A_85, %max3A_87 : vector<1x32xf32>
      %get3A_89 = arith.constant 0 : index
      %get3A_90 = arith.constant 0 : index
      %get3A_91 = vector.load %arg12[%get3A_89, %get3A_90] : memref<32x1xf32, #tpu.memory_space<vmem>>, vector<32x1xf32>
      %dot_general3A_92 = arith.constant dense<0.000000e+00> : vector<1x1xf32>
      %dot_general3A_93 = tpu.matmul %max3A_88, %get3A_91, %dot_general3A_92 {dimension_numbers = #tpu.dot_dimension_numbers<[1], [0], [0], [1], [0, 0, 1, 1], [], []>, transpose_lhs_hint = false} : vector<1x32xf32>, vector<32x1xf32>, vector<1x1xf32> -> vector<1x1xf32>
      %get3A_94 = arith.constant 0 : index
      %get3A_95 = arith.constant 0 : index
      %get3A_96 = vector.load %arg13[%get3A_94, %get3A_95] : memref<1x1xf32, #tpu.memory_space<vmem>>, vector<1x1xf32>
      %add3A_97 = arith.addf %dot_general3A_93, %get3A_96 : vector<1x1xf32>
      %neg3A = arith.constant 0.000000e+00 : f32
      %neg3A_98 = vector.broadcast %neg3A : f32 to vector<1x1xf32>
      %neg3A_99 = arith.subf %neg3A_98, %add3A_97 : vector<1x1xf32>
      %exp3A = math.exp %neg3A_99 : vector<1x1xf32>
      %add3A_100 = arith.constant 1.000000e+00 : f32
      %add3A_101 = vector.broadcast %add3A_100 : f32 to vector<1x1xf32>
      %add3A_102 = arith.addf %add3A_101, %exp3A : vector<1x1xf32>
      %div3A = arith.constant 1.000000e+00 : f32
      %div3A_103 = vector.broadcast %div3A : f32 to vector<1x1xf32>
      %div3A_104 = arith.divf %div3A_103, %add3A_102 : vector<1x1xf32>
      %swap3A_105 = arith.constant 0 : index
      %swap3A_106 = arith.constant 0 : index
      %swap3A_107 = vector.load %arg16[%swap3A_105, %swap3A_106] : memref<1x1xf32, #tpu.memory_space<vmem>>, vector<1x1xf32>
      tpu.vector_store %arg16[%swap3A_105, %swap3A_106], %div3A_104 {strides = array<i32>} : memref<1x1xf32, #tpu.memory_space<vmem>>, vector<1x1xf32>,
    } else {
    }
    return
  }
  func.func @transform_0(%arg0: i32) -> (i32, i32) {
    %c0_i32 = arith.constant 0 : i32
    %c0_i32_0 = arith.constant 0 : i32
    return %arg0, %c0_i32 : i32, i32
  }
  func.func @transform_1(%arg0: i32) -> (i32, i32) {
    %c0_i32 = arith.constant 0 : i32
    %c0_i32_0 = arith.constant 0 : i32
    return %arg0, %c0_i32 : i32, i32
  }
  func.func @transform_2(%arg0: i32) -> (i32, i32) {
    %c0_i32 = arith.constant 0 : i32
    %c0_i32_0 = arith.constant 0 : i32
    return %arg0, %c0_i32 : i32, i32
  }
  func.func @transform_3(%arg0: i32) -> (i32, i32) {
    %c0_i32 = arith.constant 0 : i32
    %c0_i32_0 = arith.constant 0 : i32
    return %arg0, %c0_i32 : i32, i32
  }
  func.func @transform_4(%arg0: i32) -> (i32, i32) {
    %c0_i32 = arith.constant 0 : i32
    %c0_i32_0 = arith.constant 0 : i32
    %c0_i32_1 = arith.constant 0 : i32
    return %c0_i32, %c0_i32_0 : i32, i32
  }
  func.func @transform_5(%arg0: i32) -> (i32, i32) {
    %c0_i32 = arith.constant 0 : i32
    %c0_i32_0 = arith.constant 0 : i32
    %c0_i32_1 = arith.constant 0 : i32
    return %c0_i32, %c0_i32_0 : i32, i32
  }
  func.func @transform_6(%arg0: i32) -> (i32, i32) {
    %c0_i32 = arith.constant 0 : i32
    %c0_i32_0 = arith.constant 0 : i32
    %c0_i32_1 = arith.constant 0 : i32
    return %c0_i32, %c0_i32_0 : i32, i32
  }
  func.func @transform_7(%arg0: i32) -> (i32, i32) {
    %c0_i32 = arith.constant 0 : i32
    %c0_i32_0 = arith.constant 0 : i32
    %c0_i32_1 = arith.constant 0 : i32
    return %c0_i32, %c0_i32_0 : i32, i32
  }
  func.func @transform_8(%arg0: i32) -> (i32, i32) {
    %c0_i32 = arith.constant 0 : i32
    %c0_i32_0 = arith.constant 0 : i32
    %c0_i32_1 = arith.constant 0 : i32
    return %c0_i32, %c0_i32_0 : i32, i32
  }
  func.func @transform_9(%arg0: i32) -> (i32, i32) {
    %c0_i32 = arith.constant 0 : i32
    %c0_i32_0 = arith.constant 0 : i32
    %c0_i32_1 = arith.constant 0 : i32
    return %c0_i32, %c0_i32_0 : i32, i32
  }
  func.func @transform_10(%arg0: i32) -> (i32, i32) {
    %c0_i32 = arith.constant 0 : i32
    %c0_i32_0 = arith.constant 0 : i32
    %c0_i32_1 = arith.constant 0 : i32
    return %c0_i32, %c0_i32_0 : i32, i32
  }
  func.func @transform_11(%arg0: i32) -> (i32, i32) {
    %c0_i32 = arith.constant 0 : i32
    %c0_i32_0 = arith.constant 0 : i32
    %c0_i32_1 = arith.constant 0 : i32
    return %c0_i32, %c0_i32_0 : i32, i32
  }
  func.func @transform_12(%arg0: i32) -> (i32, i32) {
    %c0_i32 = arith.constant 0 : i32
    %c0_i32_0 = arith.constant 0 : i32
    %c0_i32_1 = arith.constant 0 : i32
    return %c0_i32, %c0_i32_0 : i32, i32
  }
  func.func @transform_13(%arg0: i32) -> (i32, i32) {
    %c0_i32 = arith.constant 0 : i32
    %c0_i32_0 = arith.constant 0 : i32
    return %arg0, %c0_i32 : i32, i32
  }
  func.func @transform_14(%arg0: i32) -> (i32, i32) {
    %c0_i32 = arith.constant 0 : i32
    %c0_i32_0 = arith.constant 0 : i32
    return %arg0, %c0_i32 : i32, i32
  }
  func.func @transform_15(%arg0: i32) -> (i32, i32) {
    %c0_i32 = arith.constant 0 : i32
    %c0_i32_0 = arith.constant 0 : i32
    %c0_i32_1 = arith.constant 0 : i32
    return %c0_i32, %c0_i32_0 : i32, i32
  }
  func.func @transform_16(%arg0: i32) -> (i32, i32) {
    %c0_i32 = arith.constant 0 : i32
    %c0_i32_0 = arith.constant 0 : i32
    %c0_i32_1 = arith.constant 0 : i32
    return %c0_i32, %c0_i32_0 : i32, i32
  }
}

</mosaic_0001>

<sc_bundles>
// kernel: kernel.10.cloned.1.call-start
scs
__scs_entry_jumppad:
0x0: {  	(pc) =	sbr.rel $0x88, $3  }
0x1: {  	(tag) =	ssettag $0x0;
	lr =	simm.s32 $0x1  }
0x2: {  	[smem:$0x3F8F] =	sst lr;
	_ =	strace $0xD0000000  }
0x3: {  	_ = 	snop  }
0x4: {  	_ = 	snop  }
0x5: {  	_ = 	snop  }
0x6: {  	_ = 	snop  }
0x7: {  	_ = 	snop  }
__scs_overlays_trampoline_lowered:
0x8: {  	[smem:$0x3F9E] =	sst s0  }
0x9: {  	[smem:$0x3F9F] =	sst s1  }
0xa: {  	[smem:$0x3FA0] =	sst s2  }
0xb: {  	[smem:$0x3FA1] =	sst s3  }
0xc: {  	[smem:$0x3FA2] =	sst s4  }
0xd: {  	[smem:$0x3FA3] =	sst s5  }
0xe: {  	[smem:$0x3FA4] =	sst s6  }
0xf: {  	[smem:$0x3FA5] =	sst s7  }
0x10: {  	[smem:$0x3FA6] =	sst s8  }
0x11: {  	[smem:$0x3FA7] =	sst s9;
	s0 =	simm.s32 @!p0 $0x0  }
0x12: {  	s1 =	sld [smem:$0x3F8D];
	s0 =	simm.s32 @p0 $0x1  }
0x13: {  	[smem:$0x3FA8] =	sst s0;
	s0 =	simm.s32 @!p1 $0x0  }
0x14: {  	s2 =	sld [smem:$0x3F8C];
	s0 =	simm.s32 @p1 $0x1  }
0x15: {  	[smem:$0x3FA9] =	sst s0;
	s0 =	simm.s32 @!p2 $0x0  }
0x16: {  	s3 =	sld [smem:$0x3FDB];
	s0 =	simm.s32 @p2 $0x1  }
0x17: {  	s4 =	simm.s32 $0x1BF5;
	[smem:$0x3FAB] =	sst s0  }
0x18: {  	s0 =	sld [smem:$0x3F8E];
	_ =	swait.ge [sflag:s4], $0x0  }
0x19: {  	s7 =	sld [smem:$0x3F8F]  }
0x1a: {  	s8 =	sadd.s32 $0xFFFFE003, lr  }
0x1b: {  	s9 =	sadd.s32 $0xFFFFFEF7, lr;
	s5 =	simm.s32 $0xFFFFFFFF;
	p2 =	slt.u32 s8, $0xFFFFF086  }
0x1c: {  	p1 =	slt.u32 s9, $0xF7A;
	s5 =	simm.s32 @!p2 $0x0  }
0x1d: {  	s5 =	simm.s32 @p1 $0x1;
	p0 =	seq.s32 s7, s2  }
0x1e: {  	s7 =	smul.u32 @!p0 $0xF7A, s2;
	p2 =	seq.s32 @!p0 s5, $0x0  }
0x1f: {  	s9 =	smul.u32 $0xF7A, s1;
	s8 =	simm.s32 @!p0 $0x1BF5;
	p2 =	por !p2, p0  }
0x20: {  	[sflag:s8] =	ssyncset.s32 @!p0 $0xFFFFF086;
	s6 =	sadd.s32 @!p0 s3, s7;
	s7 =	simm.s32 @!p0 $0x108  }
0x21: {  	s3 =	sadd.s32 s3, s9;
	s6 =	sadd.s32 @!p0 $0x88, s6;
	s7 =	simm.s32 @p2 $0x1082  }
0x22: {  	[simem:s7], [sflag:s8] =	dma.local @!p0 [hbm:s6], $0xF7A  }
0x23: {  	s9 =	sor.u32 $0xD0000000, s2;
	s6 =	simm.s32 $0x108;
	_ =	swait.ge @!p0 [sflag:s8], $0x0  }
0x24: {  	s3 =	sadd.s32 $0x88, s3;
	s6 =	simm.s32 @!p1 $0x1082;
	[sflag:s4] =	ssyncset.s32 $0xFFFFF086  }
0x25: {  	[simem:s6], [sflag:s4] =	dma.local [hbm:s3], $0xF7A  }
0x26: {  	[smem:$0x3F8F] =	sst s1;
	(tag) =	ssettag s2;
	_ =	strace s9  }
0x27: {  	s1 =	sld [smem:$0x3F9F]  }
0x28: {  	s2 =	sld [smem:$0x3FA0]  }
0x29: {  	s4 =	sld [smem:$0x3FA2]  }
0x2a: {  	p0 =	seq.s32 s5, $0x0;
	s5 =	sld [smem:$0x3FA3]  }
0x2b: {  	s6 =	sld [smem:$0x3FA4]  }
0x2c: {  	s7 =	sld [smem:$0x3FA5]  }
0x2d: {  	s3 =	simm.s32 $0x108;
	s8 =	sld [smem:$0x3FA6]  }
0x2e: {  	s3 =	simm.s32 @!p0 $0x1082;
	s9 =	sld [smem:$0x3FA7]  }
0x2f: {  	lr =	sadd.s32 s0, s3;
	s0 =	sld [smem:$0x3F9E]  }
0x30: {  	s3 =	sld [smem:$0x3FA1]  }
0x31: {  	[smem:$0x3FAA] =	sst s10  }
0x32: {  	s10 =	sld [smem:$0x3FA8];
	_ =	sdelay $0x3  }
0x33: {  	p0 =	seq.s32 s10, $0x1;
	s10 =	sld [smem:$0x3FAA];
	_ =	sdelay $0x3  }
0x34: {  	[smem:$0x3FAA] =	sst s10  }
0x35: {  	s10 =	sld [smem:$0x3FA9];
	_ =	sdelay $0x3  }
0x36: {  	p1 =	seq.s32 s10, $0x1;
	s10 =	sld [smem:$0x3FAA];
	_ =	sdelay $0x3  }
0x37: {  	[smem:$0x3FAA] =	sst s10  }
0x38: {  	s10 =	sld [smem:$0x3FAB]  }
0x39: {  	_ = 	snop;
	(pc) =	sbr.ind lr, $3  }
0x3a: {  	_ = 	snop  }
0x3b: {  	_ = 	snop  }
0x3c: {  	p2 =	seq.s32 s10, $0x1;
	s10 =	sld [smem:$0x3FAA]  }
0x3d: {  	_ =	shalt  }
0x3e: {  	_ =	shalt  }
0x3f: {  	_ =	shalt  }
0x40: {  	_ =	shalt  }
0x41: {  	_ =	shalt  }
0x42: {  	_ =	shalt  }
0x43: {  	_ =	shalt  }
0x44: {  	_ =	shalt  }
0x45: {  	_ =	shalt  }
0x46: {  	_ =	shalt  }
0x47: {  	_ =	shalt  }
0x48: {  	_ =	shalt  }
0x49: {  	_ =	shalt  }
0x4a: {  	_ =	shalt  }
0x4b: {  	_ =	shalt  }
0x4c: {  	_ =	shalt  }
0x4d: {  	_ =	shalt  }
0x4e: {  	_ =	shalt  }
0x4f: {  	_ =	shalt  }
0x50: {  	_ =	shalt  }
0x51: {  	_ =	shalt  }
0x52: {  	_ =	shalt  }
0x53: {  	_ =	shalt  }
0x54: {  	_ =	shalt  }
0x55: {  	_ =	shalt  }
0x56: {  	_ =	shalt  }
0x57: {  	_ =	shalt  }
0x58: {  	_ =	shalt  }
0x59: {  	_ =	shalt  }
0x5a: {  	_ =	shalt  }
0x5b: {  	_ =	shalt  }
0x5c: {  	_ =	shalt  }
0x5d: {  	_ =	shalt  }
0x5e: {  	_ =	shalt  }
0x5f: {  	_ =	shalt  }
0x60: {  	_ =	shalt  }
0x61: {  	_ =	shalt  }
0x62: {  	_ =	shalt  }
0x63: {  	_ =	shalt  }
0x64: {  	_ =	shalt  }
0x65: {  	_ =	shalt  }
0x66: {  	_ =	shalt  }
0x67: {  	_ =	shalt  }
0x68: {  	_ =	shalt  }
0x69: {  	_ =	shalt  }
0x6a: {  	_ =	shalt  }
0x6b: {  	_ =	shalt  }
0x6c: {  	_ =	shalt  }
0x6d: {  	_ =	shalt  }
0x6e: {  	_ =	shalt  }
0x6f: {  	_ =	shalt  }
0x70: {  	_ =	shalt  }
0x71: {  	_ =	shalt  }
0x72: {  	_ =	shalt  }
0x73: {  	_ =	shalt  }
0x74: {  	_ =	shalt  }
0x75: {  	_ =	shalt  }
0x76: {  	_ =	shalt  }
0x77: {  	_ =	shalt  }
0x78: {  	_ =	shalt  }
0x79: {  	_ =	shalt  }
0x7a: {  	_ =	shalt  }
0x7b: {  	_ =	shalt  }
0x7c: {  	_ =	shalt  }
0x7d: {  	_ =	shalt  }
0x7e: {  	_ =	shalt  }
0x7f: {  	_ =	shalt  }
0x80: {  	_ =	shalt  }
0x81: {  	_ =	shalt  }
0x82: {  	_ =	shalt  }
0x83: {  	_ =	shalt  }
0x84: {  	_ =	shalt  }
0x85: {  	_ =	shalt  }
0x86: {  	_ =	shalt  }
0x87: {  	_ =	shalt  }
.Lfunc_end0:
.L_simem_size_0:
called_computation_lowered:
.L_overlay_start_0:
0x88: {  	s2 =	sld [smem:$0x3FD9]  }
0x89: {  	s3 =	sld [smem:$0x3FFE];
	_ =	sdelay $0x1  }
0x8a: {  	s1 =	srdreg.scid  }
0x8b: {  	s0 =	sand.u32 $0x1, s1  }
0x8c: {  	s14 =	sshll.u32 s0, $0xA;
	s2 =	sadd.s32 s3, s2  }
0x8d: {  	s2 =	sadd.s32 s2, s14  }
0x8e: {  	[smem:$0x3FB6] =	sst s2  }
0x8f: {  	_ = 	snop  }
0x90: {  	s2 =	sld [smem:$0x3FD0];
	_ =	sdelay $0x2  }
0x91: {  	s15 =	simm.s32 $0xA;
	s4 =	simm.s32 $0x10  }
0x92: {  	[smem:s4], [sflag:s15] =	dma.local [hbm:s2], $0x1  }
0x93: {  	_ =	swait.eq [sflag:s15], $0x1  }
0x94: {  	[sflag:s15] =	ssyncset.done $0x0  }
0x95: {  	s16 =	sld [smem:$0x11];
	[sflag:s15] =	ssyncadd.s32 $0xFFFFFFFF  }
0x96: {  	s17 =	sld [smem:$0x12];
	(tm) =	ssettm $0x1  }
0x97: {  	s18 =	sld [smem:$0x3FFB];
	_ =	sdelay $0x3  }
0x98: {  	_ =	strace s18  }
0x99: {  	s4 =	sld [smem:$0x3FFC];
	_ =	sdelay $0x3  }
0x9a: {  	_ =	strace s4  }
0x9b: {  	s4 =	sld [smem:$0x3FFD];
	_ =	sdelay $0x3  }
0x9c: {  	_ =	strace s4  }
0x9d: {  	_ =	strace $0x8FFFFFFF  }
0x9e: {  	s19 =	sld [smem:$0x3FDB];
	_ =	sdelay $0x1  }
0x9f: {  	s5 =	simm.s32 $_scs_section_size  }
0xa0: {  	s6 =	simm.s32 $_size__tile_overlayer_lowered;
	s7 =	simm.s32 $_tile_overlayer_lowered  }
0xa1: {  	s22 =	simm.s32 $0x1BFF;
	s21 =	sshll.u32 s7, $0x1;
	s4 =	sadd.s32 s5, s19  }
0xa2: {  	s8 =	simm.s32 $0x0;
	s20 =	sshll.u32 s6, $0x1;
	s6 =	sadd.s32 s21, s4  }
0xa3: {  	[timem:s8], [sflag:s22] =	dma.local [hbm:s6], s20  }
0xa4: {  	_ =	swait.ge [sflag:s22], s20  }
0xa5: {  	s5 =	ssub.s32 $0x0, s20;
	[sflag:s22] =	ssyncset.done $0x0  }
0xa6: {  	[sflag:s22] =	ssyncadd.s32 s5;
	_ =	sdelay $0x1  }
0xa7: {  	s23 =	simm.s32 $0x1B8B  }
0xa8: {  	_ =	swait.ge [sflag:s23], $0x1  }
0xa9: {  	[sflag:s23] =	ssyncset.done $0x0  }
0xaa: {  	s25 =	simm.s32 $0x1B8E;
	s24 =	sld [smem:$0x3FFE];
	[sflag:s23] =	ssyncadd.s32 $0xFFFFFFFF  }
0xab: {  	s26 =	simm.s32 $execute0_lowered;
	[smem:$0x3FD2] =	sst s25  }
0xac: {  	s6 =	sshll.u32 s26, $0x1;
	_ =	strace $0x80000046;
	[dreg:$0x1] =	wrdreg $0xFFFFFFFF  }
0xad: {  	s28 =	simm.s32 $_size_execute0_lowered;
	s4 =	sadd.s32 s4, s6;
	[dreg:$0x0] =	wrdreg $0x0  }
0xae: {  	s6 =	sshll.u32 s28, $0x1;
	[dreg:$0x2] =	wrdreg s4  }
0xaf: {  	[dreg:$0x3] =	wrdreg s6  }
0xb0: {  	[dreg:$0x4] =	wrdreg $0xC0  }
0xb1: {  	_ =	task [dreg:s8], $0x5FFFF  }
0xb2: {  	[dreg:$0x1] =	wrdreg $0xFFFFFFFF  }
0xb3: {  	[dreg:$0x0] =	wrdreg $0x60  }
0xb4: {  	[dreg:$0x2] =	wrdreg s24  }
0xb5: {  	[dreg:$0x3] =	wrdreg s16  }
0xb6: {  	[dreg:$0x4] =	wrdreg s17  }
0xb7: {  	[dreg:$0x5] =	wrdreg $0x2800  }
0xb8: {  	[dreg:$0x6] =	wrdreg $0x9  }
0xb9: {  	_ =	task.clear_ibuf [dreg:s8], $0x7FFFF;
	_ =	strace $0x90000046  }
0xba: {  	s29 =	simm.s32 $0x9;
	_ =	strace $0x80000048  }
0xbb: {  	_ =	swait.ge [sflag:s29], $0x1  }
0xbc: {  	[sflag:s29] =	ssyncadd.s32 $0xFFFFFFFF  }
0xbd: {  	_ =	strace $0x90000048  }
0xbe: {  	_ =	sfence  }
0xbf: {  	s30 =	sld [smem:$0x0];
	_ =	sdelay $0x2  }
0xc0: {  	s31 =	sshll.u32 s1, $0xD;
	s1 =	sshrl.u32 s1, $0x2  }
0xc1: {  	s3 =	sand.u32 $0x4000, s31;
	s1 =	sadd.s32 s1, s30  }
0xc2: {  	s0 =	sor.u32 s3, s0;
	s1 =	sshll.u32 s1, $0x11  }
0xc3: {  	s0 =	sor.u32 s1, s0  }
0xc4: {  	s0 =	sadd.s32 $0x8F2B, s0  }
0xc5: {  	[sflag:s0] =	ssyncadd.remote.s32 $0x1  }
0xc6: {  	_ =	sfence.sel $0xFFFF  }
0xc7: {  	[dreg:$0x0] =	wrdreg $0xFFFFFFFF;
	(pc) =	sbr.abs _section_cstart, $3  }
0xc8: {  	[dreg:$0x1] =	wrdreg $0xFFFFFFFF  }
0xc9: {  	_ =	task.clear_ibuf [dreg:s8], $0x2FFFF;
	_ =	strace $0x9FFFFFFF  }
0xca: {  	(tm) =	ssettm $0x7FFFFFFF  }
0xcb: {  	_ =	shalt  }
tec
execute0_lowered:
.L_overlay_start_1:
0x0: {  	(tag) =	ssettag $0x1  }
0x1: {  	s4 =	rddreg [dreg:$0x0]  }
0x2: {  	s5 =	rddreg [dreg:$0x1]  }
0x3: {  	s8 =	rddreg [dreg:$0x2]  }
0x4: {  	s1 =	rddreg [dreg:$0x3]  }
0x5: {  	s0 =	rddreg [dreg:$0x4];
	s2 =	simm.s32 $0x0;
	s3 =	srdreg.scid  }
0x6: {  	s16 =	simm.s32 $0x100;
	s17 =	simm.s32 $0x1;
	s18 =	simm.s32 $0x200  }
0x7: {  	s19 =	simm.s32 $0x180;
	s20 =	simm.s32 $0x2;
	s21 =	simm.s32 $0x20  }
0x8: {  	s22 =	simm.s32 $0x10;
	s23 =	simm.s32 $0x0;
	[smem:$0x7FF] =	sst s2  }
0x9: {  	s6 =	sand.u32 $0x1, s3;
	s3 =	stileid.u32;
	s12 =	sadd.s32 $0x3800, s4  }
0xa: {  	_ =	strace $0x80000047;
	s7 =	ssub.s32 $0x2, s6;
	s11 =	smul.u32 $0x1880, s3  }
0xb: {  	s9 =	sshll.u32 s6, $0x4;
	s28 =	smul.u32 $0x3100, s3;
	s29 =	sshll.u32 s3, $0x6  }
0xc: {  	s30 =	smul.u32 $0xC3800, s6;
	s14 =	sshll.u32 s6, $0x7;
	s10 =	sshrl.u32 s7, $0x1  }
0xd: {  	s15 =	smul.u32 $0xC380, s3;
	s9 =	sor.u32 s3, s9;
	s10 =	ssub.s32 s7, s10  }
0xe: {  	s25 =	smul.u32 $0xC380, s9;
	s13 =	sadd.s32 s11, s1;
	s26 =	sshrl.u32 s11, $0x3  }
0xf: {  	s9 =	sor.u32 s14, s28;
	s11 =	sadd.s32 s15, s30;
	s15 =	simm.s32 $0x80  }
0x10: {  	s4 =	sadd.s32 s5, s26;
	s5 =	sor.u32 $0x1C03, s29;
	s9 =	sshrl.u32 s9, $0x3  }
0x11: {  	s31 =	sadd.s32 $0x200, s11;
	s13 =	sshrl.u32 s13, $0x3;
	s7 =	sshrl.u32 s25, $0x3  }
0x12: {  	s8 =	sadd.s32 s8, s9;
	s9 =	smax.u32 s10, $0x1;
	s14 =	sshrl.u32 s31, $0x3  }
0x13: {  	s6 =	sadd.s32 s12, s7;
	s12 =	sadd.s32 s14, s12;
	s14 =	simm.s32 $0x3  }
0x14: {  	v0 =	vimm.f32 $1.000000000e+00;
	s7 =	sadd.s32 $0x10, s6;
	s10 =	sadd.s32 $0x20, s6;
	s11 =	sadd.s32 $0x30, s6  }
.LBB2_1:
0x15: {  	[tilespmem:$0x200] =	vst v0  }
0x16: {  	[tilespmem:$0x210] =	vst v0  }
0x17: {  	[tilespmem:$0x220] =	vst v0  }
0x18: {  	[tilespmem:$0x230] =	vst v0  }
0x19: {  	[tilespmem:$0x240] =	vst v0  }
0x1a: {  	[tilespmem:$0x250] =	vst v0  }
0x1b: {  	[tilespmem:$0x260] =	vst v0  }
0x1c: {  	[tilespmem:$0x270] =	vst v0  }
0x1d: {  	[spmem:s13], [sflag:s5] =	dma.local [hbm:s4], $0x310  }
0x1e: {  	_ =	swait.ge [sflag:s14], $0x310  }
0x1f: {  	[sflag:s14] =	ssyncset.done $0x0  }
0x20: {  	[sflag:s14] =	ssyncadd.s32 $0xFFFFFCF0  }
0x21: {  	[bflag:$0x0] =	sbarrier.arrive $0xFFFF  }
0x22: {  	[tilespmem:s2], [sflag:$0x1] =	stream.linear.gather [hbm4b:s6+s2], $0x80, $0x38;
	[tilespmem:$0x1B00] =	vst v63  }
0x23: {  	_ = 	snop  }
0x24: {  	[tilespmem:s15], [sflag:$0x1] =	stream.linear.gather [hbm4b:s7+s2], $0x80, $0x38;
	[tilespmem:$0x1B00] =	vst v63  }
0x25: {  	_ = 	snop  }
0x26: {  	[tilespmem:s16], [sflag:$0x1] =	stream.linear.gather [hbm4b:s10+s2], $0x80, $0x38;
	[tilespmem:$0x1B00] =	vst v63  }
0x27: {  	_ =	swait.ge [sflag:s17], $0x80  }
0x28: {  	[sflag:s17] =	ssyncset.done $0x0  }
0x29: {  	[sflag:s17] =	ssyncadd.s32 $0xFFFFFF80  }
0x2a: {  	[spmem:s1] =	stream.indirect.scatter.add.f32 [tilespmem:s18], [sflag:$0x2], $0x1, s2, s15, $0xb8;
	[tilespmem:$0x1B00] =	vst v63  }
0x2b: {  	_ = 	snop  }
0x2c: {  	[tilespmem:s19], [sflag:$0x1] =	stream.linear.gather [hbm4b:s11+s2], $0x80, $0x38;
	[tilespmem:$0x1B00] =	vst v63  }
0x2d: {  	_ =	swait.ge [sflag:s17], $0x80  }
0x2e: {  	s24 =	simm.s32 $0x800;
	[sflag:s17] =	ssyncset.done $0x0  }
0x2f: {  	s24 =	sand.u32 $0x600, s24;
	[sflag:s17] =	ssyncadd.s32 $0xFFFFFF80  }
0x30: {  	[spmem:s1] =	stream.indirect.scatter.add.f32 [tilespmem:s18], [sflag:$0x2], $0x1, s15, s15, $0xb8;
	[tilespmem:$0x1B00] =	vst v63  }
0x31: {  	s24 =	sshrl.u32 s24, $0x2  }
0x32: {  	[tilespmem:s24], [sflag:$0x1] =	stream.linear.gather [hbm4b:s12+s2], $0x80, $0x38;
	[tilespmem:$0x1B00] =	vst v63  }
0x33: {  	_ =	swait.ge [sflag:s17], $0x80  }
0x34: {  	[sflag:s17] =	ssyncset.done $0x0  }
0x35: {  	s26 =	simm.s32 $0x400;
	[sflag:s17] =	ssyncadd.s32 $0xFFFFFF80  }
0x36: {  	s28 =	simm.s32 $0xC00;
	s26 =	sand.u32 $0x600, s26;
	_ =	swait.ge [sflag:s20], $0x80  }
0x37: {  	s29 =	sshrl.u32 s26, $0x2;
	s24 =	simm.s32 $0xA00;
	[sflag:s20] =	ssyncset.done $0x0  }
0x38: {  	s26 =	sadd.s32 $0x10, s12;
	s25 =	sand.u32 $0x600, s24;
	[sflag:s20] =	ssyncadd.s32 $0xFFFFFF80  }
.LBB2_2:
0x39: {  	[spmem:s1] =	stream.indirect.scatter.add.f32 [tilespmem:s18], [sflag:$0x2], $0x1, s29, s15, $0xb8;
	[tilespmem:$0x1B00] =	vst v63  }
0x3a: {  	s29 =	smov.u32 s28  }
0x3b: {  	s30 =	sadd.s32 $0x200, s28;
	s31 =	sshrl.u32 s25, $0x2;
	s25 =	sand.u32 $0x600, s29  }
0x3c: {  	[tilespmem:s31], [sflag:$0x1] =	stream.linear.gather [hbm4b:s26+s2], $0x80, $0x38;
	[tilespmem:$0x1B00] =	vst v63  }
0x3d: {  	p0 =	sne.s32 s28, $0x31000;
	_ =	swait.ge [sflag:s17], $0x80  }
.Ltmp0:
0x3e: {  	[sflag:s17] =	ssyncset.done $0x0;
	(pc) =	sbr.rel @p0 .LBB2_2-.Ltmp0, $4  }
0x3f: {  	s28 =	sadd.s32 $0xFFFFFC00, s24;
	[sflag:s17] =	ssyncadd.s32 $0xFFFFFF80  }
0x40: {  	s24 =	smov.u32 s29;
	s28 =	sand.u32 $0x600, s28;
	_ =	swait.ge [sflag:s20], $0x80  }
0x41: {  	s29 =	sshrl.u32 s28, $0x2;
	[sflag:s20] =	ssyncset.done $0x0  }
0x42: {  	s26 =	sadd.s32 $0x10, s26;
	s28 =	smov.u32 s30;
	[sflag:s20] =	ssyncadd.s32 $0xFFFFFF80  }
0x43: {  	[spmem:s1] =	stream.indirect.scatter.add.f32 [tilespmem:s18], [sflag:$0x2], $0x1, s29, s15, $0xb8;
	[tilespmem:$0x1B00] =	vst v63  }
0x44: {  	s25 =	sshrl.u32 s25, $0x2  }
0x45: {  	[tilespmem:s25], [sflag:$0x1] =	stream.linear.gather [hbm4b:s26+s2], $0x80, $0x38;
	[tilespmem:$0x1B00] =	vst v63  }
0x46: {  	_ =	swait.ge [sflag:s17], $0x80  }
0x47: {  	[sflag:s17] =	ssyncset.done $0x0  }
0x48: {  	[sflag:s17] =	ssyncadd.s32 $0xFFFFFF80  }
0x49: {  	s24 =	sadd.s32 $0xFFFFFC00, s24;
	_ =	swait.ge [sflag:s20], $0x80  }
0x4a: {  	s24 =	sand.u32 $0x600, s24;
	[sflag:s20] =	ssyncset.done $0x0  }
0x4b: {  	s24 =	sshrl.u32 s24, $0x2;
	[sflag:s20] =	ssyncadd.s32 $0xFFFFFF80  }
0x4c: {  	[spmem:s1] =	stream.indirect.scatter.add.f32 [tilespmem:s18], [sflag:$0x2], $0x1, s24, s15, $0xb8;
	[tilespmem:$0x1B00] =	vst v63  }
0x4d: {  	_ =	swait.ge [sflag:s20], $0x80  }
0x4e: {  	[sflag:s20] =	ssyncset.done $0x0  }
0x4f: {  	[sflag:s20] =	ssyncadd.s32 $0xFFFFFF80  }
0x50: {  	_ =	swait.ge [sflag:s17], $0x80  }
0x51: {  	[sflag:s17] =	ssyncset.done $0x0  }
0x52: {  	[sflag:s17] =	ssyncadd.s32 $0xFFFFFF80  }
0x53: {  	_ =	swait.ge [sflag:s20], $0x80  }
0x54: {  	[sflag:s20] =	ssyncset.done $0x0  }
0x55: {  	[sflag:s20] =	ssyncadd.s32 $0xFFFFFF80  }
0x56: {  	_ =	swait.ge [sflag:s17], $0x80  }
0x57: {  	s23 =	sadd.s32 $0x1, s23;
	[sflag:s17] =	ssyncset.done $0x0  }
0x58: {  	p0 =	sne.s32 s23, s9;
	[sflag:s17] =	ssyncadd.s32 $0xFFFFFF80  }
.Ltmp1:
0x59: {  	[bflag:$0x0] =	sbarrier.arrive $0xFFFF;
	(pc) =	sbr.rel @p0 .LBB2_1-.Ltmp1, $4  }
0x5a: {  	[hbm:s8@s21], [sflag:s5] =	dma.strided [spmem:s13@s22], $0x310, s17, $0x10   }
0x5b: {  	_ =	swait.ge [sflag:s14], $0x310  }
0x5c: {  	[sflag:s14] =	ssyncset.done $0x0  }
0x5d: {  	[sflag:s14] =	ssyncadd.s32 $0xFFFFFCF0  }
0x5e: {  	_ =	sfence.sel $0x180000  }
0x5f: {  	[bflag:$0x0] =	sbarrier.arrive $0xFFFF  }
0x60: {  	p0 =	sne.s32 s3, $0x0;
	_ =	strace $0x90000047  }
0x61: {  	s0 =	sadd.s32 @!p0 $0x100000, s0;
	[bflag:$0x2] =	sbarrier.arrive $0xFFFF  }
0x62: {  	[sflag:s0] =	ssyncadd.tile.s32 @!p0 $0x1;
	_ =	shalt  }
.Lfunc_end2:
_tile_overlayer_lowered:
.L_overlay_start_2:
0x63: {  	(tag) =	ssettag $0x2  }
0x64: {  	s0 =	rddreg [dreg:$0x0];
	s2 =	stileid.u32  }
0x65: {  	s1 =	rddreg [dreg:$0x1];
	p0 =	sne.s32 s2, $0x0  }
0x66: {  	s3 =	rddreg [dreg:$0x2];
	[bflag:$0x3] =	sbarrier.arrive $0xFFFF;
	s2 =	simm.s32 @!p0 $0x1C03  }
0x67: {  	[timem:s3], [sflag:s2] =	dma.local @!p0 [hbm:s0], s1  }
0x68: {  	s0 =	simm.s32 @!p0 $0x3  }
0x69: {  	_ =	swait.ge @!p0 [sflag:s0], s1  }
0x6a: {  	s1 =	ssub.s32 @!p0 $0x0, s1;
	[sflag:s0] =	ssyncset.done @!p0 $0x0  }
0x6b: {  	[sflag:s0] =	ssyncadd.s32 @!p0 s1  }
0x6c: {  	[bflag:$0x3] =	sbarrier.arrive $0xFFFF  }
0x6d: {  	_ =	shalt  }

// kernel: kernel.13.cloned.1.call-start
scs
__scs_entry_jumppad:
0x0: {  	(pc) =	sbr.rel $0x88, $3  }
0x1: {  	(tag) =	ssettag $0x0;
	lr =	simm.s32 $0x1  }
0x2: {  	[smem:$0x3F8F] =	sst lr;
	_ =	strace $0xD0000000  }
0x3: {  	_ = 	snop  }
0x4: {  	_ = 	snop  }
0x5: {  	_ = 	snop  }
0x6: {  	_ = 	snop  }
0x7: {  	_ = 	snop  }
__scs_overlays_trampoline_lowered:
0x8: {  	[smem:$0x3F9E] =	sst s0  }
0x9: {  	[smem:$0x3F9F] =	sst s1  }
0xa: {  	[smem:$0x3FA0] =	sst s2  }
0xb: {  	[smem:$0x3FA1] =	sst s3  }
0xc: {  	[smem:$0x3FA2] =	sst s4  }
0xd: {  	[smem:$0x3FA3] =	sst s5  }
0xe: {  	[smem:$0x3FA4] =	sst s6  }
0xf: {  	[smem:$0x3FA5] =	sst s7  }
0x10: {  	[smem:$0x3FA6] =	sst s8  }
0x11: {  	[smem:$0x3FA7] =	sst s9;
	s0 =	simm.s32 @!p0 $0x0  }
0x12: {  	s1 =	sld [smem:$0x3F8D];
	s0 =	simm.s32 @p0 $0x1  }
0x13: {  	[smem:$0x3FA8] =	sst s0;
	s0 =	simm.s32 @!p1 $0x0  }
0x14: {  	s2 =	sld [smem:$0x3F8C];
	s0 =	simm.s32 @p1 $0x1  }
0x15: {  	[smem:$0x3FA9] =	sst s0;
	s0 =	simm.s32 @!p2 $0x0  }
0x16: {  	s3 =	sld [smem:$0x3FDB];
	s0 =	simm.s32 @p2 $0x1  }
0x17: {  	s4 =	simm.s32 $0x1BF5;
	[smem:$0x3FAB] =	sst s0  }
0x18: {  	s0 =	sld [smem:$0x3F8E];
	_ =	swait.ge [sflag:s4], $0x0  }
0x19: {  	s7 =	sld [smem:$0x3F8F]  }
0x1a: {  	s8 =	sadd.s32 $0xFFFFE003, lr  }
0x1b: {  	s9 =	sadd.s32 $0xFFFFFEF7, lr;
	s5 =	simm.s32 $0xFFFFFFFF;
	p2 =	slt.u32 s8, $0xFFFFF086  }
0x1c: {  	p1 =	slt.u32 s9, $0xF7A;
	s5 =	simm.s32 @!p2 $0x0  }
0x1d: {  	s5 =	simm.s32 @p1 $0x1;
	p0 =	seq.s32 s7, s2  }
0x1e: {  	s7 =	smul.u32 @!p0 $0xF7A, s2;
	p2 =	seq.s32 @!p0 s5, $0x0  }
0x1f: {  	s9 =	smul.u32 $0xF7A, s1;
	s8 =	simm.s32 @!p0 $0x1BF5;
	p2 =	por !p2, p0  }
0x20: {  	[sflag:s8] =	ssyncset.s32 @!p0 $0xFFFFF086;
	s6 =	sadd.s32 @!p0 s3, s7;
	s7 =	simm.s32 @!p0 $0x108  }
0x21: {  	s3 =	sadd.s32 s3, s9;
	s6 =	sadd.s32 @!p0 $0x88, s6;
	s7 =	simm.s32 @p2 $0x1082  }
0x22: {  	[simem:s7], [sflag:s8] =	dma.local @!p0 [hbm:s6], $0xF7A  }
0x23: {  	s9 =	sor.u32 $0xD0000000, s2;
	s6 =	simm.s32 $0x108;
	_ =	swait.ge @!p0 [sflag:s8], $0x0  }
0x24: {  	s3 =	sadd.s32 $0x88, s3;
	s6 =	simm.s32 @!p1 $0x1082;
	[sflag:s4] =	ssyncset.s32 $0xFFFFF086  }
0x25: {  	[simem:s6], [sflag:s4] =	dma.local [hbm:s3], $0xF7A  }
0x26: {  	[smem:$0x3F8F] =	sst s1;
	(tag) =	ssettag s2;
	_ =	strace s9  }
0x27: {  	s1 =	sld [smem:$0x3F9F]  }
0x28: {  	s2 =	sld [smem:$0x3FA0]  }
0x29: {  	s4 =	sld [smem:$0x3FA2]  }
0x2a: {  	p0 =	seq.s32 s5, $0x0;
	s5 =	sld [smem:$0x3FA3]  }
0x2b: {  	s6 =	sld [smem:$0x3FA4]  }
0x2c: {  	s7 =	sld [smem:$0x3FA5]  }
0x2d: {  	s3 =	simm.s32 $0x108;
	s8 =	sld [smem:$0x3FA6]  }
0x2e: {  	s3 =	simm.s32 @!p0 $0x1082;
	s9 =	sld [smem:$0x3FA7]  }
0x2f: {  	lr =	sadd.s32 s0, s3;
	s0 =	sld [smem:$0x3F9E]  }
0x30: {  	s3 =	sld [smem:$0x3FA1]  }
0x31: {  	[smem:$0x3FAA] =	sst s10  }
0x32: {  	s10 =	sld [smem:$0x3FA8];
	_ =	sdelay $0x3  }
0x33: {  	p0 =	seq.s32 s10, $0x1;
	s10 =	sld [smem:$0x3FAA];
	_ =	sdelay $0x3  }
0x34: {  	[smem:$0x3FAA] =	sst s10  }
0x35: {  	s10 =	sld [smem:$0x3FA9];
	_ =	sdelay $0x3  }
0x36: {  	p1 =	seq.s32 s10, $0x1;
	s10 =	sld [smem:$0x3FAA];
	_ =	sdelay $0x3  }
0x37: {  	[smem:$0x3FAA] =	sst s10  }
0x38: {  	s10 =	sld [smem:$0x3FAB]  }
0x39: {  	_ = 	snop;
	(pc) =	sbr.ind lr, $3  }
0x3a: {  	_ = 	snop  }
0x3b: {  	_ = 	snop  }
0x3c: {  	p2 =	seq.s32 s10, $0x1;
	s10 =	sld [smem:$0x3FAA]  }
0x3d: {  	_ =	shalt  }
0x3e: {  	_ =	shalt  }
0x3f: {  	_ =	shalt  }
0x40: {  	_ =	shalt  }
0x41: {  	_ =	shalt  }
0x42: {  	_ =	shalt  }
0x43: {  	_ =	shalt  }
0x44: {  	_ =	shalt  }
0x45: {  	_ =	shalt  }
0x46: {  	_ =	shalt  }
0x47: {  	_ =	shalt  }
0x48: {  	_ =	shalt  }
0x49: {  	_ =	shalt  }
0x4a: {  	_ =	shalt  }
0x4b: {  	_ =	shalt  }
0x4c: {  	_ =	shalt  }
0x4d: {  	_ =	shalt  }
0x4e: {  	_ =	shalt  }
0x4f: {  	_ =	shalt  }
0x50: {  	_ =	shalt  }
0x51: {  	_ =	shalt  }
0x52: {  	_ =	shalt  }
0x53: {  	_ =	shalt  }
0x54: {  	_ =	shalt  }
0x55: {  	_ =	shalt  }
0x56: {  	_ =	shalt  }
0x57: {  	_ =	shalt  }
0x58: {  	_ =	shalt  }
0x59: {  	_ =	shalt  }
0x5a: {  	_ =	shalt  }
0x5b: {  	_ =	shalt  }
0x5c: {  	_ =	shalt  }
0x5d: {  	_ =	shalt  }
0x5e: {  	_ =	shalt  }
0x5f: {  	_ =	shalt  }
0x60: {  	_ =	shalt  }
0x61: {  	_ =	shalt  }
0x62: {  	_ =	shalt  }
0x63: {  	_ =	shalt  }
0x64: {  	_ =	shalt  }
0x65: {  	_ =	shalt  }
0x66: {  	_ =	shalt  }
0x67: {  	_ =	shalt  }
0x68: {  	_ =	shalt  }
0x69: {  	_ =	shalt  }
0x6a: {  	_ =	shalt  }
0x6b: {  	_ =	shalt  }
0x6c: {  	_ =	shalt  }
0x6d: {  	_ =	shalt  }
0x6e: {  	_ =	shalt  }
0x6f: {  	_ =	shalt  }
0x70: {  	_ =	shalt  }
0x71: {  	_ =	shalt  }
0x72: {  	_ =	shalt  }
0x73: {  	_ =	shalt  }
0x74: {  	_ =	shalt  }
0x75: {  	_ =	shalt  }
0x76: {  	_ =	shalt  }
0x77: {  	_ =	shalt  }
0x78: {  	_ =	shalt  }
0x79: {  	_ =	shalt  }
0x7a: {  	_ =	shalt  }
0x7b: {  	_ =	shalt  }
0x7c: {  	_ =	shalt  }
0x7d: {  	_ =	shalt  }
0x7e: {  	_ =	shalt  }
0x7f: {  	_ =	shalt  }
0x80: {  	_ =	shalt  }
0x81: {  	_ =	shalt  }
0x82: {  	_ =	shalt  }
0x83: {  	_ =	shalt  }
0x84: {  	_ =	shalt  }
0x85: {  	_ =	shalt  }
0x86: {  	_ =	shalt  }
0x87: {  	_ =	shalt  }
.Lfunc_end0:
.L_simem_size_0:
called_computation.1_lowered:
.L_overlay_start_0:
0x88: {  	s2 =	sld [smem:$0x3FD9]  }
0x89: {  	s3 =	sld [smem:$0x3FFE];
	_ =	sdelay $0x1  }
0x8a: {  	s1 =	srdreg.scid  }
0x8b: {  	s0 =	sand.u32 $0x1, s1  }
0x8c: {  	s14 =	sshll.u32 s0, $0xA;
	s2 =	sadd.s32 s3, s2  }
0x8d: {  	s2 =	sadd.s32 s2, s14  }
0x8e: {  	[smem:$0x3FB6] =	sst s2  }
0x8f: {  	_ = 	snop  }
0x90: {  	s2 =	sld [smem:$0x3FD0];
	_ =	sdelay $0x2  }
0x91: {  	s15 =	simm.s32 $0xA;
	s4 =	simm.s32 $0x10  }
0x92: {  	[smem:s4], [sflag:s15] =	dma.local [hbm:s2], $0x1  }
0x93: {  	_ =	swait.eq [sflag:s15], $0x1  }
0x94: {  	[sflag:s15] =	ssyncset.done $0x0  }
0x95: {  	[sflag:s15] =	ssyncadd.s32 $0xFFFFFFFF  }
0x96: {  	s16 =	sld [smem:$0x10];
	(tm) =	ssettm $0x1  }
0x97: {  	s17 =	sld [smem:$0x3FFB];
	_ =	sdelay $0x3  }
0x98: {  	_ =	strace s17  }
0x99: {  	s3 =	sld [smem:$0x3FFC];
	_ =	sdelay $0x3  }
0x9a: {  	_ =	strace s3  }
0x9b: {  	s3 =	sld [smem:$0x3FFD];
	_ =	sdelay $0x3  }
0x9c: {  	_ =	strace s3  }
0x9d: {  	_ =	strace $0x8FFFFFFF  }
0x9e: {  	s18 =	sld [smem:$0x3FDB];
	_ =	sdelay $0x1  }
0x9f: {  	s19 =	simm.s32 $_scs_section_size  }
0xa0: {  	s5 =	simm.s32 $_size__tile_overlayer_lowered;
	s6 =	simm.s32 $_tile_overlayer_lowered  }
0xa1: {  	s22 =	simm.s32 $0x1BFF;
	s21 =	sshll.u32 s6, $0x1;
	s3 =	sadd.s32 s19, s18  }
0xa2: {  	s7 =	simm.s32 $0x0;
	s20 =	sshll.u32 s5, $0x1;
	s5 =	sadd.s32 s21, s3  }
0xa3: {  	[timem:s7], [sflag:s22] =	dma.local [hbm:s5], s20  }
0xa4: {  	_ =	swait.ge [sflag:s22], s20  }
0xa5: {  	s4 =	ssub.s32 $0x0, s20;
	[sflag:s22] =	ssyncset.done $0x0  }
0xa6: {  	[sflag:s22] =	ssyncadd.s32 s4;
	_ =	sdelay $0x1  }
0xa7: {  	s23 =	simm.s32 $0x1B8B  }
0xa8: {  	_ =	swait.ge [sflag:s23], $0x1  }
0xa9: {  	[sflag:s23] =	ssyncset.done $0x0  }
0xaa: {  	s25 =	simm.s32 $0x1B8E;
	s24 =	sld [smem:$0x3FFE];
	[sflag:s23] =	ssyncadd.s32 $0xFFFFFFFF  }
0xab: {  	s26 =	simm.s32 $execute0_lowered;
	[smem:$0x3FD2] =	sst s25  }
0xac: {  	s5 =	sshll.u32 s26, $0x1;
	_ =	strace $0x80000049;
	[dreg:$0x1] =	wrdreg $0xFFFFFFFF  }
0xad: {  	s28 =	simm.s32 $_size_execute0_lowered;
	s3 =	sadd.s32 s3, s5;
	[dreg:$0x0] =	wrdreg $0x0  }
0xae: {  	s5 =	sshll.u32 s28, $0x1;
	[dreg:$0x2] =	wrdreg s3  }
0xaf: {  	[dreg:$0x3] =	wrdreg s5  }
0xb0: {  	[dreg:$0x4] =	wrdreg $0xC0  }
0xb1: {  	_ =	task [dreg:s7], $0x5FFFF  }
0xb2: {  	[dreg:$0x1] =	wrdreg $0xFFFFFFFF  }
0xb3: {  	[dreg:$0x0] =	wrdreg $0x60  }
0xb4: {  	[dreg:$0x2] =	wrdreg s24  }
0xb5: {  	[dreg:$0x3] =	wrdreg s16  }
0xb6: {  	[dreg:$0x4] =	wrdreg $0x66000  }
0xb7: {  	[dreg:$0x5] =	wrdreg $0x9  }
0xb8: {  	_ =	task.clear_ibuf [dreg:s7], $0x6FFFF;
	_ =	strace $0x90000049  }
0xb9: {  	s29 =	simm.s32 $0x9;
	_ =	strace $0x8000004B  }
0xba: {  	_ =	swait.ge [sflag:s29], $0x1  }
0xbb: {  	[sflag:s29] =	ssyncadd.s32 $0xFFFFFFFF  }
0xbc: {  	_ =	strace $0x9000004B  }
0xbd: {  	_ =	sfence  }
0xbe: {  	s30 =	sld [smem:$0x0];
	_ =	sdelay $0x2  }
0xbf: {  	s31 =	sshll.u32 s1, $0xD;
	s1 =	sshrl.u32 s1, $0x2  }
0xc0: {  	s3 =	sand.u32 $0x4000, s31;
	s1 =	sadd.s32 s1, s30  }
0xc1: {  	s0 =	sor.u32 s3, s0;
	s1 =	sshll.u32 s1, $0x11  }
0xc2: {  	s0 =	sor.u32 s1, s0  }
0xc3: {  	s0 =	sadd.s32 $0x8F2B, s0  }
0xc4: {  	[sflag:s0] =	ssyncadd.remote.s32 $0x1  }
0xc5: {  	_ =	sfence.sel $0xFFFF  }
0xc6: {  	[dreg:$0x0] =	wrdreg $0xFFFFFFFF;
	(pc) =	sbr.abs _section_cstart, $3  }
0xc7: {  	[dreg:$0x1] =	wrdreg $0xFFFFFFFF  }
0xc8: {  	_ =	task.clear_ibuf [dreg:s7], $0x2FFFF;
	_ =	strace $0x9FFFFFFF  }
0xc9: {  	(tm) =	ssettm $0x7FFFFFFF  }
tec
execute0_lowered:
.L_overlay_start_1:
0x0: {  	(tag) =	ssettag $0x1  }
0x1: {  	s0 =	rddreg [dreg:$0x0]  }
0x2: {  	s3 =	rddreg [dreg:$0x1]  }
0x3: {  	s1 =	rddreg [dreg:$0x2]  }
0x4: {  	s2 =	simm.s32 $0x0;
	s5 =	srdreg.scid;
	s18 =	stileid.u32  }
0x5: {  	[smem:$0x7FF] =	sst s2;
	s7 =	smul.u32 $0x18C00, s18  }
0x6: {  	s4 =	sadd.s32 $0x65800, s0;
	s12 =	sadd.s32 $0x34800, s0;
	s9 =	smul.u32 $0x18700, s18  }
0x7: {  	s5 =	sand.u32 $0x1, s5;
	s13 =	sadd.s32 $0x3800, s0;
	s14 =	smul.u32 $0x620, s18  }
0x8: {  	s0 =	sadd.s32 $0x129800, s0;
	s20 =	sshll.u32 s18, $0x6;
	s17 =	smul.u32 $0x62000, s18  }
0x9: {  	s25 =	smul.u32 $0x30E0, s18;
	s18 =	simm.s32 $0x5;
	s6 =	ssub.s32 $0x2, s5  }
0xa: {  	_ =	strace $0x8000004A;
	s5 =	smul.u32 $0xC400, s5;
	s8 =	sshrl.u32 s6, $0x1  }
0xb: {  	s19 =	sshrl.u32 s7, $0x3;
	s7 =	sadd.s32 s7, s1;
	s21 =	sshrl.u32 s9, $0x3  }
0xc: {  	s23 =	sshrl.u32 s17, $0x2;
	s29 =	sadd.s32 s25, s13;
	s30 =	sadd.s32 s25, s12  }
0xd: {  	s25 =	simm.s32 $0x4;
	s15 =	ssub.s32 s6, s8;
	[dreg:$0x4] =	wrdreg s7  }
0xe: {  	s6 =	sadd.s32 s3, s19;
	s7 =	sor.u32 $0x1C05, s20;
	s8 =	sadd.s32 s12, s21  }
0xf: {  	s9 =	sadd.s32 s13, s21;
	s3 =	sor.u32 $0x10, s21;
	s16 =	sadd.s32 s14, s5  }
0x10: {  	s24 =	sadd.s32 $0x6200, s5;
	s26 =	sadd.s32 s23, s1;
	s17 =	sadd.s32 $0x20, s30  }
0x11: {  	s19 =	simm.s32 $0x80;
	s21 =	simm.s32 $0x2;
	s23 =	simm.s32 $0x1  }
0x12: {  	s10 =	sadd.s32 s12, s3;
	s11 =	sadd.s32 s13, s3;
	s22 =	sshll.u32 s16, $0x3  }
0x13: {  	s14 =	sadd.s32 s14, s24;
	[dreg:$0x6] =	wrdreg s26;
	s31 =	smax.u32 s15, $0x1  }
0x14: {  	s3 =	sadd.s32 s0, s22;
	s28 =	sshll.u32 s14, $0x3;
	[dreg:$0x8] =	wrdreg s31  }
0x15: {  	s16 =	sadd.s32 $0x20, s29;
	[dreg:$0x5] =	wrdreg s3;
	s0 =	sadd.s32 s0, s28  }
0x16: {  	v0 =	vmov s5;
	v1 =	vmov s24;
	s24 =	simm.s32 $0x3;
	s26 =	simm.s32 $0x0;
	[dreg:$0x7] =	wrdreg s0  }
.LBB2_1:
0x17: {  	s0 =	rddreg [dreg:$0x4]  }
0x18: {  	s28 =	sshrl.u32 s0, $0x3  }
0x19: {  	[spmem:s28], [sflag:s7] =	dma.local [hbm:s6], $0x3180  }
0x1a: {  	_ =	swait.ge [sflag:s18], $0x3180  }
0x1b: {  	[sflag:s18] =	ssyncset.done $0x0  }
0x1c: {  	[sflag:s18] =	ssyncadd.s32 $0xFFFFCE80  }
0x1d: {  	[bflag:$0x0] =	sbarrier.arrive $0xFFFF  }
0x1e: {  	[tilespmem:s2], [sflag:$0x1] =	stream.linear.gather [hbm4b:s8+s2], $0x80, $0x38;
	[tilespmem:$0x1F200] =	vst v63  }
0x1f: {  	s29 =	simm.s32 $0x200  }
0x20: {  	[tilespmem:s29], [sflag:$0x2] =	stream.linear.gather [hbm4b:s9+s2], $0x80, $0x38;
	[tilespmem:$0x1F200] =	vst v63  }
0x21: {  	_ = 	snop  }
0x22: {  	[tilespmem:s19], [sflag:$0x1] =	stream.linear.gather [hbm4b:s10+s2], $0x80, $0x38;
	[tilespmem:$0x1F200] =	vst v63  }
0x23: {  	s12 =	simm.s32 $0x280  }
0x24: {  	[tilespmem:s12], [sflag:$0x2] =	stream.linear.gather [hbm4b:s11+s2], $0x80, $0x38;
	[tilespmem:$0x1F200] =	vst v63  }
0x25: {  	_ =	swait.ge [sflag:s23], $0x80  }
0x26: {  	[sflag:s23] =	ssyncset.done $0x0  }
0x27: {  	[sflag:s23] =	ssyncadd.s32 $0xFFFFFF80  }
0x28: {  	_ =	swait.ge [sflag:s21], $0x80  }
0x29: {  	[sflag:s21] =	ssyncset.done $0x0  }
0x2a: {  	s13 =	simm.s32 $0x600;
	s14 =	simm.s32 $0x100;
	[sflag:s21] =	ssyncadd.s32 $0xFFFFFF80  }
0x2b: {  	[tilespmem:s13], [sflag:$0x3] =	stream.indirect.gather [hbm4b:s4+s19], $0x40, s2, s19, $0xb8;
	[tilespmem:$0x1F200] =	vst v63  }
0x2c: {  	s0 =	sand.u32 $0x180, s14  }
0x2d: {  	[tilespmem:s0], [sflag:$0x1] =	stream.linear.gather [hbm4b:s17+s2], $0x80, $0x38;
	[tilespmem:$0x1F200] =	vst v63  }
0x2e: {  	s0 =	sor.u32 $0x200, s0  }
0x2f: {  	[tilespmem:s0], [sflag:$0x2] =	stream.linear.gather [hbm4b:s16+s2], $0x80, $0x38;
	[tilespmem:$0x1F200] =	vst v63  }
0x30: {  	s15 =	smul.u32 $0xAAAB, s23;
	_ =	swait.ge [sflag:s23], $0x80  }
0x31: {  	[sflag:s23] =	ssyncset.done $0x0  }
0x32: {  	s0 =	sshrl.u32 s15, $0x11;
	[sflag:s23] =	ssyncadd.s32 $0xFFFFFF80  }
0x33: {  	s0 =	smul.u32 $0x3, s0;
	_ =	swait.ge [sflag:s21], $0x80  }
0x34: {  	p0 =	por $0x1, $0x1;
	[sflag:s21] =	ssyncset.done $0x0  }
0x35: {  	s3 =	simm.s32 @!p0 $0x4;
	s0 =	ssub.s32 $0x1, s0;
	[sflag:s21] =	ssyncadd.s32 $0xFFFFFF80  }
0x36: {  	s30 =	sand.u32 $0x180, s2;
	s0 =	sand.u32 $0xFFFF, s0;
	_ =	swait.ge @!p0 [sflag:s3], $0x2000  }
0x37: {  	s5 =	sand.u32 $0x600, s29;
	s0 =	sshll.u32 s0, $0xD;
	[sflag:s3] =	ssyncset.done @!p0 $0x0  }
0x38: {  	s20 =	sshrl.u32 s5, $0x2;
	s0 =	sor.u32 $0x600, s0;
	[sflag:s3] =	ssyncadd.s32 @!p0 $0xFFFFE000  }
0x39: {  	[tilespmem:s0], [sflag:$0x3] =	stream.indirect.gather [hbm4b:s4+s19], $0x40, s20, s19, $0xb8;
	[tilespmem:$0x1F200] =	vst v63  }
0x3a: {  	v3 =	vld [tilespmem:s30+$0x270]  }
0x3b: {  	v4 =	vld [tilespmem:s30+$0x260]  }
0x3c: {  	v6 =	vld [tilespmem:s30+$0x210]  }
0x3d: {  	v7 =	vld [tilespmem:s30+$0x200]  }
0x3e: {  	s22 =	simm.s32 $0x0  }
0x3f: {  	s0 =	smul.u32 $0xAAAB, s22  }
0x40: {  	v2 =	vld [tilespmem:s30+$0x220];
	v12 =	vsub.s32 v3, v0;
	v3 =	vand.u32 $0xFF, v3  }
0x41: {  	v5 =	vld [tilespmem:s30+$0x240];
	s0 =	sshrl.u32 s0, $0x11;
	v8 =	vsub.s32 v4, v0;
	v4 =	vand.u32 $0xFF, v4;
	v11 =	vand.u32 $0xFF, v6  }
0x42: {  	s0 =	smul.u32 $0x3, s0;
	v10 =	vand.u32 $0xFF, v7;
	vm0 =	vlt.u32 v12, $0x6200;
	vm1 =	vlt.u32 v8, $0x6200  }
0x43: {  	v9 =	vor.u32 $0x6200, v4;
	v4 =	vld [tilespmem:s30+$0x230];
	v14 =	vor.u32 $0x6200, v3;
	v11 =	vor.u32 $0x6200, v11  }
0x44: {  	s0 =	ssub.s32 $0x0, s0;
	v13 =	vsel vm1, v8, v9;
	v8 =	vsub.s32 v7, v0;
	v9 =	vor.u32 $0x6200, v10  }
0x45: {  	s31 =	simm.s32 $0x2;
	s5 =	simm.s32 $0x0;
	s0 =	sand.u32 $0xFFFF, s0;
	v7 =	vand.u32 $0xFF, v2;
	v10 =	vsub.s32 v6, v0;
	v12 =	vsel vm0, v12, v14;
	[tilespmem:s30+$0x460] =	vst v13  }
0x46: {  	s3 =	sadd.s32 $0x10, s17;
	v3 =	vld [tilespmem:s30+$0x250];
	s12 =	sshll.u32 s0, $0xD;
	s0 =	sadd.s32 $0x10, s16;
	v6 =	vsub.s32 v5, v0;
	vm0 =	vlt.u32 v8, $0x6200;
	vm1 =	vlt.u32 v10, $0x6200;
	[tilespmem:s30+$0x470] =	vst v12  }
.LBB2_2:
0x47: {  	s29 =	sadd.s32 $0x200, s29  }
0x48: {  	v10 =	vsel vm1, v10, v11;
	v11 =	vand.u32 $0xFF, v4;
	v5 =	vand.u32 $0xFF, v5;
	s5 =	sadd.s32 $0x80, s5;
	s13 =	smov.u32 s31;
	s31 =	sadd.s32 $0x1, s31  }
0x49: {  	v4 =	vsub.s32 v4, v0;
	p0 =	sne.s32 s31, $0x30F;
	[tilespmem:s30+$0x410] =	vst v10;
	v10 =	vor.u32 $0x6200, v11;
	v5 =	vor.u32 $0x6200, v5  }
0x4a: {  	v8 =	vsel vm0, v8, v9;
	v7 =	vor.u32 $0x6200, v7;
	vm0 =	vlt.u32 v4, $0x6200  }
0x4b: {  	v4 =	vsel vm0, v4, v10;
	[tilespmem:s30+$0x400] =	vst v8;
	v8 =	vsub.s32 v3, v0;
	v3 =	vand.u32 $0xFF, v3  }
0x4c: {  	v2 =	vsub.s32 v2, v0;
	[tilespmem:s30+$0x430] =	vst v4;
	vm0 =	vlt.u32 v8, $0x6200;
	v3 =	vor.u32 $0x6200, v3  }
0x4d: {  	vm2 =	vlt.u32 v6, $0x6200;
	vm1 =	vlt.u32 v2, $0x6200;
	v3 =	vsel vm0, v8, v3  }
0x4e: {  	v2 =	vsel vm1, v2, v7;
	v4 =	vsel vm2, v6, v5;
	[tilespmem:s30+$0x450] =	vst v3  }
0x4f: {  	[tilespmem:s30+$0x440] =	vst v4  }
0x50: {  	[tilespmem:s30+$0x420] =	vst v2  }
0x51: {  	_ =	swait.ge [sflag:s24], $0x2000  }
0x52: {  	s30 =	sor.u32 $0x400, s30;
	[sflag:s24] =	ssyncset.done $0x0  }
0x53: {  	s12 =	sor.u32 $0x600, s12;
	s20 =	sadd.s32 $0x100, s5;
	[sflag:s24] =	ssyncadd.s32 $0xFFFFE000  }
0x54: {  	[spmem:s1] =	stream.indirect.scatter.add.f32 [tilespmem:s12], [sflag:$0x4], $0x40, s30, s19, $0xb8;
	[tilespmem:$0x1F200] =	vst v63  }
0x55: {  	s12 =	sand.u32 $0x180, s20  }
0x56: {  	[tilespmem:s12], [sflag:$0x1] =	stream.linear.gather [hbm4b:s3+s2], $0x80, $0x38;
	[tilespmem:$0x1F200] =	vst v63  }
0x57: {  	s12 =	sor.u32 $0x200, s12  }
0x58: {  	[tilespmem:s12], [sflag:$0x2] =	stream.linear.gather [hbm4b:s0+s2], $0x80, $0x38;
	[tilespmem:$0x1F200] =	vst v63  }
0x59: {  	s12 =	smul.u32 $0xAAAB, s13;
	_ =	swait.ge [sflag:s23], $0x80  }
0x5a: {  	s30 =	sand.u32 $0x180, s5;
	[sflag:s23] =	ssyncset.done $0x0  }
0x5b: {  	s20 =	sand.u32 $0x600, s29;
	s12 =	sshrl.u32 s12, $0x11;
	[sflag:s23] =	ssyncadd.s32 $0xFFFFFF80  }
0x5c: {  	s14 =	sadd.s32 $0xFFFFFFFF, s13;
	s12 =	smul.u32 $0x3, s12;
	_ =	swait.ge [sflag:s21], $0x80  }
0x5d: {  	p1 =	slt.u32 s14, $0x2;
	s22 =	smul.u32 $0xAAAB, s14;
	[sflag:s21] =	ssyncset.done $0x0  }
0x5e: {  	s15 =	simm.s32 @!p1 $0x4;
	s12 =	ssub.s32 s13, s12;
	[sflag:s21] =	ssyncadd.s32 $0xFFFFFF80  }
0x5f: {  	s13 =	sshrl.u32 s22, $0x11;
	s12 =	sand.u32 $0xFFFF, s12;
	_ =	swait.ge @!p1 [sflag:s15], $0x2000  }
0x60: {  	s13 =	smul.u32 $0x3, s13;
	s12 =	sshll.u32 s12, $0xD;
	[sflag:s15] =	ssyncset.done @!p1 $0x0  }
0x61: {  	s12 =	sor.u32 $0x600, s12;
	[sflag:s15] =	ssyncadd.s32 @!p1 $0xFFFFE000;
	s15 =	sshrl.u32 s20, $0x2  }
0x62: {  	[tilespmem:s12], [sflag:$0x3] =	stream.indirect.gather [hbm4b:s4+s19], $0x40, s15, s19, $0xb8;
	[tilespmem:$0x1F200] =	vst v63  }
0x63: {  	s12 =	ssub.s32 s14, s13;
	v3 =	vld [tilespmem:s30+$0x270]  }
0x64: {  	s12 =	sand.u32 $0xFFFF, s12;
	v6 =	vld [tilespmem:s30+$0x260]  }
0x65: {  	s12 =	sshll.u32 s12, $0xD;
	v10 =	vld [tilespmem:s30+$0x210]  }
0x66: {  	v7 =	vld [tilespmem:s30+$0x200]  }
0x67: {  	v2 =	vld [tilespmem:s30+$0x220]  }
0x68: {  	v4 =	vld [tilespmem:s30+$0x230];
	v12 =	vsub.s32 v3, v0;
	v8 =	vand.u32 $0xFF, v3  }
0x69: {  	v5 =	vld [tilespmem:s30+$0x240];
	v9 =	vsub.s32 v6, v0;
	v6 =	vand.u32 $0xFF, v6;
	vm0 =	vlt.u32 v12, $0x6200  }
.Ltmp0:
0x6a: {  	v11 =	vand.u32 $0xFF, v10;
	v3 =	vld [tilespmem:s30+$0x250];
	vm1 =	vlt.u32 v9, $0x6200;
	v6 =	vor.u32 $0x6200, v6;
	(pc) =	sbr.rel @p0 .LBB2_2-.Ltmp0, $4  }
0x6b: {  	v14 =	vor.u32 $0x6200, v8;
	v13 =	vand.u32 $0xFF, v7;
	v6 =	vsel vm1, v9, v6  }
0x6c: {  	v8 =	vsub.s32 v7, v0;
	v9 =	vor.u32 $0x6200, v13;
	v7 =	vand.u32 $0xFF, v2;
	[tilespmem:s30+$0x460] =	vst v6  }
0x6d: {  	v10 =	vsub.s32 v10, v0;
	v12 =	vsel vm0, v12, v14;
	v11 =	vor.u32 $0x6200, v11  }
0x6e: {  	s3 =	sadd.s32 $0x10, s3;
	s0 =	sadd.s32 $0x10, s0;
	vm1 =	vlt.u32 v10, $0x6200;
	vm0 =	vlt.u32 v8, $0x6200;
	v6 =	vsub.s32 v5, v0;
	[tilespmem:s30+$0x470] =	vst v12  }
0x6f: {  	v10 =	vsel vm1, v10, v11  }
0x70: {  	v11 =	vand.u32 $0xFF, v4;
	v5 =	vand.u32 $0xFF, v5;
	v4 =	vsub.s32 v4, v0  }
0x71: {  	v8 =	vsel vm0, v8, v9;
	v9 =	vsub.s32 v3, v0;
	v3 =	vand.u32 $0xFF, v3  }
0x72: {  	v2 =	vsub.s32 v2, v0;
	v11 =	vor.u32 $0x6200, v11;
	[tilespmem:s30+$0x410] =	vst v10;
	vm0 =	vlt.u32 v4, $0x6200  }
0x73: {  	vm1 =	vlt.u32 v6, $0x6200;
	v5 =	vor.u32 $0x6200, v5;
	[tilespmem:s30+$0x400] =	vst v8;
	v4 =	vsel vm0, v4, v11  }
0x74: {  	v3 =	vor.u32 $0x6200, v3;
	vm0 =	vlt.u32 v9, $0x6200;
	v5 =	vsel vm1, v6, v5;
	[tilespmem:s30+$0x430] =	vst v4  }
0x75: {  	v3 =	vsel vm0, v9, v3;
	v4 =	vor.u32 $0x6200, v7;
	vm0 =	vlt.u32 v2, $0x6200;
	[tilespmem:s30+$0x440] =	vst v5  }
0x76: {  	[tilespmem:s30+$0x450] =	vst v3;
	v2 =	vsel vm0, v2, v4  }
0x77: {  	[tilespmem:s30+$0x420] =	vst v2  }
0x78: {  	_ =	swait.ge [sflag:s24], $0x2000  }
0x79: {  	[sflag:s24] =	ssyncset.done $0x0  }
0x7a: {  	s0 =	sor.u32 $0x400, s30;
	s3 =	sor.u32 $0x600, s12;
	[sflag:s24] =	ssyncadd.s32 $0xFFFFE000  }
0x7b: {  	[spmem:s1] =	stream.indirect.scatter.add.f32 [tilespmem:s3], [sflag:$0x4], $0x40, s0, s19, $0xb8;
	[tilespmem:$0x1F200] =	vst v63  }
0x7c: {  	_ =	swait.ge [sflag:s25], $0x2000  }
0x7d: {  	[sflag:s25] =	ssyncset.done $0x0  }
0x7e: {  	[sflag:s25] =	ssyncadd.s32 $0xFFFFE000  }
0x7f: {  	_ =	swait.ge [sflag:s25], $0x2000  }
0x80: {  	[sflag:s25] =	ssyncset.done $0x0  }
0x81: {  	[sflag:s25] =	ssyncadd.s32 $0xFFFFE000  }
0x82: {  	_ =	swait.ge [sflag:s24], $0x2000  }
0x83: {  	[sflag:s24] =	ssyncset.done $0x0  }
0x84: {  	s20 =	simm.s32 $0x1;
	[sflag:s24] =	ssyncadd.s32 $0xFFFFE000  }
0x85: {  	_ =	swait.ge [sflag:s20], $0x80  }
0x86: {  	[sflag:s20] =	ssyncset.done $0x0  }
0x87: {  	[sflag:s20] =	ssyncadd.s32 $0xFFFFFF80  }
0x88: {  	_ =	swait.ge [sflag:s21], $0x80  }
0x89: {  	[sflag:s21] =	ssyncset.done $0x0  }
0x8a: {  	[sflag:s21] =	ssyncadd.s32 $0xFFFFFF80  }
0x8b: {  	[bflag:$0x0] =	sbarrier.arrive $0xFFFF  }
0x8c: {  	s22 =	rddreg [dreg:$0x6]  }
0x8d: {  	s5 =	rddreg [dreg:$0x5];
	s29 =	sshrl.u32 s22, $0x3  }
0x8e: {  	[hbm:s5], [sflag:s7] =	dma.local [spmem:s29], $0x3100  }
0x8f: {  	_ =	swait.ge [sflag:s18], $0x3100  }
0x90: {  	[sflag:s18] =	ssyncset.done $0x0  }
0x91: {  	[sflag:s18] =	ssyncadd.s32 $0xFFFFCF00  }
0x92: {  	[bflag:$0x0] =	sbarrier.arrive $0xFFFF  }
0x93: {  	[spmem:s28], [sflag:s7] =	dma.local [hbm:s6], $0x3180  }
0x94: {  	_ =	swait.ge [sflag:s18], $0x3180  }
0x95: {  	[sflag:s18] =	ssyncset.done $0x0  }
0x96: {  	[sflag:s18] =	ssyncadd.s32 $0xFFFFCE80  }
0x97: {  	s28 =	simm.s32 $0x0;
	[bflag:$0x0] =	sbarrier.arrive $0xFFFF  }
0x98: {  	[tilespmem:s28], [sflag:$0x1] =	stream.linear.gather [hbm4b:s8+s28], $0x80, $0x38;
	[tilespmem:$0x1F200] =	vst v63  }
0x99: {  	s30 =	simm.s32 $0x200  }
0x9a: {  	[tilespmem:s30], [sflag:$0x2] =	stream.linear.gather [hbm4b:s9+s28], $0x80, $0x38;
	[tilespmem:$0x1F200] =	vst v63  }
0x9b: {  	_ = 	snop  }
0x9c: {  	[tilespmem:s19], [sflag:$0x1] =	stream.linear.gather [hbm4b:s10+s28], $0x80, $0x38;
	[tilespmem:$0x1F200] =	vst v63  }
0x9d: {  	s12 =	simm.s32 $0x280  }
0x9e: {  	[tilespmem:s12], [sflag:$0x2] =	stream.linear.gather [hbm4b:s11+s28], $0x80, $0x38;
	[tilespmem:$0x1F200] =	vst v63  }
0x9f: {  	_ =	swait.ge [sflag:s20], $0x80  }
0xa0: {  	[sflag:s20] =	ssyncset.done $0x0  }
0xa1: {  	[sflag:s20] =	ssyncadd.s32 $0xFFFFFF80  }
0xa2: {  	_ =	swait.ge [sflag:s21], $0x80  }
0xa3: {  	[sflag:s21] =	ssyncset.done $0x0  }
0xa4: {  	s13 =	simm.s32 $0x600;
	s14 =	simm.s32 $0x100;
	[sflag:s21] =	ssyncadd.s32 $0xFFFFFF80  }
0xa5: {  	[tilespmem:s13], [sflag:$0x3] =	stream.indirect.gather [hbm4b:s4+s19], $0x40, s28, s19, $0xb8;
	[tilespmem:$0x1F200] =	vst v63  }
0xa6: {  	s3 =	sand.u32 $0x180, s14  }
0xa7: {  	[tilespmem:s3], [sflag:$0x1] =	stream.linear.gather [hbm4b:s17+s2], $0x80, $0x38;
	[tilespmem:$0x1F200] =	vst v63  }
0xa8: {  	s0 =	smul.u32 $0xAAAB, s20;
	s3 =	sor.u32 $0x200, s3  }
0xa9: {  	[tilespmem:s3], [sflag:$0x2] =	stream.linear.gather [hbm4b:s16+s2], $0x80, $0x38;
	[tilespmem:$0x1F200] =	vst v63  }
0xaa: {  	_ =	swait.ge [sflag:s23], $0x80  }
0xab: {  	s0 =	sshrl.u32 s0, $0x11;
	[sflag:s23] =	ssyncset.done $0x0  }
0xac: {  	s0 =	smul.u32 $0x3, s0;
	[sflag:s23] =	ssyncadd.s32 $0xFFFFFF80  }
0xad: {  	_ =	swait.ge [sflag:s21], $0x80  }
0xae: {  	p0 =	por $0x1, $0x1;
	s0 =	ssub.s32 $0x1, s0;
	[sflag:s21] =	ssyncset.done $0x0  }
0xaf: {  	s0 =	sand.u32 $0xFFFF, s0;
	s3 =	simm.s32 @!p0 $0x4;
	[sflag:s21] =	ssyncadd.s32 $0xFFFFFF80  }
0xb0: {  	s0 =	sshll.u32 s0, $0xD;
	_ =	swait.ge @!p0 [sflag:s3], $0x2000  }
0xb1: {  	s0 =	sor.u32 $0x600, s0;
	s5 =	sand.u32 $0x600, s30;
	[sflag:s3] =	ssyncset.done @!p0 $0x0  }
0xb2: {  	s15 =	sshrl.u32 s5, $0x2;
	s31 =	sand.u32 $0x180, s28;
	[sflag:s3] =	ssyncadd.s32 @!p0 $0xFFFFE000  }
0xb3: {  	[tilespmem:s0], [sflag:$0x3] =	stream.indirect.gather [hbm4b:s4+s19], $0x40, s15, s19, $0xb8;
	[tilespmem:$0x1F200] =	vst v63  }
0xb4: {  	v3 =	vld [tilespmem:s31+$0x270]  }
0xb5: {  	v4 =	vld [tilespmem:s31+$0x260]  }
0xb6: {  	v6 =	vld [tilespmem:s31+$0x210]  }
0xb7: {  	v7 =	vld [tilespmem:s31+$0x200]  }
0xb8: {  	s20 =	simm.s32 $0x0  }
0xb9: {  	s0 =	smul.u32 $0xAAAB, s20  }
0xba: {  	v2 =	vld [tilespmem:s31+$0x220];
	v12 =	vsub.s32 v3, v1;
	v3 =	vand.u32 $0xFF, v3  }
0xbb: {  	v5 =	vld [tilespmem:s31+$0x240];
	s0 =	sshrl.u32 s0, $0x11;
	v8 =	vsub.s32 v4, v1;
	v4 =	vand.u32 $0xFF, v4;
	v11 =	vand.u32 $0xFF, v6  }
0xbc: {  	s0 =	smul.u32 $0x3, s0;
	v10 =	vand.u32 $0xFF, v7;
	vm0 =	vlt.u32 v12, $0x6200;
	vm1 =	vlt.u32 v8, $0x6200  }
0xbd: {  	v9 =	vor.u32 $0x6200, v4;
	v4 =	vld [tilespmem:s31+$0x230];
	v14 =	vor.u32 $0x6200, v3;
	v11 =	vor.u32 $0x6200, v11  }
0xbe: {  	s22 =	ssub.s32 $0x0, s0;
	v13 =	vsel vm1, v8, v9;
	v8 =	vsub.s32 v7, v1;
	v9 =	vor.u32 $0x6200, v10  }
0xbf: {  	s5 =	sadd.s32 $0x10, s17;
	s3 =	sand.u32 $0xFFFF, s22;
	v7 =	vand.u32 $0xFF, v2;
	v10 =	vsub.s32 v6, v1;
	v12 =	vsel vm0, v12, v14;
	[tilespmem:s31+$0x460] =	vst v13  }
0xc0: {  	s0 =	simm.s32 $0x2;
	v3 =	vld [tilespmem:s31+$0x250];
	s12 =	sshll.u32 s3, $0xD;
	s3 =	sadd.s32 $0x10, s16;
	v6 =	vsub.s32 v5, v1;
	vm0 =	vlt.u32 v8, $0x6200;
	vm1 =	vlt.u32 v10, $0x6200;
	[tilespmem:s31+$0x470] =	vst v12  }
.LBB2_4:
0xc1: {  	s30 =	sadd.s32 $0x200, s30  }
0xc2: {  	v10 =	vsel vm1, v10, v11;
	v11 =	vand.u32 $0xFF, v4;
	v5 =	vand.u32 $0xFF, v5;
	s28 =	sadd.s32 $0x80, s28;
	s13 =	smov.u32 s0;
	s0 =	sadd.s32 $0x1, s0  }
0xc3: {  	v4 =	vsub.s32 v4, v1;
	p0 =	sne.s32 s0, $0x30F;
	[tilespmem:s31+$0x410] =	vst v10;
	v10 =	vor.u32 $0x6200, v11;
	v5 =	vor.u32 $0x6200, v5  }
0xc4: {  	v8 =	vsel vm0, v8, v9;
	v7 =	vor.u32 $0x6200, v7;
	vm0 =	vlt.u32 v4, $0x6200  }
0xc5: {  	v4 =	vsel vm0, v4, v10;
	[tilespmem:s31+$0x400] =	vst v8;
	v8 =	vsub.s32 v3, v1;
	v3 =	vand.u32 $0xFF, v3  }
0xc6: {  	v2 =	vsub.s32 v2, v1;
	[tilespmem:s31+$0x430] =	vst v4;
	vm0 =	vlt.u32 v8, $0x6200;
	v3 =	vor.u32 $0x6200, v3  }
0xc7: {  	vm2 =	vlt.u32 v6, $0x6200;
	vm1 =	vlt.u32 v2, $0x6200;
	v3 =	vsel vm0, v8, v3  }
0xc8: {  	v2 =	vsel vm1, v2, v7;
	v4 =	vsel vm2, v6, v5;
	[tilespmem:s31+$0x450] =	vst v3  }
0xc9: {  	[tilespmem:s31+$0x440] =	vst v4  }
0xca: {  	[tilespmem:s31+$0x420] =	vst v2  }
0xcb: {  	_ =	swait.ge [sflag:s24], $0x2000  }
0xcc: {  	s14 =	sor.u32 $0x400, s31;
	[sflag:s24] =	ssyncset.done $0x0  }
0xcd: {  	s12 =	sor.u32 $0x600, s12;
	s15 =	sadd.s32 $0x100, s28;
	[sflag:s24] =	ssyncadd.s32 $0xFFFFE000  }
0xce: {  	[spmem:s1] =	stream.indirect.scatter.add.f32 [tilespmem:s12], [sflag:$0x4], $0x40, s14, s19, $0xb8;
	[tilespmem:$0x1F200] =	vst v63  }
0xcf: {  	s12 =	sand.u32 $0x180, s15  }
0xd0: {  	[tilespmem:s12], [sflag:$0x1] =	stream.linear.gather [hbm4b:s5+s2], $0x80, $0x38;
	[tilespmem:$0x1F200] =	vst v63  }
0xd1: {  	s12 =	sor.u32 $0x200, s12  }
0xd2: {  	[tilespmem:s12], [sflag:$0x2] =	stream.linear.gather [hbm4b:s3+s2], $0x80, $0x38;
	[tilespmem:$0x1F200] =	vst v63  }
0xd3: {  	s12 =	smul.u32 $0xAAAB, s13;
	_ =	swait.ge [sflag:s23], $0x80  }
0xd4: {  	s31 =	sand.u32 $0x180, s28;
	[sflag:s23] =	ssyncset.done $0x0  }
0xd5: {  	s14 =	sand.u32 $0x600, s30;
	s12 =	sshrl.u32 s12, $0x11;
	[sflag:s23] =	ssyncadd.s32 $0xFFFFFF80  }
0xd6: {  	s15 =	sadd.s32 $0xFFFFFFFF, s13;
	s12 =	smul.u32 $0x3, s12;
	_ =	swait.ge [sflag:s21], $0x80  }
0xd7: {  	p1 =	slt.u32 s15, $0x2;
	s20 =	smul.u32 $0xAAAB, s15;
	[sflag:s21] =	ssyncset.done $0x0  }
0xd8: {  	s22 =	simm.s32 @!p1 $0x4;
	s12 =	ssub.s32 s13, s12;
	[sflag:s21] =	ssyncadd.s32 $0xFFFFFF80  }
0xd9: {  	s13 =	sshrl.u32 s20, $0x11;
	s12 =	sand.u32 $0xFFFF, s12;
	_ =	swait.ge @!p1 [sflag:s22], $0x2000  }
0xda: {  	s13 =	smul.u32 $0x3, s13;
	s12 =	sshll.u32 s12, $0xD;
	[sflag:s22] =	ssyncset.done @!p1 $0x0  }
0xdb: {  	s14 =	sshrl.u32 s14, $0x2;
	s12 =	sor.u32 $0x600, s12;
	[sflag:s22] =	ssyncadd.s32 @!p1 $0xFFFFE000  }
0xdc: {  	[tilespmem:s12], [sflag:$0x3] =	stream.indirect.gather [hbm4b:s4+s19], $0x40, s14, s19, $0xb8;
	[tilespmem:$0x1F200] =	vst v63  }
0xdd: {  	s12 =	ssub.s32 s15, s13;
	v3 =	vld [tilespmem:s31+$0x270]  }
0xde: {  	s12 =	sand.u32 $0xFFFF, s12;
	v6 =	vld [tilespmem:s31+$0x260]  }
0xdf: {  	s12 =	sshll.u32 s12, $0xD;
	v10 =	vld [tilespmem:s31+$0x210]  }
0xe0: {  	v7 =	vld [tilespmem:s31+$0x200]  }
0xe1: {  	v2 =	vld [tilespmem:s31+$0x220]  }
0xe2: {  	v4 =	vld [tilespmem:s31+$0x230];
	v12 =	vsub.s32 v3, v1;
	v8 =	vand.u32 $0xFF, v3  }
0xe3: {  	v5 =	vld [tilespmem:s31+$0x240];
	v9 =	vsub.s32 v6, v1;
	v6 =	vand.u32 $0xFF, v6;
	vm0 =	vlt.u32 v12, $0x6200  }
.Ltmp1:
0xe4: {  	v11 =	vand.u32 $0xFF, v10;
	v3 =	vld [tilespmem:s31+$0x250];
	vm1 =	vlt.u32 v9, $0x6200;
	v6 =	vor.u32 $0x6200, v6;
	(pc) =	sbr.rel @p0 .LBB2_4-.Ltmp1, $4  }
0xe5: {  	v14 =	vor.u32 $0x6200, v8;
	v13 =	vand.u32 $0xFF, v7;
	v6 =	vsel vm1, v9, v6  }
0xe6: {  	v8 =	vsub.s32 v7, v1;
	v9 =	vor.u32 $0x6200, v13;
	v7 =	vand.u32 $0xFF, v2;
	[tilespmem:s31+$0x460] =	vst v6  }
0xe7: {  	v10 =	vsub.s32 v10, v1;
	v12 =	vsel vm0, v12, v14;
	v11 =	vor.u32 $0x6200, v11  }
0xe8: {  	s5 =	sadd.s32 $0x10, s5;
	s3 =	sadd.s32 $0x10, s3;
	vm1 =	vlt.u32 v10, $0x6200;
	vm0 =	vlt.u32 v8, $0x6200;
	v6 =	vsub.s32 v5, v1;
	[tilespmem:s31+$0x470] =	vst v12  }
0xe9: {  	v10 =	vsel vm1, v10, v11  }
0xea: {  	v60 =	vand.u32 $0xFF, v4;
	v5 =	vand.u32 $0xFF, v5;
	v61 =	vsub.s32 v4, v1  }
0xeb: {  	v8 =	vsel vm0, v8, v9;
	v62 =	vsub.s32 v3, v1;
	v3 =	vand.u32 $0xFF, v3  }
0xec: {  	v2 =	vsub.s32 v2, v1;
	v11 =	vor.u32 $0x6200, v60;
	[tilespmem:s31+$0x410] =	vst v10;
	vm12 =	vlt.u32 v61, $0x6200  }
0xed: {  	[tilespmem:s31+$0x400] =	vst v8;
	vm13 =	vlt.u32 v62, $0x6200;
	v3 =	vor.u32 $0x6200, v3;
	v4 =	vsel vm12, v61, v11  }
0xee: {  	vm14 =	vlt.u32 v6, $0x6200;
	v5 =	vor.u32 $0x6200, v5;
	v3 =	vsel vm13, v62, v3;
	[tilespmem:s31+$0x430] =	vst v4  }
0xef: {  	v63 =	vor.u32 $0x6200, v7;
	vm15 =	vlt.u32 v2, $0x6200;
	v5 =	vsel vm14, v6, v5;
	[tilespmem:s31+$0x450] =	vst v3  }
0xf0: {  	v2 =	vsel vm15, v2, v63;
	[tilespmem:s31+$0x440] =	vst v5  }
0xf1: {  	[tilespmem:s31+$0x420] =	vst v2  }
0xf2: {  	_ =	swait.ge [sflag:s24], $0x2000  }
0xf3: {  	[sflag:s24] =	ssyncset.done $0x0  }
0xf4: {  	s0 =	sor.u32 $0x400, s31;
	s3 =	sor.u32 $0x600, s12;
	[sflag:s24] =	ssyncadd.s32 $0xFFFFE000  }
0xf5: {  	[spmem:s1] =	stream.indirect.scatter.add.f32 [tilespmem:s3], [sflag:$0x4], $0x40, s0, s19, $0xb8;
	[tilespmem:$0x1F200] =	vst v63  }
0xf6: {  	_ =	swait.ge [sflag:s25], $0x2000  }
0xf7: {  	[sflag:s25] =	ssyncset.done $0x0  }
0xf8: {  	[sflag:s25] =	ssyncadd.s32 $0xFFFFE000  }
0xf9: {  	_ =	swait.ge [sflag:s25], $0x2000  }
0xfa: {  	[sflag:s25] =	ssyncset.done $0x0  }
0xfb: {  	[sflag:s25] =	ssyncadd.s32 $0xFFFFE000  }
0xfc: {  	_ =	swait.ge [sflag:s24], $0x2000  }
0xfd: {  	[sflag:s24] =	ssyncset.done $0x0  }
0xfe: {  	[sflag:s24] =	ssyncadd.s32 $0xFFFFE000  }
0xff: {  	_ =	swait.ge [sflag:s23], $0x80  }
0x100: {  	[sflag:s23] =	ssyncset.done $0x0  }
0x101: {  	[sflag:s23] =	ssyncadd.s32 $0xFFFFFF80  }
0x102: {  	_ =	swait.ge [sflag:s21], $0x80  }
0x103: {  	[sflag:s21] =	ssyncset.done $0x0  }
0x104: {  	[sflag:s21] =	ssyncadd.s32 $0xFFFFFF80  }
0x105: {  	[bflag:$0x0] =	sbarrier.arrive $0xFFFF  }
0x106: {  	s30 =	rddreg [dreg:$0x7]  }
0x107: {  	[hbm:s30], [sflag:s7] =	dma.local [spmem:s29], $0x3100  }
0x108: {  	_ =	swait.ge [sflag:s18], $0x3100  }
0x109: {  	s26 =	sadd.s32 $0x1, s26;
	s31 =	rddreg [dreg:$0x8]  }
0x10a: {  	p0 =	sne.s32 s26, s31  }
.Ltmp2:
0x10b: {  	_ = 	snop;
	(pc) =	sbr.rel @p0 .LBB2_1-.Ltmp2, $3  }
0x10c: {  	[sflag:s18] =	ssyncset.done $0x0  }
0x10d: {  	[sflag:s18] =	ssyncadd.s32 $0xFFFFCF00  }
0x10e: {  	[bflag:$0x0] =	sbarrier.arrive $0xFFFF;
	_ =	sdelay $0x1  }
0x10f: {  	_ =	sfence.sel $0x180000  }
0x110: {  	[bflag:$0x0] =	sbarrier.arrive $0xFFFF  }
0x111: {  	_ =	strace $0x9000004A  }
0x112: {  	s0 =	stileid.u32;
	[bflag:$0x2] =	sbarrier.arrive $0xFFFF  }
0x113: {  	p0 =	sne.s32 s0, $0x0;
	s0 =	rddreg [dreg:$0x3]  }
0x114: {  	s0 =	sadd.s32 @!p0 $0x100000, s0  }
0x115: {  	[sflag:s0] =	ssyncadd.tile.s32 @!p0 $0x1;
	_ =	shalt  }
.Lfunc_end2:
_tile_overlayer_lowered:
.L_overlay_start_2:
0x116: {  	(tag) =	ssettag $0x2  }
0x117: {  	s0 =	rddreg [dreg:$0x0];
	s2 =	stileid.u32  }
0x118: {  	s1 =	rddreg [dreg:$0x1];
	p0 =	sne.s32 s2, $0x0  }
0x119: {  	s3 =	rddreg [dreg:$0x2];
	[bflag:$0x3] =	sbarrier.arrive $0xFFFF;
	s2 =	simm.s32 @!p0 $0x1C05  }
0x11a: {  	[timem:s3], [sflag:s2] =	dma.local @!p0 [hbm:s0], s1  }
0x11b: {  	s0 =	simm.s32 @!p0 $0x5  }
0x11c: {  	_ =	swait.ge @!p0 [sflag:s0], s1  }
0x11d: {  	s1 =	ssub.s32 @!p0 $0x0, s1;
	[sflag:s0] =	ssyncset.done @!p0 $0x0  }
0x11e: {  	[sflag:s0] =	ssyncadd.s32 @!p0 s1  }
0x11f: {  	[bflag:$0x3] =	sbarrier.arrive $0xFFFF  }
0x120: {  	_ =	shalt  }

// kernel: kernel.16.cloned.1.call-start
scs
__scs_entry_jumppad:
0x0: {  	(pc) =	sbr.rel $0x88, $3  }
0x1: {  	(tag) =	ssettag $0x0;
	lr =	simm.s32 $0x1  }
0x2: {  	[smem:$0x3F8F] =	sst lr;
	_ =	strace $0xD0000000  }
0x3: {  	_ = 	snop  }
0x4: {  	_ = 	snop  }
0x5: {  	_ = 	snop  }
0x6: {  	_ = 	snop  }
0x7: {  	_ = 	snop  }
__scs_overlays_trampoline_lowered:
0x8: {  	[smem:$0x3F9E] =	sst s0  }
0x9: {  	[smem:$0x3F9F] =	sst s1  }
0xa: {  	[smem:$0x3FA0] =	sst s2  }
0xb: {  	[smem:$0x3FA1] =	sst s3  }
0xc: {  	[smem:$0x3FA2] =	sst s4  }
0xd: {  	[smem:$0x3FA3] =	sst s5  }
0xe: {  	[smem:$0x3FA4] =	sst s6  }
0xf: {  	[smem:$0x3FA5] =	sst s7  }
0x10: {  	[smem:$0x3FA6] =	sst s8  }
0x11: {  	[smem:$0x3FA7] =	sst s9;
	s0 =	simm.s32 @!p0 $0x0  }
0x12: {  	s1 =	sld [smem:$0x3F8D];
	s0 =	simm.s32 @p0 $0x1  }
0x13: {  	[smem:$0x3FA8] =	sst s0;
	s0 =	simm.s32 @!p1 $0x0  }
0x14: {  	s2 =	sld [smem:$0x3F8C];
	s0 =	simm.s32 @p1 $0x1  }
0x15: {  	[smem:$0x3FA9] =	sst s0;
	s0 =	simm.s32 @!p2 $0x0  }
0x16: {  	s3 =	sld [smem:$0x3FDB];
	s0 =	simm.s32 @p2 $0x1  }
0x17: {  	s4 =	simm.s32 $0x1BF5;
	[smem:$0x3FAB] =	sst s0  }
0x18: {  	s0 =	sld [smem:$0x3F8E];
	_ =	swait.ge [sflag:s4], $0x0  }
0x19: {  	s7 =	sld [smem:$0x3F8F]  }
0x1a: {  	s8 =	sadd.s32 $0xFFFFE003, lr  }
0x1b: {  	s9 =	sadd.s32 $0xFFFFFEF7, lr;
	s5 =	simm.s32 $0xFFFFFFFF;
	p2 =	slt.u32 s8, $0xFFFFF086  }
0x1c: {  	p1 =	slt.u32 s9, $0xF7A;
	s5 =	simm.s32 @!p2 $0x0  }
0x1d: {  	s5 =	simm.s32 @p1 $0x1;
	p0 =	seq.s32 s7, s2  }
0x1e: {  	s7 =	smul.u32 @!p0 $0xF7A, s2;
	p2 =	seq.s32 @!p0 s5, $0x0  }
0x1f: {  	s9 =	smul.u32 $0xF7A, s1;
	s8 =	simm.s32 @!p0 $0x1BF5;
	p2 =	por !p2, p0  }
0x20: {  	[sflag:s8] =	ssyncset.s32 @!p0 $0xFFFFF086;
	s6 =	sadd.s32 @!p0 s3, s7;
	s7 =	simm.s32 @!p0 $0x108  }
0x21: {  	s3 =	sadd.s32 s3, s9;
	s6 =	sadd.s32 @!p0 $0x88, s6;
	s7 =	simm.s32 @p2 $0x1082  }
0x22: {  	[simem:s7], [sflag:s8] =	dma.local @!p0 [hbm:s6], $0xF7A  }
0x23: {  	s9 =	sor.u32 $0xD0000000, s2;
	s6 =	simm.s32 $0x108;
	_ =	swait.ge @!p0 [sflag:s8], $0x0  }
0x24: {  	s3 =	sadd.s32 $0x88, s3;
	s6 =	simm.s32 @!p1 $0x1082;
	[sflag:s4] =	ssyncset.s32 $0xFFFFF086  }
0x25: {  	[simem:s6], [sflag:s4] =	dma.local [hbm:s3], $0xF7A  }
0x26: {  	[smem:$0x3F8F] =	sst s1;
	(tag) =	ssettag s2;
	_ =	strace s9  }
0x27: {  	s1 =	sld [smem:$0x3F9F]  }
0x28: {  	s2 =	sld [smem:$0x3FA0]  }
0x29: {  	s4 =	sld [smem:$0x3FA2]  }
0x2a: {  	p0 =	seq.s32 s5, $0x0;
	s5 =	sld [smem:$0x3FA3]  }
0x2b: {  	s6 =	sld [smem:$0x3FA4]  }
0x2c: {  	s7 =	sld [smem:$0x3FA5]  }
0x2d: {  	s3 =	simm.s32 $0x108;
	s8 =	sld [smem:$0x3FA6]  }
0x2e: {  	s3 =	simm.s32 @!p0 $0x1082;
	s9 =	sld [smem:$0x3FA7]  }
0x2f: {  	lr =	sadd.s32 s0, s3;
	s0 =	sld [smem:$0x3F9E]  }
0x30: {  	s3 =	sld [smem:$0x3FA1]  }
0x31: {  	[smem:$0x3FAA] =	sst s10  }
0x32: {  	s10 =	sld [smem:$0x3FA8];
	_ =	sdelay $0x3  }
0x33: {  	p0 =	seq.s32 s10, $0x1;
	s10 =	sld [smem:$0x3FAA];
	_ =	sdelay $0x3  }
0x34: {  	[smem:$0x3FAA] =	sst s10  }
0x35: {  	s10 =	sld [smem:$0x3FA9];
	_ =	sdelay $0x3  }
0x36: {  	p1 =	seq.s32 s10, $0x1;
	s10 =	sld [smem:$0x3FAA];
	_ =	sdelay $0x3  }
0x37: {  	[smem:$0x3FAA] =	sst s10  }
0x38: {  	s10 =	sld [smem:$0x3FAB]  }
0x39: {  	_ = 	snop;
	(pc) =	sbr.ind lr, $3  }
0x3a: {  	_ = 	snop  }
0x3b: {  	_ = 	snop  }
0x3c: {  	p2 =	seq.s32 s10, $0x1;
	s10 =	sld [smem:$0x3FAA]  }
0x3d: {  	_ =	shalt  }
0x3e: {  	_ =	shalt  }
0x3f: {  	_ =	shalt  }
0x40: {  	_ =	shalt  }
0x41: {  	_ =	shalt  }
0x42: {  	_ =	shalt  }
0x43: {  	_ =	shalt  }
0x44: {  	_ =	shalt  }
0x45: {  	_ =	shalt  }
0x46: {  	_ =	shalt  }
0x47: {  	_ =	shalt  }
0x48: {  	_ =	shalt  }
0x49: {  	_ =	shalt  }
0x4a: {  	_ =	shalt  }
0x4b: {  	_ =	shalt  }
0x4c: {  	_ =	shalt  }
0x4d: {  	_ =	shalt  }
0x4e: {  	_ =	shalt  }
0x4f: {  	_ =	shalt  }
0x50: {  	_ =	shalt  }
0x51: {  	_ =	shalt  }
0x52: {  	_ =	shalt  }
0x53: {  	_ =	shalt  }
0x54: {  	_ =	shalt  }
0x55: {  	_ =	shalt  }
0x56: {  	_ =	shalt  }
0x57: {  	_ =	shalt  }
0x58: {  	_ =	shalt  }
0x59: {  	_ =	shalt  }
0x5a: {  	_ =	shalt  }
0x5b: {  	_ =	shalt  }
0x5c: {  	_ =	shalt  }
0x5d: {  	_ =	shalt  }
0x5e: {  	_ =	shalt  }
0x5f: {  	_ =	shalt  }
0x60: {  	_ =	shalt  }
0x61: {  	_ =	shalt  }
0x62: {  	_ =	shalt  }
0x63: {  	_ =	shalt  }
0x64: {  	_ =	shalt  }
0x65: {  	_ =	shalt  }
0x66: {  	_ =	shalt  }
0x67: {  	_ =	shalt  }
0x68: {  	_ =	shalt  }
0x69: {  	_ =	shalt  }
0x6a: {  	_ =	shalt  }
0x6b: {  	_ =	shalt  }
0x6c: {  	_ =	shalt  }
0x6d: {  	_ =	shalt  }
0x6e: {  	_ =	shalt  }
0x6f: {  	_ =	shalt  }
0x70: {  	_ =	shalt  }
0x71: {  	_ =	shalt  }
0x72: {  	_ =	shalt  }
0x73: {  	_ =	shalt  }
0x74: {  	_ =	shalt  }
0x75: {  	_ =	shalt  }
0x76: {  	_ =	shalt  }
0x77: {  	_ =	shalt  }
0x78: {  	_ =	shalt  }
0x79: {  	_ =	shalt  }
0x7a: {  	_ =	shalt  }
0x7b: {  	_ =	shalt  }
0x7c: {  	_ =	shalt  }
0x7d: {  	_ =	shalt  }
0x7e: {  	_ =	shalt  }
0x7f: {  	_ =	shalt  }
0x80: {  	_ =	shalt  }
0x81: {  	_ =	shalt  }
0x82: {  	_ =	shalt  }
0x83: {  	_ =	shalt  }
0x84: {  	_ =	shalt  }
0x85: {  	_ =	shalt  }
0x86: {  	_ =	shalt  }
0x87: {  	_ =	shalt  }
.Lfunc_end0:
.L_simem_size_0:
called_computation.2_lowered:
.L_overlay_start_0:
0x88: {  	s2 =	sld [smem:$0x3FD9]  }
0x89: {  	s3 =	sld [smem:$0x3FFE];
	_ =	sdelay $0x1  }
0x8a: {  	s1 =	srdreg.scid  }
0x8b: {  	s0 =	sand.u32 $0x1, s1  }
0x8c: {  	s14 =	sshll.u32 s0, $0xA;
	s2 =	sadd.s32 s3, s2  }
0x8d: {  	s2 =	sadd.s32 s2, s14  }
0x8e: {  	[smem:$0x3FB6] =	sst s2  }
0x8f: {  	_ = 	snop  }
0x90: {  	s2 =	sld [smem:$0x3FD0];
	_ =	sdelay $0x2  }
0x91: {  	s15 =	simm.s32 $0xA;
	s4 =	simm.s32 $0x10  }
0x92: {  	[smem:s4], [sflag:s15] =	dma.local [hbm:s2], $0x1  }
0x93: {  	_ =	swait.eq [sflag:s15], $0x1  }
0x94: {  	[sflag:s15] =	ssyncset.done $0x0  }
0x95: {  	[sflag:s15] =	ssyncadd.s32 $0xFFFFFFFF  }
0x96: {  	s16 =	sld [smem:$0x10];
	(tm) =	ssettm $0x1  }
0x97: {  	s17 =	sld [smem:$0x3FFB];
	_ =	sdelay $0x3  }
0x98: {  	_ =	strace s17  }
0x99: {  	s3 =	sld [smem:$0x3FFC];
	_ =	sdelay $0x3  }
0x9a: {  	_ =	strace s3  }
0x9b: {  	s3 =	sld [smem:$0x3FFD];
	_ =	sdelay $0x3  }
0x9c: {  	_ =	strace s3  }
0x9d: {  	_ =	strace $0x8FFFFFFF  }
0x9e: {  	s18 =	sld [smem:$0x3FDB];
	_ =	sdelay $0x1  }
0x9f: {  	s19 =	simm.s32 $_scs_section_size  }
0xa0: {  	s5 =	simm.s32 $_size__tile_overlayer_lowered;
	s6 =	simm.s32 $_tile_overlayer_lowered  }
0xa1: {  	s22 =	simm.s32 $0x1BFF;
	s21 =	sshll.u32 s6, $0x1;
	s3 =	sadd.s32 s19, s18  }
0xa2: {  	s7 =	simm.s32 $0x0;
	s20 =	sshll.u32 s5, $0x1;
	s5 =	sadd.s32 s21, s3  }
0xa3: {  	[timem:s7], [sflag:s22] =	dma.local [hbm:s5], s20  }
0xa4: {  	_ =	swait.ge [sflag:s22], s20  }
0xa5: {  	s4 =	ssub.s32 $0x0, s20;
	[sflag:s22] =	ssyncset.done $0x0  }
0xa6: {  	[sflag:s22] =	ssyncadd.s32 s4;
	_ =	sdelay $0x1  }
0xa7: {  	s23 =	simm.s32 $0x1B8B  }
0xa8: {  	_ =	swait.ge [sflag:s23], $0x1  }
0xa9: {  	[sflag:s23] =	ssyncset.done $0x0  }
0xaa: {  	s25 =	simm.s32 $0x1B8E;
	s24 =	sld [smem:$0x3FFE];
	[sflag:s23] =	ssyncadd.s32 $0xFFFFFFFF  }
0xab: {  	s26 =	simm.s32 $execute0_lowered;
	[smem:$0x3FD2] =	sst s25  }
0xac: {  	s5 =	sshll.u32 s26, $0x1;
	_ =	strace $0x8000004C;
	[dreg:$0x1] =	wrdreg $0xFFFFFFFF  }
0xad: {  	s28 =	simm.s32 $_size_execute0_lowered;
	s3 =	sadd.s32 s3, s5;
	[dreg:$0x0] =	wrdreg $0x0  }
0xae: {  	s5 =	sshll.u32 s28, $0x1;
	[dreg:$0x2] =	wrdreg s3  }
0xaf: {  	[dreg:$0x3] =	wrdreg s5  }
0xb0: {  	[dreg:$0x4] =	wrdreg $0xC0  }
0xb1: {  	_ =	task [dreg:s7], $0x5FFFF  }
0xb2: {  	[dreg:$0x1] =	wrdreg $0xFFFFFFFF  }
0xb3: {  	[dreg:$0x0] =	wrdreg $0x60  }
0xb4: {  	[dreg:$0x2] =	wrdreg s24  }
0xb5: {  	[dreg:$0x3] =	wrdreg s16  }
0xb6: {  	[dreg:$0x4] =	wrdreg $0x66000  }
0xb7: {  	[dreg:$0x5] =	wrdreg $0x9  }
0xb8: {  	_ =	task.clear_ibuf [dreg:s7], $0x6FFFF;
	_ =	strace $0x9000004C  }
0xb9: {  	s29 =	simm.s32 $0x9;
	_ =	strace $0x8000004E  }
0xba: {  	_ =	swait.ge [sflag:s29], $0x1  }
0xbb: {  	[sflag:s29] =	ssyncadd.s32 $0xFFFFFFFF  }
0xbc: {  	_ =	strace $0x9000004E  }
0xbd: {  	_ =	sfence  }
0xbe: {  	s30 =	sld [smem:$0x0];
	_ =	sdelay $0x2  }
0xbf: {  	s31 =	sshll.u32 s1, $0xD;
	s1 =	sshrl.u32 s1, $0x2  }
0xc0: {  	s3 =	sand.u32 $0x4000, s31;
	s1 =	sadd.s32 s1, s30  }
0xc1: {  	s0 =	sor.u32 s3, s0;
	s1 =	sshll.u32 s1, $0x11  }
0xc2: {  	s0 =	sor.u32 s1, s0  }
0xc3: {  	s0 =	sadd.s32 $0x8F2B, s0  }
0xc4: {  	[sflag:s0] =	ssyncadd.remote.s32 $0x1  }
0xc5: {  	_ =	sfence.sel $0xFFFF  }
0xc6: {  	[dreg:$0x0] =	wrdreg $0xFFFFFFFF;
	(pc) =	sbr.abs _section_cstart, $3  }
0xc7: {  	[dreg:$0x1] =	wrdreg $0xFFFFFFFF  }
0xc8: {  	_ =	task.clear_ibuf [dreg:s7], $0x2FFFF;
	_ =	strace $0x9FFFFFFF  }
0xc9: {  	(tm) =	ssettm $0x7FFFFFFF  }
tec
execute0_lowered:
.L_overlay_start_1:
0x0: {  	(tag) =	ssettag $0x1  }
0x1: {  	s0 =	rddreg [dreg:$0x0]  }
0x2: {  	s3 =	rddreg [dreg:$0x1]  }
0x3: {  	s1 =	rddreg [dreg:$0x2]  }
0x4: {  	s2 =	simm.s32 $0x0;
	s5 =	srdreg.scid;
	s18 =	stileid.u32  }
0x5: {  	[smem:$0x7FF] =	sst s2;
	s7 =	smul.u32 $0x18C00, s18  }
0x6: {  	s4 =	sadd.s32 $0x1ED800, s0;
	s12 =	sadd.s32 $0x34800, s0;
	s9 =	smul.u32 $0x18700, s18  }
0x7: {  	s5 =	sand.u32 $0x1, s5;
	s13 =	sadd.s32 $0x3800, s0;
	s14 =	smul.u32 $0x620, s18  }
0x8: {  	s0 =	sadd.s32 $0x2B1800, s0;
	s20 =	sshll.u32 s18, $0x6;
	s17 =	smul.u32 $0x62000, s18  }
0x9: {  	s25 =	smul.u32 $0x30E0, s18;
	s18 =	simm.s32 $0x5;
	s6 =	ssub.s32 $0x2, s5  }
0xa: {  	_ =	strace $0x8000004D;
	s5 =	smul.u32 $0xC400, s5;
	s8 =	sshrl.u32 s6, $0x1  }
0xb: {  	s19 =	sshrl.u32 s7, $0x3;
	s7 =	sadd.s32 s7, s1;
	s21 =	sshrl.u32 s9, $0x3  }
0xc: {  	s23 =	sshrl.u32 s17, $0x2;
	s29 =	sadd.s32 s25, s13;
	s30 =	sadd.s32 s25, s12  }
0xd: {  	s25 =	simm.s32 $0x4;
	s15 =	ssub.s32 s6, s8;
	[dreg:$0x4] =	wrdreg s7  }
0xe: {  	s6 =	sadd.s32 s3, s19;
	s7 =	sor.u32 $0x1C05, s20;
	s8 =	sadd.s32 s12, s21  }
0xf: {  	s9 =	sadd.s32 s13, s21;
	s3 =	sor.u32 $0x10, s21;
	s16 =	sadd.s32 s14, s5  }
0x10: {  	s24 =	sadd.s32 $0x6200, s5;
	s26 =	sadd.s32 s23, s1;
	s17 =	sadd.s32 $0x20, s30  }
0x11: {  	s19 =	simm.s32 $0x80;
	s21 =	simm.s32 $0x2;
	s23 =	simm.s32 $0x1  }
0x12: {  	s10 =	sadd.s32 s12, s3;
	s11 =	sadd.s32 s13, s3;
	s22 =	sshll.u32 s16, $0x3  }
0x13: {  	s14 =	sadd.s32 s14, s24;
	[dreg:$0x6] =	wrdreg s26;
	s31 =	smax.u32 s15, $0x1  }
0x14: {  	s3 =	sadd.s32 s0, s22;
	s28 =	sshll.u32 s14, $0x3;
	[dreg:$0x8] =	wrdreg s31  }
0x15: {  	s16 =	sadd.s32 $0x20, s29;
	[dreg:$0x5] =	wrdreg s3;
	s0 =	sadd.s32 s0, s28  }
0x16: {  	v0 =	vmov s5;
	v1 =	vmov s24;
	s24 =	simm.s32 $0x3;
	s26 =	simm.s32 $0x0;
	[dreg:$0x7] =	wrdreg s0  }
.LBB2_1:
0x17: {  	s0 =	rddreg [dreg:$0x4]  }
0x18: {  	s28 =	sshrl.u32 s0, $0x3  }
0x19: {  	[spmem:s28], [sflag:s7] =	dma.local [hbm:s6], $0x3180  }
0x1a: {  	_ =	swait.ge [sflag:s18], $0x3180  }
0x1b: {  	[sflag:s18] =	ssyncset.done $0x0  }
0x1c: {  	[sflag:s18] =	ssyncadd.s32 $0xFFFFCE80  }
0x1d: {  	[bflag:$0x0] =	sbarrier.arrive $0xFFFF  }
0x1e: {  	[tilespmem:s2], [sflag:$0x1] =	stream.linear.gather [hbm4b:s8+s2], $0x80, $0x38;
	[tilespmem:$0x1F200] =	vst v63  }
0x1f: {  	s29 =	simm.s32 $0x200  }
0x20: {  	[tilespmem:s29], [sflag:$0x2] =	stream.linear.gather [hbm4b:s9+s2], $0x80, $0x38;
	[tilespmem:$0x1F200] =	vst v63  }
0x21: {  	_ = 	snop  }
0x22: {  	[tilespmem:s19], [sflag:$0x1] =	stream.linear.gather [hbm4b:s10+s2], $0x80, $0x38;
	[tilespmem:$0x1F200] =	vst v63  }
0x23: {  	s12 =	simm.s32 $0x280  }
0x24: {  	[tilespmem:s12], [sflag:$0x2] =	stream.linear.gather [hbm4b:s11+s2], $0x80, $0x38;
	[tilespmem:$0x1F200] =	vst v63  }
0x25: {  	_ =	swait.ge [sflag:s23], $0x80  }
0x26: {  	[sflag:s23] =	ssyncset.done $0x0  }
0x27: {  	[sflag:s23] =	ssyncadd.s32 $0xFFFFFF80  }
0x28: {  	_ =	swait.ge [sflag:s21], $0x80  }
0x29: {  	[sflag:s21] =	ssyncset.done $0x0  }
0x2a: {  	s13 =	simm.s32 $0x600;
	s14 =	simm.s32 $0x100;
	[sflag:s21] =	ssyncadd.s32 $0xFFFFFF80  }
0x2b: {  	[tilespmem:s13], [sflag:$0x3] =	stream.indirect.gather [hbm4b:s4+s19], $0x40, s2, s19, $0xb8;
	[tilespmem:$0x1F200] =	vst v63  }
0x2c: {  	s0 =	sand.u32 $0x180, s14  }
0x2d: {  	[tilespmem:s0], [sflag:$0x1] =	stream.linear.gather [hbm4b:s17+s2], $0x80, $0x38;
	[tilespmem:$0x1F200] =	vst v63  }
0x2e: {  	s0 =	sor.u32 $0x200, s0  }
0x2f: {  	[tilespmem:s0], [sflag:$0x2] =	stream.linear.gather [hbm4b:s16+s2], $0x80, $0x38;
	[tilespmem:$0x1F200] =	vst v63  }
0x30: {  	s15 =	smul.u32 $0xAAAB, s23;
	_ =	swait.ge [sflag:s23], $0x80  }
0x31: {  	[sflag:s23] =	ssyncset.done $0x0  }
0x32: {  	s0 =	sshrl.u32 s15, $0x11;
	[sflag:s23] =	ssyncadd.s32 $0xFFFFFF80  }
0x33: {  	s0 =	smul.u32 $0x3, s0;
	_ =	swait.ge [sflag:s21], $0x80  }
0x34: {  	p0 =	por $0x1, $0x1;
	[sflag:s21] =	ssyncset.done $0x0  }
0x35: {  	s3 =	simm.s32 @!p0 $0x4;
	s0 =	ssub.s32 $0x1, s0;
	[sflag:s21] =	ssyncadd.s32 $0xFFFFFF80  }
0x36: {  	s30 =	sand.u32 $0x180, s2;
	s0 =	sand.u32 $0xFFFF, s0;
	_ =	swait.ge @!p0 [sflag:s3], $0x2000  }
0x37: {  	s5 =	sand.u32 $0x600, s29;
	s0 =	sshll.u32 s0, $0xD;
	[sflag:s3] =	ssyncset.done @!p0 $0x0  }
0x38: {  	s20 =	sshrl.u32 s5, $0x2;
	s0 =	sor.u32 $0x600, s0;
	[sflag:s3] =	ssyncadd.s32 @!p0 $0xFFFFE000  }
0x39: {  	[tilespmem:s0], [sflag:$0x3] =	stream.indirect.gather [hbm4b:s4+s19], $0x40, s20, s19, $0xb8;
	[tilespmem:$0x1F200] =	vst v63  }
0x3a: {  	v3 =	vld [tilespmem:s30+$0x270]  }
0x3b: {  	v4 =	vld [tilespmem:s30+$0x260]  }
0x3c: {  	v6 =	vld [tilespmem:s30+$0x210]  }
0x3d: {  	v7 =	vld [tilespmem:s30+$0x200]  }
0x3e: {  	s22 =	simm.s32 $0x0  }
0x3f: {  	s0 =	smul.u32 $0xAAAB, s22  }
0x40: {  	v2 =	vld [tilespmem:s30+$0x220];
	v12 =	vsub.s32 v3, v0;
	v3 =	vand.u32 $0xFF, v3  }
0x41: {  	v5 =	vld [tilespmem:s30+$0x240];
	s0 =	sshrl.u32 s0, $0x11;
	v8 =	vsub.s32 v4, v0;
	v4 =	vand.u32 $0xFF, v4;
	v11 =	vand.u32 $0xFF, v6  }
0x42: {  	s0 =	smul.u32 $0x3, s0;
	v10 =	vand.u32 $0xFF, v7;
	vm0 =	vlt.u32 v12, $0x6200;
	vm1 =	vlt.u32 v8, $0x6200  }
0x43: {  	v9 =	vor.u32 $0x6200, v4;
	v4 =	vld [tilespmem:s30+$0x230];
	v14 =	vor.u32 $0x6200, v3;
	v11 =	vor.u32 $0x6200, v11  }
0x44: {  	s0 =	ssub.s32 $0x0, s0;
	v13 =	vsel vm1, v8, v9;
	v8 =	vsub.s32 v7, v0;
	v9 =	vor.u32 $0x6200, v10  }
0x45: {  	s31 =	simm.s32 $0x2;
	s5 =	simm.s32 $0x0;
	s0 =	sand.u32 $0xFFFF, s0;
	v7 =	vand.u32 $0xFF, v2;
	v10 =	vsub.s32 v6, v0;
	v12 =	vsel vm0, v12, v14;
	[tilespmem:s30+$0x460] =	vst v13  }
0x46: {  	s3 =	sadd.s32 $0x10, s17;
	v3 =	vld [tilespmem:s30+$0x250];
	s12 =	sshll.u32 s0, $0xD;
	s0 =	sadd.s32 $0x10, s16;
	v6 =	vsub.s32 v5, v0;
	vm0 =	vlt.u32 v8, $0x6200;
	vm1 =	vlt.u32 v10, $0x6200;
	[tilespmem:s30+$0x470] =	vst v12  }
.LBB2_2:
0x47: {  	s29 =	sadd.s32 $0x200, s29  }
0x48: {  	v10 =	vsel vm1, v10, v11;
	v11 =	vand.u32 $0xFF, v4;
	v5 =	vand.u32 $0xFF, v5;
	s5 =	sadd.s32 $0x80, s5;
	s13 =	smov.u32 s31;
	s31 =	sadd.s32 $0x1, s31  }
0x49: {  	v4 =	vsub.s32 v4, v0;
	p0 =	sne.s32 s31, $0x30F;
	[tilespmem:s30+$0x410] =	vst v10;
	v10 =	vor.u32 $0x6200, v11;
	v5 =	vor.u32 $0x6200, v5  }
0x4a: {  	v8 =	vsel vm0, v8, v9;
	v7 =	vor.u32 $0x6200, v7;
	vm0 =	vlt.u32 v4, $0x6200  }
0x4b: {  	v4 =	vsel vm0, v4, v10;
	[tilespmem:s30+$0x400] =	vst v8;
	v8 =	vsub.s32 v3, v0;
	v3 =	vand.u32 $0xFF, v3  }
0x4c: {  	v2 =	vsub.s32 v2, v0;
	[tilespmem:s30+$0x430] =	vst v4;
	vm0 =	vlt.u32 v8, $0x6200;
	v3 =	vor.u32 $0x6200, v3  }
0x4d: {  	vm2 =	vlt.u32 v6, $0x6200;
	vm1 =	vlt.u32 v2, $0x6200;
	v3 =	vsel vm0, v8, v3  }
0x4e: {  	v2 =	vsel vm1, v2, v7;
	v4 =	vsel vm2, v6, v5;
	[tilespmem:s30+$0x450] =	vst v3  }
0x4f: {  	[tilespmem:s30+$0x440] =	vst v4  }
0x50: {  	[tilespmem:s30+$0x420] =	vst v2  }
0x51: {  	_ =	swait.ge [sflag:s24], $0x2000  }
0x52: {  	s30 =	sor.u32 $0x400, s30;
	[sflag:s24] =	ssyncset.done $0x0  }
0x53: {  	s12 =	sor.u32 $0x600, s12;
	s20 =	sadd.s32 $0x100, s5;
	[sflag:s24] =	ssyncadd.s32 $0xFFFFE000  }
0x54: {  	[spmem:s1] =	stream.indirect.scatter.add.f32 [tilespmem:s12], [sflag:$0x4], $0x40, s30, s19, $0xb8;
	[tilespmem:$0x1F200] =	vst v63  }
0x55: {  	s12 =	sand.u32 $0x180, s20  }
0x56: {  	[tilespmem:s12], [sflag:$0x1] =	stream.linear.gather [hbm4b:s3+s2], $0x80, $0x38;
	[tilespmem:$0x1F200] =	vst v63  }
0x57: {  	s12 =	sor.u32 $0x200, s12  }
0x58: {  	[tilespmem:s12], [sflag:$0x2] =	stream.linear.gather [hbm4b:s0+s2], $0x80, $0x38;
	[tilespmem:$0x1F200] =	vst v63  }
0x59: {  	s12 =	smul.u32 $0xAAAB, s13;
	_ =	swait.ge [sflag:s23], $0x80  }
0x5a: {  	s30 =	sand.u32 $0x180, s5;
	[sflag:s23] =	ssyncset.done $0x0  }
0x5b: {  	s20 =	sand.u32 $0x600, s29;
	s12 =	sshrl.u32 s12, $0x11;
	[sflag:s23] =	ssyncadd.s32 $0xFFFFFF80  }
0x5c: {  	s14 =	sadd.s32 $0xFFFFFFFF, s13;
	s12 =	smul.u32 $0x3, s12;
	_ =	swait.ge [sflag:s21], $0x80  }
0x5d: {  	p1 =	slt.u32 s14, $0x2;
	s22 =	smul.u32 $0xAAAB, s14;
	[sflag:s21] =	ssyncset.done $0x0  }
0x5e: {  	s15 =	simm.s32 @!p1 $0x4;
	s12 =	ssub.s32 s13, s12;
	[sflag:s21] =	ssyncadd.s32 $0xFFFFFF80  }
0x5f: {  	s13 =	sshrl.u32 s22, $0x11;
	s12 =	sand.u32 $0xFFFF, s12;
	_ =	swait.ge @!p1 [sflag:s15], $0x2000  }
0x60: {  	s13 =	smul.u32 $0x3, s13;
	s12 =	sshll.u32 s12, $0xD;
	[sflag:s15] =	ssyncset.done @!p1 $0x0  }
0x61: {  	s12 =	sor.u32 $0x600, s12;
	[sflag:s15] =	ssyncadd.s32 @!p1 $0xFFFFE000;
	s15 =	sshrl.u32 s20, $0x2  }
0x62: {  	[tilespmem:s12], [sflag:$0x3] =	stream.indirect.gather [hbm4b:s4+s19], $0x40, s15, s19, $0xb8;
	[tilespmem:$0x1F200] =	vst v63  }
0x63: {  	s12 =	ssub.s32 s14, s13;
	v3 =	vld [tilespmem:s30+$0x270]  }
0x64: {  	s12 =	sand.u32 $0xFFFF, s12;
	v6 =	vld [tilespmem:s30+$0x260]  }
0x65: {  	s12 =	sshll.u32 s12, $0xD;
	v10 =	vld [tilespmem:s30+$0x210]  }
0x66: {  	v7 =	vld [tilespmem:s30+$0x200]  }
0x67: {  	v2 =	vld [tilespmem:s30+$0x220]  }
0x68: {  	v4 =	vld [tilespmem:s30+$0x230];
	v12 =	vsub.s32 v3, v0;
	v8 =	vand.u32 $0xFF, v3  }
0x69: {  	v5 =	vld [tilespmem:s30+$0x240];
	v9 =	vsub.s32 v6, v0;
	v6 =	vand.u32 $0xFF, v6;
	vm0 =	vlt.u32 v12, $0x6200  }
.Ltmp0:
0x6a: {  	v11 =	vand.u32 $0xFF, v10;
	v3 =	vld [tilespmem:s30+$0x250];
	vm1 =	vlt.u32 v9, $0x6200;
	v6 =	vor.u32 $0x6200, v6;
	(pc) =	sbr.rel @p0 .LBB2_2-.Ltmp0, $4  }
0x6b: {  	v14 =	vor.u32 $0x6200, v8;
	v13 =	vand.u32 $0xFF, v7;
	v6 =	vsel vm1, v9, v6  }
0x6c: {  	v8 =	vsub.s32 v7, v0;
	v9 =	vor.u32 $0x6200, v13;
	v7 =	vand.u32 $0xFF, v2;
	[tilespmem:s30+$0x460] =	vst v6  }
0x6d: {  	v10 =	vsub.s32 v10, v0;
	v12 =	vsel vm0, v12, v14;
	v11 =	vor.u32 $0x6200, v11  }
0x6e: {  	s3 =	sadd.s32 $0x10, s3;
	s0 =	sadd.s32 $0x10, s0;
	vm1 =	vlt.u32 v10, $0x6200;
	vm0 =	vlt.u32 v8, $0x6200;
	v6 =	vsub.s32 v5, v0;
	[tilespmem:s30+$0x470] =	vst v12  }
0x6f: {  	v10 =	vsel vm1, v10, v11  }
0x70: {  	v11 =	vand.u32 $0xFF, v4;
	v5 =	vand.u32 $0xFF, v5;
	v4 =	vsub.s32 v4, v0  }
0x71: {  	v8 =	vsel vm0, v8, v9;
	v9 =	vsub.s32 v3, v0;
	v3 =	vand.u32 $0xFF, v3  }
0x72: {  	v2 =	vsub.s32 v2, v0;
	v11 =	vor.u32 $0x6200, v11;
	[tilespmem:s30+$0x410] =	vst v10;
	vm0 =	vlt.u32 v4, $0x6200  }
0x73: {  	vm1 =	vlt.u32 v6, $0x6200;
	v5 =	vor.u32 $0x6200, v5;
	[tilespmem:s30+$0x400] =	vst v8;
	v4 =	vsel vm0, v4, v11  }
0x74: {  	v3 =	vor.u32 $0x6200, v3;
	vm0 =	vlt.u32 v9, $0x6200;
	v5 =	vsel vm1, v6, v5;
	[tilespmem:s30+$0x430] =	vst v4  }
0x75: {  	v3 =	vsel vm0, v9, v3;
	v4 =	vor.u32 $0x6200, v7;
	vm0 =	vlt.u32 v2, $0x6200;
	[tilespmem:s30+$0x440] =	vst v5  }
0x76: {  	[tilespmem:s30+$0x450] =	vst v3;
	v2 =	vsel vm0, v2, v4  }
0x77: {  	[tilespmem:s30+$0x420] =	vst v2  }
0x78: {  	_ =	swait.ge [sflag:s24], $0x2000  }
0x79: {  	[sflag:s24] =	ssyncset.done $0x0  }
0x7a: {  	s0 =	sor.u32 $0x400, s30;
	s3 =	sor.u32 $0x600, s12;
	[sflag:s24] =	ssyncadd.s32 $0xFFFFE000  }
0x7b: {  	[spmem:s1] =	stream.indirect.scatter.add.f32 [tilespmem:s3], [sflag:$0x4], $0x40, s0, s19, $0xb8;
	[tilespmem:$0x1F200] =	vst v63  }
0x7c: {  	_ =	swait.ge [sflag:s25], $0x2000  }
0x7d: {  	[sflag:s25] =	ssyncset.done $0x0  }
0x7e: {  	[sflag:s25] =	ssyncadd.s32 $0xFFFFE000  }
0x7f: {  	_ =	swait.ge [sflag:s25], $0x2000  }
0x80: {  	[sflag:s25] =	ssyncset.done $0x0  }
0x81: {  	[sflag:s25] =	ssyncadd.s32 $0xFFFFE000  }
0x82: {  	_ =	swait.ge [sflag:s24], $0x2000  }
0x83: {  	[sflag:s24] =	ssyncset.done $0x0  }
0x84: {  	s20 =	simm.s32 $0x1;
	[sflag:s24] =	ssyncadd.s32 $0xFFFFE000  }
0x85: {  	_ =	swait.ge [sflag:s20], $0x80  }
0x86: {  	[sflag:s20] =	ssyncset.done $0x0  }
0x87: {  	[sflag:s20] =	ssyncadd.s32 $0xFFFFFF80  }
0x88: {  	_ =	swait.ge [sflag:s21], $0x80  }
0x89: {  	[sflag:s21] =	ssyncset.done $0x0  }
0x8a: {  	[sflag:s21] =	ssyncadd.s32 $0xFFFFFF80  }
0x8b: {  	[bflag:$0x0] =	sbarrier.arrive $0xFFFF  }
0x8c: {  	s22 =	rddreg [dreg:$0x6]  }
0x8d: {  	s5 =	rddreg [dreg:$0x5];
	s29 =	sshrl.u32 s22, $0x3  }
0x8e: {  	[hbm:s5], [sflag:s7] =	dma.local [spmem:s29], $0x3100  }
0x8f: {  	_ =	swait.ge [sflag:s18], $0x3100  }
0x90: {  	[sflag:s18] =	ssyncset.done $0x0  }
0x91: {  	[sflag:s18] =	ssyncadd.s32 $0xFFFFCF00  }
0x92: {  	[bflag:$0x0] =	sbarrier.arrive $0xFFFF  }
0x93: {  	[spmem:s28], [sflag:s7] =	dma.local [hbm:s6], $0x3180  }
0x94: {  	_ =	swait.ge [sflag:s18], $0x3180  }
0x95: {  	[sflag:s18] =	ssyncset.done $0x0  }
0x96: {  	[sflag:s18] =	ssyncadd.s32 $0xFFFFCE80  }
0x97: {  	s28 =	simm.s32 $0x0;
	[bflag:$0x0] =	sbarrier.arrive $0xFFFF  }
0x98: {  	[tilespmem:s28], [sflag:$0x1] =	stream.linear.gather [hbm4b:s8+s28], $0x80, $0x38;
	[tilespmem:$0x1F200] =	vst v63  }
0x99: {  	s30 =	simm.s32 $0x200  }
0x9a: {  	[tilespmem:s30], [sflag:$0x2] =	stream.linear.gather [hbm4b:s9+s28], $0x80, $0x38;
	[tilespmem:$0x1F200] =	vst v63  }
0x9b: {  	_ = 	snop  }
0x9c: {  	[tilespmem:s19], [sflag:$0x1] =	stream.linear.gather [hbm4b:s10+s28], $0x80, $0x38;
	[tilespmem:$0x1F200] =	vst v63  }
0x9d: {  	s12 =	simm.s32 $0x280  }
0x9e: {  	[tilespmem:s12], [sflag:$0x2] =	stream.linear.gather [hbm4b:s11+s28], $0x80, $0x38;
	[tilespmem:$0x1F200] =	vst v63  }
0x9f: {  	_ =	swait.ge [sflag:s20], $0x80  }
0xa0: {  	[sflag:s20] =	ssyncset.done $0x0  }
0xa1: {  	[sflag:s20] =	ssyncadd.s32 $0xFFFFFF80  }
0xa2: {  	_ =	swait.ge [sflag:s21], $0x80  }
0xa3: {  	[sflag:s21] =	ssyncset.done $0x0  }
0xa4: {  	s13 =	simm.s32 $0x600;
	s14 =	simm.s32 $0x100;
	[sflag:s21] =	ssyncadd.s32 $0xFFFFFF80  }
0xa5: {  	[tilespmem:s13], [sflag:$0x3] =	stream.indirect.gather [hbm4b:s4+s19], $0x40, s28, s19, $0xb8;
	[tilespmem:$0x1F200] =	vst v63  }
0xa6: {  	s3 =	sand.u32 $0x180, s14  }
0xa7: {  	[tilespmem:s3], [sflag:$0x1] =	stream.linear.gather [hbm4b:s17+s2], $0x80, $0x38;
	[tilespmem:$0x1F200] =	vst v63  }
0xa8: {  	s0 =	smul.u32 $0xAAAB, s20;
	s3 =	sor.u32 $0x200, s3  }
0xa9: {  	[tilespmem:s3], [sflag:$0x2] =	stream.linear.gather [hbm4b:s16+s2], $0x80, $0x38;
	[tilespmem:$0x1F200] =	vst v63  }
0xaa: {  	_ =	swait.ge [sflag:s23], $0x80  }
0xab: {  	s0 =	sshrl.u32 s0, $0x11;
	[sflag:s23] =	ssyncset.done $0x0  }
0xac: {  	s0 =	smul.u32 $0x3, s0;
	[sflag:s23] =	ssyncadd.s32 $0xFFFFFF80  }
0xad: {  	_ =	swait.ge [sflag:s21], $0x80  }
0xae: {  	p0 =	por $0x1, $0x1;
	s0 =	ssub.s32 $0x1, s0;
	[sflag:s21] =	ssyncset.done $0x0  }
0xaf: {  	s0 =	sand.u32 $0xFFFF, s0;
	s3 =	simm.s32 @!p0 $0x4;
	[sflag:s21] =	ssyncadd.s32 $0xFFFFFF80  }
0xb0: {  	s0 =	sshll.u32 s0, $0xD;
	_ =	swait.ge @!p0 [sflag:s3], $0x2000  }
0xb1: {  	s0 =	sor.u32 $0x600, s0;
	s5 =	sand.u32 $0x600, s30;
	[sflag:s3] =	ssyncset.done @!p0 $0x0  }
0xb2: {  	s15 =	sshrl.u32 s5, $0x2;
	s31 =	sand.u32 $0x180, s28;
	[sflag:s3] =	ssyncadd.s32 @!p0 $0xFFFFE000  }
0xb3: {  	[tilespmem:s0], [sflag:$0x3] =	stream.indirect.gather [hbm4b:s4+s19], $0x40, s15, s19, $0xb8;
	[tilespmem:$0x1F200] =	vst v63  }
0xb4: {  	v3 =	vld [tilespmem:s31+$0x270]  }
0xb5: {  	v4 =	vld [tilespmem:s31+$0x260]  }
0xb6: {  	v6 =	vld [tilespmem:s31+$0x210]  }
0xb7: {  	v7 =	vld [tilespmem:s31+$0x200]  }
0xb8: {  	s20 =	simm.s32 $0x0  }
0xb9: {  	s0 =	smul.u32 $0xAAAB, s20  }
0xba: {  	v2 =	vld [tilespmem:s31+$0x220];
	v12 =	vsub.s32 v3, v1;
	v3 =	vand.u32 $0xFF, v3  }
0xbb: {  	v5 =	vld [tilespmem:s31+$0x240];
	s0 =	sshrl.u32 s0, $0x11;
	v8 =	vsub.s32 v4, v1;
	v4 =	vand.u32 $0xFF, v4;
	v11 =	vand.u32 $0xFF, v6  }
0xbc: {  	s0 =	smul.u32 $0x3, s0;
	v10 =	vand.u32 $0xFF, v7;
	vm0 =	vlt.u32 v12, $0x6200;
	vm1 =	vlt.u32 v8, $0x6200  }
0xbd: {  	v9 =	vor.u32 $0x6200, v4;
	v4 =	vld [tilespmem:s31+$0x230];
	v14 =	vor.u32 $0x6200, v3;
	v11 =	vor.u32 $0x6200, v11  }
0xbe: {  	s22 =	ssub.s32 $0x0, s0;
	v13 =	vsel vm1, v8, v9;
	v8 =	vsub.s32 v7, v1;
	v9 =	vor.u32 $0x6200, v10  }
0xbf: {  	s5 =	sadd.s32 $0x10, s17;
	s3 =	sand.u32 $0xFFFF, s22;
	v7 =	vand.u32 $0xFF, v2;
	v10 =	vsub.s32 v6, v1;
	v12 =	vsel vm0, v12, v14;
	[tilespmem:s31+$0x460] =	vst v13  }
0xc0: {  	s0 =	simm.s32 $0x2;
	v3 =	vld [tilespmem:s31+$0x250];
	s12 =	sshll.u32 s3, $0xD;
	s3 =	sadd.s32 $0x10, s16;
	v6 =	vsub.s32 v5, v1;
	vm0 =	vlt.u32 v8, $0x6200;
	vm1 =	vlt.u32 v10, $0x6200;
	[tilespmem:s31+$0x470] =	vst v12  }
.LBB2_4:
0xc1: {  	s30 =	sadd.s32 $0x200, s30  }
0xc2: {  	v10 =	vsel vm1, v10, v11;
	v11 =	vand.u32 $0xFF, v4;
	v5 =	vand.u32 $0xFF, v5;
	s28 =	sadd.s32 $0x80, s28;
	s13 =	smov.u32 s0;
	s0 =	sadd.s32 $0x1, s0  }
0xc3: {  	v4 =	vsub.s32 v4, v1;
	p0 =	sne.s32 s0, $0x30F;
	[tilespmem:s31+$0x410] =	vst v10;
	v10 =	vor.u32 $0x6200, v11;
	v5 =	vor.u32 $0x6200, v5  }
0xc4: {  	v8 =	vsel vm0, v8, v9;
	v7 =	vor.u32 $0x6200, v7;
	vm0 =	vlt.u32 v4, $0x6200  }
0xc5: {  	v4 =	vsel vm0, v4, v10;
	[tilespmem:s31+$0x400] =	vst v8;
	v8 =	vsub.s32 v3, v1;
	v3 =	vand.u32 $0xFF, v3  }
0xc6: {  	v2 =	vsub.s32 v2, v1;
	[tilespmem:s31+$0x430] =	vst v4;
	vm0 =	vlt.u32 v8, $0x6200;
	v3 =	vor.u32 $0x6200, v3  }
0xc7: {  	vm2 =	vlt.u32 v6, $0x6200;
	vm1 =	vlt.u32 v2, $0x6200;
	v3 =	vsel vm0, v8, v3  }
0xc8: {  	v2 =	vsel vm1, v2, v7;
	v4 =	vsel vm2, v6, v5;
	[tilespmem:s31+$0x450] =	vst v3  }
0xc9: {  	[tilespmem:s31+$0x440] =	vst v4  }
0xca: {  	[tilespmem:s31+$0x420] =	vst v2  }
0xcb: {  	_ =	swait.ge [sflag:s24], $0x2000  }
0xcc: {  	s14 =	sor.u32 $0x400, s31;
	[sflag:s24] =	ssyncset.done $0x0  }
0xcd: {  	s12 =	sor.u32 $0x600, s12;
	s15 =	sadd.s32 $0x100, s28;
	[sflag:s24] =	ssyncadd.s32 $0xFFFFE000  }
0xce: {  	[spmem:s1] =	stream.indirect.scatter.add.f32 [tilespmem:s12], [sflag:$0x4], $0x40, s14, s19, $0xb8;
	[tilespmem:$0x1F200] =	vst v63  }
0xcf: {  	s12 =	sand.u32 $0x180, s15  }
0xd0: {  	[tilespmem:s12], [sflag:$0x1] =	stream.linear.gather [hbm4b:s5+s2], $0x80, $0x38;
	[tilespmem:$0x1F200] =	vst v63  }
0xd1: {  	s12 =	sor.u32 $0x200, s12  }
0xd2: {  	[tilespmem:s12], [sflag:$0x2] =	stream.linear.gather [hbm4b:s3+s2], $0x80, $0x38;
	[tilespmem:$0x1F200] =	vst v63  }
0xd3: {  	s12 =	smul.u32 $0xAAAB, s13;
	_ =	swait.ge [sflag:s23], $0x80  }
0xd4: {  	s31 =	sand.u32 $0x180, s28;
	[sflag:s23] =	ssyncset.done $0x0  }
0xd5: {  	s14 =	sand.u32 $0x600, s30;
	s12 =	sshrl.u32 s12, $0x11;
	[sflag:s23] =	ssyncadd.s32 $0xFFFFFF80  }
0xd6: {  	s15 =	sadd.s32 $0xFFFFFFFF, s13;
	s12 =	smul.u32 $0x3, s12;
	_ =	swait.ge [sflag:s21], $0x80  }
0xd7: {  	p1 =	slt.u32 s15, $0x2;
	s20 =	smul.u32 $0xAAAB, s15;
	[sflag:s21] =	ssyncset.done $0x0  }
0xd8: {  	s22 =	simm.s32 @!p1 $0x4;
	s12 =	ssub.s32 s13, s12;
	[sflag:s21] =	ssyncadd.s32 $0xFFFFFF80  }
0xd9: {  	s13 =	sshrl.u32 s20, $0x11;
	s12 =	sand.u32 $0xFFFF, s12;
	_ =	swait.ge @!p1 [sflag:s22], $0x2000  }
0xda: {  	s13 =	smul.u32 $0x3, s13;
	s12 =	sshll.u32 s12, $0xD;
	[sflag:s22] =	ssyncset.done @!p1 $0x0  }
0xdb: {  	s14 =	sshrl.u32 s14, $0x2;
	s12 =	sor.u32 $0x600, s12;
	[sflag:s22] =	ssyncadd.s32 @!p1 $0xFFFFE000  }
0xdc: {  	[tilespmem:s12], [sflag:$0x3] =	stream.indirect.gather [hbm4b:s4+s19], $0x40, s14, s19, $0xb8;
	[tilespmem:$0x1F200] =	vst v63  }
0xdd: {  	s12 =	ssub.s32 s15, s13;
	v3 =	vld [tilespmem:s31+$0x270]  }
0xde: {  	s12 =	sand.u32 $0xFFFF, s12;
	v6 =	vld [tilespmem:s31+$0x260]  }
0xdf: {  	s12 =	sshll.u32 s12, $0xD;
	v10 =	vld [tilespmem:s31+$0x210]  }
0xe0: {  	v7 =	vld [tilespmem:s31+$0x200]  }
0xe1: {  	v2 =	vld [tilespmem:s31+$0x220]  }
0xe2: {  	v4 =	vld [tilespmem:s31+$0x230];
	v12 =	vsub.s32 v3, v1;
	v8 =	vand.u32 $0xFF, v3  }
0xe3: {  	v5 =	vld [tilespmem:s31+$0x240];
	v9 =	vsub.s32 v6, v1;
	v6 =	vand.u32 $0xFF, v6;
	vm0 =	vlt.u32 v12, $0x6200  }
.Ltmp1:
0xe4: {  	v11 =	vand.u32 $0xFF, v10;
	v3 =	vld [tilespmem:s31+$0x250];
	vm1 =	vlt.u32 v9, $0x6200;
	v6 =	vor.u32 $0x6200, v6;
	(pc) =	sbr.rel @p0 .LBB2_4-.Ltmp1, $4  }
0xe5: {  	v14 =	vor.u32 $0x6200, v8;
	v13 =	vand.u32 $0xFF, v7;
	v6 =	vsel vm1, v9, v6  }
0xe6: {  	v8 =	vsub.s32 v7, v1;
	v9 =	vor.u32 $0x6200, v13;
	v7 =	vand.u32 $0xFF, v2;
	[tilespmem:s31+$0x460] =	vst v6  }
0xe7: {  	v10 =	vsub.s32 v10, v1;
	v12 =	vsel vm0, v12, v14;
	v11 =	vor.u32 $0x6200, v11  }
0xe8: {  	s5 =	sadd.s32 $0x10, s5;
	s3 =	sadd.s32 $0x10, s3;
	vm1 =	vlt.u32 v10, $0x6200;
	vm0 =	vlt.u32 v8, $0x6200;
	v6 =	vsub.s32 v5, v1;
	[tilespmem:s31+$0x470] =	vst v12  }
0xe9: {  	v10 =	vsel vm1, v10, v11  }
0xea: {  	v60 =	vand.u32 $0xFF, v4;
	v5 =	vand.u32 $0xFF, v5;
	v61 =	vsub.s32 v4, v1  }
0xeb: {  	v8 =	vsel vm0, v8, v9;
	v62 =	vsub.s32 v3, v1;
	v3 =	vand.u32 $0xFF, v3  }
0xec: {  	v2 =	vsub.s32 v2, v1;
	v11 =	vor.u32 $0x6200, v60;
	[tilespmem:s31+$0x410] =	vst v10;
	vm12 =	vlt.u32 v61, $0x6200  }
0xed: {  	[tilespmem:s31+$0x400] =	vst v8;
	vm13 =	vlt.u32 v62, $0x6200;
	v3 =	vor.u32 $0x6200, v3;
	v4 =	vsel vm12, v61, v11  }
0xee: {  	vm14 =	vlt.u32 v6, $0x6200;
	v5 =	vor.u32 $0x6200, v5;
	v3 =	vsel vm13, v62, v3;
	[tilespmem:s31+$0x430] =	vst v4  }
0xef: {  	v63 =	vor.u32 $0x6200, v7;
	vm15 =	vlt.u32 v2, $0x6200;
	v5 =	vsel vm14, v6, v5;
	[tilespmem:s31+$0x450] =	vst v3  }
0xf0: {  	v2 =	vsel vm15, v2, v63;
	[tilespmem:s31+$0x440] =	vst v5  }
0xf1: {  	[tilespmem:s31+$0x420] =	vst v2  }
0xf2: {  	_ =	swait.ge [sflag:s24], $0x2000  }
0xf3: {  	[sflag:s24] =	ssyncset.done $0x0  }
0xf4: {  	s0 =	sor.u32 $0x400, s31;
	s3 =	sor.u32 $0x600, s12;
	[sflag:s24] =	ssyncadd.s32 $0xFFFFE000  }
0xf5: {  	[spmem:s1] =	stream.indirect.scatter.add.f32 [tilespmem:s3], [sflag:$0x4], $0x40, s0, s19, $0xb8;
	[tilespmem:$0x1F200] =	vst v63  }
0xf6: {  	_ =	swait.ge [sflag:s25], $0x2000  }
0xf7: {  	[sflag:s25] =	ssyncset.done $0x0  }
0xf8: {  	[sflag:s25] =	ssyncadd.s32 $0xFFFFE000  }
0xf9: {  	_ =	swait.ge [sflag:s25], $0x2000  }
0xfa: {  	[sflag:s25] =	ssyncset.done $0x0  }
0xfb: {  	[sflag:s25] =	ssyncadd.s32 $0xFFFFE000  }
0xfc: {  	_ =	swait.ge [sflag:s24], $0x2000  }
0xfd: {  	[sflag:s24] =	ssyncset.done $0x0  }
0xfe: {  	[sflag:s24] =	ssyncadd.s32 $0xFFFFE000  }
0xff: {  	_ =	swait.ge [sflag:s23], $0x80  }
0x100: {  	[sflag:s23] =	ssyncset.done $0x0  }
0x101: {  	[sflag:s23] =	ssyncadd.s32 $0xFFFFFF80  }
0x102: {  	_ =	swait.ge [sflag:s21], $0x80  }
0x103: {  	[sflag:s21] =	ssyncset.done $0x0  }
0x104: {  	[sflag:s21] =	ssyncadd.s32 $0xFFFFFF80  }
0x105: {  	[bflag:$0x0] =	sbarrier.arrive $0xFFFF  }
0x106: {  	s30 =	rddreg [dreg:$0x7]  }
0x107: {  	[hbm:s30], [sflag:s7] =	dma.local [spmem:s29], $0x3100  }
0x108: {  	_ =	swait.ge [sflag:s18], $0x3100  }
0x109: {  	s26 =	sadd.s32 $0x1, s26;
	s31 =	rddreg [dreg:$0x8]  }
0x10a: {  	p0 =	sne.s32 s26, s31  }
.Ltmp2:
0x10b: {  	_ = 	snop;
	(pc) =	sbr.rel @p0 .LBB2_1-.Ltmp2, $3  }
0x10c: {  	[sflag:s18] =	ssyncset.done $0x0  }
0x10d: {  	[sflag:s18] =	ssyncadd.s32 $0xFFFFCF00  }
0x10e: {  	[bflag:$0x0] =	sbarrier.arrive $0xFFFF;
	_ =	sdelay $0x1  }
0x10f: {  	_ =	sfence.sel $0x180000  }
0x110: {  	[bflag:$0x0] =	sbarrier.arrive $0xFFFF  }
0x111: {  	_ =	strace $0x9000004D  }
0x112: {  	s0 =	stileid.u32;
	[bflag:$0x2] =	sbarrier.arrive $0xFFFF  }
0x113: {  	p0 =	sne.s32 s0, $0x0;
	s0 =	rddreg [dreg:$0x3]  }
0x114: {  	s0 =	sadd.s32 @!p0 $0x100000, s0  }
0x115: {  	[sflag:s0] =	ssyncadd.tile.s32 @!p0 $0x1;
	_ =	shalt  }
.Lfunc_end2:
_tile_overlayer_lowered:
.L_overlay_start_2:
0x116: {  	(tag) =	ssettag $0x2  }
0x117: {  	s0 =	rddreg [dreg:$0x0];
	s2 =	stileid.u32  }
0x118: {  	s1 =	rddreg [dreg:$0x1];
	p0 =	sne.s32 s2, $0x0  }
0x119: {  	s3 =	rddreg [dreg:$0x2];
	[bflag:$0x3] =	sbarrier.arrive $0xFFFF;
	s2 =	simm.s32 @!p0 $0x1C05  }
0x11a: {  	[timem:s3], [sflag:s2] =	dma.local @!p0 [hbm:s0], s1  }
0x11b: {  	s0 =	simm.s32 @!p0 $0x5  }
0x11c: {  	_ =	swait.ge @!p0 [sflag:s0], s1  }
0x11d: {  	s1 =	ssub.s32 @!p0 $0x0, s1;
	[sflag:s0] =	ssyncset.done @!p0 $0x0  }
0x11e: {  	[sflag:s0] =	ssyncadd.s32 @!p0 s1  }
0x11f: {  	[bflag:$0x3] =	sbarrier.arrive $0xFFFF  }
0x120: {  	_ =	shalt  }

// kernel: kernel.19.cloned.1.call-start
scs
__scs_entry_jumppad:
0x0: {  	(pc) =	sbr.rel $0x88, $3  }
0x1: {  	(tag) =	ssettag $0x0;
	lr =	simm.s32 $0x1  }
0x2: {  	[smem:$0x3F8F] =	sst lr;
	_ =	strace $0xD0000000  }
0x3: {  	_ = 	snop  }
0x4: {  	_ = 	snop  }
0x5: {  	_ = 	snop  }
0x6: {  	_ = 	snop  }
0x7: {  	_ = 	snop  }
__scs_overlays_trampoline_lowered:
0x8: {  	[smem:$0x3F9E] =	sst s0  }
0x9: {  	[smem:$0x3F9F] =	sst s1  }
0xa: {  	[smem:$0x3FA0] =	sst s2  }
0xb: {  	[smem:$0x3FA1] =	sst s3  }
0xc: {  	[smem:$0x3FA2] =	sst s4  }
0xd: {  	[smem:$0x3FA3] =	sst s5  }
0xe: {  	[smem:$0x3FA4] =	sst s6  }
0xf: {  	[smem:$0x3FA5] =	sst s7  }
0x10: {  	[smem:$0x3FA6] =	sst s8  }
0x11: {  	[smem:$0x3FA7] =	sst s9;
	s0 =	simm.s32 @!p0 $0x0  }
0x12: {  	s1 =	sld [smem:$0x3F8D];
	s0 =	simm.s32 @p0 $0x1  }
0x13: {  	[smem:$0x3FA8] =	sst s0;
	s0 =	simm.s32 @!p1 $0x0  }
0x14: {  	s2 =	sld [smem:$0x3F8C];
	s0 =	simm.s32 @p1 $0x1  }
0x15: {  	[smem:$0x3FA9] =	sst s0;
	s0 =	simm.s32 @!p2 $0x0  }
0x16: {  	s3 =	sld [smem:$0x3FDB];
	s0 =	simm.s32 @p2 $0x1  }
0x17: {  	s4 =	simm.s32 $0x1BF5;
	[smem:$0x3FAB] =	sst s0  }
0x18: {  	s0 =	sld [smem:$0x3F8E];
	_ =	swait.ge [sflag:s4], $0x0  }
0x19: {  	s7 =	sld [smem:$0x3F8F]  }
0x1a: {  	s8 =	sadd.s32 $0xFFFFE003, lr  }
0x1b: {  	s9 =	sadd.s32 $0xFFFFFEF7, lr;
	s5 =	simm.s32 $0xFFFFFFFF;
	p2 =	slt.u32 s8, $0xFFFFF086  }
0x1c: {  	p1 =	slt.u32 s9, $0xF7A;
	s5 =	simm.s32 @!p2 $0x0  }
0x1d: {  	s5 =	simm.s32 @p1 $0x1;
	p0 =	seq.s32 s7, s2  }
0x1e: {  	s7 =	smul.u32 @!p0 $0xF7A, s2;
	p2 =	seq.s32 @!p0 s5, $0x0  }
0x1f: {  	s9 =	smul.u32 $0xF7A, s1;
	s8 =	simm.s32 @!p0 $0x1BF5;
	p2 =	por !p2, p0  }
0x20: {  	[sflag:s8] =	ssyncset.s32 @!p0 $0xFFFFF086;
	s6 =	sadd.s32 @!p0 s3, s7;
	s7 =	simm.s32 @!p0 $0x108  }
0x21: {  	s3 =	sadd.s32 s3, s9;
	s6 =	sadd.s32 @!p0 $0x88, s6;
	s7 =	simm.s32 @p2 $0x1082  }
0x22: {  	[simem:s7], [sflag:s8] =	dma.local @!p0 [hbm:s6], $0xF7A  }
0x23: {  	s9 =	sor.u32 $0xD0000000, s2;
	s6 =	simm.s32 $0x108;
	_ =	swait.ge @!p0 [sflag:s8], $0x0  }
0x24: {  	s3 =	sadd.s32 $0x88, s3;
	s6 =	simm.s32 @!p1 $0x1082;
	[sflag:s4] =	ssyncset.s32 $0xFFFFF086  }
0x25: {  	[simem:s6], [sflag:s4] =	dma.local [hbm:s3], $0xF7A  }
0x26: {  	[smem:$0x3F8F] =	sst s1;
	(tag) =	ssettag s2;
	_ =	strace s9  }
0x27: {  	s1 =	sld [smem:$0x3F9F]  }
0x28: {  	s2 =	sld [smem:$0x3FA0]  }
0x29: {  	s4 =	sld [smem:$0x3FA2]  }
0x2a: {  	p0 =	seq.s32 s5, $0x0;
	s5 =	sld [smem:$0x3FA3]  }
0x2b: {  	s6 =	sld [smem:$0x3FA4]  }
0x2c: {  	s7 =	sld [smem:$0x3FA5]  }
0x2d: {  	s3 =	simm.s32 $0x108;
	s8 =	sld [smem:$0x3FA6]  }
0x2e: {  	s3 =	simm.s32 @!p0 $0x1082;
	s9 =	sld [smem:$0x3FA7]  }
0x2f: {  	lr =	sadd.s32 s0, s3;
	s0 =	sld [smem:$0x3F9E]  }
0x30: {  	s3 =	sld [smem:$0x3FA1]  }
0x31: {  	[smem:$0x3FAA] =	sst s10  }
0x32: {  	s10 =	sld [smem:$0x3FA8];
	_ =	sdelay $0x3  }
0x33: {  	p0 =	seq.s32 s10, $0x1;
	s10 =	sld [smem:$0x3FAA];
	_ =	sdelay $0x3  }
0x34: {  	[smem:$0x3FAA] =	sst s10  }
0x35: {  	s10 =	sld [smem:$0x3FA9];
	_ =	sdelay $0x3  }
0x36: {  	p1 =	seq.s32 s10, $0x1;
	s10 =	sld [smem:$0x3FAA];
	_ =	sdelay $0x3  }
0x37: {  	[smem:$0x3FAA] =	sst s10  }
0x38: {  	s10 =	sld [smem:$0x3FAB]  }
0x39: {  	_ = 	snop;
	(pc) =	sbr.ind lr, $3  }
0x3a: {  	_ = 	snop  }
0x3b: {  	_ = 	snop  }
0x3c: {  	p2 =	seq.s32 s10, $0x1;
	s10 =	sld [smem:$0x3FAA]  }
0x3d: {  	_ =	shalt  }
0x3e: {  	_ =	shalt  }
0x3f: {  	_ =	shalt  }
0x40: {  	_ =	shalt  }
0x41: {  	_ =	shalt  }
0x42: {  	_ =	shalt  }
0x43: {  	_ =	shalt  }
0x44: {  	_ =	shalt  }
0x45: {  	_ =	shalt  }
0x46: {  	_ =	shalt  }
0x47: {  	_ =	shalt  }
0x48: {  	_ =	shalt  }
0x49: {  	_ =	shalt  }
0x4a: {  	_ =	shalt  }
0x4b: {  	_ =	shalt  }
0x4c: {  	_ =	shalt  }
0x4d: {  	_ =	shalt  }
0x4e: {  	_ =	shalt  }
0x4f: {  	_ =	shalt  }
0x50: {  	_ =	shalt  }
0x51: {  	_ =	shalt  }
0x52: {  	_ =	shalt  }
0x53: {  	_ =	shalt  }
0x54: {  	_ =	shalt  }
0x55: {  	_ =	shalt  }
0x56: {  	_ =	shalt  }
0x57: {  	_ =	shalt  }
0x58: {  	_ =	shalt  }
0x59: {  	_ =	shalt  }
0x5a: {  	_ =	shalt  }
0x5b: {  	_ =	shalt  }
0x5c: {  	_ =	shalt  }
0x5d: {  	_ =	shalt  }
0x5e: {  	_ =	shalt  }
0x5f: {  	_ =	shalt  }
0x60: {  	_ =	shalt  }
0x61: {  	_ =	shalt  }
0x62: {  	_ =	shalt  }
0x63: {  	_ =	shalt  }
0x64: {  	_ =	shalt  }
0x65: {  	_ =	shalt  }
0x66: {  	_ =	shalt  }
0x67: {  	_ =	shalt  }
0x68: {  	_ =	shalt  }
0x69: {  	_ =	shalt  }
0x6a: {  	_ =	shalt  }
0x6b: {  	_ =	shalt  }
0x6c: {  	_ =	shalt  }
0x6d: {  	_ =	shalt  }
0x6e: {  	_ =	shalt  }
0x6f: {  	_ =	shalt  }
0x70: {  	_ =	shalt  }
0x71: {  	_ =	shalt  }
0x72: {  	_ =	shalt  }
0x73: {  	_ =	shalt  }
0x74: {  	_ =	shalt  }
0x75: {  	_ =	shalt  }
0x76: {  	_ =	shalt  }
0x77: {  	_ =	shalt  }
0x78: {  	_ =	shalt  }
0x79: {  	_ =	shalt  }
0x7a: {  	_ =	shalt  }
0x7b: {  	_ =	shalt  }
0x7c: {  	_ =	shalt  }
0x7d: {  	_ =	shalt  }
0x7e: {  	_ =	shalt  }
0x7f: {  	_ =	shalt  }
0x80: {  	_ =	shalt  }
0x81: {  	_ =	shalt  }
0x82: {  	_ =	shalt  }
0x83: {  	_ =	shalt  }
0x84: {  	_ =	shalt  }
0x85: {  	_ =	shalt  }
0x86: {  	_ =	shalt  }
0x87: {  	_ =	shalt  }
.Lfunc_end0:
.L_simem_size_0:
called_computation.3_lowered:
.L_overlay_start_0:
0x88: {  	s2 =	sld [smem:$0x3FD9]  }
0x89: {  	s3 =	sld [smem:$0x3FFE];
	_ =	sdelay $0x1  }
0x8a: {  	s1 =	srdreg.scid  }
0x8b: {  	s0 =	sand.u32 $0x1, s1  }
0x8c: {  	s14 =	sshll.u32 s0, $0xA;
	s2 =	sadd.s32 s3, s2  }
0x8d: {  	s2 =	sadd.s32 s2, s14  }
0x8e: {  	[smem:$0x3FB6] =	sst s2  }
0x8f: {  	_ = 	snop  }
0x90: {  	s2 =	sld [smem:$0x3FD0];
	_ =	sdelay $0x2  }
0x91: {  	s15 =	simm.s32 $0xA;
	s4 =	simm.s32 $0x10  }
0x92: {  	[smem:s4], [sflag:s15] =	dma.local [hbm:s2], $0x1  }
0x93: {  	_ =	swait.eq [sflag:s15], $0x1  }
0x94: {  	[sflag:s15] =	ssyncset.done $0x0  }
0x95: {  	[sflag:s15] =	ssyncadd.s32 $0xFFFFFFFF  }
0x96: {  	s16 =	sld [smem:$0x10];
	(tm) =	ssettm $0x1  }
0x97: {  	s17 =	sld [smem:$0x3FFB];
	_ =	sdelay $0x3  }
0x98: {  	_ =	strace s17  }
0x99: {  	s3 =	sld [smem:$0x3FFC];
	_ =	sdelay $0x3  }
0x9a: {  	_ =	strace s3  }
0x9b: {  	s3 =	sld [smem:$0x3FFD];
	_ =	sdelay $0x3  }
0x9c: {  	_ =	strace s3  }
0x9d: {  	_ =	strace $0x8FFFFFFF  }
0x9e: {  	s18 =	sld [smem:$0x3FDB];
	_ =	sdelay $0x1  }
0x9f: {  	s19 =	simm.s32 $_scs_section_size  }
0xa0: {  	s5 =	simm.s32 $_size__tile_overlayer_lowered;
	s6 =	simm.s32 $_tile_overlayer_lowered  }
0xa1: {  	s22 =	simm.s32 $0x1BFF;
	s21 =	sshll.u32 s6, $0x1;
	s3 =	sadd.s32 s19, s18  }
0xa2: {  	s7 =	simm.s32 $0x0;
	s20 =	sshll.u32 s5, $0x1;
	s5 =	sadd.s32 s21, s3  }
0xa3: {  	[timem:s7], [sflag:s22] =	dma.local [hbm:s5], s20  }
0xa4: {  	_ =	swait.ge [sflag:s22], s20  }
0xa5: {  	s4 =	ssub.s32 $0x0, s20;
	[sflag:s22] =	ssyncset.done $0x0  }
0xa6: {  	[sflag:s22] =	ssyncadd.s32 s4;
	_ =	sdelay $0x1  }
0xa7: {  	s23 =	simm.s32 $0x1B8B  }
0xa8: {  	_ =	swait.ge [sflag:s23], $0x1  }
0xa9: {  	[sflag:s23] =	ssyncset.done $0x0  }
0xaa: {  	s25 =	simm.s32 $0x1B8E;
	s24 =	sld [smem:$0x3FFE];
	[sflag:s23] =	ssyncadd.s32 $0xFFFFFFFF  }
0xab: {  	s26 =	simm.s32 $execute0_lowered;
	[smem:$0x3FD2] =	sst s25  }
0xac: {  	s5 =	sshll.u32 s26, $0x1;
	_ =	strace $0x8000004F;
	[dreg:$0x1] =	wrdreg $0xFFFFFFFF  }
0xad: {  	s28 =	simm.s32 $_size_execute0_lowered;
	s3 =	sadd.s32 s3, s5;
	[dreg:$0x0] =	wrdreg $0x0  }
0xae: {  	s5 =	sshll.u32 s28, $0x1;
	[dreg:$0x2] =	wrdreg s3  }
0xaf: {  	[dreg:$0x3] =	wrdreg s5  }
0xb0: {  	[dreg:$0x4] =	wrdreg $0xC0  }
0xb1: {  	_ =	task [dreg:s7], $0x5FFFF  }
0xb2: {  	[dreg:$0x1] =	wrdreg $0xFFFFFFFF  }
0xb3: {  	[dreg:$0x0] =	wrdreg $0x60  }
0xb4: {  	[dreg:$0x2] =	wrdreg s24  }
0xb5: {  	[dreg:$0x3] =	wrdreg s16  }
0xb6: {  	[dreg:$0x4] =	wrdreg $0x66000  }
0xb7: {  	[dreg:$0x5] =	wrdreg $0x9  }
0xb8: {  	_ =	task.clear_ibuf [dreg:s7], $0x6FFFF;
	_ =	strace $0x9000004F  }
0xb9: {  	s29 =	simm.s32 $0x9;
	_ =	strace $0x80000051  }
0xba: {  	_ =	swait.ge [sflag:s29], $0x1  }
0xbb: {  	[sflag:s29] =	ssyncadd.s32 $0xFFFFFFFF  }
0xbc: {  	_ =	strace $0x90000051  }
0xbd: {  	_ =	sfence  }
0xbe: {  	s30 =	sld [smem:$0x0];
	_ =	sdelay $0x2  }
0xbf: {  	s31 =	sshll.u32 s1, $0xD;
	s1 =	sshrl.u32 s1, $0x2  }
0xc0: {  	s3 =	sand.u32 $0x4000, s31;
	s1 =	sadd.s32 s1, s30  }
0xc1: {  	s0 =	sor.u32 s3, s0;
	s1 =	sshll.u32 s1, $0x11  }
0xc2: {  	s0 =	sor.u32 s1, s0  }
0xc3: {  	s0 =	sadd.s32 $0x8F2B, s0  }
0xc4: {  	[sflag:s0] =	ssyncadd.remote.s32 $0x1  }
0xc5: {  	_ =	sfence.sel $0xFFFF  }
0xc6: {  	[dreg:$0x0] =	wrdreg $0xFFFFFFFF;
	(pc) =	sbr.abs _section_cstart, $3  }
0xc7: {  	[dreg:$0x1] =	wrdreg $0xFFFFFFFF  }
0xc8: {  	_ =	task.clear_ibuf [dreg:s7], $0x2FFFF;
	_ =	strace $0x9FFFFFFF  }
0xc9: {  	(tm) =	ssettm $0x7FFFFFFF  }
tec
execute0_lowered:
.L_overlay_start_1:
0x0: {  	(tag) =	ssettag $0x1  }
0x1: {  	s0 =	rddreg [dreg:$0x0]  }
0x2: {  	s3 =	rddreg [dreg:$0x1]  }
0x3: {  	s1 =	rddreg [dreg:$0x2]  }
0x4: {  	s2 =	simm.s32 $0x0;
	s5 =	srdreg.scid;
	s18 =	stileid.u32  }
0x5: {  	[smem:$0x7FF] =	sst s2;
	s7 =	smul.u32 $0x18C00, s18  }
0x6: {  	s4 =	sadd.s32 $0x80D800, s0;
	s12 =	sadd.s32 $0x34800, s0;
	s9 =	smul.u32 $0x18700, s18  }
0x7: {  	s5 =	sand.u32 $0x1, s5;
	s13 =	sadd.s32 $0x3800, s0;
	s14 =	smul.u32 $0x620, s18  }
0x8: {  	s0 =	sadd.s32 $0x65800, s0;
	s20 =	sshll.u32 s18, $0x6;
	s17 =	smul.u32 $0x62000, s18  }
0x9: {  	s25 =	smul.u32 $0x30E0, s18;
	s18 =	simm.s32 $0x5;
	s6 =	ssub.s32 $0x2, s5  }
0xa: {  	_ =	strace $0x80000050;
	s5 =	smul.u32 $0xC400, s5;
	s8 =	sshrl.u32 s6, $0x1  }
0xb: {  	s19 =	sshrl.u32 s7, $0x3;
	s7 =	sadd.s32 s7, s1;
	s21 =	sshrl.u32 s9, $0x3  }
0xc: {  	s23 =	sshrl.u32 s17, $0x2;
	s29 =	sadd.s32 s25, s13;
	s30 =	sadd.s32 s25, s12  }
0xd: {  	s25 =	simm.s32 $0x4;
	s15 =	ssub.s32 s6, s8;
	[dreg:$0x4] =	wrdreg s7  }
0xe: {  	s6 =	sadd.s32 s3, s19;
	s7 =	sor.u32 $0x1C05, s20;
	s8 =	sadd.s32 s12, s21  }
0xf: {  	s9 =	sadd.s32 s13, s21;
	s3 =	sor.u32 $0x10, s21;
	s16 =	sadd.s32 s14, s5  }
0x10: {  	s24 =	sadd.s32 $0x6200, s5;
	s26 =	sadd.s32 s23, s1;
	s17 =	sadd.s32 $0x20, s30  }
0x11: {  	s19 =	simm.s32 $0x80;
	s21 =	simm.s32 $0x2;
	s23 =	simm.s32 $0x1  }
0x12: {  	s10 =	sadd.s32 s12, s3;
	s11 =	sadd.s32 s13, s3;
	s22 =	sshll.u32 s16, $0x3  }
0x13: {  	s14 =	sadd.s32 s14, s24;
	[dreg:$0x6] =	wrdreg s26;
	s31 =	smax.u32 s15, $0x1  }
0x14: {  	s3 =	sadd.s32 s0, s22;
	s28 =	sshll.u32 s14, $0x3;
	[dreg:$0x8] =	wrdreg s31  }
0x15: {  	s16 =	sadd.s32 $0x20, s29;
	[dreg:$0x5] =	wrdreg s3;
	s0 =	sadd.s32 s0, s28  }
0x16: {  	v0 =	vmov s5;
	v1 =	vmov s24;
	s24 =	simm.s32 $0x3;
	s26 =	simm.s32 $0x0;
	[dreg:$0x7] =	wrdreg s0  }
.LBB2_1:
0x17: {  	s0 =	rddreg [dreg:$0x4]  }
0x18: {  	s28 =	sshrl.u32 s0, $0x3  }
0x19: {  	[spmem:s28], [sflag:s7] =	dma.local [hbm:s6], $0x3180  }
0x1a: {  	_ =	swait.ge [sflag:s18], $0x3180  }
0x1b: {  	[sflag:s18] =	ssyncset.done $0x0  }
0x1c: {  	[sflag:s18] =	ssyncadd.s32 $0xFFFFCE80  }
0x1d: {  	[bflag:$0x0] =	sbarrier.arrive $0xFFFF  }
0x1e: {  	[tilespmem:s2], [sflag:$0x1] =	stream.linear.gather [hbm4b:s8+s2], $0x80, $0x38;
	[tilespmem:$0x1F200] =	vst v63  }
0x1f: {  	s29 =	simm.s32 $0x200  }
0x20: {  	[tilespmem:s29], [sflag:$0x2] =	stream.linear.gather [hbm4b:s9+s2], $0x80, $0x38;
	[tilespmem:$0x1F200] =	vst v63  }
0x21: {  	_ = 	snop  }
0x22: {  	[tilespmem:s19], [sflag:$0x1] =	stream.linear.gather [hbm4b:s10+s2], $0x80, $0x38;
	[tilespmem:$0x1F200] =	vst v63  }
0x23: {  	s12 =	simm.s32 $0x280  }
0x24: {  	[tilespmem:s12], [sflag:$0x2] =	stream.linear.gather [hbm4b:s11+s2], $0x80, $0x38;
	[tilespmem:$0x1F200] =	vst v63  }
0x25: {  	_ =	swait.ge [sflag:s23], $0x80  }
0x26: {  	[sflag:s23] =	ssyncset.done $0x0  }
0x27: {  	[sflag:s23] =	ssyncadd.s32 $0xFFFFFF80  }
0x28: {  	_ =	swait.ge [sflag:s21], $0x80  }
0x29: {  	[sflag:s21] =	ssyncset.done $0x0  }
0x2a: {  	s13 =	simm.s32 $0x600;
	s14 =	simm.s32 $0x100;
	[sflag:s21] =	ssyncadd.s32 $0xFFFFFF80  }
0x2b: {  	[tilespmem:s13], [sflag:$0x3] =	stream.indirect.gather [hbm4b:s4+s19], $0x40, s2, s19, $0xb8;
	[tilespmem:$0x1F200] =	vst v63  }
0x2c: {  	s0 =	sand.u32 $0x180, s14  }
0x2d: {  	[tilespmem:s0], [sflag:$0x1] =	stream.linear.gather [hbm4b:s17+s2], $0x80, $0x38;
	[tilespmem:$0x1F200] =	vst v63  }
0x2e: {  	s0 =	sor.u32 $0x200, s0  }
0x2f: {  	[tilespmem:s0], [sflag:$0x2] =	stream.linear.gather [hbm4b:s16+s2], $0x80, $0x38;
	[tilespmem:$0x1F200] =	vst v63  }
0x30: {  	s15 =	smul.u32 $0xAAAB, s23;
	_ =	swait.ge [sflag:s23], $0x80  }
0x31: {  	[sflag:s23] =	ssyncset.done $0x0  }
0x32: {  	s0 =	sshrl.u32 s15, $0x11;
	[sflag:s23] =	ssyncadd.s32 $0xFFFFFF80  }
0x33: {  	s0 =	smul.u32 $0x3, s0;
	_ =	swait.ge [sflag:s21], $0x80  }
0x34: {  	p0 =	por $0x1, $0x1;
	[sflag:s21] =	ssyncset.done $0x0  }
0x35: {  	s3 =	simm.s32 @!p0 $0x4;
	s0 =	ssub.s32 $0x1, s0;
	[sflag:s21] =	ssyncadd.s32 $0xFFFFFF80  }
0x36: {  	s30 =	sand.u32 $0x180, s2;
	s0 =	sand.u32 $0xFFFF, s0;
	_ =	swait.ge @!p0 [sflag:s3], $0x2000  }
0x37: {  	s5 =	sand.u32 $0x600, s29;
	s0 =	sshll.u32 s0, $0xD;
	[sflag:s3] =	ssyncset.done @!p0 $0x0  }
0x38: {  	s20 =	sshrl.u32 s5, $0x2;
	s0 =	sor.u32 $0x600, s0;
	[sflag:s3] =	ssyncadd.s32 @!p0 $0xFFFFE000  }
0x39: {  	[tilespmem:s0], [sflag:$0x3] =	stream.indirect.gather [hbm4b:s4+s19], $0x40, s20, s19, $0xb8;
	[tilespmem:$0x1F200] =	vst v63  }
0x3a: {  	v3 =	vld [tilespmem:s30+$0x270]  }
0x3b: {  	v4 =	vld [tilespmem:s30+$0x260]  }
0x3c: {  	v6 =	vld [tilespmem:s30+$0x210]  }
0x3d: {  	v7 =	vld [tilespmem:s30+$0x200]  }
0x3e: {  	s22 =	simm.s32 $0x0  }
0x3f: {  	s0 =	smul.u32 $0xAAAB, s22  }
0x40: {  	v2 =	vld [tilespmem:s30+$0x220];
	v12 =	vsub.s32 v3, v0;
	v3 =	vand.u32 $0xFF, v3  }
0x41: {  	v5 =	vld [tilespmem:s30+$0x240];
	s0 =	sshrl.u32 s0, $0x11;
	v8 =	vsub.s32 v4, v0;
	v4 =	vand.u32 $0xFF, v4;
	v11 =	vand.u32 $0xFF, v6  }
0x42: {  	s0 =	smul.u32 $0x3, s0;
	v10 =	vand.u32 $0xFF, v7;
	vm0 =	vlt.u32 v12, $0x6200;
	vm1 =	vlt.u32 v8, $0x6200  }
0x43: {  	v9 =	vor.u32 $0x6200, v4;
	v4 =	vld [tilespmem:s30+$0x230];
	v14 =	vor.u32 $0x6200, v3;
	v11 =	vor.u32 $0x6200, v11  }
0x44: {  	s0 =	ssub.s32 $0x0, s0;
	v13 =	vsel vm1, v8, v9;
	v8 =	vsub.s32 v7, v0;
	v9 =	vor.u32 $0x6200, v10  }
0x45: {  	s31 =	simm.s32 $0x2;
	s5 =	simm.s32 $0x0;
	s0 =	sand.u32 $0xFFFF, s0;
	v7 =	vand.u32 $0xFF, v2;
	v10 =	vsub.s32 v6, v0;
	v12 =	vsel vm0, v12, v14;
	[tilespmem:s30+$0x460] =	vst v13  }
0x46: {  	s3 =	sadd.s32 $0x10, s17;
	v3 =	vld [tilespmem:s30+$0x250];
	s12 =	sshll.u32 s0, $0xD;
	s0 =	sadd.s32 $0x10, s16;
	v6 =	vsub.s32 v5, v0;
	vm0 =	vlt.u32 v8, $0x6200;
	vm1 =	vlt.u32 v10, $0x6200;
	[tilespmem:s30+$0x470] =	vst v12  }
.LBB2_2:
0x47: {  	s29 =	sadd.s32 $0x200, s29  }
0x48: {  	v10 =	vsel vm1, v10, v11;
	v11 =	vand.u32 $0xFF, v4;
	v5 =	vand.u32 $0xFF, v5;
	s5 =	sadd.s32 $0x80, s5;
	s13 =	smov.u32 s31;
	s31 =	sadd.s32 $0x1, s31  }
0x49: {  	v4 =	vsub.s32 v4, v0;
	p0 =	sne.s32 s31, $0x30F;
	[tilespmem:s30+$0x410] =	vst v10;
	v10 =	vor.u32 $0x6200, v11;
	v5 =	vor.u32 $0x6200, v5  }
0x4a: {  	v8 =	vsel vm0, v8, v9;
	v7 =	vor.u32 $0x6200, v7;
	vm0 =	vlt.u32 v4, $0x6200  }
0x4b: {  	v4 =	vsel vm0, v4, v10;
	[tilespmem:s30+$0x400] =	vst v8;
	v8 =	vsub.s32 v3, v0;
	v3 =	vand.u32 $0xFF, v3  }
0x4c: {  	v2 =	vsub.s32 v2, v0;
	[tilespmem:s30+$0x430] =	vst v4;
	vm0 =	vlt.u32 v8, $0x6200;
	v3 =	vor.u32 $0x6200, v3  }
0x4d: {  	vm2 =	vlt.u32 v6, $0x6200;
	vm1 =	vlt.u32 v2, $0x6200;
	v3 =	vsel vm0, v8, v3  }
0x4e: {  	v2 =	vsel vm1, v2, v7;
	v4 =	vsel vm2, v6, v5;
	[tilespmem:s30+$0x450] =	vst v3  }
0x4f: {  	[tilespmem:s30+$0x440] =	vst v4  }
0x50: {  	[tilespmem:s30+$0x420] =	vst v2  }
0x51: {  	_ =	swait.ge [sflag:s24], $0x2000  }
0x52: {  	s30 =	sor.u32 $0x400, s30;
	[sflag:s24] =	ssyncset.done $0x0  }
0x53: {  	s12 =	sor.u32 $0x600, s12;
	s20 =	sadd.s32 $0x100, s5;
	[sflag:s24] =	ssyncadd.s32 $0xFFFFE000  }
0x54: {  	[spmem:s1] =	stream.indirect.scatter.add.f32 [tilespmem:s12], [sflag:$0x4], $0x40, s30, s19, $0xb8;
	[tilespmem:$0x1F200] =	vst v63  }
0x55: {  	s12 =	sand.u32 $0x180, s20  }
0x56: {  	[tilespmem:s12], [sflag:$0x1] =	stream.linear.gather [hbm4b:s3+s2], $0x80, $0x38;
	[tilespmem:$0x1F200] =	vst v63  }
0x57: {  	s12 =	sor.u32 $0x200, s12  }
0x58: {  	[tilespmem:s12], [sflag:$0x2] =	stream.linear.gather [hbm4b:s0+s2], $0x80, $0x38;
	[tilespmem:$0x1F200] =	vst v63  }
0x59: {  	s12 =	smul.u32 $0xAAAB, s13;
	_ =	swait.ge [sflag:s23], $0x80  }
0x5a: {  	s30 =	sand.u32 $0x180, s5;
	[sflag:s23] =	ssyncset.done $0x0  }
0x5b: {  	s20 =	sand.u32 $0x600, s29;
	s12 =	sshrl.u32 s12, $0x11;
	[sflag:s23] =	ssyncadd.s32 $0xFFFFFF80  }
0x5c: {  	s14 =	sadd.s32 $0xFFFFFFFF, s13;
	s12 =	smul.u32 $0x3, s12;
	_ =	swait.ge [sflag:s21], $0x80  }
0x5d: {  	p1 =	slt.u32 s14, $0x2;
	s22 =	smul.u32 $0xAAAB, s14;
	[sflag:s21] =	ssyncset.done $0x0  }
0x5e: {  	s15 =	simm.s32 @!p1 $0x4;
	s12 =	ssub.s32 s13, s12;
	[sflag:s21] =	ssyncadd.s32 $0xFFFFFF80  }
0x5f: {  	s13 =	sshrl.u32 s22, $0x11;
	s12 =	sand.u32 $0xFFFF, s12;
	_ =	swait.ge @!p1 [sflag:s15], $0x2000  }
0x60: {  	s13 =	smul.u32 $0x3, s13;
	s12 =	sshll.u32 s12, $0xD;
	[sflag:s15] =	ssyncset.done @!p1 $0x0  }
0x61: {  	s12 =	sor.u32 $0x600, s12;
	[sflag:s15] =	ssyncadd.s32 @!p1 $0xFFFFE000;
	s15 =	sshrl.u32 s20, $0x2  }
0x62: {  	[tilespmem:s12], [sflag:$0x3] =	stream.indirect.gather [hbm4b:s4+s19], $0x40, s15, s19, $0xb8;
	[tilespmem:$0x1F200] =	vst v63  }
0x63: {  	s12 =	ssub.s32 s14, s13;
	v3 =	vld [tilespmem:s30+$0x270]  }
0x64: {  	s12 =	sand.u32 $0xFFFF, s12;
	v6 =	vld [tilespmem:s30+$0x260]  }
0x65: {  	s12 =	sshll.u32 s12, $0xD;
	v10 =	vld [tilespmem:s30+$0x210]  }
0x66: {  	v7 =	vld [tilespmem:s30+$0x200]  }
0x67: {  	v2 =	vld [tilespmem:s30+$0x220]  }
0x68: {  	v4 =	vld [tilespmem:s30+$0x230];
	v12 =	vsub.s32 v3, v0;
	v8 =	vand.u32 $0xFF, v3  }
0x69: {  	v5 =	vld [tilespmem:s30+$0x240];
	v9 =	vsub.s32 v6, v0;
	v6 =	vand.u32 $0xFF, v6;
	vm0 =	vlt.u32 v12, $0x6200  }
.Ltmp0:
0x6a: {  	v11 =	vand.u32 $0xFF, v10;
	v3 =	vld [tilespmem:s30+$0x250];
	vm1 =	vlt.u32 v9, $0x6200;
	v6 =	vor.u32 $0x6200, v6;
	(pc) =	sbr.rel @p0 .LBB2_2-.Ltmp0, $4  }
0x6b: {  	v14 =	vor.u32 $0x6200, v8;
	v13 =	vand.u32 $0xFF, v7;
	v6 =	vsel vm1, v9, v6  }
0x6c: {  	v8 =	vsub.s32 v7, v0;
	v9 =	vor.u32 $0x6200, v13;
	v7 =	vand.u32 $0xFF, v2;
	[tilespmem:s30+$0x460] =	vst v6  }
0x6d: {  	v10 =	vsub.s32 v10, v0;
	v12 =	vsel vm0, v12, v14;
	v11 =	vor.u32 $0x6200, v11  }
0x6e: {  	s3 =	sadd.s32 $0x10, s3;
	s0 =	sadd.s32 $0x10, s0;
	vm1 =	vlt.u32 v10, $0x6200;
	vm0 =	vlt.u32 v8, $0x6200;
	v6 =	vsub.s32 v5, v0;
	[tilespmem:s30+$0x470] =	vst v12  }
0x6f: {  	v10 =	vsel vm1, v10, v11  }
0x70: {  	v11 =	vand.u32 $0xFF, v4;
	v5 =	vand.u32 $0xFF, v5;
	v4 =	vsub.s32 v4, v0  }
0x71: {  	v8 =	vsel vm0, v8, v9;
	v9 =	vsub.s32 v3, v0;
	v3 =	vand.u32 $0xFF, v3  }
0x72: {  	v2 =	vsub.s32 v2, v0;
	v11 =	vor.u32 $0x6200, v11;
	[tilespmem:s30+$0x410] =	vst v10;
	vm0 =	vlt.u32 v4, $0x6200  }
0x73: {  	vm1 =	vlt.u32 v6, $0x6200;
	v5 =	vor.u32 $0x6200, v5;
	[tilespmem:s30+$0x400] =	vst v8;
	v4 =	vsel vm0, v4, v11  }
0x74: {  	v3 =	vor.u32 $0x6200, v3;
	vm0 =	vlt.u32 v9, $0x6200;
	v5 =	vsel vm1, v6, v5;
	[tilespmem:s30+$0x430] =	vst v4  }
0x75: {  	v3 =	vsel vm0, v9, v3;
	v4 =	vor.u32 $0x6200, v7;
	vm0 =	vlt.u32 v2, $0x6200;
	[tilespmem:s30+$0x440] =	vst v5  }
0x76: {  	[tilespmem:s30+$0x450] =	vst v3;
	v2 =	vsel vm0, v2, v4  }
0x77: {  	[tilespmem:s30+$0x420] =	vst v2  }
0x78: {  	_ =	swait.ge [sflag:s24], $0x2000  }
0x79: {  	[sflag:s24] =	ssyncset.done $0x0  }
0x7a: {  	s0 =	sor.u32 $0x400, s30;
	s3 =	sor.u32 $0x600, s12;
	[sflag:s24] =	ssyncadd.s32 $0xFFFFE000  }
0x7b: {  	[spmem:s1] =	stream.indirect.scatter.add.f32 [tilespmem:s3], [sflag:$0x4], $0x40, s0, s19, $0xb8;
	[tilespmem:$0x1F200] =	vst v63  }
0x7c: {  	_ =	swait.ge [sflag:s25], $0x2000  }
0x7d: {  	[sflag:s25] =	ssyncset.done $0x0  }
0x7e: {  	[sflag:s25] =	ssyncadd.s32 $0xFFFFE000  }
0x7f: {  	_ =	swait.ge [sflag:s25], $0x2000  }
0x80: {  	[sflag:s25] =	ssyncset.done $0x0  }
0x81: {  	[sflag:s25] =	ssyncadd.s32 $0xFFFFE000  }
0x82: {  	_ =	swait.ge [sflag:s24], $0x2000  }
0x83: {  	[sflag:s24] =	ssyncset.done $0x0  }
0x84: {  	s20 =	simm.s32 $0x1;
	[sflag:s24] =	ssyncadd.s32 $0xFFFFE000  }
0x85: {  	_ =	swait.ge [sflag:s20], $0x80  }
0x86: {  	[sflag:s20] =	ssyncset.done $0x0  }
0x87: {  	[sflag:s20] =	ssyncadd.s32 $0xFFFFFF80  }
0x88: {  	_ =	swait.ge [sflag:s21], $0x80  }
0x89: {  	[sflag:s21] =	ssyncset.done $0x0  }
0x8a: {  	[sflag:s21] =	ssyncadd.s32 $0xFFFFFF80  }
0x8b: {  	[bflag:$0x0] =	sbarrier.arrive $0xFFFF  }
0x8c: {  	s22 =	rddreg [dreg:$0x6]  }
0x8d: {  	s5 =	rddreg [dreg:$0x5];
	s29 =	sshrl.u32 s22, $0x3  }
0x8e: {  	[hbm:s5], [sflag:s7] =	dma.local [spmem:s29], $0x3100  }
0x8f: {  	_ =	swait.ge [sflag:s18], $0x3100  }
0x90: {  	[sflag:s18] =	ssyncset.done $0x0  }
0x91: {  	[sflag:s18] =	ssyncadd.s32 $0xFFFFCF00  }
0x92: {  	[bflag:$0x0] =	sbarrier.arrive $0xFFFF  }
0x93: {  	[spmem:s28], [sflag:s7] =	dma.local [hbm:s6], $0x3180  }
0x94: {  	_ =	swait.ge [sflag:s18], $0x3180  }
0x95: {  	[sflag:s18] =	ssyncset.done $0x0  }
0x96: {  	[sflag:s18] =	ssyncadd.s32 $0xFFFFCE80  }
0x97: {  	s28 =	simm.s32 $0x0;
	[bflag:$0x0] =	sbarrier.arrive $0xFFFF  }
0x98: {  	[tilespmem:s28], [sflag:$0x1] =	stream.linear.gather [hbm4b:s8+s28], $0x80, $0x38;
	[tilespmem:$0x1F200] =	vst v63  }
0x99: {  	s30 =	simm.s32 $0x200  }
0x9a: {  	[tilespmem:s30], [sflag:$0x2] =	stream.linear.gather [hbm4b:s9+s28], $0x80, $0x38;
	[tilespmem:$0x1F200] =	vst v63  }
0x9b: {  	_ = 	snop  }
0x9c: {  	[tilespmem:s19], [sflag:$0x1] =	stream.linear.gather [hbm4b:s10+s28], $0x80, $0x38;
	[tilespmem:$0x1F200] =	vst v63  }
0x9d: {  	s12 =	simm.s32 $0x280  }
0x9e: {  	[tilespmem:s12], [sflag:$0x2] =	stream.linear.gather [hbm4b:s11+s28], $0x80, $0x38;
	[tilespmem:$0x1F200] =	vst v63  }
0x9f: {  	_ =	swait.ge [sflag:s20], $0x80  }
0xa0: {  	[sflag:s20] =	ssyncset.done $0x0  }
0xa1: {  	[sflag:s20] =	ssyncadd.s32 $0xFFFFFF80  }
0xa2: {  	_ =	swait.ge [sflag:s21], $0x80  }
0xa3: {  	[sflag:s21] =	ssyncset.done $0x0  }
0xa4: {  	s13 =	simm.s32 $0x600;
	s14 =	simm.s32 $0x100;
	[sflag:s21] =	ssyncadd.s32 $0xFFFFFF80  }
0xa5: {  	[tilespmem:s13], [sflag:$0x3] =	stream.indirect.gather [hbm4b:s4+s19], $0x40, s28, s19, $0xb8;
	[tilespmem:$0x1F200] =	vst v63  }
0xa6: {  	s3 =	sand.u32 $0x180, s14  }
0xa7: {  	[tilespmem:s3], [sflag:$0x1] =	stream.linear.gather [hbm4b:s17+s2], $0x80, $0x38;
	[tilespmem:$0x1F200] =	vst v63  }
0xa8: {  	s0 =	smul.u32 $0xAAAB, s20;
	s3 =	sor.u32 $0x200, s3  }
0xa9: {  	[tilespmem:s3], [sflag:$0x2] =	stream.linear.gather [hbm4b:s16+s2], $0x80, $0x38;
	[tilespmem:$0x1F200] =	vst v63  }
0xaa: {  	_ =	swait.ge [sflag:s23], $0x80  }
0xab: {  	s0 =	sshrl.u32 s0, $0x11;
	[sflag:s23] =	ssyncset.done $0x0  }
0xac: {  	s0 =	smul.u32 $0x3, s0;
	[sflag:s23] =	ssyncadd.s32 $0xFFFFFF80  }
0xad: {  	_ =	swait.ge [sflag:s21], $0x80  }
0xae: {  	p0 =	por $0x1, $0x1;
	s0 =	ssub.s32 $0x1, s0;
	[sflag:s21] =	ssyncset.done $0x0  }
0xaf: {  	s0 =	sand.u32 $0xFFFF, s0;
	s3 =	simm.s32 @!p0 $0x4;
	[sflag:s21] =	ssyncadd.s32 $0xFFFFFF80  }
0xb0: {  	s0 =	sshll.u32 s0, $0xD;
	_ =	swait.ge @!p0 [sflag:s3], $0x2000  }
0xb1: {  	s0 =	sor.u32 $0x600, s0;
	s5 =	sand.u32 $0x600, s30;
	[sflag:s3] =	ssyncset.done @!p0 $0x0  }
0xb2: {  	s15 =	sshrl.u32 s5, $0x2;
	s31 =	sand.u32 $0x180, s28;
	[sflag:s3] =	ssyncadd.s32 @!p0 $0xFFFFE000  }
0xb3: {  	[tilespmem:s0], [sflag:$0x3] =	stream.indirect.gather [hbm4b:s4+s19], $0x40, s15, s19, $0xb8;
	[tilespmem:$0x1F200] =	vst v63  }
0xb4: {  	v3 =	vld [tilespmem:s31+$0x270]  }
0xb5: {  	v4 =	vld [tilespmem:s31+$0x260]  }
0xb6: {  	v6 =	vld [tilespmem:s31+$0x210]  }
0xb7: {  	v7 =	vld [tilespmem:s31+$0x200]  }
0xb8: {  	s20 =	simm.s32 $0x0  }
0xb9: {  	s0 =	smul.u32 $0xAAAB, s20  }
0xba: {  	v2 =	vld [tilespmem:s31+$0x220];
	v12 =	vsub.s32 v3, v1;
	v3 =	vand.u32 $0xFF, v3  }
0xbb: {  	v5 =	vld [tilespmem:s31+$0x240];
	s0 =	sshrl.u32 s0, $0x11;
	v8 =	vsub.s32 v4, v1;
	v4 =	vand.u32 $0xFF, v4;
	v11 =	vand.u32 $0xFF, v6  }
0xbc: {  	s0 =	smul.u32 $0x3, s0;
	v10 =	vand.u32 $0xFF, v7;
	vm0 =	vlt.u32 v12, $0x6200;
	vm1 =	vlt.u32 v8, $0x6200  }
0xbd: {  	v9 =	vor.u32 $0x6200, v4;
	v4 =	vld [tilespmem:s31+$0x230];
	v14 =	vor.u32 $0x6200, v3;
	v11 =	vor.u32 $0x6200, v11  }
0xbe: {  	s22 =	ssub.s32 $0x0, s0;
	v13 =	vsel vm1, v8, v9;
	v8 =	vsub.s32 v7, v1;
	v9 =	vor.u32 $0x6200, v10  }
0xbf: {  	s5 =	sadd.s32 $0x10, s17;
	s3 =	sand.u32 $0xFFFF, s22;
	v7 =	vand.u32 $0xFF, v2;
	v10 =	vsub.s32 v6, v1;
	v12 =	vsel vm0, v12, v14;
	[tilespmem:s31+$0x460] =	vst v13  }
0xc0: {  	s0 =	simm.s32 $0x2;
	v3 =	vld [tilespmem:s31+$0x250];
	s12 =	sshll.u32 s3, $0xD;
	s3 =	sadd.s32 $0x10, s16;
	v6 =	vsub.s32 v5, v1;
	vm0 =	vlt.u32 v8, $0x6200;
	vm1 =	vlt.u32 v10, $0x6200;
	[tilespmem:s31+$0x470] =	vst v12  }
.LBB2_4:
0xc1: {  	s30 =	sadd.s32 $0x200, s30  }
0xc2: {  	v10 =	vsel vm1, v10, v11;
	v11 =	vand.u32 $0xFF, v4;
	v5 =	vand.u32 $0xFF, v5;
	s28 =	sadd.s32 $0x80, s28;
	s13 =	smov.u32 s0;
	s0 =	sadd.s32 $0x1, s0  }
0xc3: {  	v4 =	vsub.s32 v4, v1;
	p0 =	sne.s32 s0, $0x30F;
	[tilespmem:s31+$0x410] =	vst v10;
	v10 =	vor.u32 $0x6200, v11;
	v5 =	vor.u32 $0x6200, v5  }
0xc4: {  	v8 =	vsel vm0, v8, v9;
	v7 =	vor.u32 $0x6200, v7;
	vm0 =	vlt.u32 v4, $0x6200  }
0xc5: {  	v4 =	vsel vm0, v4, v10;
	[tilespmem:s31+$0x400] =	vst v8;
	v8 =	vsub.s32 v3, v1;
	v3 =	vand.u32 $0xFF, v3  }
0xc6: {  	v2 =	vsub.s32 v2, v1;
	[tilespmem:s31+$0x430] =	vst v4;
	vm0 =	vlt.u32 v8, $0x6200;
	v3 =	vor.u32 $0x6200, v3  }
0xc7: {  	vm2 =	vlt.u32 v6, $0x6200;
	vm1 =	vlt.u32 v2, $0x6200;
	v3 =	vsel vm0, v8, v3  }
0xc8: {  	v2 =	vsel vm1, v2, v7;
	v4 =	vsel vm2, v6, v5;
	[tilespmem:s31+$0x450] =	vst v3  }
0xc9: {  	[tilespmem:s31+$0x440] =	vst v4  }
0xca: {  	[tilespmem:s31+$0x420] =	vst v2  }
0xcb: {  	_ =	swait.ge [sflag:s24], $0x2000  }
0xcc: {  	s14 =	sor.u32 $0x400, s31;
	[sflag:s24] =	ssyncset.done $0x0  }
0xcd: {  	s12 =	sor.u32 $0x600, s12;
	s15 =	sadd.s32 $0x100, s28;
	[sflag:s24] =	ssyncadd.s32 $0xFFFFE000  }
0xce: {  	[spmem:s1] =	stream.indirect.scatter.add.f32 [tilespmem:s12], [sflag:$0x4], $0x40, s14, s19, $0xb8;
	[tilespmem:$0x1F200] =	vst v63  }
0xcf: {  	s12 =	sand.u32 $0x180, s15  }
0xd0: {  	[tilespmem:s12], [sflag:$0x1] =	stream.linear.gather [hbm4b:s5+s2], $0x80, $0x38;
	[tilespmem:$0x1F200] =	vst v63  }
0xd1: {  	s12 =	sor.u32 $0x200, s12  }
0xd2: {  	[tilespmem:s12], [sflag:$0x2] =	stream.linear.gather [hbm4b:s3+s2], $0x80, $0x38;
	[tilespmem:$0x1F200] =	vst v63  }
0xd3: {  	s12 =	smul.u32 $0xAAAB, s13;
	_ =	swait.ge [sflag:s23], $0x80  }
0xd4: {  	s31 =	sand.u32 $0x180, s28;
	[sflag:s23] =	ssyncset.done $0x0  }
0xd5: {  	s14 =	sand.u32 $0x600, s30;
	s12 =	sshrl.u32 s12, $0x11;
	[sflag:s23] =	ssyncadd.s32 $0xFFFFFF80  }
0xd6: {  	s15 =	sadd.s32 $0xFFFFFFFF, s13;
	s12 =	smul.u32 $0x3, s12;
	_ =	swait.ge [sflag:s21], $0x80  }
0xd7: {  	p1 =	slt.u32 s15, $0x2;
	s20 =	smul.u32 $0xAAAB, s15;
	[sflag:s21] =	ssyncset.done $0x0  }
0xd8: {  	s22 =	simm.s32 @!p1 $0x4;
	s12 =	ssub.s32 s13, s12;
	[sflag:s21] =	ssyncadd.s32 $0xFFFFFF80  }
0xd9: {  	s13 =	sshrl.u32 s20, $0x11;
	s12 =	sand.u32 $0xFFFF, s12;
	_ =	swait.ge @!p1 [sflag:s22], $0x2000  }
0xda: {  	s13 =	smul.u32 $0x3, s13;
	s12 =	sshll.u32 s12, $0xD;
	[sflag:s22] =	ssyncset.done @!p1 $0x0  }
0xdb: {  	s14 =	sshrl.u32 s14, $0x2;
	s12 =	sor.u32 $0x600, s12;
	[sflag:s22] =	ssyncadd.s32 @!p1 $0xFFFFE000  }
0xdc: {  	[tilespmem:s12], [sflag:$0x3] =	stream.indirect.gather [hbm4b:s4+s19], $0x40, s14, s19, $0xb8;
	[tilespmem:$0x1F200] =	vst v63  }
0xdd: {  	s12 =	ssub.s32 s15, s13;
	v3 =	vld [tilespmem:s31+$0x270]  }
0xde: {  	s12 =	sand.u32 $0xFFFF, s12;
	v6 =	vld [tilespmem:s31+$0x260]  }
0xdf: {  	s12 =	sshll.u32 s12, $0xD;
	v10 =	vld [tilespmem:s31+$0x210]  }
0xe0: {  	v7 =	vld [tilespmem:s31+$0x200]  }
0xe1: {  	v2 =	vld [tilespmem:s31+$0x220]  }
0xe2: {  	v4 =	vld [tilespmem:s31+$0x230];
	v12 =	vsub.s32 v3, v1;
	v8 =	vand.u32 $0xFF, v3  }
0xe3: {  	v5 =	vld [tilespmem:s31+$0x240];
	v9 =	vsub.s32 v6, v1;
	v6 =	vand.u32 $0xFF, v6;
	vm0 =	vlt.u32 v12, $0x6200  }
.Ltmp1:
0xe4: {  	v11 =	vand.u32 $0xFF, v10;
	v3 =	vld [tilespmem:s31+$0x250];
	vm1 =	vlt.u32 v9, $0x6200;
	v6 =	vor.u32 $0x6200, v6;
	(pc) =	sbr.rel @p0 .LBB2_4-.Ltmp1, $4  }
0xe5: {  	v14 =	vor.u32 $0x6200, v8;
	v13 =	vand.u32 $0xFF, v7;
	v6 =	vsel vm1, v9, v6  }
0xe6: {  	v8 =	vsub.s32 v7, v1;
	v9 =	vor.u32 $0x6200, v13;
	v7 =	vand.u32 $0xFF, v2;
	[tilespmem:s31+$0x460] =	vst v6  }
0xe7: {  	v10 =	vsub.s32 v10, v1;
	v12 =	vsel vm0, v12, v14;
	v11 =	vor.u32 $0x6200, v11  }
0xe8: {  	s5 =	sadd.s32 $0x10, s5;
	s3 =	sadd.s32 $0x10, s3;
	vm1 =	vlt.u32 v10, $0x6200;
	vm0 =	vlt.u32 v8, $0x6200;
	v6 =	vsub.s32 v5, v1;
	[tilespmem:s31+$0x470] =	vst v12  }
0xe9: {  	v10 =	vsel vm1, v10, v11  }
0xea: {  	v60 =	vand.u32 $0xFF, v4;
	v5 =	vand.u32 $0xFF, v5;
	v61 =	vsub.s32 v4, v1  }
0xeb: {  	v8 =	vsel vm0, v8, v9;
	v62 =	vsub.s32 v3, v1;
	v3 =	vand.u32 $0xFF, v3  }
0xec: {  	v2 =	vsub.s32 v2, v1;
	v11 =	vor.u32 $0x6200, v60;
	[tilespmem:s31+$0x410] =	vst v10;
	vm12 =	vlt.u32 v61, $0x6200  }
0xed: {  	[tilespmem:s31+$0x400] =	vst v8;
	vm13 =	vlt.u32 v62, $0x6200;
	v3 =	vor.u32 $0x6200, v3;
	v4 =	vsel vm12, v61, v11  }
0xee: {  	vm14 =	vlt.u32 v6, $0x6200;
	v5 =	vor.u32 $0x6200, v5;
	v3 =	vsel vm13, v62, v3;
	[tilespmem:s31+$0x430] =	vst v4  }
0xef: {  	v63 =	vor.u32 $0x6200, v7;
	vm15 =	vlt.u32 v2, $0x6200;
	v5 =	vsel vm14, v6, v5;
	[tilespmem:s31+$0x450] =	vst v3  }
0xf0: {  	v2 =	vsel vm15, v2, v63;
	[tilespmem:s31+$0x440] =	vst v5  }
0xf1: {  	[tilespmem:s31+$0x420] =	vst v2  }
0xf2: {  	_ =	swait.ge [sflag:s24], $0x2000  }
0xf3: {  	[sflag:s24] =	ssyncset.done $0x0  }
0xf4: {  	s0 =	sor.u32 $0x400, s31;
	s3 =	sor.u32 $0x600, s12;
	[sflag:s24] =	ssyncadd.s32 $0xFFFFE000  }
0xf5: {  	[spmem:s1] =	stream.indirect.scatter.add.f32 [tilespmem:s3], [sflag:$0x4], $0x40, s0, s19, $0xb8;
	[tilespmem:$0x1F200] =	vst v63  }
0xf6: {  	_ =	swait.ge [sflag:s25], $0x2000  }
0xf7: {  	[sflag:s25] =	ssyncset.done $0x0  }
0xf8: {  	[sflag:s25] =	ssyncadd.s32 $0xFFFFE000  }
0xf9: {  	_ =	swait.ge [sflag:s25], $0x2000  }
0xfa: {  	[sflag:s25] =	ssyncset.done $0x0  }
0xfb: {  	[sflag:s25] =	ssyncadd.s32 $0xFFFFE000  }
0xfc: {  	_ =	swait.ge [sflag:s24], $0x2000  }
0xfd: {  	[sflag:s24] =	ssyncset.done $0x0  }
0xfe: {  	[sflag:s24] =	ssyncadd.s32 $0xFFFFE000  }
0xff: {  	_ =	swait.ge [sflag:s23], $0x80  }
0x100: {  	[sflag:s23] =	ssyncset.done $0x0  }
0x101: {  	[sflag:s23] =	ssyncadd.s32 $0xFFFFFF80  }
0x102: {  	_ =	swait.ge [sflag:s21], $0x80  }
0x103: {  	[sflag:s21] =	ssyncset.done $0x0  }
0x104: {  	[sflag:s21] =	ssyncadd.s32 $0xFFFFFF80  }
0x105: {  	[bflag:$0x0] =	sbarrier.arrive $0xFFFF  }
0x106: {  	s30 =	rddreg [dreg:$0x7]  }
0x107: {  	[hbm:s30], [sflag:s7] =	dma.local [spmem:s29], $0x3100  }
0x108: {  	_ =	swait.ge [sflag:s18], $0x3100  }
0x109: {  	s26 =	sadd.s32 $0x1, s26;
	s31 =	rddreg [dreg:$0x8]  }
0x10a: {  	p0 =	sne.s32 s26, s31  }
.Ltmp2:
0x10b: {  	_ = 	snop;
	(pc) =	sbr.rel @p0 .LBB2_1-.Ltmp2, $3  }
0x10c: {  	[sflag:s18] =	ssyncset.done $0x0  }
0x10d: {  	[sflag:s18] =	ssyncadd.s32 $0xFFFFCF00  }
0x10e: {  	[bflag:$0x0] =	sbarrier.arrive $0xFFFF;
	_ =	sdelay $0x1  }
0x10f: {  	_ =	sfence.sel $0x180000  }
0x110: {  	[bflag:$0x0] =	sbarrier.arrive $0xFFFF  }
0x111: {  	_ =	strace $0x90000050  }
0x112: {  	s0 =	stileid.u32;
	[bflag:$0x2] =	sbarrier.arrive $0xFFFF  }
0x113: {  	p0 =	sne.s32 s0, $0x0;
	s0 =	rddreg [dreg:$0x3]  }
0x114: {  	s0 =	sadd.s32 @!p0 $0x100000, s0  }
0x115: {  	[sflag:s0] =	ssyncadd.tile.s32 @!p0 $0x1;
	_ =	shalt  }
.Lfunc_end2:
_tile_overlayer_lowered:
.L_overlay_start_2:
0x116: {  	(tag) =	ssettag $0x2  }
0x117: {  	s0 =	rddreg [dreg:$0x0];
	s2 =	stileid.u32  }
0x118: {  	s1 =	rddreg [dreg:$0x1];
	p0 =	sne.s32 s2, $0x0  }
0x119: {  	s3 =	rddreg [dreg:$0x2];
	[bflag:$0x3] =	sbarrier.arrive $0xFFFF;
	s2 =	simm.s32 @!p0 $0x1C05  }
0x11a: {  	[timem:s3], [sflag:s2] =	dma.local @!p0 [hbm:s0], s1  }
0x11b: {  	s0 =	simm.s32 @!p0 $0x5  }
0x11c: {  	_ =	swait.ge @!p0 [sflag:s0], s1  }
0x11d: {  	s1 =	ssub.s32 @!p0 $0x0, s1;
	[sflag:s0] =	ssyncset.done @!p0 $0x0  }
0x11e: {  	[sflag:s0] =	ssyncadd.s32 @!p0 s1  }
0x11f: {  	[bflag:$0x3] =	sbarrier.arrive $0xFFFF  }
0x120: {  	_ =	shalt  }

</sc_bundles>
